<compile_context>
chip_gen: v7x
topology: tpu7x:2x2x1
jax: 0.10.2.dev20260603
libtpu: 0.0.44.dev20260713+nightly
codegen_flags: <defaults>
</compile_context>

<pallas_src>
import functools
import math

import jax
import jax.numpy as jnp
from jax import lax
from jax.experimental import pallas as pl
from jax.experimental.pallas import tpu as pltpu
from jax.experimental.pallas import tpu_sc as plsc

_NC = 2
_NS = 16
_L = 16
_NW = _NC * _NS


def _heights_body(z_ref, yt_ref, wt_ref, b_ref, wq_ref, out_ref):
    z = z_ref[...]
    g = z * 0.5 * (1.0 + lax.erf(z * (1.0 / math.sqrt(2.0))))
    h = jnp.dot(g, wt_ref[...], preferred_element_type=jnp.float32) + b_ref[...]
    sp = jnp.maximum(h, 0.0) + jnp.log(1.0 + jnp.exp(-jnp.abs(h)))
    hgt = jnp.maximum(sp, 0.01)
    integ = jnp.dot(hgt, wq_ref[...], preferred_element_type=jnp.float32)
    kh = hgt / integ
    K = kh.shape[1]
    tt = jnp.minimum(jnp.maximum(yt_ref[...], 0.0), 1.0 - 1e-5) * (K - 1.0)
    t = tt.T
    out_ref[...] = jnp.concatenate([kh, t], axis=1)


def _heights(z, yt, wt, b2, wq, blk, blk_off, nblocks):
    B, D = z.shape
    K = wt.shape[1]
    d = yt.shape[0]
    return pl.pallas_call(
        _heights_body,
        grid=(nblocks,),
        in_specs=[
            pl.BlockSpec((blk, D), lambda i: (i + blk_off, 0)),
            pl.BlockSpec((d, blk), lambda i: (0, i + blk_off)),
            pl.BlockSpec((D, K), lambda i: (0, 0)),
            pl.BlockSpec((1, K), lambda i: (0, 0)),
            pl.BlockSpec((K, 1), lambda i: (0, 0)),
        ],
        out_specs=pl.BlockSpec((blk, K + d), lambda i: (i, 0)),
        out_shape=jax.ShapeDtypeStruct((nblocks * blk, K + d), jnp.float32),
    )(z, yt, wt, b2, wq)


def _make_interp_sc(Bh, K, d, chunk, col_off):
    rows_per_w = Bh // _NW
    nchunks = rows_per_w // chunk
    W = K + d
    mesh = plsc.VectorSubcoreMesh(core_axis_name="c", subcore_axis_name="s")

    @functools.partial(
        pl.kernel,
        mesh=mesh,
        out_type=(),
        scratch_types=[
            pltpu.VMEM((chunk, W), jnp.float32),
            pltpu.VMEM((chunk, W), jnp.float32),
            pltpu.VMEM((d, chunk), jnp.float32),
            pltpu.VMEM((d, chunk), jnp.float32),
            pltpu.SemaphoreType.DMA,
            pltpu.SemaphoreType.DMA,
            pltpu.SemaphoreType.DMA,
            pltpu.SemaphoreType.DMA,
        ],
        compiler_params=pltpu.CompilerParams(needs_layout_passes=False),
    )
    def interp(pk_hbm, out_hbm, pk0, pk1, ov0, ov1, l0, l1, s0, s1):
        wid = lax.axis_index("s") * _NC + lax.axis_index("c")
        base = wid * rows_per_w
        pk_bufs = (pk0, pk1)
        out_bufs = (ov0, ov1)
        lsems = (l0, l1)
        ssems = (s0, s1)
        loads = [None] * nchunks
        stores = [None] * nchunks
        loads[0] = pltpu.async_copy(pk_hbm.at[pl.ds(base, chunk)], pk0, l0)
        for ci in range(nchunks):
            b = ci & 1
            row0 = base + ci * chunk
            if ci + 1 < nchunks:
                loads[ci + 1] = pltpu.async_copy(
                    pk_hbm.at[pl.ds(row0 + chunk, chunk)],
                    pk_bufs[1 - b],
                    lsems[1 - b],
                )
            loads[ci].wait()
            if ci >= 2:
                stores[ci - 2].wait()
            pk_v = pk_bufs[b]
            out_v = out_bufs[b]

            @plsc.parallel_loop(0, chunk, unroll=4)
            def _row_body(r, pk_v=pk_v, out_v=out_v):
                rv = jnp.full((_L,), r, jnp.int32)
                for col in range(0, d, _L):
                    cv = lax.iota(jnp.int32, _L) + col
                    t = pk_v[r, pl.ds(K + col, _L)]
                    idx = t.astype(jnp.int32)
                    idx = jnp.minimum(idx, K - 2)
                    shl = plsc.load_gather(pk_v, [rv, idx])
                    shr = plsc.load_gather(pk_v, [rv, idx + 1])
                    frac = t - idx.astype(jnp.float32)
                    plsc.store_scatter(out_v, [cv, rv], frac * (shr - shl) + shl)

            stores[ci] = pltpu.async_copy(
                out_v, out_hbm.at[:, pl.ds(col_off + row0, chunk)], ssems[b]
            )
        for ci in range(max(0, nchunks - 2), nchunks):
            stores[ci].wait()

    return interp


def kernel(z, y, W_h, b_h, knot_pos):
    B, D = z.shape
    K = W_h.shape[0]
    d = y.shape[1]
    dkp = knot_pos[1:] - knot_pos[:-1]
    zero = jnp.zeros((1,), knot_pos.dtype)
    wq = 0.5 * (jnp.concatenate([dkp, zero]) + jnp.concatenate([zero, dkp]))
    blk = 4096
    nsplit = 2
    Bh = B // nsplit
    nb = Bh // blk
    yt = y.T
    wt = W_h.T
    b2 = b_h.reshape(1, K)
    wq2 = wq.reshape(K, 1)
    out_ref = jax.new_ref(jnp.zeros((d, B), jnp.float32))
    for s in range(nsplit):
        pk = _heights(z, yt, wt, b2, wq2, blk, s * nb, nb)
        _make_interp_sc(Bh, K, d, chunk=128, col_off=s * Bh)(pk, out_ref)
    return out_ref[...].T

# --- scband reference (transcript-rebuilt; emitter-appended) ---
"""Pipeline reference for scband-conditional-piecewise-linear-density-8598524526721 (READ-ONLY COPY).

The authoritative reference and input builder live on the scoring server;
editing this copy changes nothing except your own understanding.
"""

import jax, jax.numpy as jnp
import numpy as np

B = 32768
D = 256
K = 64
d = 32


def setup_inputs(seed: int = 0) -> dict:
    key = jax.random.key(seed)
    k1, k2, k3, k4 = jax.random.split(key, 4)
    z = jax.random.normal(k1, (B, D), dtype=jnp.float32)
    y = jax.random.uniform(k2, (B, d), dtype=jnp.float32)
    # get_heights linear layer params (per _init_bins: weight = randn/10, bias = softplus_inverse(1) + noise)
    W_h = jax.random.normal(k3, (K, D), dtype=jnp.float32) / 10.0
    b_h = jnp.log(jnp.expm1(jnp.ones((K,), dtype=jnp.float32))) + jax.random.normal(k4, (K,), dtype=jnp.float32) * 0.01
    # learn_bin_widths=False -> knot_pos buffer = pad(cumsum(uniform widths)) = linspace(0, 1, K)
    knot_pos = jnp.linspace(0.0, 1.0, K).astype(jnp.float32)
    return {"z": z, "y": y, "W_h": W_h, "b_h": b_h, "knot_pos": knot_pos}


def reference(z, y, W_h, b_h, knot_pos):
    # get_heights: GELU (exact, torch default) -> Linear
    h = jax.nn.gelu(z, approximate=False) @ W_h.T + b_h
    knot_height = jnp.clip(jax.nn.softplus(h), 0.01, None)
    # get_knot_pos: buffer repeated across batch
    kp = jnp.broadcast_to(knot_pos[None, :], (z.shape[0], knot_pos.shape[0]))
    # integrate_piecewise_linear (trapezoid rule)
    integral = (0.5 * (kp[:, 1:] - kp[:, :-1]) * (knot_height[:, 1:] + knot_height[:, :-1])).sum(axis=1, keepdims=True)
    kh = knot_height / integral
    # clip y into support
    lo = kp.min(axis=1, keepdims=True)
    hi = kp.max(axis=1, keepdims=True) - 1e-05
    yc = jnp.clip(y, lo, hi)
    # linear_interp via one-hot bin mask (equivalent to torch masked_select since exactly one bin matches)
    kl = kp[:, :-1]
    kr = kp[:, 1:]
    hl = kh[:, :-1]
    hr = kh[:, 1:]
    mask = (yc[:, :, None] >= kl[:, None, :]) & (yc[:, :, None] < kr[:, None, :])
    mf = mask.astype(yc.dtype)
    skl = (mf * kl[:, None, :]).sum(axis=-1)
    skr = (mf * kr[:, None, :]).sum(axis=-1)
    shl = (mf * hl[:, None, :]).sum(axis=-1)
    shr = (mf * hr[:, None, :]).sum(axis=-1)
    slope = (shr - shl) / (skr - skl)
    delta_x = yc - skl
    return delta_x * slope + shl

if __name__ == "__main__":
    import jax
    _d = setup_inputs()
    print(jax.jit(kernel)(*tuple(_d.values())))

</pallas_src>

<mosaic_0001>
#map = affine_map<(d0, d1) -> (0, 0)>
module attributes {stable_mosaic.version = 14 : i64} {
  func.func @new_body(%arg0: i32, %arg1: i32, %arg2: memref<16384x96xf32, #tpu.memory_space<hbm>>, %arg3: memref<32x32768xf32, #tpu.memory_space<hbm>>, %arg4: memref<32x32768xf32, #tpu.memory_space<hbm>>, %arg5: memref<128x96xf32, #tpu.memory_space<vmem>>, %arg6: memref<128x96xf32, #tpu.memory_space<vmem>>, %arg7: memref<32x128xf32, #tpu.memory_space<vmem>>, %arg8: memref<32x128xf32, #tpu.memory_space<vmem>>, %arg9: memref<!tpu.dma_semaphore, #tpu.memory_space<semaphore_mem>>, %arg10: memref<!tpu.dma_semaphore, #tpu.memory_space<semaphore_mem>>, %arg11: memref<!tpu.dma_semaphore, #tpu.memory_space<semaphore_mem>>, %arg12: memref<!tpu.dma_semaphore, #tpu.memory_space<semaphore_mem>>) attributes {dimension_semantics = [#tpu.dimension_semantics<core_parallel>, #tpu.dimension_semantics<subcore_parallel>], iteration_bounds = array<i64: 2, 16>, scalar_prefetch = 0 : i64, scratch_operands = 8 : i64, tpu.core_type = #tpu.core_type<sc_vector_subcore>, window_params = [{transform_indices = #map}, {transform_indices = #map}, {transform_indices = #map}]} {
    %mul3A = arith.constant 2 : i32
    %mul3A_0 = arith.muli %arg1, %mul3A : i32
    %add3A = arith.addi %mul3A_0, %arg0 : i32
    %mul3A_1 = arith.constant 512 : i32
    %mul3A_2 = arith.muli %add3A, %mul3A_1 : i32
    %dma_start3A = arith.constant 0 : i32
    %dma_start3A_3 = tpu.memref_slice %arg2[%mul3A_2, %dma_start3A] : memref<16384x96xf32, #tpu.memory_space<hbm>> -> memref<128x96xf32, #tpu.memory_space<hbm>>
    %dma_start3A_4 = arith.constant 0 : i32
    %dma_start3A_5 = tpu.memref_slice %arg2[%mul3A_2, %dma_start3A_4] : memref<16384x96xf32, #tpu.memory_space<hbm>> -> memref<128x96xf32, #tpu.memory_space<hbm>>
    tpu.enqueue_dma source(%dma_start3A_5 : memref<128x96xf32, #tpu.memory_space<hbm>>) target(%arg5 : memref<128x96xf32, #tpu.memory_space<vmem>>) target_semaphore(%arg9 : memref<!tpu.dma_semaphore, #tpu.memory_space<semaphore_mem>>)
    %add3A_6 = arith.constant 0 : i32
    %add3A_7 = arith.addi %mul3A_2, %add3A_6 : i32
    %add3A_8 = arith.constant 128 : i32
    %add3A_9 = arith.addi %add3A_7, %add3A_8 : i32
    %dma_start3A_10 = arith.constant 0 : i32
    %dma_start3A_11 = tpu.memref_slice %arg2[%add3A_9, %dma_start3A_10] : memref<16384x96xf32, #tpu.memory_space<hbm>> -> memref<128x96xf32, #tpu.memory_space<hbm>>
    %dma_start3A_12 = arith.constant 0 : i32
    %dma_start3A_13 = tpu.memref_slice %arg2[%add3A_9, %dma_start3A_12] : memref<16384x96xf32, #tpu.memory_space<hbm>> -> memref<128x96xf32, #tpu.memory_space<hbm>>
    tpu.enqueue_dma source(%dma_start3A_13 : memref<128x96xf32, #tpu.memory_space<hbm>>) target(%arg6 : memref<128x96xf32, #tpu.memory_space<vmem>>) target_semaphore(%arg10 : memref<!tpu.dma_semaphore, #tpu.memory_space<semaphore_mem>>)
    %dma_wait3A = arith.constant 0 : i32
    %dma_wait3A_14 = tpu.memref_slice %arg2[%mul3A_2, %dma_wait3A] : memref<16384x96xf32, #tpu.memory_space<hbm>> -> memref<128x96xf32, #tpu.memory_space<hbm>>
    %dma_wait3A_15 = arith.constant 0 : i32
    %dma_wait3A_16 = tpu.memref_slice %arg2[%mul3A_2, %dma_wait3A_15] : memref<16384x96xf32, #tpu.memory_space<hbm>> -> memref<128x96xf32, #tpu.memory_space<hbm>>
    tpu.wait_dma2 semaphore(%arg9 : memref<!tpu.dma_semaphore, #tpu.memory_space<semaphore_mem>>) src(%dma_wait3A_16 : memref<128x96xf32, #tpu.memory_space<hbm>>) dst(%arg5 : memref<128x96xf32, #tpu.memory_space<vmem>>)
    %parallel_loop3A = arith.constant 0 : i32
    %parallel_loop3A_17 = arith.constant 128 : i32
    %parallel_loop3A_18 = arith.constant 1 : i32
    scf.for %parallel_loop3A_98 = %parallel_loop3A to %parallel_loop3A_17 step %parallel_loop3A_18  : i32 {
      %parallel_loop3A_99 = vector.broadcast %parallel_loop3A_98 : i32 to vector<16xi32>
      %parallel_loop3A_100 = tpu.iota {dimensions = array<i32: 0>} : vector<16xi32>
      %parallel_loop3A_101 = arith.constant 0 : i32
      %parallel_loop3A_102 = vector.broadcast %parallel_loop3A_101 : i32 to vector<16xi32>
      %parallel_loop3A_103 = arith.addi %parallel_loop3A_100, %parallel_loop3A_102 : vector<16xi32>
      %parallel_loop3A_104 = arith.index_cast %parallel_loop3A_98 : i32 to index
      %parallel_loop3A_105 = arith.constant 64 : index
      %parallel_loop3A_106 = tpu.vector_load %arg5[%parallel_loop3A_104, %parallel_loop3A_105] {strides = array<i32>} : memref<128x96xf32, #tpu.memory_space<vmem>>, vector<16xf32>,
      %parallel_loop3A_107 = arith.fptosi %parallel_loop3A_106 : vector<16xf32> to vector<16xi32>
      %parallel_loop3A_108 = arith.constant 62 : i32
      %parallel_loop3A_109 = vector.broadcast %parallel_loop3A_108 : i32 to vector<16xi32>
      %parallel_loop3A_110 = arith.minsi %parallel_loop3A_107, %parallel_loop3A_109 : vector<16xi32>
      %parallel_loop3A_111 = tpu.vector_load_idx %arg5[%parallel_loop3A_99, %parallel_loop3A_110] : memref<128x96xf32, #tpu.memory_space<vmem>>[vector<16xi32>, vector<16xi32>], vector<16xf32>,
      %parallel_loop3A_112 = arith.constant 1 : i32
      %parallel_loop3A_113 = vector.broadcast %parallel_loop3A_112 : i32 to vector<16xi32>
      %parallel_loop3A_114 = arith.addi %parallel_loop3A_110, %parallel_loop3A_113 : vector<16xi32>
      %parallel_loop3A_115 = tpu.vector_load_idx %arg5[%parallel_loop3A_99, %parallel_loop3A_114] : memref<128x96xf32, #tpu.memory_space<vmem>>[vector<16xi32>, vector<16xi32>], vector<16xf32>,
      %parallel_loop3A_116 = arith.sitofp %parallel_loop3A_110 : vector<16xi32> to vector<16xf32>
      %parallel_loop3A_117 = arith.subf %parallel_loop3A_106, %parallel_loop3A_116 : vector<16xf32>
      %parallel_loop3A_118 = arith.subf %parallel_loop3A_115, %parallel_loop3A_111 : vector<16xf32>
      %parallel_loop3A_119 = arith.mulf %parallel_loop3A_117, %parallel_loop3A_118 : vector<16xf32>
      %parallel_loop3A_120 = arith.addf %parallel_loop3A_119, %parallel_loop3A_111 : vector<16xf32>
      tpu.vector_store_idx %arg7[%parallel_loop3A_103, %parallel_loop3A_99], %parallel_loop3A_120 : memref<32x128xf32, #tpu.memory_space<vmem>>[vector<16xi32>, vector<16xi32>], vector<16xf32>,
      %parallel_loop3A_121 = tpu.iota {dimensions = array<i32: 0>} : vector<16xi32>
      %parallel_loop3A_122 = arith.constant 16 : i32
      %parallel_loop3A_123 = vector.broadcast %parallel_loop3A_122 : i32 to vector<16xi32>
      %parallel_loop3A_124 = arith.addi %parallel_loop3A_121, %parallel_loop3A_123 : vector<16xi32>
      %parallel_loop3A_125 = arith.index_cast %parallel_loop3A_98 : i32 to index
      %parallel_loop3A_126 = arith.constant 80 : index
      %parallel_loop3A_127 = tpu.vector_load %arg5[%parallel_loop3A_125, %parallel_loop3A_126] {strides = array<i32>} : memref<128x96xf32, #tpu.memory_space<vmem>>, vector<16xf32>,
      %parallel_loop3A_128 = arith.fptosi %parallel_loop3A_127 : vector<16xf32> to vector<16xi32>
      %parallel_loop3A_129 = arith.constant 62 : i32
      %parallel_loop3A_130 = vector.broadcast %parallel_loop3A_129 : i32 to vector<16xi32>
      %parallel_loop3A_131 = arith.minsi %parallel_loop3A_128, %parallel_loop3A_130 : vector<16xi32>
      %parallel_loop3A_132 = tpu.vector_load_idx %arg5[%parallel_loop3A_99, %parallel_loop3A_131] : memref<128x96xf32, #tpu.memory_space<vmem>>[vector<16xi32>, vector<16xi32>], vector<16xf32>,
      %parallel_loop3A_133 = arith.constant 1 : i32
      %parallel_loop3A_134 = vector.broadcast %parallel_loop3A_133 : i32 to vector<16xi32>
      %parallel_loop3A_135 = arith.addi %parallel_loop3A_131, %parallel_loop3A_134 : vector<16xi32>
      %parallel_loop3A_136 = tpu.vector_load_idx %arg5[%parallel_loop3A_99, %parallel_loop3A_135] : memref<128x96xf32, #tpu.memory_space<vmem>>[vector<16xi32>, vector<16xi32>], vector<16xf32>,
      %parallel_loop3A_137 = arith.sitofp %parallel_loop3A_131 : vector<16xi32> to vector<16xf32>
      %parallel_loop3A_138 = arith.subf %parallel_loop3A_127, %parallel_loop3A_137 : vector<16xf32>
      %parallel_loop3A_139 = arith.subf %parallel_loop3A_136, %parallel_loop3A_132 : vector<16xf32>
      %parallel_loop3A_140 = arith.mulf %parallel_loop3A_138, %parallel_loop3A_139 : vector<16xf32>
      %parallel_loop3A_141 = arith.addf %parallel_loop3A_140, %parallel_loop3A_132 : vector<16xf32>
      tpu.vector_store_idx %arg7[%parallel_loop3A_124, %parallel_loop3A_99], %parallel_loop3A_141 : memref<32x128xf32, #tpu.memory_space<vmem>>[vector<16xi32>, vector<16xi32>], vector<16xf32>,
    } {sc.loop_unroll_factor = 4 : i64, sc.parallel_access}
    %add3A_19 = arith.constant 16384 : i32
    %add3A_20 = arith.addi %add3A_19, %add3A_7 : i32
    %dma_start3A_21 = arith.constant 0 : i32
    %dma_start3A_22 = tpu.memref_slice %arg3[%dma_start3A_21, %add3A_20] : memref<32x32768xf32, #tpu.memory_space<hbm>> -> memref<32x128xf32, #tpu.memory_space<hbm>>
    %dma_start3A_23 = arith.constant 0 : i32
    %dma_start3A_24 = tpu.memref_slice %arg3[%dma_start3A_23, %add3A_20] : memref<32x32768xf32, #tpu.memory_space<hbm>> -> memref<32x128xf32, #tpu.memory_space<hbm>>
    tpu.enqueue_dma source(%arg7 : memref<32x128xf32, #tpu.memory_space<vmem>>) target(%dma_start3A_24 : memref<32x128xf32, #tpu.memory_space<hbm>>) target_semaphore(%arg11 : memref<!tpu.dma_semaphore, #tpu.memory_space<semaphore_mem>>)
    %add3A_25 = arith.constant 128 : i32
    %add3A_26 = arith.addi %mul3A_2, %add3A_25 : i32
    %add3A_27 = arith.constant 128 : i32
    %add3A_28 = arith.addi %add3A_26, %add3A_27 : i32
    %dma_start3A_29 = arith.constant 0 : i32
    %dma_start3A_30 = tpu.memref_slice %arg2[%add3A_28, %dma_start3A_29] : memref<16384x96xf32, #tpu.memory_space<hbm>> -> memref<128x96xf32, #tpu.memory_space<hbm>>
    %dma_start3A_31 = arith.constant 0 : i32
    %dma_start3A_32 = tpu.memref_slice %arg2[%add3A_28, %dma_start3A_31] : memref<16384x96xf32, #tpu.memory_space<hbm>> -> memref<128x96xf32, #tpu.memory_space<hbm>>
    tpu.enqueue_dma source(%dma_start3A_32 : memref<128x96xf32, #tpu.memory_space<hbm>>) target(%arg5 : memref<128x96xf32, #tpu.memory_space<vmem>>) target_semaphore(%arg9 : memref<!tpu.dma_semaphore, #tpu.memory_space<semaphore_mem>>)
    %dma_wait3A_33 = arith.constant 0 : i32
    %dma_wait3A_34 = tpu.memref_slice %arg2[%add3A_9, %dma_wait3A_33] : memref<16384x96xf32, #tpu.memory_space<hbm>> -> memref<128x96xf32, #tpu.memory_space<hbm>>
    %dma_wait3A_35 = arith.constant 0 : i32
    %dma_wait3A_36 = tpu.memref_slice %arg2[%add3A_9, %dma_wait3A_35] : memref<16384x96xf32, #tpu.memory_space<hbm>> -> memref<128x96xf32, #tpu.memory_space<hbm>>
    tpu.wait_dma2 semaphore(%arg10 : memref<!tpu.dma_semaphore, #tpu.memory_space<semaphore_mem>>) src(%dma_wait3A_36 : memref<128x96xf32, #tpu.memory_space<hbm>>) dst(%arg6 : memref<128x96xf32, #tpu.memory_space<vmem>>)
    %parallel_loop3A_37 = arith.constant 0 : i32
    %parallel_loop3A_38 = arith.constant 128 : i32
    %parallel_loop3A_39 = arith.constant 1 : i32
    scf.for %parallel_loop3A_98 = %parallel_loop3A_37 to %parallel_loop3A_38 step %parallel_loop3A_39  : i32 {
      %parallel_loop3A_99 = vector.broadcast %parallel_loop3A_98 : i32 to vector<16xi32>
      %parallel_loop3A_100 = tpu.iota {dimensions = array<i32: 0>} : vector<16xi32>
      %parallel_loop3A_101 = arith.constant 0 : i32
      %parallel_loop3A_102 = vector.broadcast %parallel_loop3A_101 : i32 to vector<16xi32>
      %parallel_loop3A_103 = arith.addi %parallel_loop3A_100, %parallel_loop3A_102 : vector<16xi32>
      %parallel_loop3A_104 = arith.index_cast %parallel_loop3A_98 : i32 to index
      %parallel_loop3A_105 = arith.constant 64 : index
      %parallel_loop3A_106 = tpu.vector_load %arg6[%parallel_loop3A_104, %parallel_loop3A_105] {strides = array<i32>} : memref<128x96xf32, #tpu.memory_space<vmem>>, vector<16xf32>,
      %parallel_loop3A_107 = arith.fptosi %parallel_loop3A_106 : vector<16xf32> to vector<16xi32>
      %parallel_loop3A_108 = arith.constant 62 : i32
      %parallel_loop3A_109 = vector.broadcast %parallel_loop3A_108 : i32 to vector<16xi32>
      %parallel_loop3A_110 = arith.minsi %parallel_loop3A_107, %parallel_loop3A_109 : vector<16xi32>
      %parallel_loop3A_111 = tpu.vector_load_idx %arg6[%parallel_loop3A_99, %parallel_loop3A_110] : memref<128x96xf32, #tpu.memory_space<vmem>>[vector<16xi32>, vector<16xi32>], vector<16xf32>,
      %parallel_loop3A_112 = arith.constant 1 : i32
      %parallel_loop3A_113 = vector.broadcast %parallel_loop3A_112 : i32 to vector<16xi32>
      %parallel_loop3A_114 = arith.addi %parallel_loop3A_110, %parallel_loop3A_113 : vector<16xi32>
      %parallel_loop3A_115 = tpu.vector_load_idx %arg6[%parallel_loop3A_99, %parallel_loop3A_114] : memref<128x96xf32, #tpu.memory_space<vmem>>[vector<16xi32>, vector<16xi32>], vector<16xf32>,
      %parallel_loop3A_116 = arith.sitofp %parallel_loop3A_110 : vector<16xi32> to vector<16xf32>
      %parallel_loop3A_117 = arith.subf %parallel_loop3A_106, %parallel_loop3A_116 : vector<16xf32>
      %parallel_loop3A_118 = arith.subf %parallel_loop3A_115, %parallel_loop3A_111 : vector<16xf32>
      %parallel_loop3A_119 = arith.mulf %parallel_loop3A_117, %parallel_loop3A_118 : vector<16xf32>
      %parallel_loop3A_120 = arith.addf %parallel_loop3A_119, %parallel_loop3A_111 : vector<16xf32>
      tpu.vector_store_idx %arg8[%parallel_loop3A_103, %parallel_loop3A_99], %parallel_loop3A_120 : memref<32x128xf32, #tpu.memory_space<vmem>>[vector<16xi32>, vector<16xi32>], vector<16xf32>,
      %parallel_loop3A_121 = tpu.iota {dimensions = array<i32: 0>} : vector<16xi32>
      %parallel_loop3A_122 = arith.constant 16 : i32
      %parallel_loop3A_123 = vector.broadcast %parallel_loop3A_122 : i32 to vector<16xi32>
      %parallel_loop3A_124 = arith.addi %parallel_loop3A_121, %parallel_loop3A_123 : vector<16xi32>
      %parallel_loop3A_125 = arith.index_cast %parallel_loop3A_98 : i32 to index
      %parallel_loop3A_126 = arith.constant 80 : index
      %parallel_loop3A_127 = tpu.vector_load %arg6[%parallel_loop3A_125, %parallel_loop3A_126] {strides = array<i32>} : memref<128x96xf32, #tpu.memory_space<vmem>>, vector<16xf32>,
      %parallel_loop3A_128 = arith.fptosi %parallel_loop3A_127 : vector<16xf32> to vector<16xi32>
      %parallel_loop3A_129 = arith.constant 62 : i32
      %parallel_loop3A_130 = vector.broadcast %parallel_loop3A_129 : i32 to vector<16xi32>
      %parallel_loop3A_131 = arith.minsi %parallel_loop3A_128, %parallel_loop3A_130 : vector<16xi32>
      %parallel_loop3A_132 = tpu.vector_load_idx %arg6[%parallel_loop3A_99, %parallel_loop3A_131] : memref<128x96xf32, #tpu.memory_space<vmem>>[vector<16xi32>, vector<16xi32>], vector<16xf32>,
      %parallel_loop3A_133 = arith.constant 1 : i32
      %parallel_loop3A_134 = vector.broadcast %parallel_loop3A_133 : i32 to vector<16xi32>
      %parallel_loop3A_135 = arith.addi %parallel_loop3A_131, %parallel_loop3A_134 : vector<16xi32>
      %parallel_loop3A_136 = tpu.vector_load_idx %arg6[%parallel_loop3A_99, %parallel_loop3A_135] : memref<128x96xf32, #tpu.memory_space<vmem>>[vector<16xi32>, vector<16xi32>], vector<16xf32>,
      %parallel_loop3A_137 = arith.sitofp %parallel_loop3A_131 : vector<16xi32> to vector<16xf32>
      %parallel_loop3A_138 = arith.subf %parallel_loop3A_127, %parallel_loop3A_137 : vector<16xf32>
      %parallel_loop3A_139 = arith.subf %parallel_loop3A_136, %parallel_loop3A_132 : vector<16xf32>
      %parallel_loop3A_140 = arith.mulf %parallel_loop3A_138, %parallel_loop3A_139 : vector<16xf32>
      %parallel_loop3A_141 = arith.addf %parallel_loop3A_140, %parallel_loop3A_132 : vector<16xf32>
      tpu.vector_store_idx %arg8[%parallel_loop3A_124, %parallel_loop3A_99], %parallel_loop3A_141 : memref<32x128xf32, #tpu.memory_space<vmem>>[vector<16xi32>, vector<16xi32>], vector<16xf32>,
    } {sc.loop_unroll_factor = 4 : i64, sc.parallel_access}
    %add3A_40 = arith.constant 16384 : i32
    %add3A_41 = arith.addi %add3A_40, %add3A_26 : i32
    %dma_start3A_42 = arith.constant 0 : i32
    %dma_start3A_43 = tpu.memref_slice %arg3[%dma_start3A_42, %add3A_41] : memref<32x32768xf32, #tpu.memory_space<hbm>> -> memref<32x128xf32, #tpu.memory_space<hbm>>
    %dma_start3A_44 = arith.constant 0 : i32
    %dma_start3A_45 = tpu.memref_slice %arg3[%dma_start3A_44, %add3A_41] : memref<32x32768xf32, #tpu.memory_space<hbm>> -> memref<32x128xf32, #tpu.memory_space<hbm>>
    tpu.enqueue_dma source(%arg8 : memref<32x128xf32, #tpu.memory_space<vmem>>) target(%dma_start3A_45 : memref<32x128xf32, #tpu.memory_space<hbm>>) target_semaphore(%arg12 : memref<!tpu.dma_semaphore, #tpu.memory_space<semaphore_mem>>)
    %add3A_46 = arith.constant 256 : i32
    %add3A_47 = arith.addi %mul3A_2, %add3A_46 : i32
    %add3A_48 = arith.constant 128 : i32
    %add3A_49 = arith.addi %add3A_47, %add3A_48 : i32
    %dma_start3A_50 = arith.constant 0 : i32
    %dma_start3A_51 = tpu.memref_slice %arg2[%add3A_49, %dma_start3A_50] : memref<16384x96xf32, #tpu.memory_space<hbm>> -> memref<128x96xf32, #tpu.memory_space<hbm>>
    %dma_start3A_52 = arith.constant 0 : i32
    %dma_start3A_53 = tpu.memref_slice %arg2[%add3A_49, %dma_start3A_52] : memref<16384x96xf32, #tpu.memory_space<hbm>> -> memref<128x96xf32, #tpu.memory_space<hbm>>
    tpu.enqueue_dma source(%dma_start3A_53 : memref<128x96xf32, #tpu.memory_space<hbm>>) target(%arg6 : memref<128x96xf32, #tpu.memory_space<vmem>>) target_semaphore(%arg10 : memref<!tpu.dma_semaphore, #tpu.memory_space<semaphore_mem>>)
    %dma_wait3A_54 = arith.constant 0 : i32
    %dma_wait3A_55 = tpu.memref_slice %arg2[%add3A_28, %dma_wait3A_54] : memref<16384x96xf32, #tpu.memory_space<hbm>> -> memref<128x96xf32, #tpu.memory_space<hbm>>
    %dma_wait3A_56 = arith.constant 0 : i32
    %dma_wait3A_57 = tpu.memref_slice %arg2[%add3A_28, %dma_wait3A_56] : memref<16384x96xf32, #tpu.memory_space<hbm>> -> memref<128x96xf32, #tpu.memory_space<hbm>>
    tpu.wait_dma2 semaphore(%arg9 : memref<!tpu.dma_semaphore, #tpu.memory_space<semaphore_mem>>) src(%dma_wait3A_57 : memref<128x96xf32, #tpu.memory_space<hbm>>) dst(%arg5 : memref<128x96xf32, #tpu.memory_space<vmem>>)
    %dma_wait3A_58 = arith.constant 0 : i32
    %dma_wait3A_59 = tpu.memref_slice %arg3[%dma_wait3A_58, %add3A_20] : memref<32x32768xf32, #tpu.memory_space<hbm>> -> memref<32x128xf32, #tpu.memory_space<hbm>>
    %dma_wait3A_60 = arith.constant 0 : i32
    %dma_wait3A_61 = tpu.memref_slice %arg3[%dma_wait3A_60, %add3A_20] : memref<32x32768xf32, #tpu.memory_space<hbm>> -> memref<32x128xf32, #tpu.memory_space<hbm>>
    tpu.wait_dma2 semaphore(%arg11 : memref<!tpu.dma_semaphore, #tpu.memory_space<semaphore_mem>>) src(%arg7 : memref<32x128xf32, #tpu.memory_space<vmem>>) dst(%dma_wait3A_61 : memref<32x128xf32, #tpu.memory_space<hbm>>)
    %parallel_loop3A_62 = arith.constant 0 : i32
    %parallel_loop3A_63 = arith.constant 128 : i32
    %parallel_loop3A_64 = arith.constant 1 : i32
    scf.for %parallel_loop3A_98 = %parallel_loop3A_62 to %parallel_loop3A_63 step %parallel_loop3A_64  : i32 {
      %parallel_loop3A_99 = vector.broadcast %parallel_loop3A_98 : i32 to vector<16xi32>
      %parallel_loop3A_100 = tpu.iota {dimensions = array<i32: 0>} : vector<16xi32>
      %parallel_loop3A_101 = arith.constant 0 : i32
      %parallel_loop3A_102 = vector.broadcast %parallel_loop3A_101 : i32 to vector<16xi32>
      %parallel_loop3A_103 = arith.addi %parallel_loop3A_100, %parallel_loop3A_102 : vector<16xi32>
      %parallel_loop3A_104 = arith.index_cast %parallel_loop3A_98 : i32 to index
      %parallel_loop3A_105 = arith.constant 64 : index
      %parallel_loop3A_106 = tpu.vector_load %arg5[%parallel_loop3A_104, %parallel_loop3A_105] {strides = array<i32>} : memref<128x96xf32, #tpu.memory_space<vmem>>, vector<16xf32>,
      %parallel_loop3A_107 = arith.fptosi %parallel_loop3A_106 : vector<16xf32> to vector<16xi32>
      %parallel_loop3A_108 = arith.constant 62 : i32
      %parallel_loop3A_109 = vector.broadcast %parallel_loop3A_108 : i32 to vector<16xi32>
      %parallel_loop3A_110 = arith.minsi %parallel_loop3A_107, %parallel_loop3A_109 : vector<16xi32>
      %parallel_loop3A_111 = tpu.vector_load_idx %arg5[%parallel_loop3A_99, %parallel_loop3A_110] : memref<128x96xf32, #tpu.memory_space<vmem>>[vector<16xi32>, vector<16xi32>], vector<16xf32>,
      %parallel_loop3A_112 = arith.constant 1 : i32
      %parallel_loop3A_113 = vector.broadcast %parallel_loop3A_112 : i32 to vector<16xi32>
      %parallel_loop3A_114 = arith.addi %parallel_loop3A_110, %parallel_loop3A_113 : vector<16xi32>
      %parallel_loop3A_115 = tpu.vector_load_idx %arg5[%parallel_loop3A_99, %parallel_loop3A_114] : memref<128x96xf32, #tpu.memory_space<vmem>>[vector<16xi32>, vector<16xi32>], vector<16xf32>,
      %parallel_loop3A_116 = arith.sitofp %parallel_loop3A_110 : vector<16xi32> to vector<16xf32>
      %parallel_loop3A_117 = arith.subf %parallel_loop3A_106, %parallel_loop3A_116 : vector<16xf32>
      %parallel_loop3A_118 = arith.subf %parallel_loop3A_115, %parallel_loop3A_111 : vector<16xf32>
      %parallel_loop3A_119 = arith.mulf %parallel_loop3A_117, %parallel_loop3A_118 : vector<16xf32>
      %parallel_loop3A_120 = arith.addf %parallel_loop3A_119, %parallel_loop3A_111 : vector<16xf32>
      tpu.vector_store_idx %arg7[%parallel_loop3A_103, %parallel_loop3A_99], %parallel_loop3A_120 : memref<32x128xf32, #tpu.memory_space<vmem>>[vector<16xi32>, vector<16xi32>], vector<16xf32>,
      %parallel_loop3A_121 = tpu.iota {dimensions = array<i32: 0>} : vector<16xi32>
      %parallel_loop3A_122 = arith.constant 16 : i32
      %parallel_loop3A_123 = vector.broadcast %parallel_loop3A_122 : i32 to vector<16xi32>
      %parallel_loop3A_124 = arith.addi %parallel_loop3A_121, %parallel_loop3A_123 : vector<16xi32>
      %parallel_loop3A_125 = arith.index_cast %parallel_loop3A_98 : i32 to index
      %parallel_loop3A_126 = arith.constant 80 : index
      %parallel_loop3A_127 = tpu.vector_load %arg5[%parallel_loop3A_125, %parallel_loop3A_126] {strides = array<i32>} : memref<128x96xf32, #tpu.memory_space<vmem>>, vector<16xf32>,
      %parallel_loop3A_128 = arith.fptosi %parallel_loop3A_127 : vector<16xf32> to vector<16xi32>
      %parallel_loop3A_129 = arith.constant 62 : i32
      %parallel_loop3A_130 = vector.broadcast %parallel_loop3A_129 : i32 to vector<16xi32>
      %parallel_loop3A_131 = arith.minsi %parallel_loop3A_128, %parallel_loop3A_130 : vector<16xi32>
      %parallel_loop3A_132 = tpu.vector_load_idx %arg5[%parallel_loop3A_99, %parallel_loop3A_131] : memref<128x96xf32, #tpu.memory_space<vmem>>[vector<16xi32>, vector<16xi32>], vector<16xf32>,
      %parallel_loop3A_133 = arith.constant 1 : i32
      %parallel_loop3A_134 = vector.broadcast %parallel_loop3A_133 : i32 to vector<16xi32>
      %parallel_loop3A_135 = arith.addi %parallel_loop3A_131, %parallel_loop3A_134 : vector<16xi32>
      %parallel_loop3A_136 = tpu.vector_load_idx %arg5[%parallel_loop3A_99, %parallel_loop3A_135] : memref<128x96xf32, #tpu.memory_space<vmem>>[vector<16xi32>, vector<16xi32>], vector<16xf32>,
      %parallel_loop3A_137 = arith.sitofp %parallel_loop3A_131 : vector<16xi32> to vector<16xf32>
      %parallel_loop3A_138 = arith.subf %parallel_loop3A_127, %parallel_loop3A_137 : vector<16xf32>
      %parallel_loop3A_139 = arith.subf %parallel_loop3A_136, %parallel_loop3A_132 : vector<16xf32>
      %parallel_loop3A_140 = arith.mulf %parallel_loop3A_138, %parallel_loop3A_139 : vector<16xf32>
      %parallel_loop3A_141 = arith.addf %parallel_loop3A_140, %parallel_loop3A_132 : vector<16xf32>
      tpu.vector_store_idx %arg7[%parallel_loop3A_124, %parallel_loop3A_99], %parallel_loop3A_141 : memref<32x128xf32, #tpu.memory_space<vmem>>[vector<16xi32>, vector<16xi32>], vector<16xf32>,
    } {sc.loop_unroll_factor = 4 : i64, sc.parallel_access}
    %add3A_65 = arith.constant 16384 : i32
    %add3A_66 = arith.addi %add3A_65, %add3A_47 : i32
    %dma_start3A_67 = arith.constant 0 : i32
    %dma_start3A_68 = tpu.memref_slice %arg3[%dma_start3A_67, %add3A_66] : memref<32x32768xf32, #tpu.memory_space<hbm>> -> memref<32x128xf32, #tpu.memory_space<hbm>>
    %dma_start3A_69 = arith.constant 0 : i32
    %dma_start3A_70 = tpu.memref_slice %arg3[%dma_start3A_69, %add3A_66] : memref<32x32768xf32, #tpu.memory_space<hbm>> -> memref<32x128xf32, #tpu.memory_space<hbm>>
    tpu.enqueue_dma source(%arg7 : memref<32x128xf32, #tpu.memory_space<vmem>>) target(%dma_start3A_70 : memref<32x128xf32, #tpu.memory_space<hbm>>) target_semaphore(%arg11 : memref<!tpu.dma_semaphore, #tpu.memory_space<semaphore_mem>>)
    %add3A_71 = arith.constant 384 : i32
    %add3A_72 = arith.addi %mul3A_2, %add3A_71 : i32
    %dma_wait3A_73 = arith.constant 0 : i32
    %dma_wait3A_74 = tpu.memref_slice %arg2[%add3A_49, %dma_wait3A_73] : memref<16384x96xf32, #tpu.memory_space<hbm>> -> memref<128x96xf32, #tpu.memory_space<hbm>>
    %dma_wait3A_75 = arith.constant 0 : i32
    %dma_wait3A_76 = tpu.memref_slice %arg2[%add3A_49, %dma_wait3A_75] : memref<16384x96xf32, #tpu.memory_space<hbm>> -> memref<128x96xf32, #tpu.memory_space<hbm>>
    tpu.wait_dma2 semaphore(%arg10 : memref<!tpu.dma_semaphore, #tpu.memory_space<semaphore_mem>>) src(%dma_wait3A_76 : memref<128x96xf32, #tpu.memory_space<hbm>>) dst(%arg6 : memref<128x96xf32, #tpu.memory_space<vmem>>)
    %dma_wait3A_77 = arith.constant 0 : i32
    %dma_wait3A_78 = tpu.memref_slice %arg3[%dma_wait3A_77, %add3A_41] : memref<32x32768xf32, #tpu.memory_space<hbm>> -> memref<32x128xf32, #tpu.memory_space<hbm>>
    %dma_wait3A_79 = arith.constant 0 : i32
    %dma_wait3A_80 = tpu.memref_slice %arg3[%dma_wait3A_79, %add3A_41] : memref<32x32768xf32, #tpu.memory_space<hbm>> -> memref<32x128xf32, #tpu.memory_space<hbm>>
    tpu.wait_dma2 semaphore(%arg12 : memref<!tpu.dma_semaphore, #tpu.memory_space<semaphore_mem>>) src(%arg8 : memref<32x128xf32, #tpu.memory_space<vmem>>) dst(%dma_wait3A_80 : memref<32x128xf32, #tpu.memory_space<hbm>>)
    %parallel_loop3A_81 = arith.constant 0 : i32
    %parallel_loop3A_82 = arith.constant 128 : i32
    %parallel_loop3A_83 = arith.constant 1 : i32
    scf.for %parallel_loop3A_98 = %parallel_loop3A_81 to %parallel_loop3A_82 step %parallel_loop3A_83  : i32 {
      %parallel_loop3A_99 = vector.broadcast %parallel_loop3A_98 : i32 to vector<16xi32>
      %parallel_loop3A_100 = tpu.iota {dimensions = array<i32: 0>} : vector<16xi32>
      %parallel_loop3A_101 = arith.constant 0 : i32
      %parallel_loop3A_102 = vector.broadcast %parallel_loop3A_101 : i32 to vector<16xi32>
      %parallel_loop3A_103 = arith.addi %parallel_loop3A_100, %parallel_loop3A_102 : vector<16xi32>
      %parallel_loop3A_104 = arith.index_cast %parallel_loop3A_98 : i32 to index
      %parallel_loop3A_105 = arith.constant 64 : index
      %parallel_loop3A_106 = tpu.vector_load %arg6[%parallel_loop3A_104, %parallel_loop3A_105] {strides = array<i32>} : memref<128x96xf32, #tpu.memory_space<vmem>>, vector<16xf32>,
      %parallel_loop3A_107 = arith.fptosi %parallel_loop3A_106 : vector<16xf32> to vector<16xi32>
      %parallel_loop3A_108 = arith.constant 62 : i32
      %parallel_loop3A_109 = vector.broadcast %parallel_loop3A_108 : i32 to vector<16xi32>
      %parallel_loop3A_110 = arith.minsi %parallel_loop3A_107, %parallel_loop3A_109 : vector<16xi32>
      %parallel_loop3A_111 = tpu.vector_load_idx %arg6[%parallel_loop3A_99, %parallel_loop3A_110] : memref<128x96xf32, #tpu.memory_space<vmem>>[vector<16xi32>, vector<16xi32>], vector<16xf32>,
      %parallel_loop3A_112 = arith.constant 1 : i32
      %parallel_loop3A_113 = vector.broadcast %parallel_loop3A_112 : i32 to vector<16xi32>
      %parallel_loop3A_114 = arith.addi %parallel_loop3A_110, %parallel_loop3A_113 : vector<16xi32>
      %parallel_loop3A_115 = tpu.vector_load_idx %arg6[%parallel_loop3A_99, %parallel_loop3A_114] : memref<128x96xf32, #tpu.memory_space<vmem>>[vector<16xi32>, vector<16xi32>], vector<16xf32>,
      %parallel_loop3A_116 = arith.sitofp %parallel_loop3A_110 : vector<16xi32> to vector<16xf32>
      %parallel_loop3A_117 = arith.subf %parallel_loop3A_106, %parallel_loop3A_116 : vector<16xf32>
      %parallel_loop3A_118 = arith.subf %parallel_loop3A_115, %parallel_loop3A_111 : vector<16xf32>
      %parallel_loop3A_119 = arith.mulf %parallel_loop3A_117, %parallel_loop3A_118 : vector<16xf32>
      %parallel_loop3A_120 = arith.addf %parallel_loop3A_119, %parallel_loop3A_111 : vector<16xf32>
      tpu.vector_store_idx %arg8[%parallel_loop3A_103, %parallel_loop3A_99], %parallel_loop3A_120 : memref<32x128xf32, #tpu.memory_space<vmem>>[vector<16xi32>, vector<16xi32>], vector<16xf32>,
      %parallel_loop3A_121 = tpu.iota {dimensions = array<i32: 0>} : vector<16xi32>
      %parallel_loop3A_122 = arith.constant 16 : i32
      %parallel_loop3A_123 = vector.broadcast %parallel_loop3A_122 : i32 to vector<16xi32>
      %parallel_loop3A_124 = arith.addi %parallel_loop3A_121, %parallel_loop3A_123 : vector<16xi32>
      %parallel_loop3A_125 = arith.index_cast %parallel_loop3A_98 : i32 to index
      %parallel_loop3A_126 = arith.constant 80 : index
      %parallel_loop3A_127 = tpu.vector_load %arg6[%parallel_loop3A_125, %parallel_loop3A_126] {strides = array<i32>} : memref<128x96xf32, #tpu.memory_space<vmem>>, vector<16xf32>,
      %parallel_loop3A_128 = arith.fptosi %parallel_loop3A_127 : vector<16xf32> to vector<16xi32>
      %parallel_loop3A_129 = arith.constant 62 : i32
      %parallel_loop3A_130 = vector.broadcast %parallel_loop3A_129 : i32 to vector<16xi32>
      %parallel_loop3A_131 = arith.minsi %parallel_loop3A_128, %parallel_loop3A_130 : vector<16xi32>
      %parallel_loop3A_132 = tpu.vector_load_idx %arg6[%parallel_loop3A_99, %parallel_loop3A_131] : memref<128x96xf32, #tpu.memory_space<vmem>>[vector<16xi32>, vector<16xi32>], vector<16xf32>,
      %parallel_loop3A_133 = arith.constant 1 : i32
      %parallel_loop3A_134 = vector.broadcast %parallel_loop3A_133 : i32 to vector<16xi32>
      %parallel_loop3A_135 = arith.addi %parallel_loop3A_131, %parallel_loop3A_134 : vector<16xi32>
      %parallel_loop3A_136 = tpu.vector_load_idx %arg6[%parallel_loop3A_99, %parallel_loop3A_135] : memref<128x96xf32, #tpu.memory_space<vmem>>[vector<16xi32>, vector<16xi32>], vector<16xf32>,
      %parallel_loop3A_137 = arith.sitofp %parallel_loop3A_131 : vector<16xi32> to vector<16xf32>
      %parallel_loop3A_138 = arith.subf %parallel_loop3A_127, %parallel_loop3A_137 : vector<16xf32>
      %parallel_loop3A_139 = arith.subf %parallel_loop3A_136, %parallel_loop3A_132 : vector<16xf32>
      %parallel_loop3A_140 = arith.mulf %parallel_loop3A_138, %parallel_loop3A_139 : vector<16xf32>
      %parallel_loop3A_141 = arith.addf %parallel_loop3A_140, %parallel_loop3A_132 : vector<16xf32>
      tpu.vector_store_idx %arg8[%parallel_loop3A_124, %parallel_loop3A_99], %parallel_loop3A_141 : memref<32x128xf32, #tpu.memory_space<vmem>>[vector<16xi32>, vector<16xi32>], vector<16xf32>,
    } {sc.loop_unroll_factor = 4 : i64, sc.parallel_access}
    %add3A_84 = arith.constant 16384 : i32
    %add3A_85 = arith.addi %add3A_84, %add3A_72 : i32
    %dma_start3A_86 = arith.constant 0 : i32
    %dma_start3A_87 = tpu.memref_slice %arg3[%dma_start3A_86, %add3A_85] : memref<32x32768xf32, #tpu.memory_space<hbm>> -> memref<32x128xf32, #tpu.memory_space<hbm>>
    %dma_start3A_88 = arith.constant 0 : i32
    %dma_start3A_89 = tpu.memref_slice %arg3[%dma_start3A_88, %add3A_85] : memref<32x32768xf32, #tpu.memory_space<hbm>> -> memref<32x128xf32, #tpu.memory_space<hbm>>
    tpu.enqueue_dma source(%arg8 : memref<32x128xf32, #tpu.memory_space<vmem>>) target(%dma_start3A_89 : memref<32x128xf32, #tpu.memory_space<hbm>>) target_semaphore(%arg12 : memref<!tpu.dma_semaphore, #tpu.memory_space<semaphore_mem>>)
    %dma_wait3A_90 = arith.constant 0 : i32
    %dma_wait3A_91 = tpu.memref_slice %arg3[%dma_wait3A_90, %add3A_66] : memref<32x32768xf32, #tpu.memory_space<hbm>> -> memref<32x128xf32, #tpu.memory_space<hbm>>
    %dma_wait3A_92 = arith.constant 0 : i32
    %dma_wait3A_93 = tpu.memref_slice %arg3[%dma_wait3A_92, %add3A_66] : memref<32x32768xf32, #tpu.memory_space<hbm>> -> memref<32x128xf32, #tpu.memory_space<hbm>>
    tpu.wait_dma2 semaphore(%arg11 : memref<!tpu.dma_semaphore, #tpu.memory_space<semaphore_mem>>) src(%arg7 : memref<32x128xf32, #tpu.memory_space<vmem>>) dst(%dma_wait3A_93 : memref<32x128xf32, #tpu.memory_space<hbm>>)
    %dma_wait3A_94 = arith.constant 0 : i32
    %dma_wait3A_95 = tpu.memref_slice %arg3[%dma_wait3A_94, %add3A_85] : memref<32x32768xf32, #tpu.memory_space<hbm>> -> memref<32x128xf32, #tpu.memory_space<hbm>>
    %dma_wait3A_96 = arith.constant 0 : i32
    %dma_wait3A_97 = tpu.memref_slice %arg3[%dma_wait3A_96, %add3A_85] : memref<32x32768xf32, #tpu.memory_space<hbm>> -> memref<32x128xf32, #tpu.memory_space<hbm>>
    tpu.wait_dma2 semaphore(%arg12 : memref<!tpu.dma_semaphore, #tpu.memory_space<semaphore_mem>>) src(%arg8 : memref<32x128xf32, #tpu.memory_space<vmem>>) dst(%dma_wait3A_97 : memref<32x128xf32, #tpu.memory_space<hbm>>)
    return
  }
}

#map = affine_map<(d0, d1) -> (0, 0)>
module attributes {stable_mosaic.version = 14 : i64} {
  func.func @new_body(%arg0: i32, %arg1: i32, %arg2: memref<16384x96xf32, #tpu.memory_space<hbm>>, %arg3: memref<32x32768xf32, #tpu.memory_space<hbm>>, %arg4: memref<32x32768xf32, #tpu.memory_space<hbm>>, %arg5: memref<128x96xf32, #tpu.memory_space<vmem>>, %arg6: memref<128x96xf32, #tpu.memory_space<vmem>>, %arg7: memref<32x128xf32, #tpu.memory_space<vmem>>, %arg8: memref<32x128xf32, #tpu.memory_space<vmem>>, %arg9: memref<!tpu.dma_semaphore, #tpu.memory_space<semaphore_mem>>, %arg10: memref<!tpu.dma_semaphore, #tpu.memory_space<semaphore_mem>>, %arg11: memref<!tpu.dma_semaphore, #tpu.memory_space<semaphore_mem>>, %arg12: memref<!tpu.dma_semaphore, #tpu.memory_space<semaphore_mem>>) attributes {dimension_semantics = [#tpu.dimension_semantics<core_parallel>, #tpu.dimension_semantics<subcore_parallel>], iteration_bounds = array<i64: 2, 16>, scalar_prefetch = 0 : i64, scratch_operands = 8 : i64, tpu.core_type = #tpu.core_type<sc_vector_subcore>, window_params = [{transform_indices = #map}, {transform_indices = #map}, {transform_indices = #map}]} {
    %mul3A = arith.constant 2 : i32
    %mul3A_0 = arith.muli %arg1, %mul3A : i32
    %add3A = arith.addi %mul3A_0, %arg0 : i32
    %mul3A_1 = arith.constant 512 : i32
    %mul3A_2 = arith.muli %add3A, %mul3A_1 : i32
    %dma_start3A = arith.constant 0 : i32
    %dma_start3A_3 = tpu.memref_slice %arg2[%mul3A_2, %dma_start3A] : memref<16384x96xf32, #tpu.memory_space<hbm>> -> memref<128x96xf32, #tpu.memory_space<hbm>>
    %dma_start3A_4 = arith.constant 0 : i32
    %dma_start3A_5 = tpu.memref_slice %arg2[%mul3A_2, %dma_start3A_4] : memref<16384x96xf32, #tpu.memory_space<hbm>> -> memref<128x96xf32, #tpu.memory_space<hbm>>
    tpu.enqueue_dma source(%dma_start3A_5 : memref<128x96xf32, #tpu.memory_space<hbm>>) target(%arg5 : memref<128x96xf32, #tpu.memory_space<vmem>>) target_semaphore(%arg9 : memref<!tpu.dma_semaphore, #tpu.memory_space<semaphore_mem>>)
    %add3A_6 = arith.constant 0 : i32
    %add3A_7 = arith.addi %mul3A_2, %add3A_6 : i32
    %add3A_8 = arith.constant 128 : i32
    %add3A_9 = arith.addi %add3A_7, %add3A_8 : i32
    %dma_start3A_10 = arith.constant 0 : i32
    %dma_start3A_11 = tpu.memref_slice %arg2[%add3A_9, %dma_start3A_10] : memref<16384x96xf32, #tpu.memory_space<hbm>> -> memref<128x96xf32, #tpu.memory_space<hbm>>
    %dma_start3A_12 = arith.constant 0 : i32
    %dma_start3A_13 = tpu.memref_slice %arg2[%add3A_9, %dma_start3A_12] : memref<16384x96xf32, #tpu.memory_space<hbm>> -> memref<128x96xf32, #tpu.memory_space<hbm>>
    tpu.enqueue_dma source(%dma_start3A_13 : memref<128x96xf32, #tpu.memory_space<hbm>>) target(%arg6 : memref<128x96xf32, #tpu.memory_space<vmem>>) target_semaphore(%arg10 : memref<!tpu.dma_semaphore, #tpu.memory_space<semaphore_mem>>)
    %dma_wait3A = arith.constant 0 : i32
    %dma_wait3A_14 = tpu.memref_slice %arg2[%mul3A_2, %dma_wait3A] : memref<16384x96xf32, #tpu.memory_space<hbm>> -> memref<128x96xf32, #tpu.memory_space<hbm>>
    %dma_wait3A_15 = arith.constant 0 : i32
    %dma_wait3A_16 = tpu.memref_slice %arg2[%mul3A_2, %dma_wait3A_15] : memref<16384x96xf32, #tpu.memory_space<hbm>> -> memref<128x96xf32, #tpu.memory_space<hbm>>
    tpu.wait_dma2 semaphore(%arg9 : memref<!tpu.dma_semaphore, #tpu.memory_space<semaphore_mem>>) src(%dma_wait3A_16 : memref<128x96xf32, #tpu.memory_space<hbm>>) dst(%arg5 : memref<128x96xf32, #tpu.memory_space<vmem>>)
    %parallel_loop3A = arith.constant 0 : i32
    %parallel_loop3A_17 = arith.constant 128 : i32
    %parallel_loop3A_18 = arith.constant 1 : i32
    scf.for %parallel_loop3A_98 = %parallel_loop3A to %parallel_loop3A_17 step %parallel_loop3A_18  : i32 {
      %parallel_loop3A_99 = vector.broadcast %parallel_loop3A_98 : i32 to vector<16xi32>
      %parallel_loop3A_100 = tpu.iota {dimensions = array<i32: 0>} : vector<16xi32>
      %parallel_loop3A_101 = arith.constant 0 : i32
      %parallel_loop3A_102 = vector.broadcast %parallel_loop3A_101 : i32 to vector<16xi32>
      %parallel_loop3A_103 = arith.addi %parallel_loop3A_100, %parallel_loop3A_102 : vector<16xi32>
      %parallel_loop3A_104 = arith.index_cast %parallel_loop3A_98 : i32 to index
      %parallel_loop3A_105 = arith.constant 64 : index
      %parallel_loop3A_106 = tpu.vector_load %arg5[%parallel_loop3A_104, %parallel_loop3A_105] {strides = array<i32>} : memref<128x96xf32, #tpu.memory_space<vmem>>, vector<16xf32>,
      %parallel_loop3A_107 = arith.fptosi %parallel_loop3A_106 : vector<16xf32> to vector<16xi32>
      %parallel_loop3A_108 = arith.constant 62 : i32
      %parallel_loop3A_109 = vector.broadcast %parallel_loop3A_108 : i32 to vector<16xi32>
      %parallel_loop3A_110 = arith.minsi %parallel_loop3A_107, %parallel_loop3A_109 : vector<16xi32>
      %parallel_loop3A_111 = tpu.vector_load_idx %arg5[%parallel_loop3A_99, %parallel_loop3A_110] : memref<128x96xf32, #tpu.memory_space<vmem>>[vector<16xi32>, vector<16xi32>], vector<16xf32>,
      %parallel_loop3A_112 = arith.constant 1 : i32
      %parallel_loop3A_113 = vector.broadcast %parallel_loop3A_112 : i32 to vector<16xi32>
      %parallel_loop3A_114 = arith.addi %parallel_loop3A_110, %parallel_loop3A_113 : vector<16xi32>
      %parallel_loop3A_115 = tpu.vector_load_idx %arg5[%parallel_loop3A_99, %parallel_loop3A_114] : memref<128x96xf32, #tpu.memory_space<vmem>>[vector<16xi32>, vector<16xi32>], vector<16xf32>,
      %parallel_loop3A_116 = arith.sitofp %parallel_loop3A_110 : vector<16xi32> to vector<16xf32>
      %parallel_loop3A_117 = arith.subf %parallel_loop3A_106, %parallel_loop3A_116 : vector<16xf32>
      %parallel_loop3A_118 = arith.subf %parallel_loop3A_115, %parallel_loop3A_111 : vector<16xf32>
      %parallel_loop3A_119 = arith.mulf %parallel_loop3A_117, %parallel_loop3A_118 : vector<16xf32>
      %parallel_loop3A_120 = arith.addf %parallel_loop3A_119, %parallel_loop3A_111 : vector<16xf32>
      tpu.vector_store_idx %arg7[%parallel_loop3A_103, %parallel_loop3A_99], %parallel_loop3A_120 : memref<32x128xf32, #tpu.memory_space<vmem>>[vector<16xi32>, vector<16xi32>], vector<16xf32>,
      %parallel_loop3A_121 = tpu.iota {dimensions = array<i32: 0>} : vector<16xi32>
      %parallel_loop3A_122 = arith.constant 16 : i32
      %parallel_loop3A_123 = vector.broadcast %parallel_loop3A_122 : i32 to vector<16xi32>
      %parallel_loop3A_124 = arith.addi %parallel_loop3A_121, %parallel_loop3A_123 : vector<16xi32>
      %parallel_loop3A_125 = arith.index_cast %parallel_loop3A_98 : i32 to index
      %parallel_loop3A_126 = arith.constant 80 : index
      %parallel_loop3A_127 = tpu.vector_load %arg5[%parallel_loop3A_125, %parallel_loop3A_126] {strides = array<i32>} : memref<128x96xf32, #tpu.memory_space<vmem>>, vector<16xf32>,
      %parallel_loop3A_128 = arith.fptosi %parallel_loop3A_127 : vector<16xf32> to vector<16xi32>
      %parallel_loop3A_129 = arith.constant 62 : i32
      %parallel_loop3A_130 = vector.broadcast %parallel_loop3A_129 : i32 to vector<16xi32>
      %parallel_loop3A_131 = arith.minsi %parallel_loop3A_128, %parallel_loop3A_130 : vector<16xi32>
      %parallel_loop3A_132 = tpu.vector_load_idx %arg5[%parallel_loop3A_99, %parallel_loop3A_131] : memref<128x96xf32, #tpu.memory_space<vmem>>[vector<16xi32>, vector<16xi32>], vector<16xf32>,
      %parallel_loop3A_133 = arith.constant 1 : i32
      %parallel_loop3A_134 = vector.broadcast %parallel_loop3A_133 : i32 to vector<16xi32>
      %parallel_loop3A_135 = arith.addi %parallel_loop3A_131, %parallel_loop3A_134 : vector<16xi32>
      %parallel_loop3A_136 = tpu.vector_load_idx %arg5[%parallel_loop3A_99, %parallel_loop3A_135] : memref<128x96xf32, #tpu.memory_space<vmem>>[vector<16xi32>, vector<16xi32>], vector<16xf32>,
      %parallel_loop3A_137 = arith.sitofp %parallel_loop3A_131 : vector<16xi32> to vector<16xf32>
      %parallel_loop3A_138 = arith.subf %parallel_loop3A_127, %parallel_loop3A_137 : vector<16xf32>
      %parallel_loop3A_139 = arith.subf %parallel_loop3A_136, %parallel_loop3A_132 : vector<16xf32>
      %parallel_loop3A_140 = arith.mulf %parallel_loop3A_138, %parallel_loop3A_139 : vector<16xf32>
      %parallel_loop3A_141 = arith.addf %parallel_loop3A_140, %parallel_loop3A_132 : vector<16xf32>
      tpu.vector_store_idx %arg7[%parallel_loop3A_124, %parallel_loop3A_99], %parallel_loop3A_141 : memref<32x128xf32, #tpu.memory_space<vmem>>[vector<16xi32>, vector<16xi32>], vector<16xf32>,
    } {sc.loop_unroll_factor = 4 : i64, sc.parallel_access}
    %add3A_19 = arith.constant 0 : i32
    %add3A_20 = arith.addi %add3A_19, %add3A_7 : i32
    %dma_start3A_21 = arith.constant 0 : i32
    %dma_start3A_22 = tpu.memref_slice %arg3[%dma_start3A_21, %add3A_20] : memref<32x32768xf32, #tpu.memory_space<hbm>> -> memref<32x128xf32, #tpu.memory_space<hbm>>
    %dma_start3A_23 = arith.constant 0 : i32
    %dma_start3A_24 = tpu.memref_slice %arg3[%dma_start3A_23, %add3A_20] : memref<32x32768xf32, #tpu.memory_space<hbm>> -> memref<32x128xf32, #tpu.memory_space<hbm>>
    tpu.enqueue_dma source(%arg7 : memref<32x128xf32, #tpu.memory_space<vmem>>) target(%dma_start3A_24 : memref<32x128xf32, #tpu.memory_space<hbm>>) target_semaphore(%arg11 : memref<!tpu.dma_semaphore, #tpu.memory_space<semaphore_mem>>)
    %add3A_25 = arith.constant 128 : i32
    %add3A_26 = arith.addi %mul3A_2, %add3A_25 : i32
    %add3A_27 = arith.constant 128 : i32
    %add3A_28 = arith.addi %add3A_26, %add3A_27 : i32
    %dma_start3A_29 = arith.constant 0 : i32
    %dma_start3A_30 = tpu.memref_slice %arg2[%add3A_28, %dma_start3A_29] : memref<16384x96xf32, #tpu.memory_space<hbm>> -> memref<128x96xf32, #tpu.memory_space<hbm>>
    %dma_start3A_31 = arith.constant 0 : i32
    %dma_start3A_32 = tpu.memref_slice %arg2[%add3A_28, %dma_start3A_31] : memref<16384x96xf32, #tpu.memory_space<hbm>> -> memref<128x96xf32, #tpu.memory_space<hbm>>
    tpu.enqueue_dma source(%dma_start3A_32 : memref<128x96xf32, #tpu.memory_space<hbm>>) target(%arg5 : memref<128x96xf32, #tpu.memory_space<vmem>>) target_semaphore(%arg9 : memref<!tpu.dma_semaphore, #tpu.memory_space<semaphore_mem>>)
    %dma_wait3A_33 = arith.constant 0 : i32
    %dma_wait3A_34 = tpu.memref_slice %arg2[%add3A_9, %dma_wait3A_33] : memref<16384x96xf32, #tpu.memory_space<hbm>> -> memref<128x96xf32, #tpu.memory_space<hbm>>
    %dma_wait3A_35 = arith.constant 0 : i32
    %dma_wait3A_36 = tpu.memref_slice %arg2[%add3A_9, %dma_wait3A_35] : memref<16384x96xf32, #tpu.memory_space<hbm>> -> memref<128x96xf32, #tpu.memory_space<hbm>>
    tpu.wait_dma2 semaphore(%arg10 : memref<!tpu.dma_semaphore, #tpu.memory_space<semaphore_mem>>) src(%dma_wait3A_36 : memref<128x96xf32, #tpu.memory_space<hbm>>) dst(%arg6 : memref<128x96xf32, #tpu.memory_space<vmem>>)
    %parallel_loop3A_37 = arith.constant 0 : i32
    %parallel_loop3A_38 = arith.constant 128 : i32
    %parallel_loop3A_39 = arith.constant 1 : i32
    scf.for %parallel_loop3A_98 = %parallel_loop3A_37 to %parallel_loop3A_38 step %parallel_loop3A_39  : i32 {
      %parallel_loop3A_99 = vector.broadcast %parallel_loop3A_98 : i32 to vector<16xi32>
      %parallel_loop3A_100 = tpu.iota {dimensions = array<i32: 0>} : vector<16xi32>
      %parallel_loop3A_101 = arith.constant 0 : i32
      %parallel_loop3A_102 = vector.broadcast %parallel_loop3A_101 : i32 to vector<16xi32>
      %parallel_loop3A_103 = arith.addi %parallel_loop3A_100, %parallel_loop3A_102 : vector<16xi32>
      %parallel_loop3A_104 = arith.index_cast %parallel_loop3A_98 : i32 to index
      %parallel_loop3A_105 = arith.constant 64 : index
      %parallel_loop3A_106 = tpu.vector_load %arg6[%parallel_loop3A_104, %parallel_loop3A_105] {strides = array<i32>} : memref<128x96xf32, #tpu.memory_space<vmem>>, vector<16xf32>,
      %parallel_loop3A_107 = arith.fptosi %parallel_loop3A_106 : vector<16xf32> to vector<16xi32>
      %parallel_loop3A_108 = arith.constant 62 : i32
      %parallel_loop3A_109 = vector.broadcast %parallel_loop3A_108 : i32 to vector<16xi32>
      %parallel_loop3A_110 = arith.minsi %parallel_loop3A_107, %parallel_loop3A_109 : vector<16xi32>
      %parallel_loop3A_111 = tpu.vector_load_idx %arg6[%parallel_loop3A_99, %parallel_loop3A_110] : memref<128x96xf32, #tpu.memory_space<vmem>>[vector<16xi32>, vector<16xi32>], vector<16xf32>,
      %parallel_loop3A_112 = arith.constant 1 : i32
      %parallel_loop3A_113 = vector.broadcast %parallel_loop3A_112 : i32 to vector<16xi32>
      %parallel_loop3A_114 = arith.addi %parallel_loop3A_110, %parallel_loop3A_113 : vector<16xi32>
      %parallel_loop3A_115 = tpu.vector_load_idx %arg6[%parallel_loop3A_99, %parallel_loop3A_114] : memref<128x96xf32, #tpu.memory_space<vmem>>[vector<16xi32>, vector<16xi32>], vector<16xf32>,
      %parallel_loop3A_116 = arith.sitofp %parallel_loop3A_110 : vector<16xi32> to vector<16xf32>
      %parallel_loop3A_117 = arith.subf %parallel_loop3A_106, %parallel_loop3A_116 : vector<16xf32>
      %parallel_loop3A_118 = arith.subf %parallel_loop3A_115, %parallel_loop3A_111 : vector<16xf32>
      %parallel_loop3A_119 = arith.mulf %parallel_loop3A_117, %parallel_loop3A_118 : vector<16xf32>
      %parallel_loop3A_120 = arith.addf %parallel_loop3A_119, %parallel_loop3A_111 : vector<16xf32>
      tpu.vector_store_idx %arg8[%parallel_loop3A_103, %parallel_loop3A_99], %parallel_loop3A_120 : memref<32x128xf32, #tpu.memory_space<vmem>>[vector<16xi32>, vector<16xi32>], vector<16xf32>,
      %parallel_loop3A_121 = tpu.iota {dimensions = array<i32: 0>} : vector<16xi32>
      %parallel_loop3A_122 = arith.constant 16 : i32
      %parallel_loop3A_123 = vector.broadcast %parallel_loop3A_122 : i32 to vector<16xi32>
      %parallel_loop3A_124 = arith.addi %parallel_loop3A_121, %parallel_loop3A_123 : vector<16xi32>
      %parallel_loop3A_125 = arith.index_cast %parallel_loop3A_98 : i32 to index
      %parallel_loop3A_126 = arith.constant 80 : index
      %parallel_loop3A_127 = tpu.vector_load %arg6[%parallel_loop3A_125, %parallel_loop3A_126] {strides = array<i32>} : memref<128x96xf32, #tpu.memory_space<vmem>>, vector<16xf32>,
      %parallel_loop3A_128 = arith.fptosi %parallel_loop3A_127 : vector<16xf32> to vector<16xi32>
      %parallel_loop3A_129 = arith.constant 62 : i32
      %parallel_loop3A_130 = vector.broadcast %parallel_loop3A_129 : i32 to vector<16xi32>
      %parallel_loop3A_131 = arith.minsi %parallel_loop3A_128, %parallel_loop3A_130 : vector<16xi32>
      %parallel_loop3A_132 = tpu.vector_load_idx %arg6[%parallel_loop3A_99, %parallel_loop3A_131] : memref<128x96xf32, #tpu.memory_space<vmem>>[vector<16xi32>, vector<16xi32>], vector<16xf32>,
      %parallel_loop3A_133 = arith.constant 1 : i32
      %parallel_loop3A_134 = vector.broadcast %parallel_loop3A_133 : i32 to vector<16xi32>
      %parallel_loop3A_135 = arith.addi %parallel_loop3A_131, %parallel_loop3A_134 : vector<16xi32>
      %parallel_loop3A_136 = tpu.vector_load_idx %arg6[%parallel_loop3A_99, %parallel_loop3A_135] : memref<128x96xf32, #tpu.memory_space<vmem>>[vector<16xi32>, vector<16xi32>], vector<16xf32>,
      %parallel_loop3A_137 = arith.sitofp %parallel_loop3A_131 : vector<16xi32> to vector<16xf32>
      %parallel_loop3A_138 = arith.subf %parallel_loop3A_127, %parallel_loop3A_137 : vector<16xf32>
      %parallel_loop3A_139 = arith.subf %parallel_loop3A_136, %parallel_loop3A_132 : vector<16xf32>
      %parallel_loop3A_140 = arith.mulf %parallel_loop3A_138, %parallel_loop3A_139 : vector<16xf32>
      %parallel_loop3A_141 = arith.addf %parallel_loop3A_140, %parallel_loop3A_132 : vector<16xf32>
      tpu.vector_store_idx %arg8[%parallel_loop3A_124, %parallel_loop3A_99], %parallel_loop3A_141 : memref<32x128xf32, #tpu.memory_space<vmem>>[vector<16xi32>, vector<16xi32>], vector<16xf32>,
    } {sc.loop_unroll_factor = 4 : i64, sc.parallel_access}
    %add3A_40 = arith.constant 0 : i32
    %add3A_41 = arith.addi %add3A_40, %add3A_26 : i32
    %dma_start3A_42 = arith.constant 0 : i32
    %dma_start3A_43 = tpu.memref_slice %arg3[%dma_start3A_42, %add3A_41] : memref<32x32768xf32, #tpu.memory_space<hbm>> -> memref<32x128xf32, #tpu.memory_space<hbm>>
    %dma_start3A_44 = arith.constant 0 : i32
    %dma_start3A_45 = tpu.memref_slice %arg3[%dma_start3A_44, %add3A_41] : memref<32x32768xf32, #tpu.memory_space<hbm>> -> memref<32x128xf32, #tpu.memory_space<hbm>>
    tpu.enqueue_dma source(%arg8 : memref<32x128xf32, #tpu.memory_space<vmem>>) target(%dma_start3A_45 : memref<32x128xf32, #tpu.memory_space<hbm>>) target_semaphore(%arg12 : memref<!tpu.dma_semaphore, #tpu.memory_space<semaphore_mem>>)
    %add3A_46 = arith.constant 256 : i32
    %add3A_47 = arith.addi %mul3A_2, %add3A_46 : i32
    %add3A_48 = arith.constant 128 : i32
    %add3A_49 = arith.addi %add3A_47, %add3A_48 : i32
    %dma_start3A_50 = arith.constant 0 : i32
    %dma_start3A_51 = tpu.memref_slice %arg2[%add3A_49, %dma_start3A_50] : memref<16384x96xf32, #tpu.memory_space<hbm>> -> memref<128x96xf32, #tpu.memory_space<hbm>>
    %dma_start3A_52 = arith.constant 0 : i32
    %dma_start3A_53 = tpu.memref_slice %arg2[%add3A_49, %dma_start3A_52] : memref<16384x96xf32, #tpu.memory_space<hbm>> -> memref<128x96xf32, #tpu.memory_space<hbm>>
    tpu.enqueue_dma source(%dma_start3A_53 : memref<128x96xf32, #tpu.memory_space<hbm>>) target(%arg6 : memref<128x96xf32, #tpu.memory_space<vmem>>) target_semaphore(%arg10 : memref<!tpu.dma_semaphore, #tpu.memory_space<semaphore_mem>>)
    %dma_wait3A_54 = arith.constant 0 : i32
    %dma_wait3A_55 = tpu.memref_slice %arg2[%add3A_28, %dma_wait3A_54] : memref<16384x96xf32, #tpu.memory_space<hbm>> -> memref<128x96xf32, #tpu.memory_space<hbm>>
    %dma_wait3A_56 = arith.constant 0 : i32
    %dma_wait3A_57 = tpu.memref_slice %arg2[%add3A_28, %dma_wait3A_56] : memref<16384x96xf32, #tpu.memory_space<hbm>> -> memref<128x96xf32, #tpu.memory_space<hbm>>
    tpu.wait_dma2 semaphore(%arg9 : memref<!tpu.dma_semaphore, #tpu.memory_space<semaphore_mem>>) src(%dma_wait3A_57 : memref<128x96xf32, #tpu.memory_space<hbm>>) dst(%arg5 : memref<128x96xf32, #tpu.memory_space<vmem>>)
    %dma_wait3A_58 = arith.constant 0 : i32
    %dma_wait3A_59 = tpu.memref_slice %arg3[%dma_wait3A_58, %add3A_20] : memref<32x32768xf32, #tpu.memory_space<hbm>> -> memref<32x128xf32, #tpu.memory_space<hbm>>
    %dma_wait3A_60 = arith.constant 0 : i32
    %dma_wait3A_61 = tpu.memref_slice %arg3[%dma_wait3A_60, %add3A_20] : memref<32x32768xf32, #tpu.memory_space<hbm>> -> memref<32x128xf32, #tpu.memory_space<hbm>>
    tpu.wait_dma2 semaphore(%arg11 : memref<!tpu.dma_semaphore, #tpu.memory_space<semaphore_mem>>) src(%arg7 : memref<32x128xf32, #tpu.memory_space<vmem>>) dst(%dma_wait3A_61 : memref<32x128xf32, #tpu.memory_space<hbm>>)
    %parallel_loop3A_62 = arith.constant 0 : i32
    %parallel_loop3A_63 = arith.constant 128 : i32
    %parallel_loop3A_64 = arith.constant 1 : i32
    scf.for %parallel_loop3A_98 = %parallel_loop3A_62 to %parallel_loop3A_63 step %parallel_loop3A_64  : i32 {
      %parallel_loop3A_99 = vector.broadcast %parallel_loop3A_98 : i32 to vector<16xi32>
      %parallel_loop3A_100 = tpu.iota {dimensions = array<i32: 0>} : vector<16xi32>
      %parallel_loop3A_101 = arith.constant 0 : i32
      %parallel_loop3A_102 = vector.broadcast %parallel_loop3A_101 : i32 to vector<16xi32>
      %parallel_loop3A_103 = arith.addi %parallel_loop3A_100, %parallel_loop3A_102 : vector<16xi32>
      %parallel_loop3A_104 = arith.index_cast %parallel_loop3A_98 : i32 to index
      %parallel_loop3A_105 = arith.constant 64 : index
      %parallel_loop3A_106 = tpu.vector_load %arg5[%parallel_loop3A_104, %parallel_loop3A_105] {strides = array<i32>} : memref<128x96xf32, #tpu.memory_space<vmem>>, vector<16xf32>,
      %parallel_loop3A_107 = arith.fptosi %parallel_loop3A_106 : vector<16xf32> to vector<16xi32>
      %parallel_loop3A_108 = arith.constant 62 : i32
      %parallel_loop3A_109 = vector.broadcast %parallel_loop3A_108 : i32 to vector<16xi32>
      %parallel_loop3A_110 = arith.minsi %parallel_loop3A_107, %parallel_loop3A_109 : vector<16xi32>
      %parallel_loop3A_111 = tpu.vector_load_idx %arg5[%parallel_loop3A_99, %parallel_loop3A_110] : memref<128x96xf32, #tpu.memory_space<vmem>>[vector<16xi32>, vector<16xi32>], vector<16xf32>,
      %parallel_loop3A_112 = arith.constant 1 : i32
      %parallel_loop3A_113 = vector.broadcast %parallel_loop3A_112 : i32 to vector<16xi32>
      %parallel_loop3A_114 = arith.addi %parallel_loop3A_110, %parallel_loop3A_113 : vector<16xi32>
      %parallel_loop3A_115 = tpu.vector_load_idx %arg5[%parallel_loop3A_99, %parallel_loop3A_114] : memref<128x96xf32, #tpu.memory_space<vmem>>[vector<16xi32>, vector<16xi32>], vector<16xf32>,
      %parallel_loop3A_116 = arith.sitofp %parallel_loop3A_110 : vector<16xi32> to vector<16xf32>
      %parallel_loop3A_117 = arith.subf %parallel_loop3A_106, %parallel_loop3A_116 : vector<16xf32>
      %parallel_loop3A_118 = arith.subf %parallel_loop3A_115, %parallel_loop3A_111 : vector<16xf32>
      %parallel_loop3A_119 = arith.mulf %parallel_loop3A_117, %parallel_loop3A_118 : vector<16xf32>
      %parallel_loop3A_120 = arith.addf %parallel_loop3A_119, %parallel_loop3A_111 : vector<16xf32>
      tpu.vector_store_idx %arg7[%parallel_loop3A_103, %parallel_loop3A_99], %parallel_loop3A_120 : memref<32x128xf32, #tpu.memory_space<vmem>>[vector<16xi32>, vector<16xi32>], vector<16xf32>,
      %parallel_loop3A_121 = tpu.iota {dimensions = array<i32: 0>} : vector<16xi32>
      %parallel_loop3A_122 = arith.constant 16 : i32
      %parallel_loop3A_123 = vector.broadcast %parallel_loop3A_122 : i32 to vector<16xi32>
      %parallel_loop3A_124 = arith.addi %parallel_loop3A_121, %parallel_loop3A_123 : vector<16xi32>
      %parallel_loop3A_125 = arith.index_cast %parallel_loop3A_98 : i32 to index
      %parallel_loop3A_126 = arith.constant 80 : index
      %parallel_loop3A_127 = tpu.vector_load %arg5[%parallel_loop3A_125, %parallel_loop3A_126] {strides = array<i32>} : memref<128x96xf32, #tpu.memory_space<vmem>>, vector<16xf32>,
      %parallel_loop3A_128 = arith.fptosi %parallel_loop3A_127 : vector<16xf32> to vector<16xi32>
      %parallel_loop3A_129 = arith.constant 62 : i32
      %parallel_loop3A_130 = vector.broadcast %parallel_loop3A_129 : i32 to vector<16xi32>
      %parallel_loop3A_131 = arith.minsi %parallel_loop3A_128, %parallel_loop3A_130 : vector<16xi32>
      %parallel_loop3A_132 = tpu.vector_load_idx %arg5[%parallel_loop3A_99, %parallel_loop3A_131] : memref<128x96xf32, #tpu.memory_space<vmem>>[vector<16xi32>, vector<16xi32>], vector<16xf32>,
      %parallel_loop3A_133 = arith.constant 1 : i32
      %parallel_loop3A_134 = vector.broadcast %parallel_loop3A_133 : i32 to vector<16xi32>
      %parallel_loop3A_135 = arith.addi %parallel_loop3A_131, %parallel_loop3A_134 : vector<16xi32>
      %parallel_loop3A_136 = tpu.vector_load_idx %arg5[%parallel_loop3A_99, %parallel_loop3A_135] : memref<128x96xf32, #tpu.memory_space<vmem>>[vector<16xi32>, vector<16xi32>], vector<16xf32>,
      %parallel_loop3A_137 = arith.sitofp %parallel_loop3A_131 : vector<16xi32> to vector<16xf32>
      %parallel_loop3A_138 = arith.subf %parallel_loop3A_127, %parallel_loop3A_137 : vector<16xf32>
      %parallel_loop3A_139 = arith.subf %parallel_loop3A_136, %parallel_loop3A_132 : vector<16xf32>
      %parallel_loop3A_140 = arith.mulf %parallel_loop3A_138, %parallel_loop3A_139 : vector<16xf32>
      %parallel_loop3A_141 = arith.addf %parallel_loop3A_140, %parallel_loop3A_132 : vector<16xf32>
      tpu.vector_store_idx %arg7[%parallel_loop3A_124, %parallel_loop3A_99], %parallel_loop3A_141 : memref<32x128xf32, #tpu.memory_space<vmem>>[vector<16xi32>, vector<16xi32>], vector<16xf32>,
    } {sc.loop_unroll_factor = 4 : i64, sc.parallel_access}
    %add3A_65 = arith.constant 0 : i32
    %add3A_66 = arith.addi %add3A_65, %add3A_47 : i32
    %dma_start3A_67 = arith.constant 0 : i32
    %dma_start3A_68 = tpu.memref_slice %arg3[%dma_start3A_67, %add3A_66] : memref<32x32768xf32, #tpu.memory_space<hbm>> -> memref<32x128xf32, #tpu.memory_space<hbm>>
    %dma_start3A_69 = arith.constant 0 : i32
    %dma_start3A_70 = tpu.memref_slice %arg3[%dma_start3A_69, %add3A_66] : memref<32x32768xf32, #tpu.memory_space<hbm>> -> memref<32x128xf32, #tpu.memory_space<hbm>>
    tpu.enqueue_dma source(%arg7 : memref<32x128xf32, #tpu.memory_space<vmem>>) target(%dma_start3A_70 : memref<32x128xf32, #tpu.memory_space<hbm>>) target_semaphore(%arg11 : memref<!tpu.dma_semaphore, #tpu.memory_space<semaphore_mem>>)
    %add3A_71 = arith.constant 384 : i32
    %add3A_72 = arith.addi %mul3A_2, %add3A_71 : i32
    %dma_wait3A_73 = arith.constant 0 : i32
    %dma_wait3A_74 = tpu.memref_slice %arg2[%add3A_49, %dma_wait3A_73] : memref<16384x96xf32, #tpu.memory_space<hbm>> -> memref<128x96xf32, #tpu.memory_space<hbm>>
    %dma_wait3A_75 = arith.constant 0 : i32
    %dma_wait3A_76 = tpu.memref_slice %arg2[%add3A_49, %dma_wait3A_75] : memref<16384x96xf32, #tpu.memory_space<hbm>> -> memref<128x96xf32, #tpu.memory_space<hbm>>
    tpu.wait_dma2 semaphore(%arg10 : memref<!tpu.dma_semaphore, #tpu.memory_space<semaphore_mem>>) src(%dma_wait3A_76 : memref<128x96xf32, #tpu.memory_space<hbm>>) dst(%arg6 : memref<128x96xf32, #tpu.memory_space<vmem>>)
    %dma_wait3A_77 = arith.constant 0 : i32
    %dma_wait3A_78 = tpu.memref_slice %arg3[%dma_wait3A_77, %add3A_41] : memref<32x32768xf32, #tpu.memory_space<hbm>> -> memref<32x128xf32, #tpu.memory_space<hbm>>
    %dma_wait3A_79 = arith.constant 0 : i32
    %dma_wait3A_80 = tpu.memref_slice %arg3[%dma_wait3A_79, %add3A_41] : memref<32x32768xf32, #tpu.memory_space<hbm>> -> memref<32x128xf32, #tpu.memory_space<hbm>>
    tpu.wait_dma2 semaphore(%arg12 : memref<!tpu.dma_semaphore, #tpu.memory_space<semaphore_mem>>) src(%arg8 : memref<32x128xf32, #tpu.memory_space<vmem>>) dst(%dma_wait3A_80 : memref<32x128xf32, #tpu.memory_space<hbm>>)
    %parallel_loop3A_81 = arith.constant 0 : i32
    %parallel_loop3A_82 = arith.constant 128 : i32
    %parallel_loop3A_83 = arith.constant 1 : i32
    scf.for %parallel_loop3A_98 = %parallel_loop3A_81 to %parallel_loop3A_82 step %parallel_loop3A_83  : i32 {
      %parallel_loop3A_99 = vector.broadcast %parallel_loop3A_98 : i32 to vector<16xi32>
      %parallel_loop3A_100 = tpu.iota {dimensions = array<i32: 0>} : vector<16xi32>
      %parallel_loop3A_101 = arith.constant 0 : i32
      %parallel_loop3A_102 = vector.broadcast %parallel_loop3A_101 : i32 to vector<16xi32>
      %parallel_loop3A_103 = arith.addi %parallel_loop3A_100, %parallel_loop3A_102 : vector<16xi32>
      %parallel_loop3A_104 = arith.index_cast %parallel_loop3A_98 : i32 to index
      %parallel_loop3A_105 = arith.constant 64 : index
      %parallel_loop3A_106 = tpu.vector_load %arg6[%parallel_loop3A_104, %parallel_loop3A_105] {strides = array<i32>} : memref<128x96xf32, #tpu.memory_space<vmem>>, vector<16xf32>,
      %parallel_loop3A_107 = arith.fptosi %parallel_loop3A_106 : vector<16xf32> to vector<16xi32>
      %parallel_loop3A_108 = arith.constant 62 : i32
      %parallel_loop3A_109 = vector.broadcast %parallel_loop3A_108 : i32 to vector<16xi32>
      %parallel_loop3A_110 = arith.minsi %parallel_loop3A_107, %parallel_loop3A_109 : vector<16xi32>
      %parallel_loop3A_111 = tpu.vector_load_idx %arg6[%parallel_loop3A_99, %parallel_loop3A_110] : memref<128x96xf32, #tpu.memory_space<vmem>>[vector<16xi32>, vector<16xi32>], vector<16xf32>,
      %parallel_loop3A_112 = arith.constant 1 : i32
      %parallel_loop3A_113 = vector.broadcast %parallel_loop3A_112 : i32 to vector<16xi32>
      %parallel_loop3A_114 = arith.addi %parallel_loop3A_110, %parallel_loop3A_113 : vector<16xi32>
      %parallel_loop3A_115 = tpu.vector_load_idx %arg6[%parallel_loop3A_99, %parallel_loop3A_114] : memref<128x96xf32, #tpu.memory_space<vmem>>[vector<16xi32>, vector<16xi32>], vector<16xf32>,
      %parallel_loop3A_116 = arith.sitofp %parallel_loop3A_110 : vector<16xi32> to vector<16xf32>
      %parallel_loop3A_117 = arith.subf %parallel_loop3A_106, %parallel_loop3A_116 : vector<16xf32>
      %parallel_loop3A_118 = arith.subf %parallel_loop3A_115, %parallel_loop3A_111 : vector<16xf32>
      %parallel_loop3A_119 = arith.mulf %parallel_loop3A_117, %parallel_loop3A_118 : vector<16xf32>
      %parallel_loop3A_120 = arith.addf %parallel_loop3A_119, %parallel_loop3A_111 : vector<16xf32>
      tpu.vector_store_idx %arg8[%parallel_loop3A_103, %parallel_loop3A_99], %parallel_loop3A_120 : memref<32x128xf32, #tpu.memory_space<vmem>>[vector<16xi32>, vector<16xi32>], vector<16xf32>,
      %parallel_loop3A_121 = tpu.iota {dimensions = array<i32: 0>} : vector<16xi32>
      %parallel_loop3A_122 = arith.constant 16 : i32
      %parallel_loop3A_123 = vector.broadcast %parallel_loop3A_122 : i32 to vector<16xi32>
      %parallel_loop3A_124 = arith.addi %parallel_loop3A_121, %parallel_loop3A_123 : vector<16xi32>
      %parallel_loop3A_125 = arith.index_cast %parallel_loop3A_98 : i32 to index
      %parallel_loop3A_126 = arith.constant 80 : index
      %parallel_loop3A_127 = tpu.vector_load %arg6[%parallel_loop3A_125, %parallel_loop3A_126] {strides = array<i32>} : memref<128x96xf32, #tpu.memory_space<vmem>>, vector<16xf32>,
      %parallel_loop3A_128 = arith.fptosi %parallel_loop3A_127 : vector<16xf32> to vector<16xi32>
      %parallel_loop3A_129 = arith.constant 62 : i32
      %parallel_loop3A_130 = vector.broadcast %parallel_loop3A_129 : i32 to vector<16xi32>
      %parallel_loop3A_131 = arith.minsi %parallel_loop3A_128, %parallel_loop3A_130 : vector<16xi32>
      %parallel_loop3A_132 = tpu.vector_load_idx %arg6[%parallel_loop3A_99, %parallel_loop3A_131] : memref<128x96xf32, #tpu.memory_space<vmem>>[vector<16xi32>, vector<16xi32>], vector<16xf32>,
      %parallel_loop3A_133 = arith.constant 1 : i32
      %parallel_loop3A_134 = vector.broadcast %parallel_loop3A_133 : i32 to vector<16xi32>
      %parallel_loop3A_135 = arith.addi %parallel_loop3A_131, %parallel_loop3A_134 : vector<16xi32>
      %parallel_loop3A_136 = tpu.vector_load_idx %arg6[%parallel_loop3A_99, %parallel_loop3A_135] : memref<128x96xf32, #tpu.memory_space<vmem>>[vector<16xi32>, vector<16xi32>], vector<16xf32>,
      %parallel_loop3A_137 = arith.sitofp %parallel_loop3A_131 : vector<16xi32> to vector<16xf32>
      %parallel_loop3A_138 = arith.subf %parallel_loop3A_127, %parallel_loop3A_137 : vector<16xf32>
      %parallel_loop3A_139 = arith.subf %parallel_loop3A_136, %parallel_loop3A_132 : vector<16xf32>
      %parallel_loop3A_140 = arith.mulf %parallel_loop3A_138, %parallel_loop3A_139 : vector<16xf32>
      %parallel_loop3A_141 = arith.addf %parallel_loop3A_140, %parallel_loop3A_132 : vector<16xf32>
      tpu.vector_store_idx %arg8[%parallel_loop3A_124, %parallel_loop3A_99], %parallel_loop3A_141 : memref<32x128xf32, #tpu.memory_space<vmem>>[vector<16xi32>, vector<16xi32>], vector<16xf32>,
    } {sc.loop_unroll_factor = 4 : i64, sc.parallel_access}
    %add3A_84 = arith.constant 0 : i32
    %add3A_85 = arith.addi %add3A_84, %add3A_72 : i32
    %dma_start3A_86 = arith.constant 0 : i32
    %dma_start3A_87 = tpu.memref_slice %arg3[%dma_start3A_86, %add3A_85] : memref<32x32768xf32, #tpu.memory_space<hbm>> -> memref<32x128xf32, #tpu.memory_space<hbm>>
    %dma_start3A_88 = arith.constant 0 : i32
    %dma_start3A_89 = tpu.memref_slice %arg3[%dma_start3A_88, %add3A_85] : memref<32x32768xf32, #tpu.memory_space<hbm>> -> memref<32x128xf32, #tpu.memory_space<hbm>>
    tpu.enqueue_dma source(%arg8 : memref<32x128xf32, #tpu.memory_space<vmem>>) target(%dma_start3A_89 : memref<32x128xf32, #tpu.memory_space<hbm>>) target_semaphore(%arg12 : memref<!tpu.dma_semaphore, #tpu.memory_space<semaphore_mem>>)
    %dma_wait3A_90 = arith.constant 0 : i32
    %dma_wait3A_91 = tpu.memref_slice %arg3[%dma_wait3A_90, %add3A_66] : memref<32x32768xf32, #tpu.memory_space<hbm>> -> memref<32x128xf32, #tpu.memory_space<hbm>>
    %dma_wait3A_92 = arith.constant 0 : i32
    %dma_wait3A_93 = tpu.memref_slice %arg3[%dma_wait3A_92, %add3A_66] : memref<32x32768xf32, #tpu.memory_space<hbm>> -> memref<32x128xf32, #tpu.memory_space<hbm>>
    tpu.wait_dma2 semaphore(%arg11 : memref<!tpu.dma_semaphore, #tpu.memory_space<semaphore_mem>>) src(%arg7 : memref<32x128xf32, #tpu.memory_space<vmem>>) dst(%dma_wait3A_93 : memref<32x128xf32, #tpu.memory_space<hbm>>)
    %dma_wait3A_94 = arith.constant 0 : i32
    %dma_wait3A_95 = tpu.memref_slice %arg3[%dma_wait3A_94, %add3A_85] : memref<32x32768xf32, #tpu.memory_space<hbm>> -> memref<32x128xf32, #tpu.memory_space<hbm>>
    %dma_wait3A_96 = arith.constant 0 : i32
    %dma_wait3A_97 = tpu.memref_slice %arg3[%dma_wait3A_96, %add3A_85] : memref<32x32768xf32, #tpu.memory_space<hbm>> -> memref<32x128xf32, #tpu.memory_space<hbm>>
    tpu.wait_dma2 semaphore(%arg12 : memref<!tpu.dma_semaphore, #tpu.memory_space<semaphore_mem>>) src(%arg8 : memref<32x128xf32, #tpu.memory_space<vmem>>) dst(%dma_wait3A_97 : memref<32x128xf32, #tpu.memory_space<hbm>>)
    return
  }
}

module attributes {stable_mosaic.version = 14 : i64} {
  func.func @_heights_body(%arg0: i32, %arg1: memref<4096x256xf32, #tpu.memory_space<vmem>>, %arg2: memref<32x4096xf32, #tpu.memory_space<vmem>>, %arg3: memref<256x64xf32, #tpu.memory_space<vmem>>, %arg4: memref<1x64xf32, #tpu.memory_space<vmem>>, %arg5: memref<64x1xf32, #tpu.memory_space<vmem>>, %arg6: memref<4096x96xf32, #tpu.memory_space<vmem>>) attributes {dimension_semantics = [#tpu.dimension_semantics<arbitrary>], iteration_bounds = array<i64: 4>, scalar_prefetch = 0 : i64, scratch_operands = 0 : i64, tpu.core_type = #tpu.core_type<tc>, window_params = [{transform_indices = @transform_0, window_bounds = array<i64: 4096, 256>}, {transform_indices = @transform_1, window_bounds = array<i64: 32, 4096>}, {pipeline_mode = #tpu.pipeline_mode<synchronous>, transform_indices = @transform_2, window_bounds = array<i64: 256, 64>}, {pipeline_mode = #tpu.pipeline_mode<synchronous>, transform_indices = @transform_3, window_bounds = array<i64: 1, 64>}, {pipeline_mode = #tpu.pipeline_mode<synchronous>, transform_indices = @transform_4, window_bounds = array<i64: 64, 1>}, {transform_indices = @transform_5, window_bounds = array<i64: 4096, 96>}]} {
    %get3A = arith.constant 0 : index
    %get3A_0 = arith.constant 0 : index
    %get3A_1 = vector.load %arg1[%get3A, %get3A_0] : memref<4096x256xf32, #tpu.memory_space<vmem>>, vector<4096x256xf32>
    %mul3A = arith.constant 5.000000e-01 : f32
    %mul3A_2 = vector.broadcast %mul3A : f32 to vector<4096x256xf32>
    %mul3A_3 = arith.mulf %get3A_1, %mul3A_2 : vector<4096x256xf32>
    %mul3A_4 = arith.constant 0.707106769 : f32
    %mul3A_5 = vector.broadcast %mul3A_4 : f32 to vector<4096x256xf32>
    %mul3A_6 = arith.mulf %get3A_1, %mul3A_5 : vector<4096x256xf32>
    %erf3A = math.erf %mul3A_6 : vector<4096x256xf32>
    %add3A = arith.constant 1.000000e+00 : f32
    %add3A_7 = vector.broadcast %add3A : f32 to vector<4096x256xf32>
    %add3A_8 = arith.addf %add3A_7, %erf3A : vector<4096x256xf32>
    %mul3A_9 = arith.mulf %mul3A_3, %add3A_8 : vector<4096x256xf32>
    %get3A_10 = arith.constant 0 : index
    %get3A_11 = arith.constant 0 : index
    %get3A_12 = vector.load %arg3[%get3A_10, %get3A_11] : memref<256x64xf32, #tpu.memory_space<vmem>>, vector<256x64xf32>
    %dot_general3A = arith.constant dense<0.000000e+00> : vector<4096x64xf32>
    %dot_general3A_13 = tpu.matmul %mul3A_9, %get3A_12, %dot_general3A {dimension_numbers = #tpu.dot_dimension_numbers<[1], [0], [0], [1], [0, 0, 1, 1], [], []>, transpose_lhs_hint = false} : vector<4096x256xf32>, vector<256x64xf32>, vector<4096x64xf32> -> vector<4096x64xf32>
    %get3A_14 = arith.constant 0 : index
    %get3A_15 = arith.constant 0 : index
    %get3A_16 = vector.load %arg4[%get3A_14, %get3A_15] : memref<1x64xf32, #tpu.memory_space<vmem>>, vector<1x64xf32>
    %add3A_17 = vector.broadcast %get3A_16 : vector<1x64xf32> to vector<4096x64xf32>
    %add3A_18 = arith.addf %dot_general3A_13, %add3A_17 : vector<4096x64xf32>
    %max3A = arith.constant 0.000000e+00 : f32
    %max3A_19 = vector.broadcast %max3A : f32 to vector<4096x64xf32>
    %max3A_20 = arith.maximumf %add3A_18, %max3A_19 : vector<4096x64xf32>
    %abs3A = math.absf %add3A_18 : vector<4096x64xf32>
    %neg3A = arith.constant 0.000000e+00 : f32
    %neg3A_21 = vector.broadcast %neg3A : f32 to vector<4096x64xf32>
    %neg3A_22 = arith.subf %neg3A_21, %abs3A : vector<4096x64xf32>
    %exp3A = math.exp %neg3A_22 : vector<4096x64xf32>
    %add3A_23 = arith.constant 1.000000e+00 : f32
    %add3A_24 = vector.broadcast %add3A_23 : f32 to vector<4096x64xf32>
    %add3A_25 = arith.addf %add3A_24, %exp3A : vector<4096x64xf32>
    %log3A = math.log %add3A_25 : vector<4096x64xf32>
    %add3A_26 = arith.addf %max3A_20, %log3A : vector<4096x64xf32>
    %max3A_27 = arith.constant 0.00999999977 : f32
    %max3A_28 = vector.broadcast %max3A_27 : f32 to vector<4096x64xf32>
    %max3A_29 = arith.maximumf %add3A_26, %max3A_28 : vector<4096x64xf32>
    %get3A_30 = arith.constant 0 : index
    %get3A_31 = arith.constant 0 : index
    %get3A_32 = vector.load %arg5[%get3A_30, %get3A_31] : memref<64x1xf32, #tpu.memory_space<vmem>>, vector<64x1xf32>
    %dot_general3A_33 = arith.constant dense<0.000000e+00> : vector<4096x1xf32>
    %dot_general3A_34 = tpu.matmul %max3A_29, %get3A_32, %dot_general3A_33 {dimension_numbers = #tpu.dot_dimension_numbers<[1], [0], [0], [1], [0, 0, 1, 1], [], []>, transpose_lhs_hint = false} : vector<4096x64xf32>, vector<64x1xf32>, vector<4096x1xf32> -> vector<4096x1xf32>
    %div3A = vector.broadcast %dot_general3A_34 : vector<4096x1xf32> to vector<4096x64xf32>
    %div3A_35 = arith.divf %max3A_29, %div3A : vector<4096x64xf32>
    %get3A_36 = arith.constant 0 : index
    %get3A_37 = arith.constant 0 : index
    %get3A_38 = vector.load %arg2[%get3A_36, %get3A_37] : memref<32x4096xf32, #tpu.memory_space<vmem>>, vector<32x4096xf32>
    %max3A_39 = arith.constant 0.000000e+00 : f32
    %max3A_40 = vector.broadcast %max3A_39 : f32 to vector<32x4096xf32>
    %max3A_41 = arith.maximumf %get3A_38, %max3A_40 : vector<32x4096xf32>
    %min3A = arith.constant 0.999989986 : f32
    %min3A_42 = vector.broadcast %min3A : f32 to vector<32x4096xf32>
    %min3A_43 = arith.minimumf %max3A_41, %min3A_42 : vector<32x4096xf32>
    %mul3A_44 = arith.constant 6.300000e+01 : f32
    %mul3A_45 = vector.broadcast %mul3A_44 : f32 to vector<32x4096xf32>
    %mul3A_46 = arith.mulf %min3A_43, %mul3A_45 : vector<32x4096xf32>
    %transpose3A = tpu.transpose %mul3A_46, [1, 0] : vector<32x4096xf32> -> vector<4096x32xf32>
    %concatenate3A = tpu.concatenate %div3A_35, %transpose3A in 1 : vector<4096x64xf32>, vector<4096x32xf32> -> vector<4096x96xf32>
    %swap3A = arith.constant 0 : index
    %swap3A_47 = arith.constant 0 : index
    %swap3A_48 = vector.load %arg6[%swap3A, %swap3A_47] : memref<4096x96xf32, #tpu.memory_space<vmem>>, vector<4096x96xf32>
    tpu.vector_store %arg6[%swap3A, %swap3A_47], %concatenate3A {strides = array<i32>} : memref<4096x96xf32, #tpu.memory_space<vmem>>, vector<4096x96xf32>,
    return
  }
  func.func @transform_0(%arg0: i32) -> (i32, i32) {
    %add3A = arith.constant 0 : i32
    %add3A_0 = arith.addi %arg0, %add3A : i32
    %c0_i32 = arith.constant 0 : i32
    %c0_i32_1 = arith.constant 0 : i32
    return %add3A_0, %c0_i32 : i32, i32
  }
  func.func @transform_1(%arg0: i32) -> (i32, i32) {
    %add3A = arith.constant 0 : i32
    %add3A_0 = arith.addi %arg0, %add3A : i32
    %c0_i32 = arith.constant 0 : i32
    %c0_i32_1 = arith.constant 0 : i32
    return %c0_i32, %add3A_0 : i32, i32
  }
  func.func @transform_2(%arg0: i32) -> (i32, i32) {
    %c0_i32 = arith.constant 0 : i32
    %c0_i32_0 = arith.constant 0 : i32
    %c0_i32_1 = arith.constant 0 : i32
    return %c0_i32, %c0_i32_0 : i32, i32
  }
  func.func @transform_3(%arg0: i32) -> (i32, i32) {
    %c0_i32 = arith.constant 0 : i32
    %c0_i32_0 = arith.constant 0 : i32
    %c0_i32_1 = arith.constant 0 : i32
    return %c0_i32, %c0_i32_0 : i32, i32
  }
  func.func @transform_4(%arg0: i32) -> (i32, i32) {
    %c0_i32 = arith.constant 0 : i32
    %c0_i32_0 = arith.constant 0 : i32
    %c0_i32_1 = arith.constant 0 : i32
    return %c0_i32, %c0_i32_0 : i32, i32
  }
  func.func @transform_5(%arg0: i32) -> (i32, i32) {
    %c0_i32 = arith.constant 0 : i32
    %c0_i32_0 = arith.constant 0 : i32
    return %arg0, %c0_i32 : i32, i32
  }
}

module attributes {stable_mosaic.version = 14 : i64} {
  func.func @_heights_body(%arg0: i32, %arg1: memref<4096x256xf32, #tpu.memory_space<vmem>>, %arg2: memref<32x4096xf32, #tpu.memory_space<vmem>>, %arg3: memref<256x64xf32, #tpu.memory_space<vmem>>, %arg4: memref<1x64xf32, #tpu.memory_space<vmem>>, %arg5: memref<64x1xf32, #tpu.memory_space<vmem>>, %arg6: memref<4096x96xf32, #tpu.memory_space<vmem>>) attributes {dimension_semantics = [#tpu.dimension_semantics<arbitrary>], iteration_bounds = array<i64: 4>, scalar_prefetch = 0 : i64, scratch_operands = 0 : i64, tpu.core_type = #tpu.core_type<tc>, window_params = [{transform_indices = @transform_0, window_bounds = array<i64: 4096, 256>}, {transform_indices = @transform_1, window_bounds = array<i64: 32, 4096>}, {pipeline_mode = #tpu.pipeline_mode<synchronous>, transform_indices = @transform_2, window_bounds = array<i64: 256, 64>}, {pipeline_mode = #tpu.pipeline_mode<synchronous>, transform_indices = @transform_3, window_bounds = array<i64: 1, 64>}, {pipeline_mode = #tpu.pipeline_mode<synchronous>, transform_indices = @transform_4, window_bounds = array<i64: 64, 1>}, {transform_indices = @transform_5, window_bounds = array<i64: 4096, 96>}]} {
    %get3A = arith.constant 0 : index
    %get3A_0 = arith.constant 0 : index
    %get3A_1 = vector.load %arg1[%get3A, %get3A_0] : memref<4096x256xf32, #tpu.memory_space<vmem>>, vector<4096x256xf32>
    %mul3A = arith.constant 5.000000e-01 : f32
    %mul3A_2 = vector.broadcast %mul3A : f32 to vector<4096x256xf32>
    %mul3A_3 = arith.mulf %get3A_1, %mul3A_2 : vector<4096x256xf32>
    %mul3A_4 = arith.constant 0.707106769 : f32
    %mul3A_5 = vector.broadcast %mul3A_4 : f32 to vector<4096x256xf32>
    %mul3A_6 = arith.mulf %get3A_1, %mul3A_5 : vector<4096x256xf32>
    %erf3A = math.erf %mul3A_6 : vector<4096x256xf32>
    %add3A = arith.constant 1.000000e+00 : f32
    %add3A_7 = vector.broadcast %add3A : f32 to vector<4096x256xf32>
    %add3A_8 = arith.addf %add3A_7, %erf3A : vector<4096x256xf32>
    %mul3A_9 = arith.mulf %mul3A_3, %add3A_8 : vector<4096x256xf32>
    %get3A_10 = arith.constant 0 : index
    %get3A_11 = arith.constant 0 : index
    %get3A_12 = vector.load %arg3[%get3A_10, %get3A_11] : memref<256x64xf32, #tpu.memory_space<vmem>>, vector<256x64xf32>
    %dot_general3A = arith.constant dense<0.000000e+00> : vector<4096x64xf32>
    %dot_general3A_13 = tpu.matmul %mul3A_9, %get3A_12, %dot_general3A {dimension_numbers = #tpu.dot_dimension_numbers<[1], [0], [0], [1], [0, 0, 1, 1], [], []>, transpose_lhs_hint = false} : vector<4096x256xf32>, vector<256x64xf32>, vector<4096x64xf32> -> vector<4096x64xf32>
    %get3A_14 = arith.constant 0 : index
    %get3A_15 = arith.constant 0 : index
    %get3A_16 = vector.load %arg4[%get3A_14, %get3A_15] : memref<1x64xf32, #tpu.memory_space<vmem>>, vector<1x64xf32>
    %add3A_17 = vector.broadcast %get3A_16 : vector<1x64xf32> to vector<4096x64xf32>
    %add3A_18 = arith.addf %dot_general3A_13, %add3A_17 : vector<4096x64xf32>
    %max3A = arith.constant 0.000000e+00 : f32
    %max3A_19 = vector.broadcast %max3A : f32 to vector<4096x64xf32>
    %max3A_20 = arith.maximumf %add3A_18, %max3A_19 : vector<4096x64xf32>
    %abs3A = math.absf %add3A_18 : vector<4096x64xf32>
    %neg3A = arith.constant 0.000000e+00 : f32
    %neg3A_21 = vector.broadcast %neg3A : f32 to vector<4096x64xf32>
    %neg3A_22 = arith.subf %neg3A_21, %abs3A : vector<4096x64xf32>
    %exp3A = math.exp %neg3A_22 : vector<4096x64xf32>
    %add3A_23 = arith.constant 1.000000e+00 : f32
    %add3A_24 = vector.broadcast %add3A_23 : f32 to vector<4096x64xf32>
    %add3A_25 = arith.addf %add3A_24, %exp3A : vector<4096x64xf32>
    %log3A = math.log %add3A_25 : vector<4096x64xf32>
    %add3A_26 = arith.addf %max3A_20, %log3A : vector<4096x64xf32>
    %max3A_27 = arith.constant 0.00999999977 : f32
    %max3A_28 = vector.broadcast %max3A_27 : f32 to vector<4096x64xf32>
    %max3A_29 = arith.maximumf %add3A_26, %max3A_28 : vector<4096x64xf32>
    %get3A_30 = arith.constant 0 : index
    %get3A_31 = arith.constant 0 : index
    %get3A_32 = vector.load %arg5[%get3A_30, %get3A_31] : memref<64x1xf32, #tpu.memory_space<vmem>>, vector<64x1xf32>
    %dot_general3A_33 = arith.constant dense<0.000000e+00> : vector<4096x1xf32>
    %dot_general3A_34 = tpu.matmul %max3A_29, %get3A_32, %dot_general3A_33 {dimension_numbers = #tpu.dot_dimension_numbers<[1], [0], [0], [1], [0, 0, 1, 1], [], []>, transpose_lhs_hint = false} : vector<4096x64xf32>, vector<64x1xf32>, vector<4096x1xf32> -> vector<4096x1xf32>
    %div3A = vector.broadcast %dot_general3A_34 : vector<4096x1xf32> to vector<4096x64xf32>
    %div3A_35 = arith.divf %max3A_29, %div3A : vector<4096x64xf32>
    %get3A_36 = arith.constant 0 : index
    %get3A_37 = arith.constant 0 : index
    %get3A_38 = vector.load %arg2[%get3A_36, %get3A_37] : memref<32x4096xf32, #tpu.memory_space<vmem>>, vector<32x4096xf32>
    %max3A_39 = arith.constant 0.000000e+00 : f32
    %max3A_40 = vector.broadcast %max3A_39 : f32 to vector<32x4096xf32>
    %max3A_41 = arith.maximumf %get3A_38, %max3A_40 : vector<32x4096xf32>
    %min3A = arith.constant 0.999989986 : f32
    %min3A_42 = vector.broadcast %min3A : f32 to vector<32x4096xf32>
    %min3A_43 = arith.minimumf %max3A_41, %min3A_42 : vector<32x4096xf32>
    %mul3A_44 = arith.constant 6.300000e+01 : f32
    %mul3A_45 = vector.broadcast %mul3A_44 : f32 to vector<32x4096xf32>
    %mul3A_46 = arith.mulf %min3A_43, %mul3A_45 : vector<32x4096xf32>
    %transpose3A = tpu.transpose %mul3A_46, [1, 0] : vector<32x4096xf32> -> vector<4096x32xf32>
    %concatenate3A = tpu.concatenate %div3A_35, %transpose3A in 1 : vector<4096x64xf32>, vector<4096x32xf32> -> vector<4096x96xf32>
    %swap3A = arith.constant 0 : index
    %swap3A_47 = arith.constant 0 : index
    %swap3A_48 = vector.load %arg6[%swap3A, %swap3A_47] : memref<4096x96xf32, #tpu.memory_space<vmem>>, vector<4096x96xf32>
    tpu.vector_store %arg6[%swap3A, %swap3A_47], %concatenate3A {strides = array<i32>} : memref<4096x96xf32, #tpu.memory_space<vmem>>, vector<4096x96xf32>,
    return
  }
  func.func @transform_0(%arg0: i32) -> (i32, i32) {
    %add3A = arith.constant 4 : i32
    %add3A_0 = arith.addi %arg0, %add3A : i32
    %c0_i32 = arith.constant 0 : i32
    %c0_i32_1 = arith.constant 0 : i32
    return %add3A_0, %c0_i32 : i32, i32
  }
  func.func @transform_1(%arg0: i32) -> (i32, i32) {
    %add3A = arith.constant 4 : i32
    %add3A_0 = arith.addi %arg0, %add3A : i32
    %c0_i32 = arith.constant 0 : i32
    %c0_i32_1 = arith.constant 0 : i32
    return %c0_i32, %add3A_0 : i32, i32
  }
  func.func @transform_2(%arg0: i32) -> (i32, i32) {
    %c0_i32 = arith.constant 0 : i32
    %c0_i32_0 = arith.constant 0 : i32
    %c0_i32_1 = arith.constant 0 : i32
    return %c0_i32, %c0_i32_0 : i32, i32
  }
  func.func @transform_3(%arg0: i32) -> (i32, i32) {
    %c0_i32 = arith.constant 0 : i32
    %c0_i32_0 = arith.constant 0 : i32
    %c0_i32_1 = arith.constant 0 : i32
    return %c0_i32, %c0_i32_0 : i32, i32
  }
  func.func @transform_4(%arg0: i32) -> (i32, i32) {
    %c0_i32 = arith.constant 0 : i32
    %c0_i32_0 = arith.constant 0 : i32
    %c0_i32_1 = arith.constant 0 : i32
    return %c0_i32, %c0_i32_0 : i32, i32
  }
  func.func @transform_5(%arg0: i32) -> (i32, i32) {
    %c0_i32 = arith.constant 0 : i32
    %c0_i32_0 = arith.constant 0 : i32
    return %arg0, %c0_i32 : i32, i32
  }
}

</mosaic_0001>

<sc_bundles>
// kernel: kernel.6.cloned.1.call-start
scs
__scs_entry_jumppad:
0x0: {  	(pc) =	sbr.rel $0x88, $3  }
0x1: {  	(tag) =	ssettag $0x0;
	lr =	simm.s32 $0x1  }
0x2: {  	[smem:$0x3F9C] =	sst lr;
	_ =	strace $0xD0000000  }
0x3: {  	_ = 	snop  }
0x4: {  	_ = 	snop  }
0x5: {  	_ = 	snop  }
0x6: {  	_ = 	snop  }
0x7: {  	_ = 	snop  }
__scs_overlays_trampoline_lowered:
0x8: {  	[smem:$0x3FAB] =	sst s0  }
0x9: {  	[smem:$0x3FAC] =	sst s1  }
0xa: {  	[smem:$0x3FAD] =	sst s2  }
0xb: {  	[smem:$0x3FAE] =	sst s3  }
0xc: {  	[smem:$0x3FAF] =	sst s4  }
0xd: {  	[smem:$0x3FB0] =	sst s5  }
0xe: {  	[smem:$0x3FB1] =	sst s6  }
0xf: {  	[smem:$0x3FB2] =	sst s7  }
0x10: {  	[smem:$0x3FB3] =	sst s8  }
0x11: {  	[smem:$0x3FB4] =	sst s9;
	s0 =	simm.s32 @!p0 $0x0  }
0x12: {  	s1 =	sld [smem:$0x3F9A];
	s0 =	simm.s32 @p0 $0x1  }
0x13: {  	[smem:$0x3FB5] =	sst s0;
	s0 =	simm.s32 @!p1 $0x0  }
0x14: {  	s2 =	sld [smem:$0x3F99];
	s0 =	simm.s32 @p1 $0x1  }
0x15: {  	[smem:$0x3FB6] =	sst s0;
	s0 =	simm.s32 @!p2 $0x0  }
0x16: {  	s3 =	sld [smem:$0x3FDB];
	s0 =	simm.s32 @p2 $0x1  }
0x17: {  	s4 =	simm.s32 $0x1BF5;
	[smem:$0x3FB8] =	sst s0  }
0x18: {  	s0 =	sld [smem:$0x3F9B];
	_ =	swait.ge [sflag:s4], $0x0  }
0x19: {  	s7 =	sld [smem:$0x3F9C]  }
0x1a: {  	s8 =	sadd.s32 $0xFFFFE003, lr  }
0x1b: {  	s9 =	sadd.s32 $0xFFFFFEF7, lr;
	s5 =	simm.s32 $0xFFFFFFFF;
	p2 =	slt.u32 s8, $0xFFFFF086  }
0x1c: {  	p1 =	slt.u32 s9, $0xF7A;
	s5 =	simm.s32 @!p2 $0x0  }
0x1d: {  	s5 =	simm.s32 @p1 $0x1;
	p0 =	seq.s32 s7, s2  }
0x1e: {  	s7 =	smul.u32 @!p0 $0xF7A, s2;
	p2 =	seq.s32 @!p0 s5, $0x0  }
0x1f: {  	s9 =	smul.u32 $0xF7A, s1;
	s8 =	simm.s32 @!p0 $0x1BF5;
	p2 =	por !p2, p0  }
0x20: {  	[sflag:s8] =	ssyncset.s32 @!p0 $0xFFFFF086;
	s6 =	sadd.s32 @!p0 s3, s7;
	s7 =	simm.s32 @!p0 $0x108  }
0x21: {  	s3 =	sadd.s32 s3, s9;
	s6 =	sadd.s32 @!p0 $0x88, s6;
	s7 =	simm.s32 @p2 $0x1082  }
0x22: {  	[simem:s7], [sflag:s8] =	dma.local @!p0 [hbm:s6], $0xF7A  }
0x23: {  	s9 =	sor.u32 $0xD0000000, s2;
	s6 =	simm.s32 $0x108;
	_ =	swait.ge @!p0 [sflag:s8], $0x0  }
0x24: {  	s3 =	sadd.s32 $0x88, s3;
	s6 =	simm.s32 @!p1 $0x1082;
	[sflag:s4] =	ssyncset.s32 $0xFFFFF086  }
0x25: {  	[simem:s6], [sflag:s4] =	dma.local [hbm:s3], $0xF7A  }
0x26: {  	[smem:$0x3F9C] =	sst s1;
	(tag) =	ssettag s2;
	_ =	strace s9  }
0x27: {  	s1 =	sld [smem:$0x3FAC]  }
0x28: {  	s2 =	sld [smem:$0x3FAD]  }
0x29: {  	s4 =	sld [smem:$0x3FAF]  }
0x2a: {  	p0 =	seq.s32 s5, $0x0;
	s5 =	sld [smem:$0x3FB0]  }
0x2b: {  	s6 =	sld [smem:$0x3FB1]  }
0x2c: {  	s7 =	sld [smem:$0x3FB2]  }
0x2d: {  	s3 =	simm.s32 $0x108;
	s8 =	sld [smem:$0x3FB3]  }
0x2e: {  	s3 =	simm.s32 @!p0 $0x1082;
	s9 =	sld [smem:$0x3FB4]  }
0x2f: {  	lr =	sadd.s32 s0, s3;
	s0 =	sld [smem:$0x3FAB]  }
0x30: {  	s3 =	sld [smem:$0x3FAE]  }
0x31: {  	[smem:$0x3FB7] =	sst s10  }
0x32: {  	s10 =	sld [smem:$0x3FB5];
	_ =	sdelay $0x3  }
0x33: {  	p0 =	seq.s32 s10, $0x1;
	s10 =	sld [smem:$0x3FB7];
	_ =	sdelay $0x3  }
0x34: {  	[smem:$0x3FB7] =	sst s10  }
0x35: {  	s10 =	sld [smem:$0x3FB6];
	_ =	sdelay $0x3  }
0x36: {  	p1 =	seq.s32 s10, $0x1;
	s10 =	sld [smem:$0x3FB7];
	_ =	sdelay $0x3  }
0x37: {  	[smem:$0x3FB7] =	sst s10  }
0x38: {  	s10 =	sld [smem:$0x3FB8]  }
0x39: {  	_ = 	snop;
	(pc) =	sbr.ind lr, $3  }
0x3a: {  	_ = 	snop  }
0x3b: {  	_ = 	snop  }
0x3c: {  	p2 =	seq.s32 s10, $0x1;
	s10 =	sld [smem:$0x3FB7]  }
0x3d: {  	_ =	shalt  }
0x3e: {  	_ =	shalt  }
0x3f: {  	_ =	shalt  }
0x40: {  	_ =	shalt  }
0x41: {  	_ =	shalt  }
0x42: {  	_ =	shalt  }
0x43: {  	_ =	shalt  }
0x44: {  	_ =	shalt  }
0x45: {  	_ =	shalt  }
0x46: {  	_ =	shalt  }
0x47: {  	_ =	shalt  }
0x48: {  	_ =	shalt  }
0x49: {  	_ =	shalt  }
0x4a: {  	_ =	shalt  }
0x4b: {  	_ =	shalt  }
0x4c: {  	_ =	shalt  }
0x4d: {  	_ =	shalt  }
0x4e: {  	_ =	shalt  }
0x4f: {  	_ =	shalt  }
0x50: {  	_ =	shalt  }
0x51: {  	_ =	shalt  }
0x52: {  	_ =	shalt  }
0x53: {  	_ =	shalt  }
0x54: {  	_ =	shalt  }
0x55: {  	_ =	shalt  }
0x56: {  	_ =	shalt  }
0x57: {  	_ =	shalt  }
0x58: {  	_ =	shalt  }
0x59: {  	_ =	shalt  }
0x5a: {  	_ =	shalt  }
0x5b: {  	_ =	shalt  }
0x5c: {  	_ =	shalt  }
0x5d: {  	_ =	shalt  }
0x5e: {  	_ =	shalt  }
0x5f: {  	_ =	shalt  }
0x60: {  	_ =	shalt  }
0x61: {  	_ =	shalt  }
0x62: {  	_ =	shalt  }
0x63: {  	_ =	shalt  }
0x64: {  	_ =	shalt  }
0x65: {  	_ =	shalt  }
0x66: {  	_ =	shalt  }
0x67: {  	_ =	shalt  }
0x68: {  	_ =	shalt  }
0x69: {  	_ =	shalt  }
0x6a: {  	_ =	shalt  }
0x6b: {  	_ =	shalt  }
0x6c: {  	_ =	shalt  }
0x6d: {  	_ =	shalt  }
0x6e: {  	_ =	shalt  }
0x6f: {  	_ =	shalt  }
0x70: {  	_ =	shalt  }
0x71: {  	_ =	shalt  }
0x72: {  	_ =	shalt  }
0x73: {  	_ =	shalt  }
0x74: {  	_ =	shalt  }
0x75: {  	_ =	shalt  }
0x76: {  	_ =	shalt  }
0x77: {  	_ =	shalt  }
0x78: {  	_ =	shalt  }
0x79: {  	_ =	shalt  }
0x7a: {  	_ =	shalt  }
0x7b: {  	_ =	shalt  }
0x7c: {  	_ =	shalt  }
0x7d: {  	_ =	shalt  }
0x7e: {  	_ =	shalt  }
0x7f: {  	_ =	shalt  }
0x80: {  	_ =	shalt  }
0x81: {  	_ =	shalt  }
0x82: {  	_ =	shalt  }
0x83: {  	_ =	shalt  }
0x84: {  	_ =	shalt  }
0x85: {  	_ =	shalt  }
0x86: {  	_ =	shalt  }
0x87: {  	_ =	shalt  }
.Lfunc_end0:
.L_simem_size_0:
called_computation_lowered:
.L_overlay_start_0:
0x88: {  	s2 =	sld [smem:$0x3FD9]  }
0x89: {  	s3 =	sld [smem:$0x3FFE];
	_ =	sdelay $0x1  }
0x8a: {  	s1 =	srdreg.scid  }
0x8b: {  	s0 =	sand.u32 $0x1, s1  }
0x8c: {  	s17 =	sshll.u32 s0, $0xA;
	s2 =	sadd.s32 s3, s2  }
0x8d: {  	s2 =	sadd.s32 s2, s17  }
0x8e: {  	[smem:$0x3FC3] =	sst s2  }
0x8f: {  	_ = 	snop  }
0x90: {  	s2 =	sld [smem:$0x3FD0];
	(tm) =	ssettm $0x1  }
0x91: {  	s18 =	sld [smem:$0x3FFB];
	_ =	sdelay $0x3  }
0x92: {  	_ =	strace s18  }
0x93: {  	s3 =	sld [smem:$0x3FFC];
	_ =	sdelay $0x3  }
0x94: {  	_ =	strace s3  }
0x95: {  	s3 =	sld [smem:$0x3FFD];
	_ =	sdelay $0x3  }
0x96: {  	_ =	strace s3  }
0x97: {  	_ =	strace $0x8FFFFFFF  }
0x98: {  	s19 =	sld [smem:$0x3FDB];
	_ =	sdelay $0x1  }
0x99: {  	s4 =	simm.s32 $_scs_section_size  }
0x9a: {  	s5 =	simm.s32 $_size__tile_overlayer_lowered;
	s6 =	simm.s32 $_tile_overlayer_lowered  }
0x9b: {  	s22 =	simm.s32 $0x1BFF;
	s21 =	sshll.u32 s6, $0x1;
	s3 =	sadd.s32 s4, s19  }
0x9c: {  	s7 =	simm.s32 $0x0;
	s20 =	sshll.u32 s5, $0x1;
	s5 =	sadd.s32 s21, s3  }
0x9d: {  	[timem:s7], [sflag:s22] =	dma.local [hbm:s5], s20  }
0x9e: {  	_ =	swait.ge [sflag:s22], s20  }
0x9f: {  	s4 =	ssub.s32 $0x0, s20;
	[sflag:s22] =	ssyncset.done $0x0  }
0xa0: {  	[sflag:s22] =	ssyncadd.s32 s4;
	_ =	sdelay $0x1  }
0xa1: {  	s23 =	simm.s32 $0x1B8B  }
0xa2: {  	_ =	swait.ge [sflag:s23], $0x1  }
0xa3: {  	[sflag:s23] =	ssyncset.done $0x0  }
0xa4: {  	s25 =	simm.s32 $0x1B8E;
	s24 =	sld [smem:$0x3FFE];
	[sflag:s23] =	ssyncadd.s32 $0xFFFFFFFF  }
0xa5: {  	s26 =	simm.s32 $execute0_lowered;
	[smem:$0x3FD2] =	sst s25  }
0xa6: {  	s5 =	sshll.u32 s26, $0x1;
	_ =	strace $0x80000046;
	[dreg:$0x1] =	wrdreg $0xFFFFFFFF  }
0xa7: {  	s28 =	simm.s32 $_size_execute0_lowered;
	s3 =	sadd.s32 s3, s5;
	[dreg:$0x0] =	wrdreg $0x0  }
0xa8: {  	s5 =	sshll.u32 s28, $0x1;
	[dreg:$0x2] =	wrdreg s3  }
0xa9: {  	[dreg:$0x3] =	wrdreg s5  }
0xaa: {  	[dreg:$0x4] =	wrdreg $0xC0  }
0xab: {  	_ =	task [dreg:s7], $0x5FFFF  }
0xac: {  	[dreg:$0x1] =	wrdreg $0xFFFFFFFF  }
0xad: {  	[dreg:$0x0] =	wrdreg $0x60  }
0xae: {  	[dreg:$0x2] =	wrdreg s24  }
0xaf: {  	[dreg:$0x3] =	wrdreg s2  }
0xb0: {  	[dreg:$0x4] =	wrdreg $0x9  }
0xb1: {  	_ =	task.clear_ibuf [dreg:s7], $0x5FFFF;
	_ =	strace $0x90000046  }
0xb2: {  	s29 =	simm.s32 $0x9;
	_ =	strace $0x80000048  }
0xb3: {  	_ =	swait.ge [sflag:s29], $0x1  }
0xb4: {  	[sflag:s29] =	ssyncadd.s32 $0xFFFFFFFF  }
0xb5: {  	_ =	strace $0x90000048  }
0xb6: {  	_ =	sfence  }
0xb7: {  	s30 =	sld [smem:$0x0];
	_ =	sdelay $0x2  }
0xb8: {  	s31 =	sshll.u32 s1, $0xD;
	s1 =	sshrl.u32 s1, $0x2  }
0xb9: {  	s3 =	sand.u32 $0x4000, s31;
	s1 =	sadd.s32 s1, s30  }
0xba: {  	s0 =	sor.u32 s3, s0;
	s1 =	sshll.u32 s1, $0x11  }
0xbb: {  	s0 =	sor.u32 s1, s0  }
0xbc: {  	s0 =	sadd.s32 $0x8F2B, s0  }
0xbd: {  	[sflag:s0] =	ssyncadd.remote.s32 $0x1  }
0xbe: {  	_ =	sfence.sel $0xFFFF  }
0xbf: {  	[dreg:$0x0] =	wrdreg $0xFFFFFFFF;
	(pc) =	sbr.abs _section_cstart, $3  }
0xc0: {  	[dreg:$0x1] =	wrdreg $0xFFFFFFFF  }
0xc1: {  	_ =	task.clear_ibuf [dreg:s7], $0x2FFFF;
	_ =	strace $0x9FFFFFFF  }
0xc2: {  	(tm) =	ssettm $0x7FFFFFFF  }
0xc3: {  	_ =	shalt  }
tec
execute0_lowered:
.L_overlay_start_1:
0x0: {  	(tag) =	ssettag $0x1  }
0x1: {  	s3 =	rddreg [dreg:$0x0]  }
0x2: {  	s10 =	rddreg [dreg:$0x1]  }
0x3: {  	s0 =	rddreg [dreg:$0x2]  }
0x4: {  	s2 =	simm.s32 $0x0;
	s4 =	srdreg.scid;
	s1 =	stileid.u32  }
0x5: {  	s14 =	simm.s32 $0x8000;
	s15 =	simm.s32 $0x400;
	s16 =	simm.s32 $0x40000  }
0x6: {  	s17 =	simm.s32 $0x2;
	s18 =	simm.s32 $0x9000;
	s19 =	simm.s32 $0x3  }
0x7: {  	s20 =	simm.s32 $0x4;
	s21 =	simm.s32 $0x0;
	s4 =	sand.u32 $0x1, s4  }
0x8: {  	[smem:$0x7FF] =	sst s2;
	s6 =	sshll.u32 s1, $0xA;
	s5 =	ssub.s32 $0x2, s4  }
0x9: {  	s8 =	sadd.s32 $0x1000, s3;
	s4 =	sshll.u32 s4, $0x9;
	s28 =	sshrl.u32 s5, $0x1  }
0xa: {  	_ =	strace $0x80000047;
	s6 =	sor.u32 s4, s6;
	s11 =	ssub.s32 s5, s28  }
0xb: {  	s29 =	sshll.u32 s6, $0x4;
	s7 =	sor.u32 $0x80, s6;
	s9 =	sor.u32 $0x100, s6  }
0xc: {  	s13 =	sor.u32 $0x180, s6;
	s5 =	sadd.s32 s10, s6;
	s3 =	sadd.s32 s8, s29  }
0xd: {  	v0 =	vlaneseq.u32;
	s30 =	sshll.u32 s7, $0x4;
	s12 =	sshll.u32 s9, $0x4;
	s31 =	sshll.u32 s13, $0x4  }
0xe: {  	v0 =	vmul.u32 $0x80, v0;
	s7 =	sadd.s32 s10, s7;
	s9 =	sadd.s32 s10, s9;
	s10 =	sadd.s32 s10, s13  }
0xf: {  	s11 =	smax.u32 s11, $0x1;
	s13 =	simm.s32 $0x1;
	s4 =	sadd.s32 s8, s30  }
0x10: {  	v1 =	vor.u32 $0x800, v0;
	s6 =	sadd.s32 s8, s12;
	s8 =	sadd.s32 s8, s31;
	s12 =	simm.s32 $0x4000  }
.LBB2_1:
0x11: {  	[tilespmem:s2], [sflag:$0x1] =	stream.linear.gather [hbm4b:s3+s2], $0x4000, $0x38;
	[tilespmem:$0xA000] =	vst v63  }
0x12: {  	_ = 	snop  }
0x13: {  	[tilespmem:s12], [sflag:$0x2] =	stream.linear.gather [hbm4b:s4+s2], $0x4000, $0x38;
	[tilespmem:$0xA000] =	vst v63  }
0x14: {  	_ =	swait.ge [sflag:s13], $0x4000  }
0x15: {  	[sflag:s13] =	ssyncset.done $0x0  }
0x16: {  	s29 =	simm.s32 $0x140;
	[sflag:s13] =	ssyncadd.s32 $0xFFFFC000  }
0x17: {  	v5 =	vld [tilespmem:s29+$0x80];
	_ =	sdelay $0x3  }
0x18: {  	v6 =	vld [tilespmem:s29+$0xFFFFFF00]  }
0x19: {  	v8 =	vld [tilespmem:s29+$0x0];
	v2 =	vtrunc.f32 v5  }
0x1a: {  	v3 =	vcvt.f32.s32 v2  }
0x1b: {  	s24 =	simm.s32 $0x3;
	s23 =	simm.s32 $0x2  }
0x1c: {  	v9 =	vmov s24;
	v16 =	vmov s23;
	vm0 =	vlt.s32 v3, $0x3E  }
0x1d: {  	v9 =	vshll.u32 v9, $0x7;
	v7 =	vld [tilespmem:s29+$0xFFFFFF80];
	v4 =	vtrunc.f32 v6;
	v10 =	vnsel vm0, $0x3E, v3  }
0x1e: {  	v15 =	vtrunc.f32 v8;
	v3 =	vand.u32 $0xFFFFFF80, v10;
	v11 =	vadd.s32 $0x1, v10  }
0x1f: {  	v12 =	vand.u32 $0x7F, v10;
	v3 =	vadd.s32 v9, v3;
	v13 =	vand.u32 $0xFFFFFF80, v11  }
0x20: {  	v12 =	vor.u32 v12, v3;
	v3 =	vand.u32 $0x7F, v11;
	v11 =	vadd.s32 v9, v13  }
0x21: {  	v15 =	vcvt.f32.s32 v15;
	v10 =	vcvt.s32.f32 v10;
	v11 =	vor.u32 v3, v11  }
0x22: {  	v2 =	vmov s2;
	v13 =	vcvt.f32.s32 v4;
	v4 =	vtrunc.f32 v7  }
0x23: {  	s22 =	simm.s32 $0x1;
	v2 =	vshll.u32 v2, $0x7;
	vm13 =	vlt.s32 v15, $0x3E;
	v14 =	vcvt.f32.s32 v4  }
0x24: {  	v18 =	vnsel vm13, $0x3E, v15;
	v5 =	vsub.f32 v5, v10;
	v3 =	vmov s22  }
0x25: {  	v4 =	vshll.u32 v3, $0x7;
	vm12 =	vlt.s32 v13, $0x3E;
	vm1 =	vlt.s32 v14, $0x3E;
	v12 =	vld.idx.msk [tilespmem:v12+s2+$0x0], $0xffff  }
0x26: {  	v3 =	vshll.u32 v16, $0x7;
	v13 =	vnsel vm12, $0x3E, v13;
	v14 =	vnsel vm1, $0x3E, v14;
	v11 =	vld.idx.msk [tilespmem:v11+s2+$0x0], $0xffff  }
0x27: {  	v16 =	vadd.s32 $0x1, v13;
	v20 =	vand.u32 $0xFFFFFF80, v13;
	v21 =	vand.u32 $0x7F, v13  }
0x28: {  	v17 =	vadd.s32 $0x1, v14;
	v15 =	vand.u32 $0xFFFFFF80, v16;
	v20 =	vadd.s32 v2, v20  }
0x29: {  	v16 =	vand.u32 $0x7F, v16;
	v19 =	vand.u32 $0xFFFFFF80, v17;
	v15 =	vadd.s32 v2, v15  }
0x2a: {  	v20 =	vor.u32 v21, v20;
	v17 =	vand.u32 $0x7F, v17;
	v15 =	vor.u32 v16, v15  }
0x2b: {  	v21 =	vand.u32 $0x7F, v14;
	v19 =	vadd.s32 v4, v19;
	v10 =	vsub.f32 v11, v12  }
0x2c: {  	v17 =	vor.u32 v17, v19;
	v19 =	vor.u32 s24, v0;
	v11 =	vand.u32 $0xFFFFFF80, v14  }
0x2d: {  	v16 =	vadd.s32 $0x1, v18;
	v11 =	vadd.s32 v4, v11;
	v5 =	vmul.f32 v5, v10  }
0x2e: {  	v22 =	vand.u32 $0xFFFFFF80, v18;
	v10 =	vand.u32 $0xFFFFFF80, v16;
	v11 =	vor.u32 v21, v11  }
0x2f: {  	v21 =	vld.idx.msk [tilespmem:v15+s2+$0x0], $0xffff;
	v15 =	vand.u32 $0x7F, v16;
	v10 =	vadd.s32 v3, v10;
	v5 =	vadd.f32 v5, v12  }
0x30: {  	v16 =	vadd.s32 v3, v22;
	v12 =	vld.idx.msk [tilespmem:v20+s2+$0x0], $0xffff;
	v20 =	vand.u32 $0x7F, v18;
	v10 =	vor.u32 v15, v10  }
0x31: {  	v17 =	vld.idx.msk [tilespmem:v17+s2+$0x0], $0xffff;
	v16 =	vor.u32 v20, v16;
	[tilespmem:v19+s14+$0x0] =	vst.idx.msk $0xffff, v5  }
0x32: {  	v15 =	vld [tilespmem:s29+$0x90]  }
0x33: {  	v5 =	vcvt.s32.f32 v13;
	v11 =	vld.idx.msk [tilespmem:v11+s2+$0x0], $0xffff;
	_ =	sdelay $0x1  }
0x34: {  	v13 =	vcvt.s32.f32 v14;
	v5 =	vsub.f32 v6, v5;
	v6 =	vsub.f32 v21, v12;
	v10 =	vld.idx.msk [tilespmem:v10+s2+$0x0], $0xffff  }
0x35: {  	v16 =	vld.idx.msk [tilespmem:v16+s2+$0x0], $0xffff  }
0x36: {  	v5 =	vmul.f32 v5, v6;
	v6 =	vsub.f32 v7, v13;
	v7 =	vtrunc.f32 v15  }
0x37: {  	v14 =	vor.u32 s2, v0;
	v13 =	vsub.f32 v17, v11;
	v7 =	vcvt.f32.s32 v7  }
0x38: {  	v5 =	vadd.f32 v5, v12;
	v12 =	vcvt.s32.f32 v18  }
0x39: {  	v17 =	vor.u32 s22, v0;
	v6 =	vmul.f32 v6, v13;
	vm14 =	vlt.s32 v7, $0x3E  }
0x3a: {  	v12 =	vsub.f32 v8, v12;
	v10 =	vsub.f32 v10, v16;
	v13 =	vnsel vm14, $0x3E, v7  }
0x3b: {  	v6 =	vadd.f32 v6, v11;
	v7 =	vand.u32 $0xFFFFFF80, v13;
	v8 =	vadd.s32 $0x1, v13  }
0x3c: {  	[tilespmem:v14+s14+$0x0] =	vst.idx.msk $0xffff, v5;
	v11 =	vand.u32 $0x7F, v13;
	v7 =	vadd.s32 v9, v7;
	v14 =	vand.u32 $0xFFFFFF80, v8  }
0x3d: {  	v5 =	vld [tilespmem:s29+$0xFFFFFF10];
	v11 =	vor.u32 v11, v7;
	v7 =	vand.u32 $0x7F, v8;
	v8 =	vadd.s32 v9, v14  }
0x3e: {  	[tilespmem:v17+s14+$0x0] =	vst.idx.msk $0xffff, v6;
	v6 =	vor.u32 s23, v0;
	v9 =	vor.u32 v7, v8  }
0x3f: {  	v7 =	vmul.f32 v12, v10  }
0x40: {  	s25 =	simm.s32 $0x4  }
0x41: {  	v8 =	vld [tilespmem:s29+$0xFFFFFF90];
	v12 =	vmov s25;
	v16 =	vadd.f32 v7, v16  }
0x42: {  	v10 =	vtrunc.f32 v5;
	v7 =	vshll.u32 v12, $0x7;
	v12 =	vld.idx.msk [tilespmem:v11+s2+$0x0], $0xffff  }
0x43: {  	v14 =	vcvt.f32.s32 v10;
	[tilespmem:v6+s14+$0x0] =	vst.idx.msk $0xffff, v16;
	v17 =	vld.idx.msk [tilespmem:v9+s2+$0x0], $0xffff  }
0x44: {  	s26 =	simm.s32 $0x5;
	s28 =	simm.s32 $0x6;
	v20 =	vcvt.s32.f32 v13;
	v6 =	vld [tilespmem:s29+$0x10]  }
0x45: {  	v10 =	vmov s26;
	v11 =	vmov s28;
	vm15 =	vlt.s32 v14, $0x3E  }
0x46: {  	v9 =	vshll.u32 v11, $0x7;
	v11 =	vnsel vm15, $0x3E, v14;
	v14 =	vtrunc.f32 v8  }
0x47: {  	s30 =	simm.s32 $0x340;
	v10 =	vshll.u32 v10, $0x7;
	v21 =	vadd.s32 $0x1, v11;
	v18 =	vcvt.f32.s32 v14  }
0x48: {  	s31 =	simm.s32 $0x8;
	v16 =	vld [tilespmem:s30+$0x80];
	s29 =	simm.s32 $0x0;
	v14 =	vand.u32 $0xFFFFFF80, v11;
	v19 =	vand.u32 $0xFFFFFF80, v21;
	v13 =	vand.u32 $0x7F, v21  }
.LBB2_2:
0x49: {  	p0 =	slt.u32 s31, $0x7C;
	v21 =	vld [tilespmem:s30+$0xFFFFFF00];
	v22 =	vtrunc.f32 v6;
	v15 =	vsub.f32 v15, v20;
	v20 =	vsub.f32 v17, v12  }
0x4a: {  	vm0 =	vlt.s32 v18, $0x3E;
	v24 =	vor.u32 s24, v1;
	v23 =	vld [tilespmem:s30+$0xFFFFFF80];
	v22 =	vcvt.f32.s32 v22  }
0x4b: {  	v19 =	vadd.s32 v2, v19;
	v17 =	vnsel vm0, $0x3E, v18;
	v25 =	vld [tilespmem:s30+$0x0];
	v15 =	vmul.f32 v15, v20  }
0x4c: {  	v20 =	vand.u32 $0xFFFFFF80, v17;
	v26 =	vadd.s32 $0x1, v17;
	vm0 =	vlt.s32 v22, $0x3E  }
0x4d: {  	v27 =	vtrunc.f32 v16;
	v18 =	vnsel vm0, $0x3E, v22;
	v12 =	vadd.f32 v15, v12  }
0x4e: {  	v15 =	vtrunc.f32 v21;
	v22 =	vcvt.f32.s32 v27;
	v27 =	vadd.s32 $0x1, v18  }
0x4f: {  	v29 =	vand.u32 $0xFFFFFF80, v26;
	v15 =	vcvt.f32.s32 v15;
	v28 =	vtrunc.f32 v23;
	[tilespmem:v24+s14+$0x0] =	vst.idx.msk $0xffff, v12  }
0x50: {  	s24 =	sadd.s32 $0x3, s25;
	v24 =	vcvt.f32.s32 v28;
	v12 =	vtrunc.f32 v25;
	vm0 =	vlt.s32 v22, $0x3E  }
0x51: {  	v28 =	vcvt.f32.s32 v12;
	v12 =	vmov s24;
	v22 =	vnsel vm0, $0x3E, v22  }
0x52: {  	v30 =	vand.u32 $0xFFFFFF80, v22;
	v12 =	vshll.u32 v12, $0x7;
	v31 =	vadd.s32 $0x1, v22  }
0x53: {  	v32 =	vand.u32 $0x7F, v22;
	v30 =	vadd.s32 v12, v30;
	v33 =	vand.u32 $0xFFFFFF80, v31  }
0x54: {  	v31 =	vand.u32 $0x7F, v31;
	v30 =	vor.u32 v32, v30;
	v32 =	vadd.s32 v12, v33  }
0x55: {  	vm0 =	vlt.s32 v15, $0x3E;
	vm1 =	vlt.s32 v24, $0x3E;
	v31 =	vor.u32 v31, v32  }
0x56: {  	v15 =	vnsel vm0, $0x3E, v15;
	v24 =	vnsel vm1, $0x3E, v24;
	vm0 =	vlt.s32 v28, $0x3E  }
0x57: {  	v33 =	vadd.s32 $0x1, v24;
	v28 =	vnsel vm0, $0x3E, v28;
	v32 =	vadd.s32 $0x1, v15  }
0x58: {  	v35 =	vand.u32 $0xFFFFFF80, v33;
	v36 =	vadd.s32 $0x1, v28;
	v34 =	vand.u32 $0xFFFFFF80, v32  }
0x59: {  	v37 =	vand.u32 $0xFFFFFF80, v15;
	v38 =	vand.u32 $0xFFFFFF80, v24;
	v39 =	vand.u32 $0xFFFFFF80, v36;
	v30 =	vld.idx.msk [tilespmem:v30+s2+$0x0], $0xffff  }
0x5a: {  	v40 =	vand.u32 $0xFFFFFF80, v28;
	v35 =	vadd.s32 v10, v35;
	v34 =	vadd.s32 v7, v34;
	v31 =	vld.idx.msk [tilespmem:v31+s2+$0x0], $0xffff  }
0x5b: {  	v37 =	vadd.s32 v7, v37;
	v32 =	vand.u32 $0x7F, v32;
	v39 =	vadd.s32 v9, v39  }
0x5c: {  	v38 =	vadd.s32 v10, v38;
	v33 =	vand.u32 $0x7F, v33;
	v40 =	vadd.s32 v9, v40  }
0x5d: {  	v41 =	vand.u32 $0x7F, v15;
	v42 =	vand.u32 $0x7F, v24;
	v36 =	vand.u32 $0x7F, v36  }
0x5e: {  	v22 =	vcvt.s32.f32 v22;
	v32 =	vor.u32 v32, v34;
	v34 =	vand.u32 $0x7F, v28  }
0x5f: {  	v37 =	vor.u32 v41, v37;
	v33 =	vor.u32 v33, v35;
	v35 =	vor.u32 v36, v39  }
0x60: {  	v16 =	vsub.f32 v16, v22;
	v36 =	vor.u32 v42, v38;
	v22 =	vsub.f32 v31, v30  }
0x61: {  	v15 =	vcvt.s32.f32 v15;
	v31 =	vor.u32 v34, v40;
	v34 =	vor.u32 s24, v0  }
0x62: {  	v24 =	vcvt.s32.f32 v24;
	v16 =	vmul.f32 v16, v22;
	v22 =	vand.u32 $0xFFFFFF80, v27  }
0x63: {  	v21 =	vsub.f32 v21, v15;
	v15 =	vcvt.s32.f32 v28;
	v28 =	vand.u32 $0xFFFFFF80, v18;
	v32 =	vld.idx.msk [tilespmem:v32+s2+$0x0], $0xffff  }
0x64: {  	v23 =	vsub.f32 v23, v24;
	v24 =	vadd.s32 v4, v29;
	v16 =	vadd.f32 v16, v30;
	v33 =	vld.idx.msk [tilespmem:v33+s2+$0x0], $0xffff  }
0x65: {  	v14 =	vadd.s32 v2, v14;
	v25 =	vsub.f32 v25, v15;
	v22 =	vadd.s32 v3, v22;
	v29 =	vld.idx.msk [tilespmem:v35+s2+$0x0], $0xffff  }
0x66: {  	v30 =	vld.idx.msk [tilespmem:v37+s2+$0x0], $0xffff;
	[tilespmem:v34+s14+$0x0] =	vst.idx.msk $0xffff, v16;
	v16 =	vadd.s32 v4, v20;
	v20 =	vand.u32 $0x7F, v26;
	v26 =	vand.u32 $0x7F, v27  }
0x67: {  	v2 =	vmovc v7;
	v28 =	vadd.s32 v3, v28;
	v27 =	vand.u32 $0x7F, v11;
	v34 =	vand.u32 $0x7F, v17;
	v4 =	vmovc v10;
	v15 =	vld [tilespmem:s30+$0x90]  }
0x68: {  	v3 =	vmovc v9;
	v10 =	vor.u32 v13, v19;
	v19 =	vand.u32 $0x7F, v18;
	v13 =	vor.u32 v20, v24;
	v7 =	vld.idx.msk [tilespmem:v36+s2+$0x0], $0xffff  }
0x69: {  	v14 =	vor.u32 v27, v14;
	v16 =	vor.u32 v34, v16;
	v20 =	vor.u32 v26, v22;
	v9 =	vld.idx.msk [tilespmem:v31+s2+$0x0], $0xffff  }
0x6a: {  	v11 =	vcvt.s32.f32 v11;
	v17 =	vcvt.s32.f32 v17;
	v19 =	vor.u32 v19, v28  }
0x6b: {  	v18 =	vcvt.s32.f32 v18;
	v22 =	vor.u32 s25, v0  }
0x6c: {  	v11 =	vsub.f32 v5, v11;
	v24 =	vsub.f32 v32, v30;
	v26 =	vtrunc.f32 v15  }
0x6d: {  	v18 =	vsub.f32 v6, v18;
	v5 =	vcvt.f32.s32 v26;
	v10 =	vld.idx.msk [tilespmem:v10+s2+$0x0], $0xffff;
	v26 =	vsub.f32 v8, v17  }
0x6e: {  	v6 =	vmul.f32 v21, v24;
	v8 =	vsub.f32 v33, v7;
	v17 =	vor.u32 s26, v0;
	v13 =	vld.idx.msk [tilespmem:v13+s2+$0x0], $0xffff  }
0x6f: {  	v24 =	vor.u32 s28, v0;
	v21 =	vsub.f32 v29, v9;
	vm0 =	vlt.s32 v5, $0x3E;
	v20 =	vld.idx.msk [tilespmem:v20+s2+$0x0], $0xffff  }
0x70: {  	v6 =	vadd.f32 v6, v30;
	v8 =	vmul.f32 v23, v8;
	v23 =	vnsel vm0, $0x3E, v5;
	v14 =	vld.idx.msk [tilespmem:v14+s2+$0x0], $0xffff  }
0x71: {  	v21 =	vmul.f32 v25, v21;
	v5 =	vand.u32 $0xFFFFFF80, v23;
	v25 =	vadd.s32 $0x1, v23;
	v16 =	vld.idx.msk [tilespmem:v16+s2+$0x0], $0xffff  }
0x72: {  	[tilespmem:v22+s14+$0x0] =	vst.idx.msk $0xffff, v6;
	v6 =	vand.u32 $0x7F, v23;
	v22 =	vadd.s32 v12, v5;
	v27 =	vand.u32 $0xFFFFFF80, v25;
	v19 =	vld.idx.msk [tilespmem:v19+s2+$0x0], $0xffff  }
0x73: {  	v5 =	vld [tilespmem:s30+$0xFFFFFF10];
	v6 =	vor.u32 v6, v22;
	v22 =	vand.u32 $0x7F, v25;
	v12 =	vadd.s32 v12, v27  }
0x74: {  	v7 =	vadd.f32 v8, v7;
	v9 =	vadd.f32 v21, v9;
	v21 =	vor.u32 v22, v12  }
0x75: {  	v8 =	vmov s31;
	v22 =	vor.u32 s29, v1;
	s29 =	smov.u32 s25;
	s25 =	smov.u32 s31  }
0x76: {  	v25 =	vor.u32 s22, v1;
	v27 =	vor.u32 s23, v1;
	s22 =	smov.u32 s26;
	s26 =	sadd.s32 $0x1, s31;
	s23 =	smov.u32 s28;
	v10 =	vsub.f32 v10, v14;
	[tilespmem:v17+s14+$0x0] =	vst.idx.msk $0xffff, v7  }
0x77: {  	v28 =	vmov s26;
	v7 =	vshll.u32 v8, $0x7;
	v8 =	vld [tilespmem:s30+$0xFFFFFF90];
	[tilespmem:v24+s14+$0x0] =	vst.idx.msk $0xffff, v9;
	v9 =	vsub.f32 v13, v16  }
0x78: {  	s28 =	sadd.s32 $0x2, s31;
	v11 =	vmul.f32 v11, v10;
	v20 =	vsub.f32 v20, v19;
	v13 =	vtrunc.f32 v5;
	v12 =	vld.idx.msk [tilespmem:v6+s2+$0x0], $0xffff  }
0x79: {  	v24 =	vmov s28;
	v13 =	vcvt.f32.s32 v13;
	v17 =	vld.idx.msk [tilespmem:v21+s2+$0x0], $0xffff;
	v21 =	vmul.f32 v26, v9  }
.Ltmp0:
0x7a: {  	v10 =	vshll.u32 v28, $0x7;
	v14 =	vadd.f32 v11, v14;
	v18 =	vmul.f32 v18, v20;
	v6 =	vld [tilespmem:s30+$0x10];
	(pc) =	sbr.rel @p0 .LBB2_2-.Ltmp0, $4  }
0x7b: {  	v9 =	vshll.u32 v24, $0x7;
	vm0 =	vlt.s32 v13, $0x3E;
	v16 =	vadd.f32 v21, v16  }
0x7c: {  	v21 =	vadd.f32 v18, v19;
	v11 =	vnsel vm0, $0x3E, v13;
	v13 =	vtrunc.f32 v8;
	[tilespmem:v22+s14+$0x0] =	vst.idx.msk $0xffff, v14  }
0x7d: {  	v20 =	vcvt.s32.f32 v23;
	s30 =	sadd.s32 $0x200, s30;
	v22 =	vadd.s32 $0x1, v11;
	v18 =	vcvt.f32.s32 v13;
	[tilespmem:v25+s14+$0x0] =	vst.idx.msk $0xffff, v16  }
0x7e: {  	s31 =	sadd.s32 $0x4, s31;
	v14 =	vand.u32 $0xFFFFFF80, v11;
	v16 =	vld [tilespmem:s30+$0x80];
	v19 =	vand.u32 $0xFFFFFF80, v22;
	v13 =	vand.u32 $0x7F, v22;
	[tilespmem:v27+s14+$0x0] =	vst.idx.msk $0xffff, v21  }
0x7f: {  	v21 =	vld [tilespmem:s30+$0xFFFFFF00];
	v22 =	vtrunc.f32 v6;
	v15 =	vsub.f32 v15, v20  }
0x80: {  	v23 =	vld [tilespmem:s30+$0xFFFFFF80];
	v17 =	vsub.f32 v17, v12;
	vm0 =	vlt.s32 v18, $0x3E;
	v19 =	vadd.s32 v2, v19  }
0x81: {  	s31 =	sadd.s32 $0x3, s25;
	v2 =	vadd.s32 v2, v14;
	v48 =	vor.u32 s26, v0;
	v20 =	vcvt.f32.s32 v22;
	v22 =	vld [tilespmem:s30+$0x0]  }
0x82: {  	v18 =	vnsel vm0, $0x3E, v18;
	v27 =	vmov s31;
	v63 =	vor.u32 s31, v0  }
0x83: {  	v13 =	vor.u32 v13, v19;
	v15 =	vmul.f32 v15, v17;
	v24 =	vtrunc.f32 v16  }
0x84: {  	v19 =	vor.u32 s28, v0;
	v17 =	vcvt.f32.s32 v24;
	v25 =	vtrunc.f32 v21  }
0x85: {  	v51 =	vand.u32 $0xFFFFFF80, v18;
	v26 =	vtrunc.f32 v23;
	v25 =	vcvt.f32.s32 v25  }
0x86: {  	v26 =	vcvt.f32.s32 v26;
	v28 =	vtrunc.f32 v22;
	vm1 =	vlt.s32 v17, $0x3E  }
0x87: {  	v27 =	vshll.u32 v27, $0x7;
	v28 =	vcvt.f32.s32 v28;
	v17 =	vnsel vm1, $0x3E, v17  }
0x88: {  	vm15 =	vlt.s32 v25, $0x3E;
	vm4 =	vlt.s32 v26, $0x3E;
	v29 =	vand.u32 $0xFFFFFF80, v17  }
0x89: {  	v30 =	vadd.s32 $0x1, v17;
	v31 =	vand.u32 $0x7F, v17;
	v25 =	vnsel vm15, $0x3E, v25  }
0x8a: {  	v26 =	vnsel vm4, $0x3E, v26;
	v29 =	vadd.s32 v27, v29;
	v32 =	vand.u32 $0xFFFFFF80, v30  }
0x8b: {  	v30 =	vand.u32 $0x7F, v30;
	v29 =	vor.u32 v31, v29;
	v52 =	vadd.s32 v27, v32  }
0x8c: {  	v53 =	vadd.s32 $0x1, v25;
	v36 =	vand.u32 $0xFFFFFF80, v25;
	v30 =	vor.u32 v30, v52  }
0x8d: {  	v40 =	vand.u32 $0x7F, v25;
	v33 =	vand.u32 $0xFFFFFF80, v53;
	v36 =	vadd.s32 v7, v36  }
0x8e: {  	v31 =	vand.u32 $0x7F, v53;
	v33 =	vadd.s32 v7, v33;
	v36 =	vor.u32 v40, v36  }
0x8f: {  	vm5 =	vlt.s32 v28, $0x3E;
	v17 =	vcvt.s32.f32 v17;
	v31 =	vor.u32 v31, v33  }
0x90: {  	v54 =	vadd.s32 $0x1, v26;
	v28 =	vnsel vm5, $0x3E, v28;
	v37 =	vand.u32 $0xFFFFFF80, v26;
	v29 =	vld.idx.msk [tilespmem:v29+s2+$0x0], $0xffff  }
0x91: {  	v57 =	vand.u32 $0x7F, v26;
	v34 =	vand.u32 $0xFFFFFF80, v54;
	v35 =	vadd.s32 $0x1, v28;
	v30 =	vld.idx.msk [tilespmem:v30+s2+$0x0], $0xffff  }
0x92: {  	v39 =	vand.u32 $0xFFFFFF80, v28;
	v32 =	vand.u32 $0x7F, v54;
	v37 =	vadd.s32 v10, v37  }
0x93: {  	v58 =	vand.u32 $0x7F, v28;
	v34 =	vadd.s32 v10, v34;
	v37 =	vor.u32 v57, v37;
	v61 =	vld.idx.msk [tilespmem:v36+s2+$0x0], $0xffff  }
0x94: {  	v38 =	vand.u32 $0xFFFFFF80, v35;
	v56 =	vadd.s32 v9, v39;
	v32 =	vor.u32 v32, v34;
	v31 =	vld.idx.msk [tilespmem:v31+s2+$0x0], $0xffff  }
0x95: {  	v35 =	vand.u32 $0x7F, v35;
	v55 =	vadd.s32 v9, v38;
	v34 =	vor.u32 v58, v56  }
0x96: {  	v16 =	vsub.f32 v16, v17;
	v33 =	vor.u32 v35, v55;
	v17 =	vsub.f32 v30, v29  }
0x97: {  	v59 =	vadd.s32 $0x1, v18;
	v49 =	vand.u32 $0x7F, v18;
	v25 =	vcvt.s32.f32 v25  }
0x98: {  	v18 =	vcvt.s32.f32 v18;
	vm14 =	vlt.s32 v20, $0x3E;
	v37 =	vld.idx.msk [tilespmem:v37+s2+$0x0], $0xffff;
	v16 =	vmul.f32 v16, v17  }
0x99: {  	v62 =	vand.u32 $0xFFFFFF80, v59;
	v21 =	vsub.f32 v21, v25;
	v32 =	vld.idx.msk [tilespmem:v32+s2+$0x0], $0xffff;
	v14 =	vsub.f32 v31, v61  }
0x9a: {  	v44 =	vand.u32 $0x7F, v59;
	v20 =	vnsel vm14, $0x3E, v20;
	v43 =	vld.idx.msk [tilespmem:v34+s2+$0x0], $0xffff;
	v16 =	vadd.f32 v16, v29  }
0x9b: {  	v42 =	vadd.s32 v4, v62;
	v33 =	vld.idx.msk [tilespmem:v33+s2+$0x0], $0xffff;
	v14 =	vmul.f32 v21, v14;
	v21 =	vand.u32 $0x7F, v11  }
0x9c: {  	v26 =	vcvt.s32.f32 v26;
	v2 =	vor.u32 v21, v2;
	[tilespmem:v63+s14+$0x0] =	vst.idx.msk $0xffff, v16;
	v16 =	vor.u32 s25, v0  }
0x9d: {  	v4 =	vadd.s32 v4, v51;
	v8 =	vsub.f32 v8, v18;
	v60 =	vadd.s32 $0x1, v20;
	v46 =	vld [tilespmem:s30+$0x90]  }
0x9e: {  	v40 =	vcvt.s32.f32 v28;
	v23 =	vsub.f32 v23, v26;
	v47 =	vsub.f32 v32, v37  }
0x9f: {  	v41 =	vand.u32 $0xFFFFFF80, v20;
	v24 =	vor.u32 v44, v42;
	v14 =	vadd.f32 v14, v61  }
0xa0: {  	v13 =	vld.idx.msk [tilespmem:v13+s2+$0x0], $0xffff;
	v22 =	vsub.f32 v22, v40;
	v33 =	vsub.f32 v33, v43;
	v23 =	vmul.f32 v23, v47  }
0xa1: {  	v4 =	vor.u32 v49, v4;
	v45 =	vand.u32 $0x7F, v60;
	v17 =	vand.u32 $0xFFFFFF80, v60;
	v2 =	vld.idx.msk [tilespmem:v2+s2+$0x0], $0xffff;
	[tilespmem:v16+s14+$0x0] =	vst.idx.msk $0xffff, v14  }
0xa2: {  	v22 =	vmul.f32 v22, v33;
	v23 =	vadd.f32 v23, v37;
	v16 =	vtrunc.f32 v46;
	v50 =	vld [tilespmem:s30+$0xFFFFFF10]  }
0xa3: {  	v17 =	vadd.s32 v3, v17;
	v3 =	vadd.s32 v3, v41;
	v16 =	vcvt.f32.s32 v16  }
0xa4: {  	v11 =	vcvt.s32.f32 v11;
	v21 =	vadd.f32 v22, v43;
	[tilespmem:v48+s14+$0x0] =	vst.idx.msk $0xffff, v23;
	v14 =	vand.u32 $0x7F, v20  }
0xa5: {  	v17 =	vor.u32 v45, v17;
	v3 =	vor.u32 v14, v3;
	v14 =	vld [tilespmem:s30+$0xFFFFFF90];
	vm6 =	vlt.s32 v16, $0x3E  }
0xa6: {  	v5 =	vsub.f32 v5, v11;
	[tilespmem:v19+s14+$0x0] =	vst.idx.msk $0xffff, v21;
	v19 =	vcvt.s32.f32 v20;
	v11 =	vnsel vm6, $0x3E, v16  }
0xa7: {  	v13 =	vsub.f32 v13, v2;
	v16 =	vld [tilespmem:s30+$0x10];
	v20 =	vand.u32 $0xFFFFFF80, v11;
	v22 =	vtrunc.f32 v50  }
0xa8: {  	v21 =	vadd.s32 $0x1, v11;
	v23 =	vand.u32 $0x7F, v11;
	v22 =	vcvt.f32.s32 v22  }
0xa9: {  	v20 =	vadd.s32 v27, v20;
	v18 =	vand.u32 $0xFFFFFF80, v21;
	v21 =	vand.u32 $0x7F, v21  }
0xaa: {  	v20 =	vor.u32 v23, v20;
	v23 =	vtrunc.f32 v14;
	vm7 =	vlt.s32 v22, $0x3E  }
0xab: {  	v18 =	vadd.s32 v27, v18;
	v23 =	vcvt.f32.s32 v23;
	v22 =	vnsel vm7, $0x3E, v22  }
0xac: {  	v18 =	vor.u32 v21, v18;
	v51 =	vtrunc.f32 v16;
	v52 =	vadd.s32 $0x1, v22  }
0xad: {  	v25 =	vcvt.f32.s32 v51;
	v21 =	vand.u32 $0xFFFFFF80, v22;
	vm8 =	vlt.s32 v23, $0x3E  }
0xae: {  	v53 =	vand.u32 $0xFFFFFF80, v52;
	v27 =	vand.u32 $0x7F, v52;
	v23 =	vnsel vm8, $0x3E, v23  }
0xaf: {  	vm9 =	vlt.s32 v25, $0x3E;
	v28 =	vadd.s32 v7, v53;
	v54 =	vand.u32 $0xFFFFFF80, v23  }
0xb0: {  	v24 =	vld.idx.msk [tilespmem:v24+s2+$0x0], $0xffff;
	v55 =	vadd.s32 $0x1, v23;
	v7 =	vadd.s32 v7, v21;
	v21 =	vand.u32 $0x7F, v22  }
0xb1: {  	v4 =	vld.idx.msk [tilespmem:v4+s2+$0x0], $0xffff;
	v61 =	vand.u32 $0x7F, v23;
	v25 =	vnsel vm9, $0x3E, v25;
	v57 =	vand.u32 $0xFFFFFF80, v55  }
0xb2: {  	v17 =	vld.idx.msk [tilespmem:v17+s2+$0x0], $0xffff;
	v30 =	vand.u32 $0x7F, v55;
	v27 =	vor.u32 v27, v28;
	v7 =	vor.u32 v21, v7  }
0xb3: {  	v3 =	vld.idx.msk [tilespmem:v3+s2+$0x0], $0xffff;
	v56 =	vadd.s32 $0x1, v25;
	v59 =	vand.u32 $0xFFFFFF80, v25;
	v33 =	vadd.s32 v10, v57  }
0xb4: {  	v10 =	vadd.s32 v10, v54;
	v58 =	vand.u32 $0xFFFFFF80, v56;
	v30 =	vor.u32 v30, v33  }
0xb5: {  	v20 =	vld.idx.msk [tilespmem:v20+s2+$0x0], $0xffff;
	v32 =	vand.u32 $0x7F, v56;
	v10 =	vor.u32 v61, v10;
	v60 =	vadd.s32 v9, v58  }
0xb6: {  	v18 =	vld.idx.msk [tilespmem:v18+s2+$0x0], $0xffff;
	v21 =	vand.u32 $0x7F, v25;
	v9 =	vadd.s32 v9, v59;
	v28 =	vor.u32 v32, v60  }
0xb7: {  	v24 =	vsub.f32 v24, v4;
	v6 =	vsub.f32 v6, v19;
	v9 =	vor.u32 v21, v9;
	v19 =	vld.idx.msk [tilespmem:v27+s2+$0x0], $0xffff  }
0xb8: {  	v5 =	vmul.f32 v5, v13;
	v17 =	vsub.f32 v17, v3;
	v7 =	vld.idx.msk [tilespmem:v7+s2+$0x0], $0xffff  }
0xb9: {  	v12 =	vadd.f32 v15, v12;
	v15 =	vor.u32 s29, v1;
	v8 =	vmul.f32 v8, v24;
	v62 =	vld.idx.msk [tilespmem:v30+s2+$0x0], $0xffff  }
0xba: {  	v2 =	vadd.f32 v5, v2;
	v5 =	vcvt.s32.f32 v11;
	v6 =	vmul.f32 v6, v17;
	v10 =	vld.idx.msk [tilespmem:v10+s2+$0x0], $0xffff  }
0xbb: {  	v4 =	vadd.f32 v8, v4;
	v63 =	vor.u32 s22, v1;
	v21 =	vor.u32 s24, v1;
	v13 =	vld.idx.msk [tilespmem:v28+s2+$0x0], $0xffff  }
0xbc: {  	v5 =	vsub.f32 v46, v5;
	v3 =	vadd.f32 v6, v3;
	v6 =	vcvt.s32.f32 v22;
	v8 =	vld.idx.msk [tilespmem:v9+s2+$0x0], $0xffff  }
0xbd: {  	v17 =	vor.u32 s23, v1;
	v11 =	vcvt.s32.f32 v23;
	v9 =	vsub.f32 v18, v20  }
0xbe: {  	v22 =	vcvt.s32.f32 v25;
	v6 =	vsub.f32 v50, v6;
	v18 =	vor.u32 s31, v1  }
0xbf: {  	v5 =	vmul.f32 v5, v9;
	v9 =	vsub.f32 v14, v11;
	v11 =	vsub.f32 v19, v7  }
0xc0: {  	[tilespmem:v21+s14+$0x0] =	vst.idx.msk $0xffff, v12;
	v12 =	vsub.f32 v16, v22;
	v14 =	vor.u32 s25, v1;
	v16 =	vsub.f32 v62, v10  }
0xc1: {  	[tilespmem:v15+s14+$0x0] =	vst.idx.msk $0xffff, v2;
	v2 =	vor.u32 s26, v1;
	v6 =	vmul.f32 v6, v11;
	v11 =	vsub.f32 v13, v8  }
0xc2: {  	[tilespmem:v63+s14+$0x0] =	vst.idx.msk $0xffff, v4;
	v4 =	vadd.f32 v5, v20;
	v5 =	vor.u32 s28, v1;
	v9 =	vmul.f32 v9, v16  }
0xc3: {  	[tilespmem:v17+s14+$0x0] =	vst.idx.msk $0xffff, v3;
	v3 =	vadd.f32 v6, v7;
	v6 =	vmul.f32 v12, v11  }
0xc4: {  	[tilespmem:v18+s14+$0x0] =	vst.idx.msk $0xffff, v4;
	v4 =	vadd.f32 v9, v10  }
0xc5: {  	[tilespmem:v14+s14+$0x0] =	vst.idx.msk $0xffff, v3;
	v3 =	vadd.f32 v6, v8  }
0xc6: {  	[tilespmem:v2+s14+$0x0] =	vst.idx.msk $0xffff, v4  }
0xc7: {  	[tilespmem:v5+s14+$0x0] =	vst.idx.msk $0xffff, v3  }
0xc8: {  	[hbm4b:s5+s15] =	stream.strided.scatter [tilespmem:s14], [sflag:$0x3], $0x1000, s16, s15, $0x38;
	[tilespmem:$0xA000] =	vst v63  }
0xc9: {  	s22 =	simm.s32 $0x0  }
0xca: {  	[tilespmem:s22], [sflag:$0x1] =	stream.linear.gather [hbm4b:s6+s22], $0x4000, $0x38;
	[tilespmem:$0xA000] =	vst v63  }
0xcb: {  	_ =	swait.ge [sflag:s17], $0x4000  }
0xcc: {  	[sflag:s17] =	ssyncset.done $0x0  }
0xcd: {  	s30 =	simm.s32 $0x4140;
	[sflag:s17] =	ssyncadd.s32 $0xFFFFC000  }
0xce: {  	v5 =	vld [tilespmem:s30+$0x80];
	_ =	sdelay $0x3  }
0xcf: {  	v6 =	vld [tilespmem:s30+$0xFFFFFF00]  }
0xd0: {  	v8 =	vld [tilespmem:s30+$0x0];
	v2 =	vtrunc.f32 v5  }
0xd1: {  	v3 =	vcvt.f32.s32 v2  }
0xd2: {  	s24 =	simm.s32 $0x2;
	s25 =	simm.s32 $0x3  }
0xd3: {  	v16 =	vmov s24;
	v9 =	vmov s25;
	vm10 =	vlt.s32 v3, $0x3E  }
0xd4: {  	v9 =	vshll.u32 v9, $0x7;
	v7 =	vld [tilespmem:s30+$0xFFFFFF80];
	v4 =	vtrunc.f32 v6;
	v10 =	vnsel vm10, $0x3E, v3  }
0xd5: {  	v15 =	vtrunc.f32 v8;
	v3 =	vand.u32 $0xFFFFFF80, v10;
	v11 =	vadd.s32 $0x1, v10  }
0xd6: {  	v12 =	vand.u32 $0x7F, v10;
	v3 =	vadd.s32 v9, v3;
	v13 =	vand.u32 $0xFFFFFF80, v11  }
0xd7: {  	v12 =	vor.u32 v12, v3;
	v3 =	vand.u32 $0x7F, v11;
	v11 =	vadd.s32 v9, v13  }
0xd8: {  	v15 =	vcvt.f32.s32 v15;
	v10 =	vcvt.s32.f32 v10;
	v11 =	vor.u32 v3, v11  }
0xd9: {  	v2 =	vmov s22;
	v13 =	vcvt.f32.s32 v4;
	v4 =	vtrunc.f32 v7  }
0xda: {  	s23 =	simm.s32 $0x1;
	v2 =	vshll.u32 v2, $0x7;
	vm13 =	vlt.s32 v15, $0x3E;
	v14 =	vcvt.f32.s32 v4  }
0xdb: {  	v18 =	vnsel vm13, $0x3E, v15;
	v5 =	vsub.f32 v5, v10;
	v3 =	vmov s23  }
0xdc: {  	v4 =	vshll.u32 v3, $0x7;
	vm11 =	vlt.s32 v13, $0x3E;
	vm12 =	vlt.s32 v14, $0x3E;
	v12 =	vld.idx.msk [tilespmem:v12+s12+$0x0], $0xffff  }
0xdd: {  	v3 =	vshll.u32 v16, $0x7;
	v13 =	vnsel vm11, $0x3E, v13;
	v14 =	vnsel vm12, $0x3E, v14;
	v11 =	vld.idx.msk [tilespmem:v11+s12+$0x0], $0xffff  }
0xde: {  	v16 =	vadd.s32 $0x1, v13;
	v20 =	vand.u32 $0xFFFFFF80, v13;
	v21 =	vand.u32 $0x7F, v13  }
0xdf: {  	v17 =	vadd.s32 $0x1, v14;
	v15 =	vand.u32 $0xFFFFFF80, v16;
	v20 =	vadd.s32 v2, v20  }
0xe0: {  	v16 =	vand.u32 $0x7F, v16;
	v19 =	vand.u32 $0xFFFFFF80, v17;
	v15 =	vadd.s32 v2, v15  }
0xe1: {  	v20 =	vor.u32 v21, v20;
	v17 =	vand.u32 $0x7F, v17;
	v15 =	vor.u32 v16, v15  }
0xe2: {  	v21 =	vand.u32 $0x7F, v14;
	v19 =	vadd.s32 v4, v19;
	v10 =	vsub.f32 v11, v12  }
0xe3: {  	v17 =	vor.u32 v17, v19;
	v19 =	vor.u32 s25, v0;
	v11 =	vand.u32 $0xFFFFFF80, v14  }
0xe4: {  	v16 =	vadd.s32 $0x1, v18;
	v11 =	vadd.s32 v4, v11;
	v5 =	vmul.f32 v5, v10  }
0xe5: {  	v22 =	vand.u32 $0xFFFFFF80, v18;
	v10 =	vand.u32 $0xFFFFFF80, v16;
	v11 =	vor.u32 v21, v11  }
0xe6: {  	v21 =	vld.idx.msk [tilespmem:v15+s12+$0x0], $0xffff;
	v15 =	vand.u32 $0x7F, v16;
	v10 =	vadd.s32 v3, v10;
	v5 =	vadd.f32 v5, v12  }
0xe7: {  	v16 =	vadd.s32 v3, v22;
	v12 =	vld.idx.msk [tilespmem:v20+s12+$0x0], $0xffff;
	v20 =	vand.u32 $0x7F, v18;
	v10 =	vor.u32 v15, v10  }
0xe8: {  	v17 =	vld.idx.msk [tilespmem:v17+s12+$0x0], $0xffff;
	v16 =	vor.u32 v20, v16;
	[tilespmem:v19+s18+$0x0] =	vst.idx.msk $0xffff, v5  }
0xe9: {  	v15 =	vld [tilespmem:s30+$0x90]  }
0xea: {  	v5 =	vcvt.s32.f32 v13;
	v11 =	vld.idx.msk [tilespmem:v11+s12+$0x0], $0xffff;
	_ =	sdelay $0x1  }
0xeb: {  	v13 =	vcvt.s32.f32 v14;
	v5 =	vsub.f32 v6, v5;
	v6 =	vsub.f32 v21, v12;
	v10 =	vld.idx.msk [tilespmem:v10+s12+$0x0], $0xffff  }
0xec: {  	v16 =	vld.idx.msk [tilespmem:v16+s12+$0x0], $0xffff  }
0xed: {  	v5 =	vmul.f32 v5, v6;
	v6 =	vsub.f32 v7, v13;
	v7 =	vtrunc.f32 v15  }
0xee: {  	v14 =	vor.u32 s22, v0;
	v13 =	vsub.f32 v17, v11;
	v7 =	vcvt.f32.s32 v7  }
0xef: {  	v5 =	vadd.f32 v5, v12;
	v12 =	vcvt.s32.f32 v18  }
0xf0: {  	v17 =	vor.u32 s23, v0;
	v6 =	vmul.f32 v6, v13;
	vm14 =	vlt.s32 v7, $0x3E  }
0xf1: {  	v12 =	vsub.f32 v8, v12;
	v10 =	vsub.f32 v10, v16;
	v13 =	vnsel vm14, $0x3E, v7  }
0xf2: {  	v6 =	vadd.f32 v6, v11;
	v7 =	vand.u32 $0xFFFFFF80, v13;
	v8 =	vadd.s32 $0x1, v13  }
0xf3: {  	[tilespmem:v14+s18+$0x0] =	vst.idx.msk $0xffff, v5;
	v11 =	vand.u32 $0x7F, v13;
	v7 =	vadd.s32 v9, v7;
	v14 =	vand.u32 $0xFFFFFF80, v8  }
0xf4: {  	v5 =	vld [tilespmem:s30+$0xFFFFFF10];
	v11 =	vor.u32 v11, v7;
	v7 =	vand.u32 $0x7F, v8;
	v8 =	vadd.s32 v9, v14  }
0xf5: {  	[tilespmem:v17+s18+$0x0] =	vst.idx.msk $0xffff, v6;
	v6 =	vor.u32 s24, v0;
	v9 =	vor.u32 v7, v8  }
0xf6: {  	v7 =	vmul.f32 v12, v10  }
0xf7: {  	s26 =	simm.s32 $0x4  }
0xf8: {  	v8 =	vld [tilespmem:s30+$0xFFFFFF90];
	v12 =	vmov s26;
	v16 =	vadd.f32 v7, v16  }
0xf9: {  	v10 =	vtrunc.f32 v5;
	v7 =	vshll.u32 v12, $0x7;
	v12 =	vld.idx.msk [tilespmem:v11+s12+$0x0], $0xffff  }
0xfa: {  	v14 =	vcvt.f32.s32 v10;
	[tilespmem:v6+s18+$0x0] =	vst.idx.msk $0xffff, v16;
	v17 =	vld.idx.msk [tilespmem:v9+s12+$0x0], $0xffff  }
0xfb: {  	s29 =	simm.s32 $0x6;
	s28 =	simm.s32 $0x5;
	v20 =	vcvt.s32.f32 v13;
	v6 =	vld [tilespmem:s30+$0x10]  }
0xfc: {  	v10 =	vmov s28;
	v11 =	vmov s29;
	vm15 =	vlt.s32 v14, $0x3E  }
0xfd: {  	v9 =	vshll.u32 v11, $0x7;
	v11 =	vnsel vm15, $0x3E, v14;
	v14 =	vtrunc.f32 v8  }
0xfe: {  	v10 =	vshll.u32 v10, $0x7;
	s30 =	simm.s32 $0x4340;
	v21 =	vadd.s32 $0x1, v11;
	v18 =	vcvt.f32.s32 v14  }
0xff: {  	s31 =	simm.s32 $0x8;
	v16 =	vld [tilespmem:s30+$0x80];
	v14 =	vand.u32 $0xFFFFFF80, v11;
	v19 =	vand.u32 $0xFFFFFF80, v21;
	v13 =	vand.u32 $0x7F, v21  }
.LBB2_4:
0x100: {  	p0 =	slt.u32 s31, $0x7C;
	v21 =	vld [tilespmem:s30+$0xFFFFFF00];
	v22 =	vtrunc.f32 v6;
	v15 =	vsub.f32 v15, v20;
	v20 =	vsub.f32 v17, v12  }
0x101: {  	vm0 =	vlt.s32 v18, $0x3E;
	v24 =	vor.u32 s25, v1;
	v23 =	vld [tilespmem:s30+$0xFFFFFF80];
	v22 =	vcvt.f32.s32 v22  }
0x102: {  	v19 =	vadd.s32 v2, v19;
	v17 =	vnsel vm0, $0x3E, v18;
	v25 =	vld [tilespmem:s30+$0x0];
	v15 =	vmul.f32 v15, v20  }
0x103: {  	v20 =	vand.u32 $0xFFFFFF80, v17;
	v26 =	vadd.s32 $0x1, v17;
	vm0 =	vlt.s32 v22, $0x3E  }
0x104: {  	v27 =	vtrunc.f32 v16;
	v18 =	vnsel vm0, $0x3E, v22;
	v12 =	vadd.f32 v15, v12  }
0x105: {  	v15 =	vtrunc.f32 v21;
	v22 =	vcvt.f32.s32 v27;
	v27 =	vadd.s32 $0x1, v18  }
0x106: {  	v29 =	vand.u32 $0xFFFFFF80, v26;
	v15 =	vcvt.f32.s32 v15;
	v28 =	vtrunc.f32 v23;
	[tilespmem:v24+s18+$0x0] =	vst.idx.msk $0xffff, v12  }
0x107: {  	s25 =	sadd.s32 $0x3, s26;
	v24 =	vcvt.f32.s32 v28;
	v12 =	vtrunc.f32 v25;
	vm0 =	vlt.s32 v22, $0x3E  }
0x108: {  	v28 =	vcvt.f32.s32 v12;
	v12 =	vmov s25;
	v22 =	vnsel vm0, $0x3E, v22  }
0x109: {  	v30 =	vand.u32 $0xFFFFFF80, v22;
	v12 =	vshll.u32 v12, $0x7;
	v31 =	vadd.s32 $0x1, v22  }
0x10a: {  	v32 =	vand.u32 $0x7F, v22;
	v30 =	vadd.s32 v12, v30;
	v33 =	vand.u32 $0xFFFFFF80, v31  }
0x10b: {  	v31 =	vand.u32 $0x7F, v31;
	v30 =	vor.u32 v32, v30;
	v32 =	vadd.s32 v12, v33  }
0x10c: {  	vm0 =	vlt.s32 v15, $0x3E;
	vm1 =	vlt.s32 v24, $0x3E;
	v31 =	vor.u32 v31, v32  }
0x10d: {  	v15 =	vnsel vm0, $0x3E, v15;
	v24 =	vnsel vm1, $0x3E, v24;
	vm0 =	vlt.s32 v28, $0x3E  }
0x10e: {  	v33 =	vadd.s32 $0x1, v24;
	v28 =	vnsel vm0, $0x3E, v28;
	v32 =	vadd.s32 $0x1, v15  }
0x10f: {  	v35 =	vand.u32 $0xFFFFFF80, v33;
	v36 =	vadd.s32 $0x1, v28;
	v34 =	vand.u32 $0xFFFFFF80, v32  }
0x110: {  	v37 =	vand.u32 $0xFFFFFF80, v15;
	v38 =	vand.u32 $0xFFFFFF80, v24;
	v39 =	vand.u32 $0xFFFFFF80, v36;
	v30 =	vld.idx.msk [tilespmem:v30+s12+$0x0], $0xffff  }
0x111: {  	v40 =	vand.u32 $0xFFFFFF80, v28;
	v35 =	vadd.s32 v10, v35;
	v34 =	vadd.s32 v7, v34;
	v31 =	vld.idx.msk [tilespmem:v31+s12+$0x0], $0xffff  }
0x112: {  	v37 =	vadd.s32 v7, v37;
	v32 =	vand.u32 $0x7F, v32;
	v39 =	vadd.s32 v9, v39  }
0x113: {  	v38 =	vadd.s32 v10, v38;
	v33 =	vand.u32 $0x7F, v33;
	v40 =	vadd.s32 v9, v40  }
0x114: {  	v41 =	vand.u32 $0x7F, v15;
	v42 =	vand.u32 $0x7F, v24;
	v36 =	vand.u32 $0x7F, v36  }
0x115: {  	v22 =	vcvt.s32.f32 v22;
	v32 =	vor.u32 v32, v34;
	v34 =	vand.u32 $0x7F, v28  }
0x116: {  	v37 =	vor.u32 v41, v37;
	v33 =	vor.u32 v33, v35;
	v35 =	vor.u32 v36, v39  }
0x117: {  	v16 =	vsub.f32 v16, v22;
	v36 =	vor.u32 v42, v38;
	v22 =	vsub.f32 v31, v30  }
0x118: {  	v15 =	vcvt.s32.f32 v15;
	v31 =	vor.u32 v34, v40;
	v34 =	vor.u32 s25, v0  }
0x119: {  	v24 =	vcvt.s32.f32 v24;
	v16 =	vmul.f32 v16, v22;
	v22 =	vand.u32 $0xFFFFFF80, v27  }
0x11a: {  	v21 =	vsub.f32 v21, v15;
	v15 =	vcvt.s32.f32 v28;
	v28 =	vand.u32 $0xFFFFFF80, v18;
	v32 =	vld.idx.msk [tilespmem:v32+s12+$0x0], $0xffff  }
0x11b: {  	v23 =	vsub.f32 v23, v24;
	v24 =	vadd.s32 v4, v29;
	v16 =	vadd.f32 v16, v30;
	v33 =	vld.idx.msk [tilespmem:v33+s12+$0x0], $0xffff  }
0x11c: {  	v14 =	vadd.s32 v2, v14;
	v25 =	vsub.f32 v25, v15;
	v22 =	vadd.s32 v3, v22;
	v29 =	vld.idx.msk [tilespmem:v35+s12+$0x0], $0xffff  }
0x11d: {  	v30 =	vld.idx.msk [tilespmem:v37+s12+$0x0], $0xffff;
	[tilespmem:v34+s18+$0x0] =	vst.idx.msk $0xffff, v16;
	v16 =	vadd.s32 v4, v20;
	v20 =	vand.u32 $0x7F, v26;
	v26 =	vand.u32 $0x7F, v27  }
0x11e: {  	v2 =	vmovc v7;
	v28 =	vadd.s32 v3, v28;
	v27 =	vand.u32 $0x7F, v11;
	v34 =	vand.u32 $0x7F, v17;
	v4 =	vmovc v10;
	v15 =	vld [tilespmem:s30+$0x90]  }
0x11f: {  	v3 =	vmovc v9;
	v10 =	vor.u32 v13, v19;
	v19 =	vand.u32 $0x7F, v18;
	v13 =	vor.u32 v20, v24;
	v7 =	vld.idx.msk [tilespmem:v36+s12+$0x0], $0xffff  }
0x120: {  	v14 =	vor.u32 v27, v14;
	v16 =	vor.u32 v34, v16;
	v20 =	vor.u32 v26, v22;
	v9 =	vld.idx.msk [tilespmem:v31+s12+$0x0], $0xffff  }
0x121: {  	v11 =	vcvt.s32.f32 v11;
	v17 =	vcvt.s32.f32 v17;
	v19 =	vor.u32 v19, v28  }
0x122: {  	v18 =	vcvt.s32.f32 v18;
	v22 =	vor.u32 s26, v0  }
0x123: {  	v11 =	vsub.f32 v5, v11;
	v24 =	vsub.f32 v32, v30;
	v26 =	vtrunc.f32 v15  }
0x124: {  	v18 =	vsub.f32 v6, v18;
	v5 =	vcvt.f32.s32 v26;
	v10 =	vld.idx.msk [tilespmem:v10+s12+$0x0], $0xffff;
	v26 =	vsub.f32 v8, v17  }
0x125: {  	v6 =	vmul.f32 v21, v24;
	v8 =	vsub.f32 v33, v7;
	v17 =	vor.u32 s28, v0;
	v13 =	vld.idx.msk [tilespmem:v13+s12+$0x0], $0xffff  }
0x126: {  	v24 =	vor.u32 s29, v0;
	v21 =	vsub.f32 v29, v9;
	vm0 =	vlt.s32 v5, $0x3E;
	v20 =	vld.idx.msk [tilespmem:v20+s12+$0x0], $0xffff  }
0x127: {  	v6 =	vadd.f32 v6, v30;
	v8 =	vmul.f32 v23, v8;
	v23 =	vnsel vm0, $0x3E, v5;
	v14 =	vld.idx.msk [tilespmem:v14+s12+$0x0], $0xffff  }
0x128: {  	v21 =	vmul.f32 v25, v21;
	v5 =	vand.u32 $0xFFFFFF80, v23;
	v25 =	vadd.s32 $0x1, v23;
	v16 =	vld.idx.msk [tilespmem:v16+s12+$0x0], $0xffff  }
0x129: {  	[tilespmem:v22+s18+$0x0] =	vst.idx.msk $0xffff, v6;
	v6 =	vand.u32 $0x7F, v23;
	v22 =	vadd.s32 v12, v5;
	v27 =	vand.u32 $0xFFFFFF80, v25;
	v19 =	vld.idx.msk [tilespmem:v19+s12+$0x0], $0xffff  }
0x12a: {  	v5 =	vld [tilespmem:s30+$0xFFFFFF10];
	v6 =	vor.u32 v6, v22;
	v22 =	vand.u32 $0x7F, v25;
	v12 =	vadd.s32 v12, v27  }
0x12b: {  	v7 =	vadd.f32 v8, v7;
	v9 =	vadd.f32 v21, v9;
	v21 =	vor.u32 v22, v12  }
0x12c: {  	v8 =	vmov s31;
	v22 =	vor.u32 s22, v1;
	s22 =	smov.u32 s26;
	s26 =	smov.u32 s31  }
0x12d: {  	v25 =	vor.u32 s23, v1;
	v27 =	vor.u32 s24, v1;
	s23 =	smov.u32 s28;
	s28 =	sadd.s32 $0x1, s31;
	s24 =	smov.u32 s29;
	v10 =	vsub.f32 v10, v14;
	[tilespmem:v17+s18+$0x0] =	vst.idx.msk $0xffff, v7  }
0x12e: {  	v28 =	vmov s28;
	v7 =	vshll.u32 v8, $0x7;
	v8 =	vld [tilespmem:s30+$0xFFFFFF90];
	[tilespmem:v24+s18+$0x0] =	vst.idx.msk $0xffff, v9;
	v9 =	vsub.f32 v13, v16  }
0x12f: {  	s29 =	sadd.s32 $0x2, s31;
	v11 =	vmul.f32 v11, v10;
	v20 =	vsub.f32 v20, v19;
	v13 =	vtrunc.f32 v5;
	v12 =	vld.idx.msk [tilespmem:v6+s12+$0x0], $0xffff  }
0x130: {  	v24 =	vmov s29;
	v13 =	vcvt.f32.s32 v13;
	v17 =	vld.idx.msk [tilespmem:v21+s12+$0x0], $0xffff;
	v21 =	vmul.f32 v26, v9  }
.Ltmp1:
0x131: {  	v10 =	vshll.u32 v28, $0x7;
	v14 =	vadd.f32 v11, v14;
	v18 =	vmul.f32 v18, v20;
	v6 =	vld [tilespmem:s30+$0x10];
	(pc) =	sbr.rel @p0 .LBB2_4-.Ltmp1, $4  }
0x132: {  	v9 =	vshll.u32 v24, $0x7;
	vm0 =	vlt.s32 v13, $0x3E;
	v16 =	vadd.f32 v21, v16  }
0x133: {  	v21 =	vadd.f32 v18, v19;
	v11 =	vnsel vm0, $0x3E, v13;
	v13 =	vtrunc.f32 v8;
	[tilespmem:v22+s18+$0x0] =	vst.idx.msk $0xffff, v14  }
0x134: {  	v20 =	vcvt.s32.f32 v23;
	s30 =	sadd.s32 $0x200, s30;
	v22 =	vadd.s32 $0x1, v11;
	v18 =	vcvt.f32.s32 v13;
	[tilespmem:v25+s18+$0x0] =	vst.idx.msk $0xffff, v16  }
0x135: {  	s31 =	sadd.s32 $0x4, s31;
	v14 =	vand.u32 $0xFFFFFF80, v11;
	v16 =	vld [tilespmem:s30+$0x80];
	v19 =	vand.u32 $0xFFFFFF80, v22;
	v13 =	vand.u32 $0x7F, v22;
	[tilespmem:v27+s18+$0x0] =	vst.idx.msk $0xffff, v21  }
0x136: {  	v21 =	vld [tilespmem:s30+$0xFFFFFF00];
	v22 =	vtrunc.f32 v6;
	v15 =	vsub.f32 v15, v20  }
0x137: {  	v23 =	vld [tilespmem:s30+$0xFFFFFF80];
	v17 =	vsub.f32 v17, v12;
	vm0 =	vlt.s32 v18, $0x3E;
	v19 =	vadd.s32 v2, v19  }
0x138: {  	s31 =	sadd.s32 $0x3, s26;
	v2 =	vadd.s32 v2, v14;
	v48 =	vor.u32 s28, v0;
	v20 =	vcvt.f32.s32 v22;
	v22 =	vld [tilespmem:s30+$0x0]  }
0x139: {  	v18 =	vnsel vm0, $0x3E, v18;
	v27 =	vmov s31;
	v63 =	vor.u32 s31, v0  }
0x13a: {  	v13 =	vor.u32 v13, v19;
	v15 =	vmul.f32 v15, v17;
	v24 =	vtrunc.f32 v16  }
0x13b: {  	v19 =	vor.u32 s29, v0;
	v17 =	vcvt.f32.s32 v24;
	v25 =	vtrunc.f32 v21  }
0x13c: {  	v51 =	vand.u32 $0xFFFFFF80, v18;
	v26 =	vtrunc.f32 v23;
	v25 =	vcvt.f32.s32 v25  }
0x13d: {  	v26 =	vcvt.f32.s32 v26;
	v28 =	vtrunc.f32 v22;
	vm1 =	vlt.s32 v17, $0x3E  }
0x13e: {  	v27 =	vshll.u32 v27, $0x7;
	v28 =	vcvt.f32.s32 v28;
	v17 =	vnsel vm1, $0x3E, v17  }
0x13f: {  	vm15 =	vlt.s32 v25, $0x3E;
	vm4 =	vlt.s32 v26, $0x3E;
	v29 =	vand.u32 $0xFFFFFF80, v17  }
0x140: {  	v30 =	vadd.s32 $0x1, v17;
	v31 =	vand.u32 $0x7F, v17;
	v25 =	vnsel vm15, $0x3E, v25  }
0x141: {  	v26 =	vnsel vm4, $0x3E, v26;
	v29 =	vadd.s32 v27, v29;
	v32 =	vand.u32 $0xFFFFFF80, v30  }
0x142: {  	v30 =	vand.u32 $0x7F, v30;
	v29 =	vor.u32 v31, v29;
	v52 =	vadd.s32 v27, v32  }
0x143: {  	v53 =	vadd.s32 $0x1, v25;
	v36 =	vand.u32 $0xFFFFFF80, v25;
	v30 =	vor.u32 v30, v52  }
0x144: {  	v40 =	vand.u32 $0x7F, v25;
	v33 =	vand.u32 $0xFFFFFF80, v53;
	v36 =	vadd.s32 v7, v36  }
0x145: {  	v31 =	vand.u32 $0x7F, v53;
	v33 =	vadd.s32 v7, v33;
	v36 =	vor.u32 v40, v36  }
0x146: {  	vm5 =	vlt.s32 v28, $0x3E;
	v17 =	vcvt.s32.f32 v17;
	v31 =	vor.u32 v31, v33  }
0x147: {  	v54 =	vadd.s32 $0x1, v26;
	v28 =	vnsel vm5, $0x3E, v28;
	v37 =	vand.u32 $0xFFFFFF80, v26;
	v29 =	vld.idx.msk [tilespmem:v29+s12+$0x0], $0xffff  }
0x148: {  	v57 =	vand.u32 $0x7F, v26;
	v34 =	vand.u32 $0xFFFFFF80, v54;
	v35 =	vadd.s32 $0x1, v28;
	v30 =	vld.idx.msk [tilespmem:v30+s12+$0x0], $0xffff  }
0x149: {  	v39 =	vand.u32 $0xFFFFFF80, v28;
	v32 =	vand.u32 $0x7F, v54;
	v37 =	vadd.s32 v10, v37  }
0x14a: {  	v58 =	vand.u32 $0x7F, v28;
	v34 =	vadd.s32 v10, v34;
	v37 =	vor.u32 v57, v37;
	v61 =	vld.idx.msk [tilespmem:v36+s12+$0x0], $0xffff  }
0x14b: {  	v38 =	vand.u32 $0xFFFFFF80, v35;
	v56 =	vadd.s32 v9, v39;
	v32 =	vor.u32 v32, v34;
	v31 =	vld.idx.msk [tilespmem:v31+s12+$0x0], $0xffff  }
0x14c: {  	v35 =	vand.u32 $0x7F, v35;
	v55 =	vadd.s32 v9, v38;
	v34 =	vor.u32 v58, v56  }
0x14d: {  	v16 =	vsub.f32 v16, v17;
	v33 =	vor.u32 v35, v55;
	v17 =	vsub.f32 v30, v29  }
0x14e: {  	v59 =	vadd.s32 $0x1, v18;
	v49 =	vand.u32 $0x7F, v18;
	v25 =	vcvt.s32.f32 v25  }
0x14f: {  	v18 =	vcvt.s32.f32 v18;
	vm14 =	vlt.s32 v20, $0x3E;
	v37 =	vld.idx.msk [tilespmem:v37+s12+$0x0], $0xffff;
	v16 =	vmul.f32 v16, v17  }
0x150: {  	v62 =	vand.u32 $0xFFFFFF80, v59;
	v21 =	vsub.f32 v21, v25;
	v32 =	vld.idx.msk [tilespmem:v32+s12+$0x0], $0xffff;
	v14 =	vsub.f32 v31, v61  }
0x151: {  	v44 =	vand.u32 $0x7F, v59;
	v20 =	vnsel vm14, $0x3E, v20;
	v43 =	vld.idx.msk [tilespmem:v34+s12+$0x0], $0xffff;
	v16 =	vadd.f32 v16, v29  }
0x152: {  	v42 =	vadd.s32 v4, v62;
	v33 =	vld.idx.msk [tilespmem:v33+s12+$0x0], $0xffff;
	v14 =	vmul.f32 v21, v14;
	v21 =	vand.u32 $0x7F, v11  }
0x153: {  	v26 =	vcvt.s32.f32 v26;
	v2 =	vor.u32 v21, v2;
	[tilespmem:v63+s18+$0x0] =	vst.idx.msk $0xffff, v16;
	v16 =	vor.u32 s26, v0  }
0x154: {  	v4 =	vadd.s32 v4, v51;
	v8 =	vsub.f32 v8, v18;
	v60 =	vadd.s32 $0x1, v20;
	v46 =	vld [tilespmem:s30+$0x90]  }
0x155: {  	v40 =	vcvt.s32.f32 v28;
	v23 =	vsub.f32 v23, v26;
	v47 =	vsub.f32 v32, v37  }
0x156: {  	v41 =	vand.u32 $0xFFFFFF80, v20;
	v24 =	vor.u32 v44, v42;
	v14 =	vadd.f32 v14, v61  }
0x157: {  	v13 =	vld.idx.msk [tilespmem:v13+s12+$0x0], $0xffff;
	v22 =	vsub.f32 v22, v40;
	v33 =	vsub.f32 v33, v43;
	v23 =	vmul.f32 v23, v47  }
0x158: {  	v4 =	vor.u32 v49, v4;
	v45 =	vand.u32 $0x7F, v60;
	v17 =	vand.u32 $0xFFFFFF80, v60;
	v2 =	vld.idx.msk [tilespmem:v2+s12+$0x0], $0xffff;
	[tilespmem:v16+s18+$0x0] =	vst.idx.msk $0xffff, v14  }
0x159: {  	v22 =	vmul.f32 v22, v33;
	v23 =	vadd.f32 v23, v37;
	v16 =	vtrunc.f32 v46;
	v50 =	vld [tilespmem:s30+$0xFFFFFF10]  }
0x15a: {  	v17 =	vadd.s32 v3, v17;
	v3 =	vadd.s32 v3, v41;
	v16 =	vcvt.f32.s32 v16  }
0x15b: {  	v11 =	vcvt.s32.f32 v11;
	v21 =	vadd.f32 v22, v43;
	[tilespmem:v48+s18+$0x0] =	vst.idx.msk $0xffff, v23;
	v14 =	vand.u32 $0x7F, v20  }
0x15c: {  	v17 =	vor.u32 v45, v17;
	v3 =	vor.u32 v14, v3;
	v14 =	vld [tilespmem:s30+$0xFFFFFF90];
	vm6 =	vlt.s32 v16, $0x3E  }
0x15d: {  	v5 =	vsub.f32 v5, v11;
	[tilespmem:v19+s18+$0x0] =	vst.idx.msk $0xffff, v21;
	v19 =	vcvt.s32.f32 v20;
	v11 =	vnsel vm6, $0x3E, v16  }
0x15e: {  	v13 =	vsub.f32 v13, v2;
	v16 =	vld [tilespmem:s30+$0x10];
	v20 =	vand.u32 $0xFFFFFF80, v11;
	v22 =	vtrunc.f32 v50  }
0x15f: {  	v21 =	vadd.s32 $0x1, v11;
	v23 =	vand.u32 $0x7F, v11;
	v22 =	vcvt.f32.s32 v22  }
0x160: {  	v20 =	vadd.s32 v27, v20;
	v18 =	vand.u32 $0xFFFFFF80, v21;
	v21 =	vand.u32 $0x7F, v21  }
0x161: {  	v20 =	vor.u32 v23, v20;
	v23 =	vtrunc.f32 v14;
	vm7 =	vlt.s32 v22, $0x3E  }
0x162: {  	v18 =	vadd.s32 v27, v18;
	v23 =	vcvt.f32.s32 v23;
	v22 =	vnsel vm7, $0x3E, v22  }
0x163: {  	v18 =	vor.u32 v21, v18;
	v51 =	vtrunc.f32 v16;
	v52 =	vadd.s32 $0x1, v22  }
0x164: {  	v25 =	vcvt.f32.s32 v51;
	v21 =	vand.u32 $0xFFFFFF80, v22;
	vm8 =	vlt.s32 v23, $0x3E  }
0x165: {  	v53 =	vand.u32 $0xFFFFFF80, v52;
	v27 =	vand.u32 $0x7F, v52;
	v23 =	vnsel vm8, $0x3E, v23  }
0x166: {  	vm9 =	vlt.s32 v25, $0x3E;
	v28 =	vadd.s32 v7, v53;
	v54 =	vand.u32 $0xFFFFFF80, v23  }
0x167: {  	v24 =	vld.idx.msk [tilespmem:v24+s12+$0x0], $0xffff;
	v55 =	vadd.s32 $0x1, v23;
	v7 =	vadd.s32 v7, v21;
	v21 =	vand.u32 $0x7F, v22  }
0x168: {  	v4 =	vld.idx.msk [tilespmem:v4+s12+$0x0], $0xffff;
	v61 =	vand.u32 $0x7F, v23;
	v25 =	vnsel vm9, $0x3E, v25;
	v57 =	vand.u32 $0xFFFFFF80, v55  }
0x169: {  	v17 =	vld.idx.msk [tilespmem:v17+s12+$0x0], $0xffff;
	v30 =	vand.u32 $0x7F, v55;
	v27 =	vor.u32 v27, v28;
	v7 =	vor.u32 v21, v7  }
0x16a: {  	v3 =	vld.idx.msk [tilespmem:v3+s12+$0x0], $0xffff;
	v56 =	vadd.s32 $0x1, v25;
	v59 =	vand.u32 $0xFFFFFF80, v25;
	v33 =	vadd.s32 v10, v57  }
0x16b: {  	v10 =	vadd.s32 v10, v54;
	v58 =	vand.u32 $0xFFFFFF80, v56;
	v30 =	vor.u32 v30, v33  }
0x16c: {  	v20 =	vld.idx.msk [tilespmem:v20+s12+$0x0], $0xffff;
	v32 =	vand.u32 $0x7F, v56;
	v10 =	vor.u32 v61, v10;
	v60 =	vadd.s32 v9, v58  }
0x16d: {  	v18 =	vld.idx.msk [tilespmem:v18+s12+$0x0], $0xffff;
	v21 =	vand.u32 $0x7F, v25;
	v9 =	vadd.s32 v9, v59;
	v28 =	vor.u32 v32, v60  }
0x16e: {  	v24 =	vsub.f32 v24, v4;
	v6 =	vsub.f32 v6, v19;
	v9 =	vor.u32 v21, v9;
	v19 =	vld.idx.msk [tilespmem:v27+s12+$0x0], $0xffff  }
0x16f: {  	v5 =	vmul.f32 v5, v13;
	v17 =	vsub.f32 v17, v3;
	v7 =	vld.idx.msk [tilespmem:v7+s12+$0x0], $0xffff  }
0x170: {  	v12 =	vadd.f32 v15, v12;
	v15 =	vor.u32 s22, v1;
	v8 =	vmul.f32 v8, v24;
	v62 =	vld.idx.msk [tilespmem:v30+s12+$0x0], $0xffff  }
0x171: {  	v2 =	vadd.f32 v5, v2;
	v5 =	vcvt.s32.f32 v11;
	v6 =	vmul.f32 v6, v17;
	v10 =	vld.idx.msk [tilespmem:v10+s12+$0x0], $0xffff  }
0x172: {  	v4 =	vadd.f32 v8, v4;
	v63 =	vor.u32 s23, v1;
	v21 =	vor.u32 s25, v1;
	v13 =	vld.idx.msk [tilespmem:v28+s12+$0x0], $0xffff  }
0x173: {  	v5 =	vsub.f32 v46, v5;
	v3 =	vadd.f32 v6, v3;
	v6 =	vcvt.s32.f32 v22;
	v8 =	vld.idx.msk [tilespmem:v9+s12+$0x0], $0xffff  }
0x174: {  	v17 =	vor.u32 s24, v1;
	v11 =	vcvt.s32.f32 v23;
	v9 =	vsub.f32 v18, v20  }
0x175: {  	v22 =	vcvt.s32.f32 v25;
	v6 =	vsub.f32 v50, v6;
	v18 =	vor.u32 s31, v1  }
0x176: {  	v5 =	vmul.f32 v5, v9;
	v9 =	vsub.f32 v14, v11;
	v11 =	vsub.f32 v19, v7  }
0x177: {  	[tilespmem:v21+s18+$0x0] =	vst.idx.msk $0xffff, v12;
	v12 =	vsub.f32 v16, v22;
	v14 =	vor.u32 s26, v1;
	v16 =	vsub.f32 v62, v10  }
0x178: {  	[tilespmem:v15+s18+$0x0] =	vst.idx.msk $0xffff, v2;
	v2 =	vor.u32 s28, v1;
	v6 =	vmul.f32 v6, v11;
	v11 =	vsub.f32 v13, v8  }
0x179: {  	[tilespmem:v63+s18+$0x0] =	vst.idx.msk $0xffff, v4;
	v4 =	vadd.f32 v5, v20;
	v5 =	vor.u32 s29, v1;
	v9 =	vmul.f32 v9, v16  }
0x17a: {  	[tilespmem:v17+s18+$0x0] =	vst.idx.msk $0xffff, v3;
	v3 =	vadd.f32 v6, v7;
	v6 =	vmul.f32 v12, v11  }
0x17b: {  	[tilespmem:v18+s18+$0x0] =	vst.idx.msk $0xffff, v4;
	v4 =	vadd.f32 v9, v10  }
0x17c: {  	[tilespmem:v14+s18+$0x0] =	vst.idx.msk $0xffff, v3;
	v3 =	vadd.f32 v6, v8  }
0x17d: {  	[tilespmem:v2+s18+$0x0] =	vst.idx.msk $0xffff, v4  }
0x17e: {  	[tilespmem:v5+s18+$0x0] =	vst.idx.msk $0xffff, v3  }
0x17f: {  	[hbm4b:s7+s15] =	stream.strided.scatter [tilespmem:s18], [sflag:$0x4], $0x1000, s16, s15, $0x38;
	[tilespmem:$0xA000] =	vst v63  }
0x180: {  	s22 =	simm.s32 $0x0  }
0x181: {  	[tilespmem:s12], [sflag:$0x2] =	stream.linear.gather [hbm4b:s8+s22], $0x4000, $0x38;
	[tilespmem:$0xA000] =	vst v63  }
0x182: {  	_ =	swait.ge [sflag:s13], $0x4000  }
0x183: {  	[sflag:s13] =	ssyncset.done $0x0  }
0x184: {  	[sflag:s13] =	ssyncadd.s32 $0xFFFFC000  }
0x185: {  	_ =	swait.ge [sflag:s19], $0x1000  }
0x186: {  	[sflag:s19] =	ssyncset.done $0x0  }
0x187: {  	s30 =	simm.s32 $0x140;
	[sflag:s19] =	ssyncadd.s32 $0xFFFFF000  }
0x188: {  	v5 =	vld [tilespmem:s30+$0x80];
	_ =	sdelay $0x3  }
0x189: {  	v6 =	vld [tilespmem:s30+$0xFFFFFF00]  }
0x18a: {  	v8 =	vld [tilespmem:s30+$0x0];
	v2 =	vtrunc.f32 v5  }
0x18b: {  	v3 =	vcvt.f32.s32 v2  }
0x18c: {  	s24 =	simm.s32 $0x2;
	s25 =	simm.s32 $0x3  }
0x18d: {  	v16 =	vmov s24;
	v9 =	vmov s25;
	vm10 =	vlt.s32 v3, $0x3E  }
0x18e: {  	v9 =	vshll.u32 v9, $0x7;
	v7 =	vld [tilespmem:s30+$0xFFFFFF80];
	v4 =	vtrunc.f32 v6;
	v10 =	vnsel vm10, $0x3E, v3  }
0x18f: {  	v15 =	vtrunc.f32 v8;
	v3 =	vand.u32 $0xFFFFFF80, v10;
	v11 =	vadd.s32 $0x1, v10  }
0x190: {  	v12 =	vand.u32 $0x7F, v10;
	v3 =	vadd.s32 v9, v3;
	v13 =	vand.u32 $0xFFFFFF80, v11  }
0x191: {  	v12 =	vor.u32 v12, v3;
	v3 =	vand.u32 $0x7F, v11;
	v11 =	vadd.s32 v9, v13  }
0x192: {  	v15 =	vcvt.f32.s32 v15;
	v10 =	vcvt.s32.f32 v10;
	v11 =	vor.u32 v3, v11  }
0x193: {  	v2 =	vmov s22;
	v13 =	vcvt.f32.s32 v4;
	v4 =	vtrunc.f32 v7  }
0x194: {  	s23 =	simm.s32 $0x1;
	v2 =	vshll.u32 v2, $0x7;
	vm13 =	vlt.s32 v15, $0x3E;
	v14 =	vcvt.f32.s32 v4  }
0x195: {  	v18 =	vnsel vm13, $0x3E, v15;
	v5 =	vsub.f32 v5, v10;
	v3 =	vmov s23  }
0x196: {  	v4 =	vshll.u32 v3, $0x7;
	vm11 =	vlt.s32 v13, $0x3E;
	vm12 =	vlt.s32 v14, $0x3E;
	v12 =	vld.idx.msk [tilespmem:v12+s2+$0x0], $0xffff  }
0x197: {  	v3 =	vshll.u32 v16, $0x7;
	v13 =	vnsel vm11, $0x3E, v13;
	v14 =	vnsel vm12, $0x3E, v14;
	v11 =	vld.idx.msk [tilespmem:v11+s2+$0x0], $0xffff  }
0x198: {  	v16 =	vadd.s32 $0x1, v13;
	v20 =	vand.u32 $0xFFFFFF80, v13;
	v21 =	vand.u32 $0x7F, v13  }
0x199: {  	v17 =	vadd.s32 $0x1, v14;
	v15 =	vand.u32 $0xFFFFFF80, v16;
	v20 =	vadd.s32 v2, v20  }
0x19a: {  	v16 =	vand.u32 $0x7F, v16;
	v19 =	vand.u32 $0xFFFFFF80, v17;
	v15 =	vadd.s32 v2, v15  }
0x19b: {  	v20 =	vor.u32 v21, v20;
	v17 =	vand.u32 $0x7F, v17;
	v15 =	vor.u32 v16, v15  }
0x19c: {  	v21 =	vand.u32 $0x7F, v14;
	v19 =	vadd.s32 v4, v19;
	v10 =	vsub.f32 v11, v12  }
0x19d: {  	v17 =	vor.u32 v17, v19;
	v19 =	vor.u32 s25, v0;
	v11 =	vand.u32 $0xFFFFFF80, v14  }
0x19e: {  	v16 =	vadd.s32 $0x1, v18;
	v11 =	vadd.s32 v4, v11;
	v5 =	vmul.f32 v5, v10  }
0x19f: {  	v22 =	vand.u32 $0xFFFFFF80, v18;
	v10 =	vand.u32 $0xFFFFFF80, v16;
	v11 =	vor.u32 v21, v11  }
0x1a0: {  	v21 =	vld.idx.msk [tilespmem:v15+s2+$0x0], $0xffff;
	v15 =	vand.u32 $0x7F, v16;
	v10 =	vadd.s32 v3, v10;
	v5 =	vadd.f32 v5, v12  }
0x1a1: {  	v16 =	vadd.s32 v3, v22;
	v12 =	vld.idx.msk [tilespmem:v20+s2+$0x0], $0xffff;
	v20 =	vand.u32 $0x7F, v18;
	v10 =	vor.u32 v15, v10  }
0x1a2: {  	v17 =	vld.idx.msk [tilespmem:v17+s2+$0x0], $0xffff;
	v16 =	vor.u32 v20, v16;
	[tilespmem:v19+s14+$0x0] =	vst.idx.msk $0xffff, v5  }
0x1a3: {  	v15 =	vld [tilespmem:s30+$0x90]  }
0x1a4: {  	v5 =	vcvt.s32.f32 v13;
	v11 =	vld.idx.msk [tilespmem:v11+s2+$0x0], $0xffff;
	_ =	sdelay $0x1  }
0x1a5: {  	v13 =	vcvt.s32.f32 v14;
	v5 =	vsub.f32 v6, v5;
	v6 =	vsub.f32 v21, v12;
	v10 =	vld.idx.msk [tilespmem:v10+s2+$0x0], $0xffff  }
0x1a6: {  	v16 =	vld.idx.msk [tilespmem:v16+s2+$0x0], $0xffff  }
0x1a7: {  	v5 =	vmul.f32 v5, v6;
	v6 =	vsub.f32 v7, v13;
	v7 =	vtrunc.f32 v15  }
0x1a8: {  	v14 =	vor.u32 s22, v0;
	v13 =	vsub.f32 v17, v11;
	v7 =	vcvt.f32.s32 v7  }
0x1a9: {  	v5 =	vadd.f32 v5, v12;
	v12 =	vcvt.s32.f32 v18  }
0x1aa: {  	v17 =	vor.u32 s23, v0;
	v6 =	vmul.f32 v6, v13;
	vm14 =	vlt.s32 v7, $0x3E  }
0x1ab: {  	v12 =	vsub.f32 v8, v12;
	v10 =	vsub.f32 v10, v16;
	v13 =	vnsel vm14, $0x3E, v7  }
0x1ac: {  	v6 =	vadd.f32 v6, v11;
	v7 =	vand.u32 $0xFFFFFF80, v13;
	v8 =	vadd.s32 $0x1, v13  }
0x1ad: {  	[tilespmem:v14+s14+$0x0] =	vst.idx.msk $0xffff, v5;
	v11 =	vand.u32 $0x7F, v13;
	v7 =	vadd.s32 v9, v7;
	v14 =	vand.u32 $0xFFFFFF80, v8  }
0x1ae: {  	v5 =	vld [tilespmem:s30+$0xFFFFFF10];
	v11 =	vor.u32 v11, v7;
	v7 =	vand.u32 $0x7F, v8;
	v8 =	vadd.s32 v9, v14  }
0x1af: {  	[tilespmem:v17+s14+$0x0] =	vst.idx.msk $0xffff, v6;
	v6 =	vor.u32 s24, v0;
	v9 =	vor.u32 v7, v8  }
0x1b0: {  	v7 =	vmul.f32 v12, v10  }
0x1b1: {  	s26 =	simm.s32 $0x4  }
0x1b2: {  	v8 =	vld [tilespmem:s30+$0xFFFFFF90];
	v12 =	vmov s26;
	v16 =	vadd.f32 v7, v16  }
0x1b3: {  	v10 =	vtrunc.f32 v5;
	v7 =	vshll.u32 v12, $0x7;
	v12 =	vld.idx.msk [tilespmem:v11+s2+$0x0], $0xffff  }
0x1b4: {  	v14 =	vcvt.f32.s32 v10;
	[tilespmem:v6+s14+$0x0] =	vst.idx.msk $0xffff, v16;
	v17 =	vld.idx.msk [tilespmem:v9+s2+$0x0], $0xffff  }
0x1b5: {  	s28 =	simm.s32 $0x5;
	s29 =	simm.s32 $0x6;
	v20 =	vcvt.s32.f32 v13;
	v6 =	vld [tilespmem:s30+$0x10]  }
0x1b6: {  	v10 =	vmov s28;
	v11 =	vmov s29;
	vm15 =	vlt.s32 v14, $0x3E  }
0x1b7: {  	v9 =	vshll.u32 v11, $0x7;
	v11 =	vnsel vm15, $0x3E, v14;
	v14 =	vtrunc.f32 v8  }
0x1b8: {  	v10 =	vshll.u32 v10, $0x7;
	s30 =	simm.s32 $0x340;
	v21 =	vadd.s32 $0x1, v11;
	v18 =	vcvt.f32.s32 v14  }
0x1b9: {  	s31 =	simm.s32 $0x8;
	v16 =	vld [tilespmem:s30+$0x80];
	v14 =	vand.u32 $0xFFFFFF80, v11;
	v19 =	vand.u32 $0xFFFFFF80, v21;
	v13 =	vand.u32 $0x7F, v21  }
.LBB2_6:
0x1ba: {  	p0 =	slt.u32 s31, $0x7C;
	v21 =	vld [tilespmem:s30+$0xFFFFFF00];
	v22 =	vtrunc.f32 v6;
	v15 =	vsub.f32 v15, v20;
	v20 =	vsub.f32 v17, v12  }
0x1bb: {  	vm0 =	vlt.s32 v18, $0x3E;
	v24 =	vor.u32 s25, v1;
	v23 =	vld [tilespmem:s30+$0xFFFFFF80];
	v22 =	vcvt.f32.s32 v22  }
0x1bc: {  	v19 =	vadd.s32 v2, v19;
	v17 =	vnsel vm0, $0x3E, v18;
	v25 =	vld [tilespmem:s30+$0x0];
	v15 =	vmul.f32 v15, v20  }
0x1bd: {  	v20 =	vand.u32 $0xFFFFFF80, v17;
	v26 =	vadd.s32 $0x1, v17;
	vm0 =	vlt.s32 v22, $0x3E  }
0x1be: {  	v27 =	vtrunc.f32 v16;
	v18 =	vnsel vm0, $0x3E, v22;
	v12 =	vadd.f32 v15, v12  }
0x1bf: {  	v15 =	vtrunc.f32 v21;
	v22 =	vcvt.f32.s32 v27;
	v27 =	vadd.s32 $0x1, v18  }
0x1c0: {  	v29 =	vand.u32 $0xFFFFFF80, v26;
	v15 =	vcvt.f32.s32 v15;
	v28 =	vtrunc.f32 v23;
	[tilespmem:v24+s14+$0x0] =	vst.idx.msk $0xffff, v12  }
0x1c1: {  	s25 =	sadd.s32 $0x3, s26;
	v24 =	vcvt.f32.s32 v28;
	v12 =	vtrunc.f32 v25;
	vm0 =	vlt.s32 v22, $0x3E  }
0x1c2: {  	v28 =	vcvt.f32.s32 v12;
	v12 =	vmov s25;
	v22 =	vnsel vm0, $0x3E, v22  }
0x1c3: {  	v30 =	vand.u32 $0xFFFFFF80, v22;
	v12 =	vshll.u32 v12, $0x7;
	v31 =	vadd.s32 $0x1, v22  }
0x1c4: {  	v32 =	vand.u32 $0x7F, v22;
	v30 =	vadd.s32 v12, v30;
	v33 =	vand.u32 $0xFFFFFF80, v31  }
0x1c5: {  	v31 =	vand.u32 $0x7F, v31;
	v30 =	vor.u32 v32, v30;
	v32 =	vadd.s32 v12, v33  }
0x1c6: {  	vm0 =	vlt.s32 v15, $0x3E;
	vm1 =	vlt.s32 v24, $0x3E;
	v31 =	vor.u32 v31, v32  }
0x1c7: {  	v15 =	vnsel vm0, $0x3E, v15;
	v24 =	vnsel vm1, $0x3E, v24;
	vm0 =	vlt.s32 v28, $0x3E  }
0x1c8: {  	v33 =	vadd.s32 $0x1, v24;
	v28 =	vnsel vm0, $0x3E, v28;
	v32 =	vadd.s32 $0x1, v15  }
0x1c9: {  	v35 =	vand.u32 $0xFFFFFF80, v33;
	v36 =	vadd.s32 $0x1, v28;
	v34 =	vand.u32 $0xFFFFFF80, v32  }
0x1ca: {  	v37 =	vand.u32 $0xFFFFFF80, v15;
	v38 =	vand.u32 $0xFFFFFF80, v24;
	v39 =	vand.u32 $0xFFFFFF80, v36;
	v30 =	vld.idx.msk [tilespmem:v30+s2+$0x0], $0xffff  }
0x1cb: {  	v40 =	vand.u32 $0xFFFFFF80, v28;
	v35 =	vadd.s32 v10, v35;
	v34 =	vadd.s32 v7, v34;
	v31 =	vld.idx.msk [tilespmem:v31+s2+$0x0], $0xffff  }
0x1cc: {  	v37 =	vadd.s32 v7, v37;
	v32 =	vand.u32 $0x7F, v32;
	v39 =	vadd.s32 v9, v39  }
0x1cd: {  	v38 =	vadd.s32 v10, v38;
	v33 =	vand.u32 $0x7F, v33;
	v40 =	vadd.s32 v9, v40  }
0x1ce: {  	v41 =	vand.u32 $0x7F, v15;
	v42 =	vand.u32 $0x7F, v24;
	v36 =	vand.u32 $0x7F, v36  }
0x1cf: {  	v22 =	vcvt.s32.f32 v22;
	v32 =	vor.u32 v32, v34;
	v34 =	vand.u32 $0x7F, v28  }
0x1d0: {  	v37 =	vor.u32 v41, v37;
	v33 =	vor.u32 v33, v35;
	v35 =	vor.u32 v36, v39  }
0x1d1: {  	v16 =	vsub.f32 v16, v22;
	v36 =	vor.u32 v42, v38;
	v22 =	vsub.f32 v31, v30  }
0x1d2: {  	v15 =	vcvt.s32.f32 v15;
	v31 =	vor.u32 v34, v40;
	v34 =	vor.u32 s25, v0  }
0x1d3: {  	v24 =	vcvt.s32.f32 v24;
	v16 =	vmul.f32 v16, v22;
	v22 =	vand.u32 $0xFFFFFF80, v27  }
0x1d4: {  	v21 =	vsub.f32 v21, v15;
	v15 =	vcvt.s32.f32 v28;
	v28 =	vand.u32 $0xFFFFFF80, v18;
	v32 =	vld.idx.msk [tilespmem:v32+s2+$0x0], $0xffff  }
0x1d5: {  	v23 =	vsub.f32 v23, v24;
	v24 =	vadd.s32 v4, v29;
	v16 =	vadd.f32 v16, v30;
	v33 =	vld.idx.msk [tilespmem:v33+s2+$0x0], $0xffff  }
0x1d6: {  	v14 =	vadd.s32 v2, v14;
	v25 =	vsub.f32 v25, v15;
	v22 =	vadd.s32 v3, v22;
	v29 =	vld.idx.msk [tilespmem:v35+s2+$0x0], $0xffff  }
0x1d7: {  	v30 =	vld.idx.msk [tilespmem:v37+s2+$0x0], $0xffff;
	[tilespmem:v34+s14+$0x0] =	vst.idx.msk $0xffff, v16;
	v16 =	vadd.s32 v4, v20;
	v20 =	vand.u32 $0x7F, v26;
	v26 =	vand.u32 $0x7F, v27  }
0x1d8: {  	v2 =	vmovc v7;
	v28 =	vadd.s32 v3, v28;
	v27 =	vand.u32 $0x7F, v11;
	v34 =	vand.u32 $0x7F, v17;
	v4 =	vmovc v10;
	v15 =	vld [tilespmem:s30+$0x90]  }
0x1d9: {  	v3 =	vmovc v9;
	v10 =	vor.u32 v13, v19;
	v19 =	vand.u32 $0x7F, v18;
	v13 =	vor.u32 v20, v24;
	v7 =	vld.idx.msk [tilespmem:v36+s2+$0x0], $0xffff  }
0x1da: {  	v14 =	vor.u32 v27, v14;
	v16 =	vor.u32 v34, v16;
	v20 =	vor.u32 v26, v22;
	v9 =	vld.idx.msk [tilespmem:v31+s2+$0x0], $0xffff  }
0x1db: {  	v11 =	vcvt.s32.f32 v11;
	v17 =	vcvt.s32.f32 v17;
	v19 =	vor.u32 v19, v28  }
0x1dc: {  	v18 =	vcvt.s32.f32 v18;
	v22 =	vor.u32 s26, v0  }
0x1dd: {  	v11 =	vsub.f32 v5, v11;
	v24 =	vsub.f32 v32, v30;
	v26 =	vtrunc.f32 v15  }
0x1de: {  	v18 =	vsub.f32 v6, v18;
	v5 =	vcvt.f32.s32 v26;
	v10 =	vld.idx.msk [tilespmem:v10+s2+$0x0], $0xffff;
	v26 =	vsub.f32 v8, v17  }
0x1df: {  	v6 =	vmul.f32 v21, v24;
	v8 =	vsub.f32 v33, v7;
	v17 =	vor.u32 s28, v0;
	v13 =	vld.idx.msk [tilespmem:v13+s2+$0x0], $0xffff  }
0x1e0: {  	v24 =	vor.u32 s29, v0;
	v21 =	vsub.f32 v29, v9;
	vm0 =	vlt.s32 v5, $0x3E;
	v20 =	vld.idx.msk [tilespmem:v20+s2+$0x0], $0xffff  }
0x1e1: {  	v6 =	vadd.f32 v6, v30;
	v8 =	vmul.f32 v23, v8;
	v23 =	vnsel vm0, $0x3E, v5;
	v14 =	vld.idx.msk [tilespmem:v14+s2+$0x0], $0xffff  }
0x1e2: {  	v21 =	vmul.f32 v25, v21;
	v5 =	vand.u32 $0xFFFFFF80, v23;
	v25 =	vadd.s32 $0x1, v23;
	v16 =	vld.idx.msk [tilespmem:v16+s2+$0x0], $0xffff  }
0x1e3: {  	[tilespmem:v22+s14+$0x0] =	vst.idx.msk $0xffff, v6;
	v6 =	vand.u32 $0x7F, v23;
	v22 =	vadd.s32 v12, v5;
	v27 =	vand.u32 $0xFFFFFF80, v25;
	v19 =	vld.idx.msk [tilespmem:v19+s2+$0x0], $0xffff  }
0x1e4: {  	v5 =	vld [tilespmem:s30+$0xFFFFFF10];
	v6 =	vor.u32 v6, v22;
	v22 =	vand.u32 $0x7F, v25;
	v12 =	vadd.s32 v12, v27  }
0x1e5: {  	v7 =	vadd.f32 v8, v7;
	v9 =	vadd.f32 v21, v9;
	v21 =	vor.u32 v22, v12  }
0x1e6: {  	v8 =	vmov s31;
	v22 =	vor.u32 s22, v1;
	s22 =	smov.u32 s26;
	s26 =	smov.u32 s31  }
0x1e7: {  	v25 =	vor.u32 s23, v1;
	v27 =	vor.u32 s24, v1;
	s23 =	smov.u32 s28;
	s28 =	sadd.s32 $0x1, s31;
	s24 =	smov.u32 s29;
	v10 =	vsub.f32 v10, v14;
	[tilespmem:v17+s14+$0x0] =	vst.idx.msk $0xffff, v7  }
0x1e8: {  	v28 =	vmov s28;
	v7 =	vshll.u32 v8, $0x7;
	v8 =	vld [tilespmem:s30+$0xFFFFFF90];
	[tilespmem:v24+s14+$0x0] =	vst.idx.msk $0xffff, v9;
	v9 =	vsub.f32 v13, v16  }
0x1e9: {  	s29 =	sadd.s32 $0x2, s31;
	v11 =	vmul.f32 v11, v10;
	v20 =	vsub.f32 v20, v19;
	v13 =	vtrunc.f32 v5;
	v12 =	vld.idx.msk [tilespmem:v6+s2+$0x0], $0xffff  }
0x1ea: {  	v24 =	vmov s29;
	v13 =	vcvt.f32.s32 v13;
	v17 =	vld.idx.msk [tilespmem:v21+s2+$0x0], $0xffff;
	v21 =	vmul.f32 v26, v9  }
.Ltmp2:
0x1eb: {  	v10 =	vshll.u32 v28, $0x7;
	v14 =	vadd.f32 v11, v14;
	v18 =	vmul.f32 v18, v20;
	v6 =	vld [tilespmem:s30+$0x10];
	(pc) =	sbr.rel @p0 .LBB2_6-.Ltmp2, $4  }
0x1ec: {  	v9 =	vshll.u32 v24, $0x7;
	vm0 =	vlt.s32 v13, $0x3E;
	v16 =	vadd.f32 v21, v16  }
0x1ed: {  	v21 =	vadd.f32 v18, v19;
	v11 =	vnsel vm0, $0x3E, v13;
	v13 =	vtrunc.f32 v8;
	[tilespmem:v22+s14+$0x0] =	vst.idx.msk $0xffff, v14  }
0x1ee: {  	v20 =	vcvt.s32.f32 v23;
	s30 =	sadd.s32 $0x200, s30;
	v22 =	vadd.s32 $0x1, v11;
	v18 =	vcvt.f32.s32 v13;
	[tilespmem:v25+s14+$0x0] =	vst.idx.msk $0xffff, v16  }
0x1ef: {  	s31 =	sadd.s32 $0x4, s31;
	v14 =	vand.u32 $0xFFFFFF80, v11;
	v16 =	vld [tilespmem:s30+$0x80];
	v19 =	vand.u32 $0xFFFFFF80, v22;
	v13 =	vand.u32 $0x7F, v22;
	[tilespmem:v27+s14+$0x0] =	vst.idx.msk $0xffff, v21  }
0x1f0: {  	v21 =	vld [tilespmem:s30+$0xFFFFFF00];
	v22 =	vtrunc.f32 v6;
	v15 =	vsub.f32 v15, v20  }
0x1f1: {  	v23 =	vld [tilespmem:s30+$0xFFFFFF80];
	v17 =	vsub.f32 v17, v12;
	vm0 =	vlt.s32 v18, $0x3E;
	v19 =	vadd.s32 v2, v19  }
0x1f2: {  	s31 =	sadd.s32 $0x3, s26;
	v2 =	vadd.s32 v2, v14;
	v48 =	vor.u32 s28, v0;
	v20 =	vcvt.f32.s32 v22;
	v22 =	vld [tilespmem:s30+$0x0]  }
0x1f3: {  	v18 =	vnsel vm0, $0x3E, v18;
	v27 =	vmov s31;
	v63 =	vor.u32 s31, v0  }
0x1f4: {  	v13 =	vor.u32 v13, v19;
	v15 =	vmul.f32 v15, v17;
	v24 =	vtrunc.f32 v16  }
0x1f5: {  	v19 =	vor.u32 s29, v0;
	v17 =	vcvt.f32.s32 v24;
	v25 =	vtrunc.f32 v21  }
0x1f6: {  	v51 =	vand.u32 $0xFFFFFF80, v18;
	v26 =	vtrunc.f32 v23;
	v25 =	vcvt.f32.s32 v25  }
0x1f7: {  	v26 =	vcvt.f32.s32 v26;
	v28 =	vtrunc.f32 v22;
	vm1 =	vlt.s32 v17, $0x3E  }
0x1f8: {  	v27 =	vshll.u32 v27, $0x7;
	v28 =	vcvt.f32.s32 v28;
	v17 =	vnsel vm1, $0x3E, v17  }
0x1f9: {  	vm15 =	vlt.s32 v25, $0x3E;
	vm4 =	vlt.s32 v26, $0x3E;
	v29 =	vand.u32 $0xFFFFFF80, v17  }
0x1fa: {  	v30 =	vadd.s32 $0x1, v17;
	v31 =	vand.u32 $0x7F, v17;
	v25 =	vnsel vm15, $0x3E, v25  }
0x1fb: {  	v26 =	vnsel vm4, $0x3E, v26;
	v29 =	vadd.s32 v27, v29;
	v32 =	vand.u32 $0xFFFFFF80, v30  }
0x1fc: {  	v30 =	vand.u32 $0x7F, v30;
	v29 =	vor.u32 v31, v29;
	v52 =	vadd.s32 v27, v32  }
0x1fd: {  	v53 =	vadd.s32 $0x1, v25;
	v36 =	vand.u32 $0xFFFFFF80, v25;
	v30 =	vor.u32 v30, v52  }
0x1fe: {  	v40 =	vand.u32 $0x7F, v25;
	v33 =	vand.u32 $0xFFFFFF80, v53;
	v36 =	vadd.s32 v7, v36  }
0x1ff: {  	v31 =	vand.u32 $0x7F, v53;
	v33 =	vadd.s32 v7, v33;
	v36 =	vor.u32 v40, v36  }
0x200: {  	vm5 =	vlt.s32 v28, $0x3E;
	v17 =	vcvt.s32.f32 v17;
	v31 =	vor.u32 v31, v33  }
0x201: {  	v54 =	vadd.s32 $0x1, v26;
	v28 =	vnsel vm5, $0x3E, v28;
	v37 =	vand.u32 $0xFFFFFF80, v26;
	v29 =	vld.idx.msk [tilespmem:v29+s2+$0x0], $0xffff  }
0x202: {  	v57 =	vand.u32 $0x7F, v26;
	v34 =	vand.u32 $0xFFFFFF80, v54;
	v35 =	vadd.s32 $0x1, v28;
	v30 =	vld.idx.msk [tilespmem:v30+s2+$0x0], $0xffff  }
0x203: {  	v39 =	vand.u32 $0xFFFFFF80, v28;
	v32 =	vand.u32 $0x7F, v54;
	v37 =	vadd.s32 v10, v37  }
0x204: {  	v58 =	vand.u32 $0x7F, v28;
	v34 =	vadd.s32 v10, v34;
	v37 =	vor.u32 v57, v37;
	v61 =	vld.idx.msk [tilespmem:v36+s2+$0x0], $0xffff  }
0x205: {  	v38 =	vand.u32 $0xFFFFFF80, v35;
	v56 =	vadd.s32 v9, v39;
	v32 =	vor.u32 v32, v34;
	v31 =	vld.idx.msk [tilespmem:v31+s2+$0x0], $0xffff  }
0x206: {  	v35 =	vand.u32 $0x7F, v35;
	v55 =	vadd.s32 v9, v38;
	v34 =	vor.u32 v58, v56  }
0x207: {  	v16 =	vsub.f32 v16, v17;
	v33 =	vor.u32 v35, v55;
	v17 =	vsub.f32 v30, v29  }
0x208: {  	v59 =	vadd.s32 $0x1, v18;
	v49 =	vand.u32 $0x7F, v18;
	v25 =	vcvt.s32.f32 v25  }
0x209: {  	v18 =	vcvt.s32.f32 v18;
	vm14 =	vlt.s32 v20, $0x3E;
	v37 =	vld.idx.msk [tilespmem:v37+s2+$0x0], $0xffff;
	v16 =	vmul.f32 v16, v17  }
0x20a: {  	v62 =	vand.u32 $0xFFFFFF80, v59;
	v21 =	vsub.f32 v21, v25;
	v32 =	vld.idx.msk [tilespmem:v32+s2+$0x0], $0xffff;
	v14 =	vsub.f32 v31, v61  }
0x20b: {  	v44 =	vand.u32 $0x7F, v59;
	v20 =	vnsel vm14, $0x3E, v20;
	v43 =	vld.idx.msk [tilespmem:v34+s2+$0x0], $0xffff;
	v16 =	vadd.f32 v16, v29  }
0x20c: {  	v42 =	vadd.s32 v4, v62;
	v33 =	vld.idx.msk [tilespmem:v33+s2+$0x0], $0xffff;
	v14 =	vmul.f32 v21, v14;
	v21 =	vand.u32 $0x7F, v11  }
0x20d: {  	v26 =	vcvt.s32.f32 v26;
	v2 =	vor.u32 v21, v2;
	[tilespmem:v63+s14+$0x0] =	vst.idx.msk $0xffff, v16;
	v16 =	vor.u32 s26, v0  }
0x20e: {  	v4 =	vadd.s32 v4, v51;
	v8 =	vsub.f32 v8, v18;
	v60 =	vadd.s32 $0x1, v20;
	v46 =	vld [tilespmem:s30+$0x90]  }
0x20f: {  	v40 =	vcvt.s32.f32 v28;
	v23 =	vsub.f32 v23, v26;
	v47 =	vsub.f32 v32, v37  }
0x210: {  	v41 =	vand.u32 $0xFFFFFF80, v20;
	v24 =	vor.u32 v44, v42;
	v14 =	vadd.f32 v14, v61  }
0x211: {  	v13 =	vld.idx.msk [tilespmem:v13+s2+$0x0], $0xffff;
	v22 =	vsub.f32 v22, v40;
	v33 =	vsub.f32 v33, v43;
	v23 =	vmul.f32 v23, v47  }
0x212: {  	v4 =	vor.u32 v49, v4;
	v45 =	vand.u32 $0x7F, v60;
	v17 =	vand.u32 $0xFFFFFF80, v60;
	v2 =	vld.idx.msk [tilespmem:v2+s2+$0x0], $0xffff;
	[tilespmem:v16+s14+$0x0] =	vst.idx.msk $0xffff, v14  }
0x213: {  	v22 =	vmul.f32 v22, v33;
	v23 =	vadd.f32 v23, v37;
	v16 =	vtrunc.f32 v46;
	v50 =	vld [tilespmem:s30+$0xFFFFFF10]  }
0x214: {  	v17 =	vadd.s32 v3, v17;
	v3 =	vadd.s32 v3, v41;
	v16 =	vcvt.f32.s32 v16  }
0x215: {  	v11 =	vcvt.s32.f32 v11;
	v21 =	vadd.f32 v22, v43;
	[tilespmem:v48+s14+$0x0] =	vst.idx.msk $0xffff, v23;
	v14 =	vand.u32 $0x7F, v20  }
0x216: {  	v17 =	vor.u32 v45, v17;
	v3 =	vor.u32 v14, v3;
	v14 =	vld [tilespmem:s30+$0xFFFFFF90];
	vm6 =	vlt.s32 v16, $0x3E  }
0x217: {  	v5 =	vsub.f32 v5, v11;
	[tilespmem:v19+s14+$0x0] =	vst.idx.msk $0xffff, v21;
	v19 =	vcvt.s32.f32 v20;
	v11 =	vnsel vm6, $0x3E, v16  }
0x218: {  	v13 =	vsub.f32 v13, v2;
	v16 =	vld [tilespmem:s30+$0x10];
	v20 =	vand.u32 $0xFFFFFF80, v11;
	v22 =	vtrunc.f32 v50  }
0x219: {  	v21 =	vadd.s32 $0x1, v11;
	v23 =	vand.u32 $0x7F, v11;
	v22 =	vcvt.f32.s32 v22  }
0x21a: {  	v20 =	vadd.s32 v27, v20;
	v18 =	vand.u32 $0xFFFFFF80, v21;
	v21 =	vand.u32 $0x7F, v21  }
0x21b: {  	v20 =	vor.u32 v23, v20;
	v23 =	vtrunc.f32 v14;
	vm7 =	vlt.s32 v22, $0x3E  }
0x21c: {  	v18 =	vadd.s32 v27, v18;
	v23 =	vcvt.f32.s32 v23;
	v22 =	vnsel vm7, $0x3E, v22  }
0x21d: {  	v18 =	vor.u32 v21, v18;
	v51 =	vtrunc.f32 v16;
	v52 =	vadd.s32 $0x1, v22  }
0x21e: {  	v25 =	vcvt.f32.s32 v51;
	v21 =	vand.u32 $0xFFFFFF80, v22;
	vm8 =	vlt.s32 v23, $0x3E  }
0x21f: {  	v53 =	vand.u32 $0xFFFFFF80, v52;
	v27 =	vand.u32 $0x7F, v52;
	v23 =	vnsel vm8, $0x3E, v23  }
0x220: {  	vm9 =	vlt.s32 v25, $0x3E;
	v28 =	vadd.s32 v7, v53;
	v54 =	vand.u32 $0xFFFFFF80, v23  }
0x221: {  	v24 =	vld.idx.msk [tilespmem:v24+s2+$0x0], $0xffff;
	v55 =	vadd.s32 $0x1, v23;
	v7 =	vadd.s32 v7, v21;
	v21 =	vand.u32 $0x7F, v22  }
0x222: {  	v4 =	vld.idx.msk [tilespmem:v4+s2+$0x0], $0xffff;
	v61 =	vand.u32 $0x7F, v23;
	v25 =	vnsel vm9, $0x3E, v25;
	v57 =	vand.u32 $0xFFFFFF80, v55  }
0x223: {  	v17 =	vld.idx.msk [tilespmem:v17+s2+$0x0], $0xffff;
	v30 =	vand.u32 $0x7F, v55;
	v27 =	vor.u32 v27, v28;
	v7 =	vor.u32 v21, v7  }
0x224: {  	v3 =	vld.idx.msk [tilespmem:v3+s2+$0x0], $0xffff;
	v56 =	vadd.s32 $0x1, v25;
	v59 =	vand.u32 $0xFFFFFF80, v25;
	v33 =	vadd.s32 v10, v57  }
0x225: {  	v10 =	vadd.s32 v10, v54;
	v58 =	vand.u32 $0xFFFFFF80, v56;
	v30 =	vor.u32 v30, v33  }
0x226: {  	v20 =	vld.idx.msk [tilespmem:v20+s2+$0x0], $0xffff;
	v32 =	vand.u32 $0x7F, v56;
	v10 =	vor.u32 v61, v10;
	v60 =	vadd.s32 v9, v58  }
0x227: {  	v18 =	vld.idx.msk [tilespmem:v18+s2+$0x0], $0xffff;
	v21 =	vand.u32 $0x7F, v25;
	v9 =	vadd.s32 v9, v59;
	v28 =	vor.u32 v32, v60  }
0x228: {  	v24 =	vsub.f32 v24, v4;
	v6 =	vsub.f32 v6, v19;
	v9 =	vor.u32 v21, v9;
	v19 =	vld.idx.msk [tilespmem:v27+s2+$0x0], $0xffff  }
0x229: {  	v5 =	vmul.f32 v5, v13;
	v17 =	vsub.f32 v17, v3;
	v7 =	vld.idx.msk [tilespmem:v7+s2+$0x0], $0xffff  }
0x22a: {  	v12 =	vadd.f32 v15, v12;
	v15 =	vor.u32 s22, v1;
	v8 =	vmul.f32 v8, v24;
	v62 =	vld.idx.msk [tilespmem:v30+s2+$0x0], $0xffff  }
0x22b: {  	v2 =	vadd.f32 v5, v2;
	v5 =	vcvt.s32.f32 v11;
	v6 =	vmul.f32 v6, v17;
	v10 =	vld.idx.msk [tilespmem:v10+s2+$0x0], $0xffff  }
0x22c: {  	v4 =	vadd.f32 v8, v4;
	v63 =	vor.u32 s23, v1;
	v21 =	vor.u32 s25, v1;
	v13 =	vld.idx.msk [tilespmem:v28+s2+$0x0], $0xffff  }
0x22d: {  	v5 =	vsub.f32 v46, v5;
	v3 =	vadd.f32 v6, v3;
	v6 =	vcvt.s32.f32 v22;
	v8 =	vld.idx.msk [tilespmem:v9+s2+$0x0], $0xffff  }
0x22e: {  	v17 =	vor.u32 s24, v1;
	v11 =	vcvt.s32.f32 v23;
	v9 =	vsub.f32 v18, v20  }
0x22f: {  	v22 =	vcvt.s32.f32 v25;
	v6 =	vsub.f32 v50, v6;
	v18 =	vor.u32 s31, v1  }
0x230: {  	v5 =	vmul.f32 v5, v9;
	v9 =	vsub.f32 v14, v11;
	v11 =	vsub.f32 v19, v7  }
0x231: {  	[tilespmem:v21+s14+$0x0] =	vst.idx.msk $0xffff, v12;
	v12 =	vsub.f32 v16, v22;
	v14 =	vor.u32 s26, v1;
	v16 =	vsub.f32 v62, v10  }
0x232: {  	[tilespmem:v15+s14+$0x0] =	vst.idx.msk $0xffff, v2;
	v2 =	vor.u32 s28, v1;
	v6 =	vmul.f32 v6, v11;
	v11 =	vsub.f32 v13, v8  }
0x233: {  	[tilespmem:v63+s14+$0x0] =	vst.idx.msk $0xffff, v4;
	v4 =	vadd.f32 v5, v20;
	v5 =	vor.u32 s29, v1;
	v9 =	vmul.f32 v9, v16  }
0x234: {  	[tilespmem:v17+s14+$0x0] =	vst.idx.msk $0xffff, v3;
	v3 =	vadd.f32 v6, v7;
	v6 =	vmul.f32 v12, v11  }
0x235: {  	[tilespmem:v18+s14+$0x0] =	vst.idx.msk $0xffff, v4;
	v4 =	vadd.f32 v9, v10  }
0x236: {  	[tilespmem:v14+s14+$0x0] =	vst.idx.msk $0xffff, v3;
	v3 =	vadd.f32 v6, v8  }
0x237: {  	[tilespmem:v2+s14+$0x0] =	vst.idx.msk $0xffff, v4  }
0x238: {  	[tilespmem:v5+s14+$0x0] =	vst.idx.msk $0xffff, v3  }
0x239: {  	[hbm4b:s9+s15] =	stream.strided.scatter [tilespmem:s14], [sflag:$0x3], $0x1000, s16, s15, $0x38;
	[tilespmem:$0xA000] =	vst v63  }
0x23a: {  	_ =	swait.ge [sflag:s17], $0x4000  }
0x23b: {  	[sflag:s17] =	ssyncset.done $0x0  }
0x23c: {  	[sflag:s17] =	ssyncadd.s32 $0xFFFFC000  }
0x23d: {  	_ =	swait.ge [sflag:s20], $0x1000  }
0x23e: {  	[sflag:s20] =	ssyncset.done $0x0  }
0x23f: {  	s30 =	simm.s32 $0x4140;
	[sflag:s20] =	ssyncadd.s32 $0xFFFFF000  }
0x240: {  	v5 =	vld [tilespmem:s30+$0x80];
	_ =	sdelay $0x3  }
0x241: {  	v6 =	vld [tilespmem:s30+$0xFFFFFF00]  }
0x242: {  	v8 =	vld [tilespmem:s30+$0x0];
	v2 =	vtrunc.f32 v5  }
0x243: {  	v3 =	vcvt.f32.s32 v2  }
0x244: {  	s24 =	simm.s32 $0x2;
	s25 =	simm.s32 $0x3  }
0x245: {  	v16 =	vmov s24;
	v9 =	vmov s25;
	vm10 =	vlt.s32 v3, $0x3E  }
0x246: {  	v9 =	vshll.u32 v9, $0x7;
	v7 =	vld [tilespmem:s30+$0xFFFFFF80];
	v4 =	vtrunc.f32 v6;
	v10 =	vnsel vm10, $0x3E, v3  }
0x247: {  	v15 =	vtrunc.f32 v8;
	v3 =	vand.u32 $0xFFFFFF80, v10;
	v11 =	vadd.s32 $0x1, v10  }
0x248: {  	v12 =	vand.u32 $0x7F, v10;
	v3 =	vadd.s32 v9, v3;
	v13 =	vand.u32 $0xFFFFFF80, v11  }
0x249: {  	v12 =	vor.u32 v12, v3;
	v3 =	vand.u32 $0x7F, v11;
	v11 =	vadd.s32 v9, v13  }
0x24a: {  	s22 =	simm.s32 $0x0;
	v15 =	vcvt.f32.s32 v15;
	v10 =	vcvt.s32.f32 v10;
	v11 =	vor.u32 v3, v11  }
0x24b: {  	v2 =	vmov s22;
	v13 =	vcvt.f32.s32 v4;
	v4 =	vtrunc.f32 v7  }
0x24c: {  	s23 =	simm.s32 $0x1;
	v2 =	vshll.u32 v2, $0x7;
	vm13 =	vlt.s32 v15, $0x3E;
	v14 =	vcvt.f32.s32 v4  }
0x24d: {  	v18 =	vnsel vm13, $0x3E, v15;
	v5 =	vsub.f32 v5, v10;
	v3 =	vmov s23  }
0x24e: {  	v4 =	vshll.u32 v3, $0x7;
	vm11 =	vlt.s32 v13, $0x3E;
	vm12 =	vlt.s32 v14, $0x3E;
	v12 =	vld.idx.msk [tilespmem:v12+s12+$0x0], $0xffff  }
0x24f: {  	v3 =	vshll.u32 v16, $0x7;
	v13 =	vnsel vm11, $0x3E, v13;
	v14 =	vnsel vm12, $0x3E, v14;
	v11 =	vld.idx.msk [tilespmem:v11+s12+$0x0], $0xffff  }
0x250: {  	v16 =	vadd.s32 $0x1, v13;
	v20 =	vand.u32 $0xFFFFFF80, v13;
	v21 =	vand.u32 $0x7F, v13  }
0x251: {  	v17 =	vadd.s32 $0x1, v14;
	v15 =	vand.u32 $0xFFFFFF80, v16;
	v20 =	vadd.s32 v2, v20  }
0x252: {  	v16 =	vand.u32 $0x7F, v16;
	v19 =	vand.u32 $0xFFFFFF80, v17;
	v15 =	vadd.s32 v2, v15  }
0x253: {  	v20 =	vor.u32 v21, v20;
	v17 =	vand.u32 $0x7F, v17;
	v15 =	vor.u32 v16, v15  }
0x254: {  	v21 =	vand.u32 $0x7F, v14;
	v19 =	vadd.s32 v4, v19;
	v10 =	vsub.f32 v11, v12  }
0x255: {  	v17 =	vor.u32 v17, v19;
	v19 =	vor.u32 s25, v0;
	v11 =	vand.u32 $0xFFFFFF80, v14  }
0x256: {  	v16 =	vadd.s32 $0x1, v18;
	v11 =	vadd.s32 v4, v11;
	v5 =	vmul.f32 v5, v10  }
0x257: {  	v22 =	vand.u32 $0xFFFFFF80, v18;
	v10 =	vand.u32 $0xFFFFFF80, v16;
	v11 =	vor.u32 v21, v11  }
0x258: {  	v21 =	vld.idx.msk [tilespmem:v15+s12+$0x0], $0xffff;
	v15 =	vand.u32 $0x7F, v16;
	v10 =	vadd.s32 v3, v10;
	v5 =	vadd.f32 v5, v12  }
0x259: {  	v16 =	vadd.s32 v3, v22;
	v12 =	vld.idx.msk [tilespmem:v20+s12+$0x0], $0xffff;
	v20 =	vand.u32 $0x7F, v18;
	v10 =	vor.u32 v15, v10  }
0x25a: {  	v17 =	vld.idx.msk [tilespmem:v17+s12+$0x0], $0xffff;
	v16 =	vor.u32 v20, v16;
	[tilespmem:v19+s18+$0x0] =	vst.idx.msk $0xffff, v5  }
0x25b: {  	v15 =	vld [tilespmem:s30+$0x90]  }
0x25c: {  	v5 =	vcvt.s32.f32 v13;
	v11 =	vld.idx.msk [tilespmem:v11+s12+$0x0], $0xffff;
	_ =	sdelay $0x1  }
0x25d: {  	v13 =	vcvt.s32.f32 v14;
	v5 =	vsub.f32 v6, v5;
	v6 =	vsub.f32 v21, v12;
	v10 =	vld.idx.msk [tilespmem:v10+s12+$0x0], $0xffff  }
0x25e: {  	v16 =	vld.idx.msk [tilespmem:v16+s12+$0x0], $0xffff  }
0x25f: {  	v5 =	vmul.f32 v5, v6;
	v6 =	vsub.f32 v7, v13;
	v7 =	vtrunc.f32 v15  }
0x260: {  	v14 =	vor.u32 s22, v0;
	v13 =	vsub.f32 v17, v11;
	v7 =	vcvt.f32.s32 v7  }
0x261: {  	v5 =	vadd.f32 v5, v12;
	v12 =	vcvt.s32.f32 v18  }
0x262: {  	v17 =	vor.u32 s23, v0;
	v6 =	vmul.f32 v6, v13;
	vm14 =	vlt.s32 v7, $0x3E  }
0x263: {  	v12 =	vsub.f32 v8, v12;
	v10 =	vsub.f32 v10, v16;
	v13 =	vnsel vm14, $0x3E, v7  }
0x264: {  	v6 =	vadd.f32 v6, v11;
	v7 =	vand.u32 $0xFFFFFF80, v13;
	v8 =	vadd.s32 $0x1, v13  }
0x265: {  	[tilespmem:v14+s18+$0x0] =	vst.idx.msk $0xffff, v5;
	v11 =	vand.u32 $0x7F, v13;
	v7 =	vadd.s32 v9, v7;
	v14 =	vand.u32 $0xFFFFFF80, v8  }
0x266: {  	v5 =	vld [tilespmem:s30+$0xFFFFFF10];
	v11 =	vor.u32 v11, v7;
	v7 =	vand.u32 $0x7F, v8;
	v8 =	vadd.s32 v9, v14  }
0x267: {  	[tilespmem:v17+s18+$0x0] =	vst.idx.msk $0xffff, v6;
	v6 =	vor.u32 s24, v0;
	v9 =	vor.u32 v7, v8  }
0x268: {  	v7 =	vmul.f32 v12, v10  }
0x269: {  	s26 =	simm.s32 $0x4  }
0x26a: {  	v8 =	vld [tilespmem:s30+$0xFFFFFF90];
	v12 =	vmov s26;
	v16 =	vadd.f32 v7, v16  }
0x26b: {  	v10 =	vtrunc.f32 v5;
	v7 =	vshll.u32 v12, $0x7;
	v12 =	vld.idx.msk [tilespmem:v11+s12+$0x0], $0xffff  }
0x26c: {  	v14 =	vcvt.f32.s32 v10;
	[tilespmem:v6+s18+$0x0] =	vst.idx.msk $0xffff, v16;
	v17 =	vld.idx.msk [tilespmem:v9+s12+$0x0], $0xffff  }
0x26d: {  	s28 =	simm.s32 $0x5;
	s29 =	simm.s32 $0x6;
	v20 =	vcvt.s32.f32 v13;
	v6 =	vld [tilespmem:s30+$0x10]  }
0x26e: {  	v10 =	vmov s28;
	v11 =	vmov s29;
	vm15 =	vlt.s32 v14, $0x3E  }
0x26f: {  	v9 =	vshll.u32 v11, $0x7;
	v11 =	vnsel vm15, $0x3E, v14;
	v14 =	vtrunc.f32 v8  }
0x270: {  	v10 =	vshll.u32 v10, $0x7;
	s30 =	simm.s32 $0x4340;
	v21 =	vadd.s32 $0x1, v11;
	v18 =	vcvt.f32.s32 v14  }
0x271: {  	s31 =	simm.s32 $0x8;
	v16 =	vld [tilespmem:s30+$0x80];
	v14 =	vand.u32 $0xFFFFFF80, v11;
	v19 =	vand.u32 $0xFFFFFF80, v21;
	v13 =	vand.u32 $0x7F, v21  }
.LBB2_8:
0x272: {  	p0 =	slt.u32 s31, $0x7C;
	v21 =	vld [tilespmem:s30+$0xFFFFFF00];
	v22 =	vtrunc.f32 v6;
	v15 =	vsub.f32 v15, v20;
	v20 =	vsub.f32 v17, v12  }
0x273: {  	vm0 =	vlt.s32 v18, $0x3E;
	v24 =	vor.u32 s25, v1;
	v23 =	vld [tilespmem:s30+$0xFFFFFF80];
	v22 =	vcvt.f32.s32 v22  }
0x274: {  	v19 =	vadd.s32 v2, v19;
	v17 =	vnsel vm0, $0x3E, v18;
	v25 =	vld [tilespmem:s30+$0x0];
	v15 =	vmul.f32 v15, v20  }
0x275: {  	v20 =	vand.u32 $0xFFFFFF80, v17;
	v26 =	vadd.s32 $0x1, v17;
	vm0 =	vlt.s32 v22, $0x3E  }
0x276: {  	v27 =	vtrunc.f32 v16;
	v18 =	vnsel vm0, $0x3E, v22;
	v12 =	vadd.f32 v15, v12  }
0x277: {  	v15 =	vtrunc.f32 v21;
	v22 =	vcvt.f32.s32 v27;
	v27 =	vadd.s32 $0x1, v18  }
0x278: {  	v29 =	vand.u32 $0xFFFFFF80, v26;
	v15 =	vcvt.f32.s32 v15;
	v28 =	vtrunc.f32 v23;
	[tilespmem:v24+s18+$0x0] =	vst.idx.msk $0xffff, v12  }
0x279: {  	s25 =	sadd.s32 $0x3, s26;
	v24 =	vcvt.f32.s32 v28;
	v12 =	vtrunc.f32 v25;
	vm0 =	vlt.s32 v22, $0x3E  }
0x27a: {  	v28 =	vcvt.f32.s32 v12;
	v12 =	vmov s25;
	v22 =	vnsel vm0, $0x3E, v22  }
0x27b: {  	v30 =	vand.u32 $0xFFFFFF80, v22;
	v12 =	vshll.u32 v12, $0x7;
	v31 =	vadd.s32 $0x1, v22  }
0x27c: {  	v32 =	vand.u32 $0x7F, v22;
	v30 =	vadd.s32 v12, v30;
	v33 =	vand.u32 $0xFFFFFF80, v31  }
0x27d: {  	v31 =	vand.u32 $0x7F, v31;
	v30 =	vor.u32 v32, v30;
	v32 =	vadd.s32 v12, v33  }
0x27e: {  	vm0 =	vlt.s32 v15, $0x3E;
	vm1 =	vlt.s32 v24, $0x3E;
	v31 =	vor.u32 v31, v32  }
0x27f: {  	v15 =	vnsel vm0, $0x3E, v15;
	v24 =	vnsel vm1, $0x3E, v24;
	vm0 =	vlt.s32 v28, $0x3E  }
0x280: {  	v33 =	vadd.s32 $0x1, v24;
	v28 =	vnsel vm0, $0x3E, v28;
	v32 =	vadd.s32 $0x1, v15  }
0x281: {  	v35 =	vand.u32 $0xFFFFFF80, v33;
	v36 =	vadd.s32 $0x1, v28;
	v34 =	vand.u32 $0xFFFFFF80, v32  }
0x282: {  	v37 =	vand.u32 $0xFFFFFF80, v15;
	v38 =	vand.u32 $0xFFFFFF80, v24;
	v39 =	vand.u32 $0xFFFFFF80, v36;
	v30 =	vld.idx.msk [tilespmem:v30+s12+$0x0], $0xffff  }
0x283: {  	v40 =	vand.u32 $0xFFFFFF80, v28;
	v35 =	vadd.s32 v10, v35;
	v34 =	vadd.s32 v7, v34;
	v31 =	vld.idx.msk [tilespmem:v31+s12+$0x0], $0xffff  }
0x284: {  	v37 =	vadd.s32 v7, v37;
	v32 =	vand.u32 $0x7F, v32;
	v39 =	vadd.s32 v9, v39  }
0x285: {  	v38 =	vadd.s32 v10, v38;
	v33 =	vand.u32 $0x7F, v33;
	v40 =	vadd.s32 v9, v40  }
0x286: {  	v41 =	vand.u32 $0x7F, v15;
	v42 =	vand.u32 $0x7F, v24;
	v36 =	vand.u32 $0x7F, v36  }
0x287: {  	v22 =	vcvt.s32.f32 v22;
	v32 =	vor.u32 v32, v34;
	v34 =	vand.u32 $0x7F, v28  }
0x288: {  	v37 =	vor.u32 v41, v37;
	v33 =	vor.u32 v33, v35;
	v35 =	vor.u32 v36, v39  }
0x289: {  	v16 =	vsub.f32 v16, v22;
	v36 =	vor.u32 v42, v38;
	v22 =	vsub.f32 v31, v30  }
0x28a: {  	v15 =	vcvt.s32.f32 v15;
	v31 =	vor.u32 v34, v40;
	v34 =	vor.u32 s25, v0  }
0x28b: {  	v24 =	vcvt.s32.f32 v24;
	v16 =	vmul.f32 v16, v22;
	v22 =	vand.u32 $0xFFFFFF80, v27  }
0x28c: {  	v21 =	vsub.f32 v21, v15;
	v15 =	vcvt.s32.f32 v28;
	v28 =	vand.u32 $0xFFFFFF80, v18;
	v32 =	vld.idx.msk [tilespmem:v32+s12+$0x0], $0xffff  }
0x28d: {  	v23 =	vsub.f32 v23, v24;
	v24 =	vadd.s32 v4, v29;
	v16 =	vadd.f32 v16, v30;
	v33 =	vld.idx.msk [tilespmem:v33+s12+$0x0], $0xffff  }
0x28e: {  	v14 =	vadd.s32 v2, v14;
	v25 =	vsub.f32 v25, v15;
	v22 =	vadd.s32 v3, v22;
	v29 =	vld.idx.msk [tilespmem:v35+s12+$0x0], $0xffff  }
0x28f: {  	v30 =	vld.idx.msk [tilespmem:v37+s12+$0x0], $0xffff;
	[tilespmem:v34+s18+$0x0] =	vst.idx.msk $0xffff, v16;
	v16 =	vadd.s32 v4, v20;
	v20 =	vand.u32 $0x7F, v26;
	v26 =	vand.u32 $0x7F, v27  }
0x290: {  	v2 =	vmovc v7;
	v28 =	vadd.s32 v3, v28;
	v27 =	vand.u32 $0x7F, v11;
	v34 =	vand.u32 $0x7F, v17;
	v4 =	vmovc v10;
	v15 =	vld [tilespmem:s30+$0x90]  }
0x291: {  	v3 =	vmovc v9;
	v10 =	vor.u32 v13, v19;
	v19 =	vand.u32 $0x7F, v18;
	v13 =	vor.u32 v20, v24;
	v7 =	vld.idx.msk [tilespmem:v36+s12+$0x0], $0xffff  }
0x292: {  	v14 =	vor.u32 v27, v14;
	v16 =	vor.u32 v34, v16;
	v20 =	vor.u32 v26, v22;
	v9 =	vld.idx.msk [tilespmem:v31+s12+$0x0], $0xffff  }
0x293: {  	v11 =	vcvt.s32.f32 v11;
	v17 =	vcvt.s32.f32 v17;
	v19 =	vor.u32 v19, v28  }
0x294: {  	v18 =	vcvt.s32.f32 v18;
	v22 =	vor.u32 s26, v0  }
0x295: {  	v11 =	vsub.f32 v5, v11;
	v24 =	vsub.f32 v32, v30;
	v26 =	vtrunc.f32 v15  }
0x296: {  	v18 =	vsub.f32 v6, v18;
	v5 =	vcvt.f32.s32 v26;
	v10 =	vld.idx.msk [tilespmem:v10+s12+$0x0], $0xffff;
	v26 =	vsub.f32 v8, v17  }
0x297: {  	v6 =	vmul.f32 v21, v24;
	v8 =	vsub.f32 v33, v7;
	v17 =	vor.u32 s28, v0;
	v13 =	vld.idx.msk [tilespmem:v13+s12+$0x0], $0xffff  }
0x298: {  	v24 =	vor.u32 s29, v0;
	v21 =	vsub.f32 v29, v9;
	vm0 =	vlt.s32 v5, $0x3E;
	v20 =	vld.idx.msk [tilespmem:v20+s12+$0x0], $0xffff  }
0x299: {  	v6 =	vadd.f32 v6, v30;
	v8 =	vmul.f32 v23, v8;
	v23 =	vnsel vm0, $0x3E, v5;
	v14 =	vld.idx.msk [tilespmem:v14+s12+$0x0], $0xffff  }
0x29a: {  	v21 =	vmul.f32 v25, v21;
	v5 =	vand.u32 $0xFFFFFF80, v23;
	v25 =	vadd.s32 $0x1, v23;
	v16 =	vld.idx.msk [tilespmem:v16+s12+$0x0], $0xffff  }
0x29b: {  	[tilespmem:v22+s18+$0x0] =	vst.idx.msk $0xffff, v6;
	v6 =	vand.u32 $0x7F, v23;
	v22 =	vadd.s32 v12, v5;
	v27 =	vand.u32 $0xFFFFFF80, v25;
	v19 =	vld.idx.msk [tilespmem:v19+s12+$0x0], $0xffff  }
0x29c: {  	v5 =	vld [tilespmem:s30+$0xFFFFFF10];
	v6 =	vor.u32 v6, v22;
	v22 =	vand.u32 $0x7F, v25;
	v12 =	vadd.s32 v12, v27  }
0x29d: {  	v7 =	vadd.f32 v8, v7;
	v9 =	vadd.f32 v21, v9;
	v21 =	vor.u32 v22, v12  }
0x29e: {  	v8 =	vmov s31;
	v22 =	vor.u32 s22, v1;
	s22 =	smov.u32 s26;
	s26 =	smov.u32 s31  }
0x29f: {  	v25 =	vor.u32 s23, v1;
	v27 =	vor.u32 s24, v1;
	s23 =	smov.u32 s28;
	s28 =	sadd.s32 $0x1, s31;
	s24 =	smov.u32 s29;
	v10 =	vsub.f32 v10, v14;
	[tilespmem:v17+s18+$0x0] =	vst.idx.msk $0xffff, v7  }
0x2a0: {  	v28 =	vmov s28;
	v7 =	vshll.u32 v8, $0x7;
	v8 =	vld [tilespmem:s30+$0xFFFFFF90];
	[tilespmem:v24+s18+$0x0] =	vst.idx.msk $0xffff, v9;
	v9 =	vsub.f32 v13, v16  }
0x2a1: {  	s29 =	sadd.s32 $0x2, s31;
	v11 =	vmul.f32 v11, v10;
	v20 =	vsub.f32 v20, v19;
	v13 =	vtrunc.f32 v5;
	v12 =	vld.idx.msk [tilespmem:v6+s12+$0x0], $0xffff  }
0x2a2: {  	v24 =	vmov s29;
	v13 =	vcvt.f32.s32 v13;
	v17 =	vld.idx.msk [tilespmem:v21+s12+$0x0], $0xffff;
	v21 =	vmul.f32 v26, v9  }
.Ltmp3:
0x2a3: {  	v10 =	vshll.u32 v28, $0x7;
	v14 =	vadd.f32 v11, v14;
	v18 =	vmul.f32 v18, v20;
	v6 =	vld [tilespmem:s30+$0x10];
	(pc) =	sbr.rel @p0 .LBB2_8-.Ltmp3, $4  }
0x2a4: {  	v9 =	vshll.u32 v24, $0x7;
	vm0 =	vlt.s32 v13, $0x3E;
	v16 =	vadd.f32 v21, v16  }
0x2a5: {  	v21 =	vadd.f32 v18, v19;
	v11 =	vnsel vm0, $0x3E, v13;
	v13 =	vtrunc.f32 v8;
	[tilespmem:v22+s18+$0x0] =	vst.idx.msk $0xffff, v14  }
0x2a6: {  	v20 =	vcvt.s32.f32 v23;
	s30 =	sadd.s32 $0x200, s30;
	v22 =	vadd.s32 $0x1, v11;
	v18 =	vcvt.f32.s32 v13;
	[tilespmem:v25+s18+$0x0] =	vst.idx.msk $0xffff, v16  }
0x2a7: {  	s31 =	sadd.s32 $0x4, s31;
	v14 =	vand.u32 $0xFFFFFF80, v11;
	v16 =	vld [tilespmem:s30+$0x80];
	v19 =	vand.u32 $0xFFFFFF80, v22;
	v13 =	vand.u32 $0x7F, v22;
	[tilespmem:v27+s18+$0x0] =	vst.idx.msk $0xffff, v21  }
0x2a8: {  	v21 =	vld [tilespmem:s30+$0xFFFFFF00]  }
0x2a9: {  	v22 =	vtrunc.f32 v6;
	v23 =	vld [tilespmem:s30+$0xFFFFFF80]  }
0x2aa: {  	v15 =	vsub.f32 v15, v20;
	v17 =	vsub.f32 v17, v12;
	v58 =	vcvt.f32.s32 v22;
	v22 =	vld [tilespmem:s30+$0x0];
	_ =	sdelay $0x1  }
0x2ab: {  	v15 =	vmul.f32 v15, v17;
	v24 =	vtrunc.f32 v16  }
0x2ac: {  	v59 =	vcvt.f32.s32 v24;
	v25 =	vtrunc.f32 v21  }
0x2ad: {  	s31 =	sadd.s32 $0x3, s26;
	v26 =	vtrunc.f32 v23;
	v25 =	vcvt.f32.s32 v25  }
0x2ae: {  	v27 =	vmov s31;
	v26 =	vcvt.f32.s32 v26;
	v28 =	vtrunc.f32 v22  }
0x2af: {  	v27 =	vshll.u32 v27, $0x7;
	vm1 =	vlt.s32 v59, $0x3E;
	v28 =	vcvt.f32.s32 v28  }
0x2b0: {  	v17 =	vnsel vm1, $0x3E, v59;
	vm9 =	vlt.s32 v25, $0x3E;
	vm10 =	vlt.s32 v26, $0x3E  }
0x2b1: {  	v29 =	vand.u32 $0xFFFFFF80, v17;
	v30 =	vadd.s32 $0x1, v17;
	v31 =	vand.u32 $0x7F, v17  }
0x2b2: {  	v25 =	vnsel vm9, $0x3E, v25;
	v26 =	vnsel vm10, $0x3E, v26;
	vm11 =	vlt.s32 v28, $0x3E  }
0x2b3: {  	v29 =	vadd.s32 v27, v29;
	v32 =	vand.u32 $0xFFFFFF80, v30;
	v30 =	vand.u32 $0x7F, v30  }
0x2b4: {  	v62 =	vadd.s32 $0x1, v25;
	v63 =	vadd.s32 $0x1, v26;
	v28 =	vnsel vm11, $0x3E, v28  }
0x2b5: {  	v36 =	vand.u32 $0xFFFFFF80, v25;
	v37 =	vand.u32 $0xFFFFFF80, v26;
	v40 =	vand.u32 $0x7F, v25  }
0x2b6: {  	v45 =	vand.u32 $0x7F, v26;
	v29 =	vor.u32 v31, v29;
	v61 =	vadd.s32 v27, v32  }
0x2b7: {  	v33 =	vand.u32 $0xFFFFFF80, v62;
	v34 =	vand.u32 $0xFFFFFF80, v63;
	v35 =	vadd.s32 $0x1, v28  }
0x2b8: {  	v39 =	vand.u32 $0xFFFFFF80, v28;
	v36 =	vadd.s32 v7, v36;
	v30 =	vor.u32 v30, v61  }
0x2b9: {  	v31 =	vand.u32 $0x7F, v62;
	v37 =	vadd.s32 v10, v37;
	v36 =	vor.u32 v40, v36  }
0x2ba: {  	v32 =	vand.u32 $0x7F, v63;
	v33 =	vadd.s32 v7, v33;
	v37 =	vor.u32 v45, v37  }
0x2bb: {  	v46 =	vand.u32 $0x7F, v28;
	v34 =	vadd.s32 v10, v34;
	v31 =	vor.u32 v31, v33  }
0x2bc: {  	v38 =	vand.u32 $0xFFFFFF80, v35;
	v44 =	vadd.s32 v9, v39;
	v32 =	vor.u32 v32, v34;
	v29 =	vld.idx.msk [tilespmem:v29+s12+$0x0], $0xffff  }
0x2bd: {  	v35 =	vand.u32 $0x7F, v35;
	v43 =	vadd.s32 v9, v38;
	v34 =	vor.u32 v46, v44;
	v30 =	vld.idx.msk [tilespmem:v30+s12+$0x0], $0xffff  }
0x2be: {  	vm0 =	vlt.s32 v18, $0x3E;
	v33 =	vor.u32 v35, v43;
	v51 =	vld.idx.msk [tilespmem:v36+s12+$0x0], $0xffff  }
0x2bf: {  	v19 =	vadd.s32 v2, v19;
	v2 =	vadd.s32 v2, v14;
	v18 =	vnsel vm0, $0x3E, v18;
	v37 =	vld.idx.msk [tilespmem:v37+s12+$0x0], $0xffff  }
0x2c0: {  	v53 =	vor.u32 s31, v0;
	v60 =	vand.u32 $0xFFFFFF80, v18;
	v47 =	vadd.s32 $0x1, v18;
	v31 =	vld.idx.msk [tilespmem:v31+s12+$0x0], $0xffff  }
0x2c1: {  	v41 =	vand.u32 $0x7F, v18;
	v18 =	vcvt.s32.f32 v18;
	vm8 =	vlt.s32 v58, $0x3E;
	v32 =	vld.idx.msk [tilespmem:v32+s12+$0x0], $0xffff  }
0x2c2: {  	v52 =	vand.u32 $0xFFFFFF80, v47;
	v20 =	vnsel vm8, $0x3E, v58;
	v17 =	vcvt.s32.f32 v17;
	v58 =	vld.idx.msk [tilespmem:v34+s12+$0x0], $0xffff  }
0x2c3: {  	v60 =	vadd.s32 v4, v60;
	v57 =	vadd.s32 v4, v52;
	v25 =	vcvt.s32.f32 v25;
	v33 =	vld.idx.msk [tilespmem:v33+s12+$0x0], $0xffff  }
0x2c4: {  	v4 =	vor.u32 v41, v60;
	v26 =	vcvt.s32.f32 v26;
	v49 =	vsub.f32 v16, v17  }
0x2c5: {  	v55 =	vcvt.s32.f32 v28;
	v21 =	vsub.f32 v21, v25;
	v50 =	vsub.f32 v30, v29  }
0x2c6: {  	v23 =	vsub.f32 v23, v26;
	v61 =	vor.u32 s26, v0;
	v59 =	vsub.f32 v31, v51  }
0x2c7: {  	v39 =	vor.u32 s28, v0;
	v38 =	vsub.f32 v32, v37;
	v16 =	vmul.f32 v49, v50  }
0x2c8: {  	v22 =	vsub.f32 v22, v55;
	v33 =	vsub.f32 v33, v58;
	v14 =	vmul.f32 v21, v59  }
0x2c9: {  	v40 =	vor.u32 s29, v0;
	v23 =	vmul.f32 v23, v38;
	v16 =	vadd.f32 v16, v29  }
0x2ca: {  	v62 =	vand.u32 $0x7F, v47;
	v22 =	vmul.f32 v22, v33;
	v14 =	vadd.f32 v14, v51  }
0x2cb: {  	v4 =	vld.idx.msk [tilespmem:v4+s12+$0x0], $0xffff;
	v24 =	vor.u32 v62, v57;
	v23 =	vadd.f32 v23, v37;
	[tilespmem:v53+s18+$0x0] =	vst.idx.msk $0xffff, v16  }
0x2cc: {  	v44 =	vadd.f32 v22, v58;
	v31 =	vld [tilespmem:s30+$0x90];
	[tilespmem:v61+s18+$0x0] =	vst.idx.msk $0xffff, v14  }
0x2cd: {  	v13 =	vor.u32 v13, v19;
	v8 =	vsub.f32 v8, v18;
	v48 =	vadd.s32 $0x1, v20;
	[tilespmem:v39+s18+$0x0] =	vst.idx.msk $0xffff, v23;
	v26 =	vld [tilespmem:s30+$0xFFFFFF10]  }
0x2ce: {  	v56 =	vand.u32 $0xFFFFFF80, v20;
	v42 =	vand.u32 $0x7F, v20;
	v54 =	vand.u32 $0xFFFFFF80, v48;
	v14 =	vld [tilespmem:s30+$0xFFFFFF90];
	[tilespmem:v40+s18+$0x0] =	vst.idx.msk $0xffff, v44  }
0x2cf: {  	v17 =	vadd.s32 v3, v54;
	v63 =	vand.u32 $0x7F, v48;
	v45 =	vcvt.s32.f32 v11;
	v19 =	vld [tilespmem:s30+$0x10]  }
0x2d0: {  	v20 =	vcvt.s32.f32 v20;
	v3 =	vadd.s32 v3, v56;
	v17 =	vor.u32 v63, v17;
	v24 =	vld.idx.msk [tilespmem:v24+s12+$0x0], $0xffff  }
0x2d1: {  	v3 =	vor.u32 v42, v3;
	v5 =	vsub.f32 v5, v45;
	v43 =	vtrunc.f32 v31  }
0x2d2: {  	v36 =	vand.u32 $0x7F, v11;
	v16 =	vcvt.f32.s32 v43;
	v47 =	vtrunc.f32 v26  }
0x2d3: {  	v2 =	vor.u32 v36, v2;
	v50 =	vtrunc.f32 v14;
	v22 =	vcvt.f32.s32 v47  }
0x2d4: {  	v51 =	vtrunc.f32 v19;
	v23 =	vcvt.f32.s32 v50;
	vm12 =	vlt.s32 v16, $0x3E  }
0x2d5: {  	v24 =	vsub.f32 v24, v4;
	v25 =	vcvt.f32.s32 v51;
	v11 =	vnsel vm12, $0x3E, v16  }
0x2d6: {  	vm13 =	vlt.s32 v22, $0x3E;
	vm14 =	vlt.s32 v23, $0x3E;
	v16 =	vand.u32 $0xFFFFFF80, v11  }
0x2d7: {  	v46 =	vadd.s32 $0x1, v11;
	v48 =	vand.u32 $0x7F, v11;
	v22 =	vnsel vm13, $0x3E, v22  }
0x2d8: {  	vm15 =	vlt.s32 v25, $0x3E;
	v23 =	vnsel vm14, $0x3E, v23;
	v16 =	vadd.s32 v27, v16  }
0x2d9: {  	v49 =	vand.u32 $0xFFFFFF80, v46;
	v21 =	vand.u32 $0x7F, v46;
	v52 =	vadd.s32 $0x1, v22  }
0x2da: {  	v53 =	vand.u32 $0xFFFFFF80, v22;
	v25 =	vnsel vm15, $0x3E, v25;
	v55 =	vand.u32 $0xFFFFFF80, v23  }
0x2db: {  	v56 =	vadd.s32 $0x1, v23;
	v63 =	vand.u32 $0x7F, v22;
	v34 =	vand.u32 $0x7F, v23  }
0x2dc: {  	v13 =	vld.idx.msk [tilespmem:v13+s12+$0x0], $0xffff;
	v16 =	vor.u32 v48, v16;
	v18 =	vadd.s32 v27, v49;
	v54 =	vand.u32 $0xFFFFFF80, v52  }
0x2dd: {  	v17 =	vld.idx.msk [tilespmem:v17+s12+$0x0], $0xffff;
	v27 =	vand.u32 $0x7F, v52;
	v57 =	vadd.s32 $0x1, v25;
	v58 =	vand.u32 $0xFFFFFF80, v56  }
0x2de: {  	v3 =	vld.idx.msk [tilespmem:v3+s12+$0x0], $0xffff;
	v60 =	vand.u32 $0xFFFFFF80, v25;
	v62 =	vadd.s32 v7, v53;
	v18 =	vor.u32 v21, v18  }
0x2df: {  	v2 =	vld.idx.msk [tilespmem:v2+s12+$0x0], $0xffff;
	v30 =	vand.u32 $0x7F, v56;
	v28 =	vadd.s32 v7, v54;
	v7 =	vor.u32 v63, v62  }
0x2e0: {  	v37 =	vand.u32 $0x7F, v25;
	v33 =	vadd.s32 v10, v58;
	v27 =	vor.u32 v27, v28  }
0x2e1: {  	v59 =	vand.u32 $0xFFFFFF80, v57;
	v36 =	vadd.s32 v9, v60;
	v30 =	vor.u32 v30, v33  }
0x2e2: {  	v61 =	vadd.s32 v9, v59;
	v33 =	vadd.s32 v10, v55;
	v9 =	vor.u32 v37, v36;
	v16 =	vld.idx.msk [tilespmem:v16+s12+$0x0], $0xffff  }
0x2e3: {  	v17 =	vsub.f32 v17, v3;
	v32 =	vand.u32 $0x7F, v57;
	v10 =	vor.u32 v34, v33;
	v18 =	vld.idx.msk [tilespmem:v18+s12+$0x0], $0xffff  }
0x2e4: {  	v38 =	vsub.f32 v6, v20;
	v13 =	vsub.f32 v13, v2;
	v28 =	vor.u32 v32, v61;
	v7 =	vld.idx.msk [tilespmem:v7+s12+$0x0], $0xffff  }
0x2e5: {  	v8 =	vmul.f32 v8, v24;
	v43 =	vor.u32 s22, v1;
	v39 =	vld.idx.msk [tilespmem:v27+s12+$0x0], $0xffff  }
0x2e6: {  	v6 =	vmul.f32 v38, v17;
	v5 =	vmul.f32 v5, v13;
	v41 =	vld.idx.msk [tilespmem:v30+s12+$0x0], $0xffff  }
0x2e7: {  	v42 =	vadd.f32 v15, v12;
	v45 =	vor.u32 s23, v1;
	v4 =	vadd.f32 v8, v4;
	v49 =	vld.idx.msk [tilespmem:v9+s12+$0x0], $0xffff  }
0x2e8: {  	v3 =	vadd.f32 v6, v3;
	v2 =	vadd.f32 v5, v2;
	v47 =	vcvt.s32.f32 v11;
	v10 =	vld.idx.msk [tilespmem:v10+s12+$0x0], $0xffff  }
0x2e9: {  	v40 =	vor.u32 s25, v1;
	v46 =	vor.u32 s24, v1;
	v51 =	vcvt.s32.f32 v23;
	v44 =	vld.idx.msk [tilespmem:v28+s12+$0x0], $0xffff  }
0x2ea: {  	[tilespmem:v43+s18+$0x0] =	vst.idx.msk $0xffff, v2;
	v2 =	vor.u32 s28, v1;
	v48 =	vcvt.s32.f32 v22;
	v5 =	vsub.f32 v31, v47  }
0x2eb: {  	v52 =	vor.u32 s31, v1;
	v54 =	vsub.f32 v14, v51;
	v50 =	vsub.f32 v18, v16  }
0x2ec: {  	v53 =	vcvt.s32.f32 v25;
	v6 =	vsub.f32 v26, v48;
	v55 =	vsub.f32 v39, v7  }
0x2ed: {  	[tilespmem:v45+s18+$0x0] =	vst.idx.msk $0xffff, v4;
	v57 =	vor.u32 s26, v1;
	v5 =	vmul.f32 v5, v50;
	v58 =	vsub.f32 v41, v10  }
0x2ee: {  	v56 =	vsub.f32 v19, v53;
	v59 =	vsub.f32 v44, v49;
	v6 =	vmul.f32 v6, v55  }
0x2ef: {  	[tilespmem:v40+s18+$0x0] =	vst.idx.msk $0xffff, v42;
	v61 =	vor.u32 s29, v1;
	v60 =	vadd.f32 v5, v16;
	v9 =	vmul.f32 v54, v58  }
0x2f0: {  	[tilespmem:v46+s18+$0x0] =	vst.idx.msk $0xffff, v3;
	v62 =	vmul.f32 v56, v59;
	v3 =	vadd.f32 v6, v7  }
0x2f1: {  	[tilespmem:v52+s18+$0x0] =	vst.idx.msk $0xffff, v60;
	v63 =	vadd.f32 v9, v10  }
0x2f2: {  	[tilespmem:v57+s18+$0x0] =	vst.idx.msk $0xffff, v3;
	v3 =	vadd.f32 v62, v49  }
0x2f3: {  	[tilespmem:v2+s18+$0x0] =	vst.idx.msk $0xffff, v63  }
0x2f4: {  	s21 =	sadd.s32 $0x1, s21;
	[tilespmem:v61+s18+$0x0] =	vst.idx.msk $0xffff, v3  }
0x2f5: {  	[hbm4b:s10+s15] =	stream.strided.scatter [tilespmem:s18], [sflag:$0x4], $0x1000, s16, s15, $0x38;
	[tilespmem:$0xA000] =	vst v63  }
0x2f6: {  	p0 =	sne.s32 s21, s11;
	_ =	swait.ge [sflag:s19], $0x1000  }
.Ltmp4:
0x2f7: {  	[sflag:s19] =	ssyncset.done $0x0;
	(pc) =	sbr.rel @p0 .LBB2_1-.Ltmp4, $4  }
0x2f8: {  	[sflag:s19] =	ssyncadd.s32 $0xFFFFF000  }
0x2f9: {  	_ =	swait.ge [sflag:s20], $0x1000  }
0x2fa: {  	[sflag:s20] =	ssyncset.done $0x0  }
0x2fb: {  	[sflag:s20] =	ssyncadd.s32 $0xFFFFF000  }
0x2fc: {  	_ =	sfence.sel $0x180000  }
0x2fd: {  	[bflag:$0x0] =	sbarrier.arrive $0xFFFF  }
0x2fe: {  	p0 =	sne.s32 s1, $0x0;
	_ =	strace $0x90000047  }
0x2ff: {  	s0 =	sadd.s32 @!p0 $0x100000, s0;
	[bflag:$0x2] =	sbarrier.arrive $0xFFFF  }
0x300: {  	[sflag:s0] =	ssyncadd.tile.s32 @!p0 $0x1;
	_ =	shalt  }
.Lfunc_end2:
_tile_overlayer_lowered:
.L_overlay_start_2:
0x301: {  	(tag) =	ssettag $0x2  }
0x302: {  	s0 =	rddreg [dreg:$0x0];
	s2 =	stileid.u32  }
0x303: {  	s1 =	rddreg [dreg:$0x1];
	p0 =	sne.s32 s2, $0x0  }
0x304: {  	s3 =	rddreg [dreg:$0x2];
	[bflag:$0x3] =	sbarrier.arrive $0xFFFF;
	s2 =	simm.s32 @!p0 $0x1C05  }
0x305: {  	[timem:s3], [sflag:s2] =	dma.local @!p0 [hbm:s0], s1  }
0x306: {  	s0 =	simm.s32 @!p0 $0x5  }
0x307: {  	_ =	swait.ge @!p0 [sflag:s0], s1  }
0x308: {  	s1 =	ssub.s32 @!p0 $0x0, s1;
	[sflag:s0] =	ssyncset.done @!p0 $0x0  }
0x309: {  	[sflag:s0] =	ssyncadd.s32 @!p0 s1  }
0x30a: {  	[bflag:$0x3] =	sbarrier.arrive $0xFFFF  }
0x30b: {  	_ =	shalt  }

// kernel: kernel.9.cloned.1.call-start
scs
__scs_entry_jumppad:
0x0: {  	(pc) =	sbr.rel $0x88, $3  }
0x1: {  	(tag) =	ssettag $0x0;
	lr =	simm.s32 $0x1  }
0x2: {  	[smem:$0x3F9C] =	sst lr;
	_ =	strace $0xD0000000  }
0x3: {  	_ = 	snop  }
0x4: {  	_ = 	snop  }
0x5: {  	_ = 	snop  }
0x6: {  	_ = 	snop  }
0x7: {  	_ = 	snop  }
__scs_overlays_trampoline_lowered:
0x8: {  	[smem:$0x3FAB] =	sst s0  }
0x9: {  	[smem:$0x3FAC] =	sst s1  }
0xa: {  	[smem:$0x3FAD] =	sst s2  }
0xb: {  	[smem:$0x3FAE] =	sst s3  }
0xc: {  	[smem:$0x3FAF] =	sst s4  }
0xd: {  	[smem:$0x3FB0] =	sst s5  }
0xe: {  	[smem:$0x3FB1] =	sst s6  }
0xf: {  	[smem:$0x3FB2] =	sst s7  }
0x10: {  	[smem:$0x3FB3] =	sst s8  }
0x11: {  	[smem:$0x3FB4] =	sst s9;
	s0 =	simm.s32 @!p0 $0x0  }
0x12: {  	s1 =	sld [smem:$0x3F9A];
	s0 =	simm.s32 @p0 $0x1  }
0x13: {  	[smem:$0x3FB5] =	sst s0;
	s0 =	simm.s32 @!p1 $0x0  }
0x14: {  	s2 =	sld [smem:$0x3F99];
	s0 =	simm.s32 @p1 $0x1  }
0x15: {  	[smem:$0x3FB6] =	sst s0;
	s0 =	simm.s32 @!p2 $0x0  }
0x16: {  	s3 =	sld [smem:$0x3FDB];
	s0 =	simm.s32 @p2 $0x1  }
0x17: {  	s4 =	simm.s32 $0x1BF5;
	[smem:$0x3FB8] =	sst s0  }
0x18: {  	s0 =	sld [smem:$0x3F9B];
	_ =	swait.ge [sflag:s4], $0x0  }
0x19: {  	s7 =	sld [smem:$0x3F9C]  }
0x1a: {  	s8 =	sadd.s32 $0xFFFFE003, lr  }
0x1b: {  	s9 =	sadd.s32 $0xFFFFFEF7, lr;
	s5 =	simm.s32 $0xFFFFFFFF;
	p2 =	slt.u32 s8, $0xFFFFF086  }
0x1c: {  	p1 =	slt.u32 s9, $0xF7A;
	s5 =	simm.s32 @!p2 $0x0  }
0x1d: {  	s5 =	simm.s32 @p1 $0x1;
	p0 =	seq.s32 s7, s2  }
0x1e: {  	s7 =	smul.u32 @!p0 $0xF7A, s2;
	p2 =	seq.s32 @!p0 s5, $0x0  }
0x1f: {  	s9 =	smul.u32 $0xF7A, s1;
	s8 =	simm.s32 @!p0 $0x1BF5;
	p2 =	por !p2, p0  }
0x20: {  	[sflag:s8] =	ssyncset.s32 @!p0 $0xFFFFF086;
	s6 =	sadd.s32 @!p0 s3, s7;
	s7 =	simm.s32 @!p0 $0x108  }
0x21: {  	s3 =	sadd.s32 s3, s9;
	s6 =	sadd.s32 @!p0 $0x88, s6;
	s7 =	simm.s32 @p2 $0x1082  }
0x22: {  	[simem:s7], [sflag:s8] =	dma.local @!p0 [hbm:s6], $0xF7A  }
0x23: {  	s9 =	sor.u32 $0xD0000000, s2;
	s6 =	simm.s32 $0x108;
	_ =	swait.ge @!p0 [sflag:s8], $0x0  }
0x24: {  	s3 =	sadd.s32 $0x88, s3;
	s6 =	simm.s32 @!p1 $0x1082;
	[sflag:s4] =	ssyncset.s32 $0xFFFFF086  }
0x25: {  	[simem:s6], [sflag:s4] =	dma.local [hbm:s3], $0xF7A  }
0x26: {  	[smem:$0x3F9C] =	sst s1;
	(tag) =	ssettag s2;
	_ =	strace s9  }
0x27: {  	s1 =	sld [smem:$0x3FAC]  }
0x28: {  	s2 =	sld [smem:$0x3FAD]  }
0x29: {  	s4 =	sld [smem:$0x3FAF]  }
0x2a: {  	p0 =	seq.s32 s5, $0x0;
	s5 =	sld [smem:$0x3FB0]  }
0x2b: {  	s6 =	sld [smem:$0x3FB1]  }
0x2c: {  	s7 =	sld [smem:$0x3FB2]  }
0x2d: {  	s3 =	simm.s32 $0x108;
	s8 =	sld [smem:$0x3FB3]  }
0x2e: {  	s3 =	simm.s32 @!p0 $0x1082;
	s9 =	sld [smem:$0x3FB4]  }
0x2f: {  	lr =	sadd.s32 s0, s3;
	s0 =	sld [smem:$0x3FAB]  }
0x30: {  	s3 =	sld [smem:$0x3FAE]  }
0x31: {  	[smem:$0x3FB7] =	sst s10  }
0x32: {  	s10 =	sld [smem:$0x3FB5];
	_ =	sdelay $0x3  }
0x33: {  	p0 =	seq.s32 s10, $0x1;
	s10 =	sld [smem:$0x3FB7];
	_ =	sdelay $0x3  }
0x34: {  	[smem:$0x3FB7] =	sst s10  }
0x35: {  	s10 =	sld [smem:$0x3FB6];
	_ =	sdelay $0x3  }
0x36: {  	p1 =	seq.s32 s10, $0x1;
	s10 =	sld [smem:$0x3FB7];
	_ =	sdelay $0x3  }
0x37: {  	[smem:$0x3FB7] =	sst s10  }
0x38: {  	s10 =	sld [smem:$0x3FB8]  }
0x39: {  	_ = 	snop;
	(pc) =	sbr.ind lr, $3  }
0x3a: {  	_ = 	snop  }
0x3b: {  	_ = 	snop  }
0x3c: {  	p2 =	seq.s32 s10, $0x1;
	s10 =	sld [smem:$0x3FB7]  }
0x3d: {  	_ =	shalt  }
0x3e: {  	_ =	shalt  }
0x3f: {  	_ =	shalt  }
0x40: {  	_ =	shalt  }
0x41: {  	_ =	shalt  }
0x42: {  	_ =	shalt  }
0x43: {  	_ =	shalt  }
0x44: {  	_ =	shalt  }
0x45: {  	_ =	shalt  }
0x46: {  	_ =	shalt  }
0x47: {  	_ =	shalt  }
0x48: {  	_ =	shalt  }
0x49: {  	_ =	shalt  }
0x4a: {  	_ =	shalt  }
0x4b: {  	_ =	shalt  }
0x4c: {  	_ =	shalt  }
0x4d: {  	_ =	shalt  }
0x4e: {  	_ =	shalt  }
0x4f: {  	_ =	shalt  }
0x50: {  	_ =	shalt  }
0x51: {  	_ =	shalt  }
0x52: {  	_ =	shalt  }
0x53: {  	_ =	shalt  }
0x54: {  	_ =	shalt  }
0x55: {  	_ =	shalt  }
0x56: {  	_ =	shalt  }
0x57: {  	_ =	shalt  }
0x58: {  	_ =	shalt  }
0x59: {  	_ =	shalt  }
0x5a: {  	_ =	shalt  }
0x5b: {  	_ =	shalt  }
0x5c: {  	_ =	shalt  }
0x5d: {  	_ =	shalt  }
0x5e: {  	_ =	shalt  }
0x5f: {  	_ =	shalt  }
0x60: {  	_ =	shalt  }
0x61: {  	_ =	shalt  }
0x62: {  	_ =	shalt  }
0x63: {  	_ =	shalt  }
0x64: {  	_ =	shalt  }
0x65: {  	_ =	shalt  }
0x66: {  	_ =	shalt  }
0x67: {  	_ =	shalt  }
0x68: {  	_ =	shalt  }
0x69: {  	_ =	shalt  }
0x6a: {  	_ =	shalt  }
0x6b: {  	_ =	shalt  }
0x6c: {  	_ =	shalt  }
0x6d: {  	_ =	shalt  }
0x6e: {  	_ =	shalt  }
0x6f: {  	_ =	shalt  }
0x70: {  	_ =	shalt  }
0x71: {  	_ =	shalt  }
0x72: {  	_ =	shalt  }
0x73: {  	_ =	shalt  }
0x74: {  	_ =	shalt  }
0x75: {  	_ =	shalt  }
0x76: {  	_ =	shalt  }
0x77: {  	_ =	shalt  }
0x78: {  	_ =	shalt  }
0x79: {  	_ =	shalt  }
0x7a: {  	_ =	shalt  }
0x7b: {  	_ =	shalt  }
0x7c: {  	_ =	shalt  }
0x7d: {  	_ =	shalt  }
0x7e: {  	_ =	shalt  }
0x7f: {  	_ =	shalt  }
0x80: {  	_ =	shalt  }
0x81: {  	_ =	shalt  }
0x82: {  	_ =	shalt  }
0x83: {  	_ =	shalt  }
0x84: {  	_ =	shalt  }
0x85: {  	_ =	shalt  }
0x86: {  	_ =	shalt  }
0x87: {  	_ =	shalt  }
.Lfunc_end0:
.L_simem_size_0:
called_computation.1_lowered:
.L_overlay_start_0:
0x88: {  	s2 =	sld [smem:$0x3FD9]  }
0x89: {  	s3 =	sld [smem:$0x3FFE];
	_ =	sdelay $0x1  }
0x8a: {  	s1 =	srdreg.scid  }
0x8b: {  	s0 =	sand.u32 $0x1, s1  }
0x8c: {  	s17 =	sshll.u32 s0, $0xA;
	s2 =	sadd.s32 s3, s2  }
0x8d: {  	s2 =	sadd.s32 s2, s17  }
0x8e: {  	[smem:$0x3FC3] =	sst s2  }
0x8f: {  	_ = 	snop  }
0x90: {  	s2 =	sld [smem:$0x3FD0];
	(tm) =	ssettm $0x1  }
0x91: {  	s18 =	sld [smem:$0x3FFB];
	_ =	sdelay $0x3  }
0x92: {  	_ =	strace s18  }
0x93: {  	s3 =	sld [smem:$0x3FFC];
	_ =	sdelay $0x3  }
0x94: {  	_ =	strace s3  }
0x95: {  	s3 =	sld [smem:$0x3FFD];
	_ =	sdelay $0x3  }
0x96: {  	_ =	strace s3  }
0x97: {  	_ =	strace $0x8FFFFFFF  }
0x98: {  	s19 =	sld [smem:$0x3FDB];
	_ =	sdelay $0x1  }
0x99: {  	s4 =	simm.s32 $_scs_section_size  }
0x9a: {  	s5 =	simm.s32 $_size__tile_overlayer_lowered;
	s6 =	simm.s32 $_tile_overlayer_lowered  }
0x9b: {  	s22 =	simm.s32 $0x1BFF;
	s21 =	sshll.u32 s6, $0x1;
	s3 =	sadd.s32 s4, s19  }
0x9c: {  	s7 =	simm.s32 $0x0;
	s20 =	sshll.u32 s5, $0x1;
	s5 =	sadd.s32 s21, s3  }
0x9d: {  	[timem:s7], [sflag:s22] =	dma.local [hbm:s5], s20  }
0x9e: {  	_ =	swait.ge [sflag:s22], s20  }
0x9f: {  	s4 =	ssub.s32 $0x0, s20;
	[sflag:s22] =	ssyncset.done $0x0  }
0xa0: {  	[sflag:s22] =	ssyncadd.s32 s4;
	_ =	sdelay $0x1  }
0xa1: {  	s23 =	simm.s32 $0x1B8B  }
0xa2: {  	_ =	swait.ge [sflag:s23], $0x1  }
0xa3: {  	[sflag:s23] =	ssyncset.done $0x0  }
0xa4: {  	s25 =	simm.s32 $0x1B8E;
	s24 =	sld [smem:$0x3FFE];
	[sflag:s23] =	ssyncadd.s32 $0xFFFFFFFF  }
0xa5: {  	s26 =	simm.s32 $execute0_lowered;
	[smem:$0x3FD2] =	sst s25  }
0xa6: {  	s5 =	sshll.u32 s26, $0x1;
	_ =	strace $0x80000049;
	[dreg:$0x1] =	wrdreg $0xFFFFFFFF  }
0xa7: {  	s28 =	simm.s32 $_size_execute0_lowered;
	s3 =	sadd.s32 s3, s5;
	[dreg:$0x0] =	wrdreg $0x0  }
0xa8: {  	s5 =	sshll.u32 s28, $0x1;
	[dreg:$0x2] =	wrdreg s3  }
0xa9: {  	[dreg:$0x3] =	wrdreg s5  }
0xaa: {  	[dreg:$0x4] =	wrdreg $0xC0  }
0xab: {  	_ =	task [dreg:s7], $0x5FFFF  }
0xac: {  	[dreg:$0x1] =	wrdreg $0xFFFFFFFF  }
0xad: {  	[dreg:$0x0] =	wrdreg $0x60  }
0xae: {  	[dreg:$0x2] =	wrdreg s24  }
0xaf: {  	[dreg:$0x3] =	wrdreg s2  }
0xb0: {  	[dreg:$0x4] =	wrdreg $0x9  }
0xb1: {  	_ =	task.clear_ibuf [dreg:s7], $0x5FFFF;
	_ =	strace $0x90000049  }
0xb2: {  	s29 =	simm.s32 $0x9;
	_ =	strace $0x8000004B  }
0xb3: {  	_ =	swait.ge [sflag:s29], $0x1  }
0xb4: {  	[sflag:s29] =	ssyncadd.s32 $0xFFFFFFFF  }
0xb5: {  	_ =	strace $0x9000004B  }
0xb6: {  	_ =	sfence  }
0xb7: {  	s30 =	sld [smem:$0x0];
	_ =	sdelay $0x2  }
0xb8: {  	s31 =	sshll.u32 s1, $0xD;
	s1 =	sshrl.u32 s1, $0x2  }
0xb9: {  	s3 =	sand.u32 $0x4000, s31;
	s1 =	sadd.s32 s1, s30  }
0xba: {  	s0 =	sor.u32 s3, s0;
	s1 =	sshll.u32 s1, $0x11  }
0xbb: {  	s0 =	sor.u32 s1, s0  }
0xbc: {  	s0 =	sadd.s32 $0x8F2B, s0  }
0xbd: {  	[sflag:s0] =	ssyncadd.remote.s32 $0x1  }
0xbe: {  	_ =	sfence.sel $0xFFFF  }
0xbf: {  	[dreg:$0x0] =	wrdreg $0xFFFFFFFF;
	(pc) =	sbr.abs _section_cstart, $3  }
0xc0: {  	[dreg:$0x1] =	wrdreg $0xFFFFFFFF  }
0xc1: {  	_ =	task.clear_ibuf [dreg:s7], $0x2FFFF;
	_ =	strace $0x9FFFFFFF  }
0xc2: {  	(tm) =	ssettm $0x7FFFFFFF  }
0xc3: {  	_ =	shalt  }
tec
execute0_lowered:
.L_overlay_start_1:
0x0: {  	(tag) =	ssettag $0x1  }
0x1: {  	s1 =	srdreg.scid;
	s3 =	rddreg [dreg:$0x0]  }
0x2: {  	s0 =	stileid.u32;
	s5 =	rddreg [dreg:$0x1]  }
0x3: {  	s2 =	simm.s32 $0x0;
	s12 =	simm.s32 $0x4000;
	s13 =	simm.s32 $0x1  }
0x4: {  	s14 =	simm.s32 $0x8000;
	s15 =	simm.s32 $0x400;
	s16 =	simm.s32 $0x40000  }
0x5: {  	s17 =	simm.s32 $0x2;
	s18 =	simm.s32 $0x9000;
	s19 =	simm.s32 $0x3  }
0x6: {  	s20 =	simm.s32 $0x4;
	s21 =	simm.s32 $0x0;
	s4 =	sand.u32 $0x1, s1  }
0x7: {  	s6 =	sshll.u32 s0, $0xA;
	s1 =	rddreg [dreg:$0x2];
	s7 =	sshll.u32 s4, $0x9  }
0x8: {  	[smem:$0x7FF] =	sst s2;
	s4 =	ssub.s32 $0x2, s4;
	s6 =	sor.u32 s7, s6  }
0x9: {  	_ =	strace $0x8000004A;
	s31 =	sshrl.u32 s4, $0x1;
	s7 =	sshll.u32 s6, $0x4  }
0xa: {  	v0 =	vlaneseq.u32;
	s11 =	ssub.s32 s4, s31;
	s10 =	sadd.s32 s6, s5;
	s8 =	sadd.s32 s7, s3  }
0xb: {  	v0 =	vmul.u32 $0x80, v0;
	s5 =	sadd.s32 $0x4000, s10;
	s7 =	sadd.s32 $0x4080, s10;
	s9 =	sadd.s32 $0x4100, s10  }
0xc: {  	s10 =	sadd.s32 $0x4180, s10;
	s11 =	smax.u32 s11, $0x1;
	s3 =	sadd.s32 $0x41000, s8  }
0xd: {  	v1 =	vor.u32 $0x800, v0;
	s4 =	sadd.s32 $0x41800, s8;
	s6 =	sadd.s32 $0x42000, s8;
	s8 =	sadd.s32 $0x42800, s8  }
.LBB2_1:
0xe: {  	[tilespmem:s2], [sflag:$0x1] =	stream.linear.gather [hbm4b:s3+s2], $0x4000, $0x38;
	[tilespmem:$0xA000] =	vst v63  }
0xf: {  	_ = 	snop  }
0x10: {  	[tilespmem:s12], [sflag:$0x2] =	stream.linear.gather [hbm4b:s4+s2], $0x4000, $0x38;
	[tilespmem:$0xA000] =	vst v63  }
0x11: {  	_ =	swait.ge [sflag:s13], $0x4000  }
0x12: {  	[sflag:s13] =	ssyncset.done $0x0  }
0x13: {  	s29 =	simm.s32 $0x140;
	[sflag:s13] =	ssyncadd.s32 $0xFFFFC000  }
0x14: {  	v5 =	vld [tilespmem:s29+$0x80];
	_ =	sdelay $0x3  }
0x15: {  	v6 =	vld [tilespmem:s29+$0xFFFFFF00]  }
0x16: {  	v8 =	vld [tilespmem:s29+$0x0];
	v2 =	vtrunc.f32 v5  }
0x17: {  	v3 =	vcvt.f32.s32 v2  }
0x18: {  	s24 =	simm.s32 $0x3;
	s23 =	simm.s32 $0x2  }
0x19: {  	v9 =	vmov s24;
	v16 =	vmov s23;
	vm0 =	vlt.s32 v3, $0x3E  }
0x1a: {  	v9 =	vshll.u32 v9, $0x7;
	v7 =	vld [tilespmem:s29+$0xFFFFFF80];
	v4 =	vtrunc.f32 v6;
	v10 =	vnsel vm0, $0x3E, v3  }
0x1b: {  	v15 =	vtrunc.f32 v8;
	v3 =	vand.u32 $0xFFFFFF80, v10;
	v11 =	vadd.s32 $0x1, v10  }
0x1c: {  	v12 =	vand.u32 $0x7F, v10;
	v3 =	vadd.s32 v9, v3;
	v13 =	vand.u32 $0xFFFFFF80, v11  }
0x1d: {  	v12 =	vor.u32 v12, v3;
	v3 =	vand.u32 $0x7F, v11;
	v11 =	vadd.s32 v9, v13  }
0x1e: {  	v15 =	vcvt.f32.s32 v15;
	v10 =	vcvt.s32.f32 v10;
	v11 =	vor.u32 v3, v11  }
0x1f: {  	v2 =	vmov s2;
	v13 =	vcvt.f32.s32 v4;
	v4 =	vtrunc.f32 v7  }
0x20: {  	s22 =	simm.s32 $0x1;
	v2 =	vshll.u32 v2, $0x7;
	vm13 =	vlt.s32 v15, $0x3E;
	v14 =	vcvt.f32.s32 v4  }
0x21: {  	v18 =	vnsel vm13, $0x3E, v15;
	v5 =	vsub.f32 v5, v10;
	v3 =	vmov s22  }
0x22: {  	v4 =	vshll.u32 v3, $0x7;
	vm12 =	vlt.s32 v13, $0x3E;
	vm1 =	vlt.s32 v14, $0x3E;
	v12 =	vld.idx.msk [tilespmem:v12+s2+$0x0], $0xffff  }
0x23: {  	v3 =	vshll.u32 v16, $0x7;
	v13 =	vnsel vm12, $0x3E, v13;
	v14 =	vnsel vm1, $0x3E, v14;
	v11 =	vld.idx.msk [tilespmem:v11+s2+$0x0], $0xffff  }
0x24: {  	v16 =	vadd.s32 $0x1, v13;
	v20 =	vand.u32 $0xFFFFFF80, v13;
	v21 =	vand.u32 $0x7F, v13  }
0x25: {  	v17 =	vadd.s32 $0x1, v14;
	v15 =	vand.u32 $0xFFFFFF80, v16;
	v20 =	vadd.s32 v2, v20  }
0x26: {  	v16 =	vand.u32 $0x7F, v16;
	v19 =	vand.u32 $0xFFFFFF80, v17;
	v15 =	vadd.s32 v2, v15  }
0x27: {  	v20 =	vor.u32 v21, v20;
	v17 =	vand.u32 $0x7F, v17;
	v15 =	vor.u32 v16, v15  }
0x28: {  	v21 =	vand.u32 $0x7F, v14;
	v19 =	vadd.s32 v4, v19;
	v10 =	vsub.f32 v11, v12  }
0x29: {  	v17 =	vor.u32 v17, v19;
	v19 =	vor.u32 s24, v0;
	v11 =	vand.u32 $0xFFFFFF80, v14  }
0x2a: {  	v16 =	vadd.s32 $0x1, v18;
	v11 =	vadd.s32 v4, v11;
	v5 =	vmul.f32 v5, v10  }
0x2b: {  	v22 =	vand.u32 $0xFFFFFF80, v18;
	v10 =	vand.u32 $0xFFFFFF80, v16;
	v11 =	vor.u32 v21, v11  }
0x2c: {  	v21 =	vld.idx.msk [tilespmem:v15+s2+$0x0], $0xffff;
	v15 =	vand.u32 $0x7F, v16;
	v10 =	vadd.s32 v3, v10;
	v5 =	vadd.f32 v5, v12  }
0x2d: {  	v16 =	vadd.s32 v3, v22;
	v12 =	vld.idx.msk [tilespmem:v20+s2+$0x0], $0xffff;
	v20 =	vand.u32 $0x7F, v18;
	v10 =	vor.u32 v15, v10  }
0x2e: {  	v17 =	vld.idx.msk [tilespmem:v17+s2+$0x0], $0xffff;
	v16 =	vor.u32 v20, v16;
	[tilespmem:v19+s14+$0x0] =	vst.idx.msk $0xffff, v5  }
0x2f: {  	v15 =	vld [tilespmem:s29+$0x90]  }
0x30: {  	v5 =	vcvt.s32.f32 v13;
	v11 =	vld.idx.msk [tilespmem:v11+s2+$0x0], $0xffff;
	_ =	sdelay $0x1  }
0x31: {  	v13 =	vcvt.s32.f32 v14;
	v5 =	vsub.f32 v6, v5;
	v6 =	vsub.f32 v21, v12;
	v10 =	vld.idx.msk [tilespmem:v10+s2+$0x0], $0xffff  }
0x32: {  	v16 =	vld.idx.msk [tilespmem:v16+s2+$0x0], $0xffff  }
0x33: {  	v5 =	vmul.f32 v5, v6;
	v6 =	vsub.f32 v7, v13;
	v7 =	vtrunc.f32 v15  }
0x34: {  	v14 =	vor.u32 s2, v0;
	v13 =	vsub.f32 v17, v11;
	v7 =	vcvt.f32.s32 v7  }
0x35: {  	v5 =	vadd.f32 v5, v12;
	v12 =	vcvt.s32.f32 v18  }
0x36: {  	v17 =	vor.u32 s22, v0;
	v6 =	vmul.f32 v6, v13;
	vm14 =	vlt.s32 v7, $0x3E  }
0x37: {  	v12 =	vsub.f32 v8, v12;
	v10 =	vsub.f32 v10, v16;
	v13 =	vnsel vm14, $0x3E, v7  }
0x38: {  	v6 =	vadd.f32 v6, v11;
	v7 =	vand.u32 $0xFFFFFF80, v13;
	v8 =	vadd.s32 $0x1, v13  }
0x39: {  	[tilespmem:v14+s14+$0x0] =	vst.idx.msk $0xffff, v5;
	v11 =	vand.u32 $0x7F, v13;
	v7 =	vadd.s32 v9, v7;
	v14 =	vand.u32 $0xFFFFFF80, v8  }
0x3a: {  	v5 =	vld [tilespmem:s29+$0xFFFFFF10];
	v11 =	vor.u32 v11, v7;
	v7 =	vand.u32 $0x7F, v8;
	v8 =	vadd.s32 v9, v14  }
0x3b: {  	[tilespmem:v17+s14+$0x0] =	vst.idx.msk $0xffff, v6;
	v6 =	vor.u32 s23, v0;
	v9 =	vor.u32 v7, v8  }
0x3c: {  	v7 =	vmul.f32 v12, v10  }
0x3d: {  	s25 =	simm.s32 $0x4  }
0x3e: {  	v8 =	vld [tilespmem:s29+$0xFFFFFF90];
	v12 =	vmov s25;
	v16 =	vadd.f32 v7, v16  }
0x3f: {  	v10 =	vtrunc.f32 v5;
	v7 =	vshll.u32 v12, $0x7;
	v12 =	vld.idx.msk [tilespmem:v11+s2+$0x0], $0xffff  }
0x40: {  	v14 =	vcvt.f32.s32 v10;
	[tilespmem:v6+s14+$0x0] =	vst.idx.msk $0xffff, v16;
	v17 =	vld.idx.msk [tilespmem:v9+s2+$0x0], $0xffff  }
0x41: {  	s26 =	simm.s32 $0x5;
	s28 =	simm.s32 $0x6;
	v20 =	vcvt.s32.f32 v13;
	v6 =	vld [tilespmem:s29+$0x10]  }
0x42: {  	v10 =	vmov s26;
	v11 =	vmov s28;
	vm15 =	vlt.s32 v14, $0x3E  }
0x43: {  	v9 =	vshll.u32 v11, $0x7;
	v11 =	vnsel vm15, $0x3E, v14;
	v14 =	vtrunc.f32 v8  }
0x44: {  	s30 =	simm.s32 $0x340;
	v10 =	vshll.u32 v10, $0x7;
	v21 =	vadd.s32 $0x1, v11;
	v18 =	vcvt.f32.s32 v14  }
0x45: {  	s31 =	simm.s32 $0x8;
	v16 =	vld [tilespmem:s30+$0x80];
	s29 =	simm.s32 $0x0;
	v14 =	vand.u32 $0xFFFFFF80, v11;
	v19 =	vand.u32 $0xFFFFFF80, v21;
	v13 =	vand.u32 $0x7F, v21  }
.LBB2_2:
0x46: {  	p0 =	slt.u32 s31, $0x7C;
	v21 =	vld [tilespmem:s30+$0xFFFFFF00];
	v22 =	vtrunc.f32 v6;
	v15 =	vsub.f32 v15, v20;
	v20 =	vsub.f32 v17, v12  }
0x47: {  	vm0 =	vlt.s32 v18, $0x3E;
	v24 =	vor.u32 s24, v1;
	v23 =	vld [tilespmem:s30+$0xFFFFFF80];
	v22 =	vcvt.f32.s32 v22  }
0x48: {  	v19 =	vadd.s32 v2, v19;
	v17 =	vnsel vm0, $0x3E, v18;
	v25 =	vld [tilespmem:s30+$0x0];
	v15 =	vmul.f32 v15, v20  }
0x49: {  	v20 =	vand.u32 $0xFFFFFF80, v17;
	v26 =	vadd.s32 $0x1, v17;
	vm0 =	vlt.s32 v22, $0x3E  }
0x4a: {  	v27 =	vtrunc.f32 v16;
	v18 =	vnsel vm0, $0x3E, v22;
	v12 =	vadd.f32 v15, v12  }
0x4b: {  	v15 =	vtrunc.f32 v21;
	v22 =	vcvt.f32.s32 v27;
	v27 =	vadd.s32 $0x1, v18  }
0x4c: {  	v29 =	vand.u32 $0xFFFFFF80, v26;
	v15 =	vcvt.f32.s32 v15;
	v28 =	vtrunc.f32 v23;
	[tilespmem:v24+s14+$0x0] =	vst.idx.msk $0xffff, v12  }
0x4d: {  	s24 =	sadd.s32 $0x3, s25;
	v24 =	vcvt.f32.s32 v28;
	v12 =	vtrunc.f32 v25;
	vm0 =	vlt.s32 v22, $0x3E  }
0x4e: {  	v28 =	vcvt.f32.s32 v12;
	v12 =	vmov s24;
	v22 =	vnsel vm0, $0x3E, v22  }
0x4f: {  	v30 =	vand.u32 $0xFFFFFF80, v22;
	v12 =	vshll.u32 v12, $0x7;
	v31 =	vadd.s32 $0x1, v22  }
0x50: {  	v32 =	vand.u32 $0x7F, v22;
	v30 =	vadd.s32 v12, v30;
	v33 =	vand.u32 $0xFFFFFF80, v31  }
0x51: {  	v31 =	vand.u32 $0x7F, v31;
	v30 =	vor.u32 v32, v30;
	v32 =	vadd.s32 v12, v33  }
0x52: {  	vm0 =	vlt.s32 v15, $0x3E;
	vm1 =	vlt.s32 v24, $0x3E;
	v31 =	vor.u32 v31, v32  }
0x53: {  	v15 =	vnsel vm0, $0x3E, v15;
	v24 =	vnsel vm1, $0x3E, v24;
	vm0 =	vlt.s32 v28, $0x3E  }
0x54: {  	v33 =	vadd.s32 $0x1, v24;
	v28 =	vnsel vm0, $0x3E, v28;
	v32 =	vadd.s32 $0x1, v15  }
0x55: {  	v35 =	vand.u32 $0xFFFFFF80, v33;
	v36 =	vadd.s32 $0x1, v28;
	v34 =	vand.u32 $0xFFFFFF80, v32  }
0x56: {  	v37 =	vand.u32 $0xFFFFFF80, v15;
	v38 =	vand.u32 $0xFFFFFF80, v24;
	v39 =	vand.u32 $0xFFFFFF80, v36;
	v30 =	vld.idx.msk [tilespmem:v30+s2+$0x0], $0xffff  }
0x57: {  	v40 =	vand.u32 $0xFFFFFF80, v28;
	v35 =	vadd.s32 v10, v35;
	v34 =	vadd.s32 v7, v34;
	v31 =	vld.idx.msk [tilespmem:v31+s2+$0x0], $0xffff  }
0x58: {  	v37 =	vadd.s32 v7, v37;
	v32 =	vand.u32 $0x7F, v32;
	v39 =	vadd.s32 v9, v39  }
0x59: {  	v38 =	vadd.s32 v10, v38;
	v33 =	vand.u32 $0x7F, v33;
	v40 =	vadd.s32 v9, v40  }
0x5a: {  	v41 =	vand.u32 $0x7F, v15;
	v42 =	vand.u32 $0x7F, v24;
	v36 =	vand.u32 $0x7F, v36  }
0x5b: {  	v22 =	vcvt.s32.f32 v22;
	v32 =	vor.u32 v32, v34;
	v34 =	vand.u32 $0x7F, v28  }
0x5c: {  	v37 =	vor.u32 v41, v37;
	v33 =	vor.u32 v33, v35;
	v35 =	vor.u32 v36, v39  }
0x5d: {  	v16 =	vsub.f32 v16, v22;
	v36 =	vor.u32 v42, v38;
	v22 =	vsub.f32 v31, v30  }
0x5e: {  	v15 =	vcvt.s32.f32 v15;
	v31 =	vor.u32 v34, v40;
	v34 =	vor.u32 s24, v0  }
0x5f: {  	v24 =	vcvt.s32.f32 v24;
	v16 =	vmul.f32 v16, v22;
	v22 =	vand.u32 $0xFFFFFF80, v27  }
0x60: {  	v21 =	vsub.f32 v21, v15;
	v15 =	vcvt.s32.f32 v28;
	v28 =	vand.u32 $0xFFFFFF80, v18;
	v32 =	vld.idx.msk [tilespmem:v32+s2+$0x0], $0xffff  }
0x61: {  	v23 =	vsub.f32 v23, v24;
	v24 =	vadd.s32 v4, v29;
	v16 =	vadd.f32 v16, v30;
	v33 =	vld.idx.msk [tilespmem:v33+s2+$0x0], $0xffff  }
0x62: {  	v14 =	vadd.s32 v2, v14;
	v25 =	vsub.f32 v25, v15;
	v22 =	vadd.s32 v3, v22;
	v29 =	vld.idx.msk [tilespmem:v35+s2+$0x0], $0xffff  }
0x63: {  	v30 =	vld.idx.msk [tilespmem:v37+s2+$0x0], $0xffff;
	[tilespmem:v34+s14+$0x0] =	vst.idx.msk $0xffff, v16;
	v16 =	vadd.s32 v4, v20;
	v20 =	vand.u32 $0x7F, v26;
	v26 =	vand.u32 $0x7F, v27  }
0x64: {  	v2 =	vmovc v7;
	v28 =	vadd.s32 v3, v28;
	v27 =	vand.u32 $0x7F, v11;
	v34 =	vand.u32 $0x7F, v17;
	v4 =	vmovc v10;
	v15 =	vld [tilespmem:s30+$0x90]  }
0x65: {  	v3 =	vmovc v9;
	v10 =	vor.u32 v13, v19;
	v19 =	vand.u32 $0x7F, v18;
	v13 =	vor.u32 v20, v24;
	v7 =	vld.idx.msk [tilespmem:v36+s2+$0x0], $0xffff  }
0x66: {  	v14 =	vor.u32 v27, v14;
	v16 =	vor.u32 v34, v16;
	v20 =	vor.u32 v26, v22;
	v9 =	vld.idx.msk [tilespmem:v31+s2+$0x0], $0xffff  }
0x67: {  	v11 =	vcvt.s32.f32 v11;
	v17 =	vcvt.s32.f32 v17;
	v19 =	vor.u32 v19, v28  }
0x68: {  	v18 =	vcvt.s32.f32 v18;
	v22 =	vor.u32 s25, v0  }
0x69: {  	v11 =	vsub.f32 v5, v11;
	v24 =	vsub.f32 v32, v30;
	v26 =	vtrunc.f32 v15  }
0x6a: {  	v18 =	vsub.f32 v6, v18;
	v5 =	vcvt.f32.s32 v26;
	v10 =	vld.idx.msk [tilespmem:v10+s2+$0x0], $0xffff;
	v26 =	vsub.f32 v8, v17  }
0x6b: {  	v6 =	vmul.f32 v21, v24;
	v8 =	vsub.f32 v33, v7;
	v17 =	vor.u32 s26, v0;
	v13 =	vld.idx.msk [tilespmem:v13+s2+$0x0], $0xffff  }
0x6c: {  	v24 =	vor.u32 s28, v0;
	v21 =	vsub.f32 v29, v9;
	vm0 =	vlt.s32 v5, $0x3E;
	v20 =	vld.idx.msk [tilespmem:v20+s2+$0x0], $0xffff  }
0x6d: {  	v6 =	vadd.f32 v6, v30;
	v8 =	vmul.f32 v23, v8;
	v23 =	vnsel vm0, $0x3E, v5;
	v14 =	vld.idx.msk [tilespmem:v14+s2+$0x0], $0xffff  }
0x6e: {  	v21 =	vmul.f32 v25, v21;
	v5 =	vand.u32 $0xFFFFFF80, v23;
	v25 =	vadd.s32 $0x1, v23;
	v16 =	vld.idx.msk [tilespmem:v16+s2+$0x0], $0xffff  }
0x6f: {  	[tilespmem:v22+s14+$0x0] =	vst.idx.msk $0xffff, v6;
	v6 =	vand.u32 $0x7F, v23;
	v22 =	vadd.s32 v12, v5;
	v27 =	vand.u32 $0xFFFFFF80, v25;
	v19 =	vld.idx.msk [tilespmem:v19+s2+$0x0], $0xffff  }
0x70: {  	v5 =	vld [tilespmem:s30+$0xFFFFFF10];
	v6 =	vor.u32 v6, v22;
	v22 =	vand.u32 $0x7F, v25;
	v12 =	vadd.s32 v12, v27  }
0x71: {  	v7 =	vadd.f32 v8, v7;
	v9 =	vadd.f32 v21, v9;
	v21 =	vor.u32 v22, v12  }
0x72: {  	v8 =	vmov s31;
	v22 =	vor.u32 s29, v1;
	s29 =	smov.u32 s25;
	s25 =	smov.u32 s31  }
0x73: {  	v25 =	vor.u32 s22, v1;
	v27 =	vor.u32 s23, v1;
	s22 =	smov.u32 s26;
	s26 =	sadd.s32 $0x1, s31;
	s23 =	smov.u32 s28;
	v10 =	vsub.f32 v10, v14;
	[tilespmem:v17+s14+$0x0] =	vst.idx.msk $0xffff, v7  }
0x74: {  	v28 =	vmov s26;
	v7 =	vshll.u32 v8, $0x7;
	v8 =	vld [tilespmem:s30+$0xFFFFFF90];
	[tilespmem:v24+s14+$0x0] =	vst.idx.msk $0xffff, v9;
	v9 =	vsub.f32 v13, v16  }
0x75: {  	s28 =	sadd.s32 $0x2, s31;
	v11 =	vmul.f32 v11, v10;
	v20 =	vsub.f32 v20, v19;
	v13 =	vtrunc.f32 v5;
	v12 =	vld.idx.msk [tilespmem:v6+s2+$0x0], $0xffff  }
0x76: {  	v24 =	vmov s28;
	v13 =	vcvt.f32.s32 v13;
	v17 =	vld.idx.msk [tilespmem:v21+s2+$0x0], $0xffff;
	v21 =	vmul.f32 v26, v9  }
.Ltmp0:
0x77: {  	v10 =	vshll.u32 v28, $0x7;
	v14 =	vadd.f32 v11, v14;
	v18 =	vmul.f32 v18, v20;
	v6 =	vld [tilespmem:s30+$0x10];
	(pc) =	sbr.rel @p0 .LBB2_2-.Ltmp0, $4  }
0x78: {  	v9 =	vshll.u32 v24, $0x7;
	vm0 =	vlt.s32 v13, $0x3E;
	v16 =	vadd.f32 v21, v16  }
0x79: {  	v21 =	vadd.f32 v18, v19;
	v11 =	vnsel vm0, $0x3E, v13;
	v13 =	vtrunc.f32 v8;
	[tilespmem:v22+s14+$0x0] =	vst.idx.msk $0xffff, v14  }
0x7a: {  	v20 =	vcvt.s32.f32 v23;
	s30 =	sadd.s32 $0x200, s30;
	v22 =	vadd.s32 $0x1, v11;
	v18 =	vcvt.f32.s32 v13;
	[tilespmem:v25+s14+$0x0] =	vst.idx.msk $0xffff, v16  }
0x7b: {  	s31 =	sadd.s32 $0x4, s31;
	v14 =	vand.u32 $0xFFFFFF80, v11;
	v16 =	vld [tilespmem:s30+$0x80];
	v19 =	vand.u32 $0xFFFFFF80, v22;
	v13 =	vand.u32 $0x7F, v22;
	[tilespmem:v27+s14+$0x0] =	vst.idx.msk $0xffff, v21  }
0x7c: {  	v21 =	vld [tilespmem:s30+$0xFFFFFF00];
	v22 =	vtrunc.f32 v6;
	v15 =	vsub.f32 v15, v20  }
0x7d: {  	v23 =	vld [tilespmem:s30+$0xFFFFFF80];
	v17 =	vsub.f32 v17, v12;
	vm0 =	vlt.s32 v18, $0x3E;
	v19 =	vadd.s32 v2, v19  }
0x7e: {  	s31 =	sadd.s32 $0x3, s25;
	v2 =	vadd.s32 v2, v14;
	v48 =	vor.u32 s26, v0;
	v20 =	vcvt.f32.s32 v22;
	v22 =	vld [tilespmem:s30+$0x0]  }
0x7f: {  	v18 =	vnsel vm0, $0x3E, v18;
	v27 =	vmov s31;
	v63 =	vor.u32 s31, v0  }
0x80: {  	v13 =	vor.u32 v13, v19;
	v15 =	vmul.f32 v15, v17;
	v24 =	vtrunc.f32 v16  }
0x81: {  	v19 =	vor.u32 s28, v0;
	v17 =	vcvt.f32.s32 v24;
	v25 =	vtrunc.f32 v21  }
0x82: {  	v51 =	vand.u32 $0xFFFFFF80, v18;
	v26 =	vtrunc.f32 v23;
	v25 =	vcvt.f32.s32 v25  }
0x83: {  	v26 =	vcvt.f32.s32 v26;
	v28 =	vtrunc.f32 v22;
	vm1 =	vlt.s32 v17, $0x3E  }
0x84: {  	v27 =	vshll.u32 v27, $0x7;
	v28 =	vcvt.f32.s32 v28;
	v17 =	vnsel vm1, $0x3E, v17  }
0x85: {  	vm15 =	vlt.s32 v25, $0x3E;
	vm4 =	vlt.s32 v26, $0x3E;
	v29 =	vand.u32 $0xFFFFFF80, v17  }
0x86: {  	v30 =	vadd.s32 $0x1, v17;
	v31 =	vand.u32 $0x7F, v17;
	v25 =	vnsel vm15, $0x3E, v25  }
0x87: {  	v26 =	vnsel vm4, $0x3E, v26;
	v29 =	vadd.s32 v27, v29;
	v32 =	vand.u32 $0xFFFFFF80, v30  }
0x88: {  	v30 =	vand.u32 $0x7F, v30;
	v29 =	vor.u32 v31, v29;
	v52 =	vadd.s32 v27, v32  }
0x89: {  	v53 =	vadd.s32 $0x1, v25;
	v36 =	vand.u32 $0xFFFFFF80, v25;
	v30 =	vor.u32 v30, v52  }
0x8a: {  	v40 =	vand.u32 $0x7F, v25;
	v33 =	vand.u32 $0xFFFFFF80, v53;
	v36 =	vadd.s32 v7, v36  }
0x8b: {  	v31 =	vand.u32 $0x7F, v53;
	v33 =	vadd.s32 v7, v33;
	v36 =	vor.u32 v40, v36  }
0x8c: {  	vm5 =	vlt.s32 v28, $0x3E;
	v17 =	vcvt.s32.f32 v17;
	v31 =	vor.u32 v31, v33  }
0x8d: {  	v54 =	vadd.s32 $0x1, v26;
	v28 =	vnsel vm5, $0x3E, v28;
	v37 =	vand.u32 $0xFFFFFF80, v26;
	v29 =	vld.idx.msk [tilespmem:v29+s2+$0x0], $0xffff  }
0x8e: {  	v57 =	vand.u32 $0x7F, v26;
	v34 =	vand.u32 $0xFFFFFF80, v54;
	v35 =	vadd.s32 $0x1, v28;
	v30 =	vld.idx.msk [tilespmem:v30+s2+$0x0], $0xffff  }
0x8f: {  	v39 =	vand.u32 $0xFFFFFF80, v28;
	v32 =	vand.u32 $0x7F, v54;
	v37 =	vadd.s32 v10, v37  }
0x90: {  	v58 =	vand.u32 $0x7F, v28;
	v34 =	vadd.s32 v10, v34;
	v37 =	vor.u32 v57, v37;
	v61 =	vld.idx.msk [tilespmem:v36+s2+$0x0], $0xffff  }
0x91: {  	v38 =	vand.u32 $0xFFFFFF80, v35;
	v56 =	vadd.s32 v9, v39;
	v32 =	vor.u32 v32, v34;
	v31 =	vld.idx.msk [tilespmem:v31+s2+$0x0], $0xffff  }
0x92: {  	v35 =	vand.u32 $0x7F, v35;
	v55 =	vadd.s32 v9, v38;
	v34 =	vor.u32 v58, v56  }
0x93: {  	v16 =	vsub.f32 v16, v17;
	v33 =	vor.u32 v35, v55;
	v17 =	vsub.f32 v30, v29  }
0x94: {  	v59 =	vadd.s32 $0x1, v18;
	v49 =	vand.u32 $0x7F, v18;
	v25 =	vcvt.s32.f32 v25  }
0x95: {  	v18 =	vcvt.s32.f32 v18;
	vm14 =	vlt.s32 v20, $0x3E;
	v37 =	vld.idx.msk [tilespmem:v37+s2+$0x0], $0xffff;
	v16 =	vmul.f32 v16, v17  }
0x96: {  	v62 =	vand.u32 $0xFFFFFF80, v59;
	v21 =	vsub.f32 v21, v25;
	v32 =	vld.idx.msk [tilespmem:v32+s2+$0x0], $0xffff;
	v14 =	vsub.f32 v31, v61  }
0x97: {  	v44 =	vand.u32 $0x7F, v59;
	v20 =	vnsel vm14, $0x3E, v20;
	v43 =	vld.idx.msk [tilespmem:v34+s2+$0x0], $0xffff;
	v16 =	vadd.f32 v16, v29  }
0x98: {  	v42 =	vadd.s32 v4, v62;
	v33 =	vld.idx.msk [tilespmem:v33+s2+$0x0], $0xffff;
	v14 =	vmul.f32 v21, v14;
	v21 =	vand.u32 $0x7F, v11  }
0x99: {  	v26 =	vcvt.s32.f32 v26;
	v2 =	vor.u32 v21, v2;
	[tilespmem:v63+s14+$0x0] =	vst.idx.msk $0xffff, v16;
	v16 =	vor.u32 s25, v0  }
0x9a: {  	v4 =	vadd.s32 v4, v51;
	v8 =	vsub.f32 v8, v18;
	v60 =	vadd.s32 $0x1, v20;
	v46 =	vld [tilespmem:s30+$0x90]  }
0x9b: {  	v40 =	vcvt.s32.f32 v28;
	v23 =	vsub.f32 v23, v26;
	v47 =	vsub.f32 v32, v37  }
0x9c: {  	v41 =	vand.u32 $0xFFFFFF80, v20;
	v24 =	vor.u32 v44, v42;
	v14 =	vadd.f32 v14, v61  }
0x9d: {  	v13 =	vld.idx.msk [tilespmem:v13+s2+$0x0], $0xffff;
	v22 =	vsub.f32 v22, v40;
	v33 =	vsub.f32 v33, v43;
	v23 =	vmul.f32 v23, v47  }
0x9e: {  	v4 =	vor.u32 v49, v4;
	v45 =	vand.u32 $0x7F, v60;
	v17 =	vand.u32 $0xFFFFFF80, v60;
	v2 =	vld.idx.msk [tilespmem:v2+s2+$0x0], $0xffff;
	[tilespmem:v16+s14+$0x0] =	vst.idx.msk $0xffff, v14  }
0x9f: {  	v22 =	vmul.f32 v22, v33;
	v23 =	vadd.f32 v23, v37;
	v16 =	vtrunc.f32 v46;
	v50 =	vld [tilespmem:s30+$0xFFFFFF10]  }
0xa0: {  	v17 =	vadd.s32 v3, v17;
	v3 =	vadd.s32 v3, v41;
	v16 =	vcvt.f32.s32 v16  }
0xa1: {  	v11 =	vcvt.s32.f32 v11;
	v21 =	vadd.f32 v22, v43;
	[tilespmem:v48+s14+$0x0] =	vst.idx.msk $0xffff, v23;
	v14 =	vand.u32 $0x7F, v20  }
0xa2: {  	v17 =	vor.u32 v45, v17;
	v3 =	vor.u32 v14, v3;
	v14 =	vld [tilespmem:s30+$0xFFFFFF90];
	vm6 =	vlt.s32 v16, $0x3E  }
0xa3: {  	v5 =	vsub.f32 v5, v11;
	[tilespmem:v19+s14+$0x0] =	vst.idx.msk $0xffff, v21;
	v19 =	vcvt.s32.f32 v20;
	v11 =	vnsel vm6, $0x3E, v16  }
0xa4: {  	v13 =	vsub.f32 v13, v2;
	v16 =	vld [tilespmem:s30+$0x10];
	v20 =	vand.u32 $0xFFFFFF80, v11;
	v22 =	vtrunc.f32 v50  }
0xa5: {  	v21 =	vadd.s32 $0x1, v11;
	v23 =	vand.u32 $0x7F, v11;
	v22 =	vcvt.f32.s32 v22  }
0xa6: {  	v20 =	vadd.s32 v27, v20;
	v18 =	vand.u32 $0xFFFFFF80, v21;
	v21 =	vand.u32 $0x7F, v21  }
0xa7: {  	v20 =	vor.u32 v23, v20;
	v23 =	vtrunc.f32 v14;
	vm7 =	vlt.s32 v22, $0x3E  }
0xa8: {  	v18 =	vadd.s32 v27, v18;
	v23 =	vcvt.f32.s32 v23;
	v22 =	vnsel vm7, $0x3E, v22  }
0xa9: {  	v18 =	vor.u32 v21, v18;
	v51 =	vtrunc.f32 v16;
	v52 =	vadd.s32 $0x1, v22  }
0xaa: {  	v25 =	vcvt.f32.s32 v51;
	v21 =	vand.u32 $0xFFFFFF80, v22;
	vm8 =	vlt.s32 v23, $0x3E  }
0xab: {  	v53 =	vand.u32 $0xFFFFFF80, v52;
	v27 =	vand.u32 $0x7F, v52;
	v23 =	vnsel vm8, $0x3E, v23  }
0xac: {  	vm9 =	vlt.s32 v25, $0x3E;
	v28 =	vadd.s32 v7, v53;
	v54 =	vand.u32 $0xFFFFFF80, v23  }
0xad: {  	v24 =	vld.idx.msk [tilespmem:v24+s2+$0x0], $0xffff;
	v55 =	vadd.s32 $0x1, v23;
	v7 =	vadd.s32 v7, v21;
	v21 =	vand.u32 $0x7F, v22  }
0xae: {  	v4 =	vld.idx.msk [tilespmem:v4+s2+$0x0], $0xffff;
	v61 =	vand.u32 $0x7F, v23;
	v25 =	vnsel vm9, $0x3E, v25;
	v57 =	vand.u32 $0xFFFFFF80, v55  }
0xaf: {  	v17 =	vld.idx.msk [tilespmem:v17+s2+$0x0], $0xffff;
	v30 =	vand.u32 $0x7F, v55;
	v27 =	vor.u32 v27, v28;
	v7 =	vor.u32 v21, v7  }
0xb0: {  	v3 =	vld.idx.msk [tilespmem:v3+s2+$0x0], $0xffff;
	v56 =	vadd.s32 $0x1, v25;
	v59 =	vand.u32 $0xFFFFFF80, v25;
	v33 =	vadd.s32 v10, v57  }
0xb1: {  	v10 =	vadd.s32 v10, v54;
	v58 =	vand.u32 $0xFFFFFF80, v56;
	v30 =	vor.u32 v30, v33  }
0xb2: {  	v20 =	vld.idx.msk [tilespmem:v20+s2+$0x0], $0xffff;
	v32 =	vand.u32 $0x7F, v56;
	v10 =	vor.u32 v61, v10;
	v60 =	vadd.s32 v9, v58  }
0xb3: {  	v18 =	vld.idx.msk [tilespmem:v18+s2+$0x0], $0xffff;
	v21 =	vand.u32 $0x7F, v25;
	v9 =	vadd.s32 v9, v59;
	v28 =	vor.u32 v32, v60  }
0xb4: {  	v24 =	vsub.f32 v24, v4;
	v6 =	vsub.f32 v6, v19;
	v9 =	vor.u32 v21, v9;
	v19 =	vld.idx.msk [tilespmem:v27+s2+$0x0], $0xffff  }
0xb5: {  	v5 =	vmul.f32 v5, v13;
	v17 =	vsub.f32 v17, v3;
	v7 =	vld.idx.msk [tilespmem:v7+s2+$0x0], $0xffff  }
0xb6: {  	v12 =	vadd.f32 v15, v12;
	v15 =	vor.u32 s29, v1;
	v8 =	vmul.f32 v8, v24;
	v62 =	vld.idx.msk [tilespmem:v30+s2+$0x0], $0xffff  }
0xb7: {  	v2 =	vadd.f32 v5, v2;
	v5 =	vcvt.s32.f32 v11;
	v6 =	vmul.f32 v6, v17;
	v10 =	vld.idx.msk [tilespmem:v10+s2+$0x0], $0xffff  }
0xb8: {  	v4 =	vadd.f32 v8, v4;
	v63 =	vor.u32 s22, v1;
	v21 =	vor.u32 s24, v1;
	v13 =	vld.idx.msk [tilespmem:v28+s2+$0x0], $0xffff  }
0xb9: {  	v5 =	vsub.f32 v46, v5;
	v3 =	vadd.f32 v6, v3;
	v6 =	vcvt.s32.f32 v22;
	v8 =	vld.idx.msk [tilespmem:v9+s2+$0x0], $0xffff  }
0xba: {  	v17 =	vor.u32 s23, v1;
	v11 =	vcvt.s32.f32 v23;
	v9 =	vsub.f32 v18, v20  }
0xbb: {  	v22 =	vcvt.s32.f32 v25;
	v6 =	vsub.f32 v50, v6;
	v18 =	vor.u32 s31, v1  }
0xbc: {  	v5 =	vmul.f32 v5, v9;
	v9 =	vsub.f32 v14, v11;
	v11 =	vsub.f32 v19, v7  }
0xbd: {  	[tilespmem:v21+s14+$0x0] =	vst.idx.msk $0xffff, v12;
	v12 =	vsub.f32 v16, v22;
	v14 =	vor.u32 s25, v1;
	v16 =	vsub.f32 v62, v10  }
0xbe: {  	[tilespmem:v15+s14+$0x0] =	vst.idx.msk $0xffff, v2;
	v2 =	vor.u32 s26, v1;
	v6 =	vmul.f32 v6, v11;
	v11 =	vsub.f32 v13, v8  }
0xbf: {  	[tilespmem:v63+s14+$0x0] =	vst.idx.msk $0xffff, v4;
	v4 =	vadd.f32 v5, v20;
	v5 =	vor.u32 s28, v1;
	v9 =	vmul.f32 v9, v16  }
0xc0: {  	[tilespmem:v17+s14+$0x0] =	vst.idx.msk $0xffff, v3;
	v3 =	vadd.f32 v6, v7;
	v6 =	vmul.f32 v12, v11  }
0xc1: {  	[tilespmem:v18+s14+$0x0] =	vst.idx.msk $0xffff, v4;
	v4 =	vadd.f32 v9, v10  }
0xc2: {  	[tilespmem:v14+s14+$0x0] =	vst.idx.msk $0xffff, v3;
	v3 =	vadd.f32 v6, v8  }
0xc3: {  	[tilespmem:v2+s14+$0x0] =	vst.idx.msk $0xffff, v4  }
0xc4: {  	[tilespmem:v5+s14+$0x0] =	vst.idx.msk $0xffff, v3  }
0xc5: {  	[hbm4b:s5+s15] =	stream.strided.scatter [tilespmem:s14], [sflag:$0x3], $0x1000, s16, s15, $0x38;
	[tilespmem:$0xA000] =	vst v63  }
0xc6: {  	s22 =	simm.s32 $0x0  }
0xc7: {  	[tilespmem:s22], [sflag:$0x1] =	stream.linear.gather [hbm4b:s6+s22], $0x4000, $0x38;
	[tilespmem:$0xA000] =	vst v63  }
0xc8: {  	_ =	swait.ge [sflag:s17], $0x4000  }
0xc9: {  	[sflag:s17] =	ssyncset.done $0x0  }
0xca: {  	s30 =	simm.s32 $0x4140;
	[sflag:s17] =	ssyncadd.s32 $0xFFFFC000  }
0xcb: {  	v5 =	vld [tilespmem:s30+$0x80];
	_ =	sdelay $0x3  }
0xcc: {  	v6 =	vld [tilespmem:s30+$0xFFFFFF00]  }
0xcd: {  	v8 =	vld [tilespmem:s30+$0x0];
	v2 =	vtrunc.f32 v5  }
0xce: {  	v3 =	vcvt.f32.s32 v2  }
0xcf: {  	s24 =	simm.s32 $0x2;
	s25 =	simm.s32 $0x3  }
0xd0: {  	v16 =	vmov s24;
	v9 =	vmov s25;
	vm10 =	vlt.s32 v3, $0x3E  }
0xd1: {  	v9 =	vshll.u32 v9, $0x7;
	v7 =	vld [tilespmem:s30+$0xFFFFFF80];
	v4 =	vtrunc.f32 v6;
	v10 =	vnsel vm10, $0x3E, v3  }
0xd2: {  	v15 =	vtrunc.f32 v8;
	v3 =	vand.u32 $0xFFFFFF80, v10;
	v11 =	vadd.s32 $0x1, v10  }
0xd3: {  	v12 =	vand.u32 $0x7F, v10;
	v3 =	vadd.s32 v9, v3;
	v13 =	vand.u32 $0xFFFFFF80, v11  }
0xd4: {  	v12 =	vor.u32 v12, v3;
	v3 =	vand.u32 $0x7F, v11;
	v11 =	vadd.s32 v9, v13  }
0xd5: {  	v15 =	vcvt.f32.s32 v15;
	v10 =	vcvt.s32.f32 v10;
	v11 =	vor.u32 v3, v11  }
0xd6: {  	v2 =	vmov s22;
	v13 =	vcvt.f32.s32 v4;
	v4 =	vtrunc.f32 v7  }
0xd7: {  	s23 =	simm.s32 $0x1;
	v2 =	vshll.u32 v2, $0x7;
	vm13 =	vlt.s32 v15, $0x3E;
	v14 =	vcvt.f32.s32 v4  }
0xd8: {  	v18 =	vnsel vm13, $0x3E, v15;
	v5 =	vsub.f32 v5, v10;
	v3 =	vmov s23  }
0xd9: {  	v4 =	vshll.u32 v3, $0x7;
	vm11 =	vlt.s32 v13, $0x3E;
	vm12 =	vlt.s32 v14, $0x3E;
	v12 =	vld.idx.msk [tilespmem:v12+s12+$0x0], $0xffff  }
0xda: {  	v3 =	vshll.u32 v16, $0x7;
	v13 =	vnsel vm11, $0x3E, v13;
	v14 =	vnsel vm12, $0x3E, v14;
	v11 =	vld.idx.msk [tilespmem:v11+s12+$0x0], $0xffff  }
0xdb: {  	v16 =	vadd.s32 $0x1, v13;
	v20 =	vand.u32 $0xFFFFFF80, v13;
	v21 =	vand.u32 $0x7F, v13  }
0xdc: {  	v17 =	vadd.s32 $0x1, v14;
	v15 =	vand.u32 $0xFFFFFF80, v16;
	v20 =	vadd.s32 v2, v20  }
0xdd: {  	v16 =	vand.u32 $0x7F, v16;
	v19 =	vand.u32 $0xFFFFFF80, v17;
	v15 =	vadd.s32 v2, v15  }
0xde: {  	v20 =	vor.u32 v21, v20;
	v17 =	vand.u32 $0x7F, v17;
	v15 =	vor.u32 v16, v15  }
0xdf: {  	v21 =	vand.u32 $0x7F, v14;
	v19 =	vadd.s32 v4, v19;
	v10 =	vsub.f32 v11, v12  }
0xe0: {  	v17 =	vor.u32 v17, v19;
	v19 =	vor.u32 s25, v0;
	v11 =	vand.u32 $0xFFFFFF80, v14  }
0xe1: {  	v16 =	vadd.s32 $0x1, v18;
	v11 =	vadd.s32 v4, v11;
	v5 =	vmul.f32 v5, v10  }
0xe2: {  	v22 =	vand.u32 $0xFFFFFF80, v18;
	v10 =	vand.u32 $0xFFFFFF80, v16;
	v11 =	vor.u32 v21, v11  }
0xe3: {  	v21 =	vld.idx.msk [tilespmem:v15+s12+$0x0], $0xffff;
	v15 =	vand.u32 $0x7F, v16;
	v10 =	vadd.s32 v3, v10;
	v5 =	vadd.f32 v5, v12  }
0xe4: {  	v16 =	vadd.s32 v3, v22;
	v12 =	vld.idx.msk [tilespmem:v20+s12+$0x0], $0xffff;
	v20 =	vand.u32 $0x7F, v18;
	v10 =	vor.u32 v15, v10  }
0xe5: {  	v17 =	vld.idx.msk [tilespmem:v17+s12+$0x0], $0xffff;
	v16 =	vor.u32 v20, v16;
	[tilespmem:v19+s18+$0x0] =	vst.idx.msk $0xffff, v5  }
0xe6: {  	v15 =	vld [tilespmem:s30+$0x90]  }
0xe7: {  	v5 =	vcvt.s32.f32 v13;
	v11 =	vld.idx.msk [tilespmem:v11+s12+$0x0], $0xffff;
	_ =	sdelay $0x1  }
0xe8: {  	v13 =	vcvt.s32.f32 v14;
	v5 =	vsub.f32 v6, v5;
	v6 =	vsub.f32 v21, v12;
	v10 =	vld.idx.msk [tilespmem:v10+s12+$0x0], $0xffff  }
0xe9: {  	v16 =	vld.idx.msk [tilespmem:v16+s12+$0x0], $0xffff  }
0xea: {  	v5 =	vmul.f32 v5, v6;
	v6 =	vsub.f32 v7, v13;
	v7 =	vtrunc.f32 v15  }
0xeb: {  	v14 =	vor.u32 s22, v0;
	v13 =	vsub.f32 v17, v11;
	v7 =	vcvt.f32.s32 v7  }
0xec: {  	v5 =	vadd.f32 v5, v12;
	v12 =	vcvt.s32.f32 v18  }
0xed: {  	v17 =	vor.u32 s23, v0;
	v6 =	vmul.f32 v6, v13;
	vm14 =	vlt.s32 v7, $0x3E  }
0xee: {  	v12 =	vsub.f32 v8, v12;
	v10 =	vsub.f32 v10, v16;
	v13 =	vnsel vm14, $0x3E, v7  }
0xef: {  	v6 =	vadd.f32 v6, v11;
	v7 =	vand.u32 $0xFFFFFF80, v13;
	v8 =	vadd.s32 $0x1, v13  }
0xf0: {  	[tilespmem:v14+s18+$0x0] =	vst.idx.msk $0xffff, v5;
	v11 =	vand.u32 $0x7F, v13;
	v7 =	vadd.s32 v9, v7;
	v14 =	vand.u32 $0xFFFFFF80, v8  }
0xf1: {  	v5 =	vld [tilespmem:s30+$0xFFFFFF10];
	v11 =	vor.u32 v11, v7;
	v7 =	vand.u32 $0x7F, v8;
	v8 =	vadd.s32 v9, v14  }
0xf2: {  	[tilespmem:v17+s18+$0x0] =	vst.idx.msk $0xffff, v6;
	v6 =	vor.u32 s24, v0;
	v9 =	vor.u32 v7, v8  }
0xf3: {  	v7 =	vmul.f32 v12, v10  }
0xf4: {  	s26 =	simm.s32 $0x4  }
0xf5: {  	v8 =	vld [tilespmem:s30+$0xFFFFFF90];
	v12 =	vmov s26;
	v16 =	vadd.f32 v7, v16  }
0xf6: {  	v10 =	vtrunc.f32 v5;
	v7 =	vshll.u32 v12, $0x7;
	v12 =	vld.idx.msk [tilespmem:v11+s12+$0x0], $0xffff  }
0xf7: {  	v14 =	vcvt.f32.s32 v10;
	[tilespmem:v6+s18+$0x0] =	vst.idx.msk $0xffff, v16;
	v17 =	vld.idx.msk [tilespmem:v9+s12+$0x0], $0xffff  }
0xf8: {  	s29 =	simm.s32 $0x6;
	s28 =	simm.s32 $0x5;
	v20 =	vcvt.s32.f32 v13;
	v6 =	vld [tilespmem:s30+$0x10]  }
0xf9: {  	v10 =	vmov s28;
	v11 =	vmov s29;
	vm15 =	vlt.s32 v14, $0x3E  }
0xfa: {  	v9 =	vshll.u32 v11, $0x7;
	v11 =	vnsel vm15, $0x3E, v14;
	v14 =	vtrunc.f32 v8  }
0xfb: {  	v10 =	vshll.u32 v10, $0x7;
	s30 =	simm.s32 $0x4340;
	v21 =	vadd.s32 $0x1, v11;
	v18 =	vcvt.f32.s32 v14  }
0xfc: {  	s31 =	simm.s32 $0x8;
	v16 =	vld [tilespmem:s30+$0x80];
	v14 =	vand.u32 $0xFFFFFF80, v11;
	v19 =	vand.u32 $0xFFFFFF80, v21;
	v13 =	vand.u32 $0x7F, v21  }
.LBB2_4:
0xfd: {  	p0 =	slt.u32 s31, $0x7C;
	v21 =	vld [tilespmem:s30+$0xFFFFFF00];
	v22 =	vtrunc.f32 v6;
	v15 =	vsub.f32 v15, v20;
	v20 =	vsub.f32 v17, v12  }
0xfe: {  	vm0 =	vlt.s32 v18, $0x3E;
	v24 =	vor.u32 s25, v1;
	v23 =	vld [tilespmem:s30+$0xFFFFFF80];
	v22 =	vcvt.f32.s32 v22  }
0xff: {  	v19 =	vadd.s32 v2, v19;
	v17 =	vnsel vm0, $0x3E, v18;
	v25 =	vld [tilespmem:s30+$0x0];
	v15 =	vmul.f32 v15, v20  }
0x100: {  	v20 =	vand.u32 $0xFFFFFF80, v17;
	v26 =	vadd.s32 $0x1, v17;
	vm0 =	vlt.s32 v22, $0x3E  }
0x101: {  	v27 =	vtrunc.f32 v16;
	v18 =	vnsel vm0, $0x3E, v22;
	v12 =	vadd.f32 v15, v12  }
0x102: {  	v15 =	vtrunc.f32 v21;
	v22 =	vcvt.f32.s32 v27;
	v27 =	vadd.s32 $0x1, v18  }
0x103: {  	v29 =	vand.u32 $0xFFFFFF80, v26;
	v15 =	vcvt.f32.s32 v15;
	v28 =	vtrunc.f32 v23;
	[tilespmem:v24+s18+$0x0] =	vst.idx.msk $0xffff, v12  }
0x104: {  	s25 =	sadd.s32 $0x3, s26;
	v24 =	vcvt.f32.s32 v28;
	v12 =	vtrunc.f32 v25;
	vm0 =	vlt.s32 v22, $0x3E  }
0x105: {  	v28 =	vcvt.f32.s32 v12;
	v12 =	vmov s25;
	v22 =	vnsel vm0, $0x3E, v22  }
0x106: {  	v30 =	vand.u32 $0xFFFFFF80, v22;
	v12 =	vshll.u32 v12, $0x7;
	v31 =	vadd.s32 $0x1, v22  }
0x107: {  	v32 =	vand.u32 $0x7F, v22;
	v30 =	vadd.s32 v12, v30;
	v33 =	vand.u32 $0xFFFFFF80, v31  }
0x108: {  	v31 =	vand.u32 $0x7F, v31;
	v30 =	vor.u32 v32, v30;
	v32 =	vadd.s32 v12, v33  }
0x109: {  	vm0 =	vlt.s32 v15, $0x3E;
	vm1 =	vlt.s32 v24, $0x3E;
	v31 =	vor.u32 v31, v32  }
0x10a: {  	v15 =	vnsel vm0, $0x3E, v15;
	v24 =	vnsel vm1, $0x3E, v24;
	vm0 =	vlt.s32 v28, $0x3E  }
0x10b: {  	v33 =	vadd.s32 $0x1, v24;
	v28 =	vnsel vm0, $0x3E, v28;
	v32 =	vadd.s32 $0x1, v15  }
0x10c: {  	v35 =	vand.u32 $0xFFFFFF80, v33;
	v36 =	vadd.s32 $0x1, v28;
	v34 =	vand.u32 $0xFFFFFF80, v32  }
0x10d: {  	v37 =	vand.u32 $0xFFFFFF80, v15;
	v38 =	vand.u32 $0xFFFFFF80, v24;
	v39 =	vand.u32 $0xFFFFFF80, v36;
	v30 =	vld.idx.msk [tilespmem:v30+s12+$0x0], $0xffff  }
0x10e: {  	v40 =	vand.u32 $0xFFFFFF80, v28;
	v35 =	vadd.s32 v10, v35;
	v34 =	vadd.s32 v7, v34;
	v31 =	vld.idx.msk [tilespmem:v31+s12+$0x0], $0xffff  }
0x10f: {  	v37 =	vadd.s32 v7, v37;
	v32 =	vand.u32 $0x7F, v32;
	v39 =	vadd.s32 v9, v39  }
0x110: {  	v38 =	vadd.s32 v10, v38;
	v33 =	vand.u32 $0x7F, v33;
	v40 =	vadd.s32 v9, v40  }
0x111: {  	v41 =	vand.u32 $0x7F, v15;
	v42 =	vand.u32 $0x7F, v24;
	v36 =	vand.u32 $0x7F, v36  }
0x112: {  	v22 =	vcvt.s32.f32 v22;
	v32 =	vor.u32 v32, v34;
	v34 =	vand.u32 $0x7F, v28  }
0x113: {  	v37 =	vor.u32 v41, v37;
	v33 =	vor.u32 v33, v35;
	v35 =	vor.u32 v36, v39  }
0x114: {  	v16 =	vsub.f32 v16, v22;
	v36 =	vor.u32 v42, v38;
	v22 =	vsub.f32 v31, v30  }
0x115: {  	v15 =	vcvt.s32.f32 v15;
	v31 =	vor.u32 v34, v40;
	v34 =	vor.u32 s25, v0  }
0x116: {  	v24 =	vcvt.s32.f32 v24;
	v16 =	vmul.f32 v16, v22;
	v22 =	vand.u32 $0xFFFFFF80, v27  }
0x117: {  	v21 =	vsub.f32 v21, v15;
	v15 =	vcvt.s32.f32 v28;
	v28 =	vand.u32 $0xFFFFFF80, v18;
	v32 =	vld.idx.msk [tilespmem:v32+s12+$0x0], $0xffff  }
0x118: {  	v23 =	vsub.f32 v23, v24;
	v24 =	vadd.s32 v4, v29;
	v16 =	vadd.f32 v16, v30;
	v33 =	vld.idx.msk [tilespmem:v33+s12+$0x0], $0xffff  }
0x119: {  	v14 =	vadd.s32 v2, v14;
	v25 =	vsub.f32 v25, v15;
	v22 =	vadd.s32 v3, v22;
	v29 =	vld.idx.msk [tilespmem:v35+s12+$0x0], $0xffff  }
0x11a: {  	v30 =	vld.idx.msk [tilespmem:v37+s12+$0x0], $0xffff;
	[tilespmem:v34+s18+$0x0] =	vst.idx.msk $0xffff, v16;
	v16 =	vadd.s32 v4, v20;
	v20 =	vand.u32 $0x7F, v26;
	v26 =	vand.u32 $0x7F, v27  }
0x11b: {  	v2 =	vmovc v7;
	v28 =	vadd.s32 v3, v28;
	v27 =	vand.u32 $0x7F, v11;
	v34 =	vand.u32 $0x7F, v17;
	v4 =	vmovc v10;
	v15 =	vld [tilespmem:s30+$0x90]  }
0x11c: {  	v3 =	vmovc v9;
	v10 =	vor.u32 v13, v19;
	v19 =	vand.u32 $0x7F, v18;
	v13 =	vor.u32 v20, v24;
	v7 =	vld.idx.msk [tilespmem:v36+s12+$0x0], $0xffff  }
0x11d: {  	v14 =	vor.u32 v27, v14;
	v16 =	vor.u32 v34, v16;
	v20 =	vor.u32 v26, v22;
	v9 =	vld.idx.msk [tilespmem:v31+s12+$0x0], $0xffff  }
0x11e: {  	v11 =	vcvt.s32.f32 v11;
	v17 =	vcvt.s32.f32 v17;
	v19 =	vor.u32 v19, v28  }
0x11f: {  	v18 =	vcvt.s32.f32 v18;
	v22 =	vor.u32 s26, v0  }
0x120: {  	v11 =	vsub.f32 v5, v11;
	v24 =	vsub.f32 v32, v30;
	v26 =	vtrunc.f32 v15  }
0x121: {  	v18 =	vsub.f32 v6, v18;
	v5 =	vcvt.f32.s32 v26;
	v10 =	vld.idx.msk [tilespmem:v10+s12+$0x0], $0xffff;
	v26 =	vsub.f32 v8, v17  }
0x122: {  	v6 =	vmul.f32 v21, v24;
	v8 =	vsub.f32 v33, v7;
	v17 =	vor.u32 s28, v0;
	v13 =	vld.idx.msk [tilespmem:v13+s12+$0x0], $0xffff  }
0x123: {  	v24 =	vor.u32 s29, v0;
	v21 =	vsub.f32 v29, v9;
	vm0 =	vlt.s32 v5, $0x3E;
	v20 =	vld.idx.msk [tilespmem:v20+s12+$0x0], $0xffff  }
0x124: {  	v6 =	vadd.f32 v6, v30;
	v8 =	vmul.f32 v23, v8;
	v23 =	vnsel vm0, $0x3E, v5;
	v14 =	vld.idx.msk [tilespmem:v14+s12+$0x0], $0xffff  }
0x125: {  	v21 =	vmul.f32 v25, v21;
	v5 =	vand.u32 $0xFFFFFF80, v23;
	v25 =	vadd.s32 $0x1, v23;
	v16 =	vld.idx.msk [tilespmem:v16+s12+$0x0], $0xffff  }
0x126: {  	[tilespmem:v22+s18+$0x0] =	vst.idx.msk $0xffff, v6;
	v6 =	vand.u32 $0x7F, v23;
	v22 =	vadd.s32 v12, v5;
	v27 =	vand.u32 $0xFFFFFF80, v25;
	v19 =	vld.idx.msk [tilespmem:v19+s12+$0x0], $0xffff  }
0x127: {  	v5 =	vld [tilespmem:s30+$0xFFFFFF10];
	v6 =	vor.u32 v6, v22;
	v22 =	vand.u32 $0x7F, v25;
	v12 =	vadd.s32 v12, v27  }
0x128: {  	v7 =	vadd.f32 v8, v7;
	v9 =	vadd.f32 v21, v9;
	v21 =	vor.u32 v22, v12  }
0x129: {  	v8 =	vmov s31;
	v22 =	vor.u32 s22, v1;
	s22 =	smov.u32 s26;
	s26 =	smov.u32 s31  }
0x12a: {  	v25 =	vor.u32 s23, v1;
	v27 =	vor.u32 s24, v1;
	s23 =	smov.u32 s28;
	s28 =	sadd.s32 $0x1, s31;
	s24 =	smov.u32 s29;
	v10 =	vsub.f32 v10, v14;
	[tilespmem:v17+s18+$0x0] =	vst.idx.msk $0xffff, v7  }
0x12b: {  	v28 =	vmov s28;
	v7 =	vshll.u32 v8, $0x7;
	v8 =	vld [tilespmem:s30+$0xFFFFFF90];
	[tilespmem:v24+s18+$0x0] =	vst.idx.msk $0xffff, v9;
	v9 =	vsub.f32 v13, v16  }
0x12c: {  	s29 =	sadd.s32 $0x2, s31;
	v11 =	vmul.f32 v11, v10;
	v20 =	vsub.f32 v20, v19;
	v13 =	vtrunc.f32 v5;
	v12 =	vld.idx.msk [tilespmem:v6+s12+$0x0], $0xffff  }
0x12d: {  	v24 =	vmov s29;
	v13 =	vcvt.f32.s32 v13;
	v17 =	vld.idx.msk [tilespmem:v21+s12+$0x0], $0xffff;
	v21 =	vmul.f32 v26, v9  }
.Ltmp1:
0x12e: {  	v10 =	vshll.u32 v28, $0x7;
	v14 =	vadd.f32 v11, v14;
	v18 =	vmul.f32 v18, v20;
	v6 =	vld [tilespmem:s30+$0x10];
	(pc) =	sbr.rel @p0 .LBB2_4-.Ltmp1, $4  }
0x12f: {  	v9 =	vshll.u32 v24, $0x7;
	vm0 =	vlt.s32 v13, $0x3E;
	v16 =	vadd.f32 v21, v16  }
0x130: {  	v21 =	vadd.f32 v18, v19;
	v11 =	vnsel vm0, $0x3E, v13;
	v13 =	vtrunc.f32 v8;
	[tilespmem:v22+s18+$0x0] =	vst.idx.msk $0xffff, v14  }
0x131: {  	v20 =	vcvt.s32.f32 v23;
	s30 =	sadd.s32 $0x200, s30;
	v22 =	vadd.s32 $0x1, v11;
	v18 =	vcvt.f32.s32 v13;
	[tilespmem:v25+s18+$0x0] =	vst.idx.msk $0xffff, v16  }
0x132: {  	s31 =	sadd.s32 $0x4, s31;
	v14 =	vand.u32 $0xFFFFFF80, v11;
	v16 =	vld [tilespmem:s30+$0x80];
	v19 =	vand.u32 $0xFFFFFF80, v22;
	v13 =	vand.u32 $0x7F, v22;
	[tilespmem:v27+s18+$0x0] =	vst.idx.msk $0xffff, v21  }
0x133: {  	v21 =	vld [tilespmem:s30+$0xFFFFFF00];
	v22 =	vtrunc.f32 v6;
	v15 =	vsub.f32 v15, v20  }
0x134: {  	v23 =	vld [tilespmem:s30+$0xFFFFFF80];
	v17 =	vsub.f32 v17, v12;
	vm0 =	vlt.s32 v18, $0x3E;
	v19 =	vadd.s32 v2, v19  }
0x135: {  	s31 =	sadd.s32 $0x3, s26;
	v2 =	vadd.s32 v2, v14;
	v48 =	vor.u32 s28, v0;
	v20 =	vcvt.f32.s32 v22;
	v22 =	vld [tilespmem:s30+$0x0]  }
0x136: {  	v18 =	vnsel vm0, $0x3E, v18;
	v27 =	vmov s31;
	v63 =	vor.u32 s31, v0  }
0x137: {  	v13 =	vor.u32 v13, v19;
	v15 =	vmul.f32 v15, v17;
	v24 =	vtrunc.f32 v16  }
0x138: {  	v19 =	vor.u32 s29, v0;
	v17 =	vcvt.f32.s32 v24;
	v25 =	vtrunc.f32 v21  }
0x139: {  	v51 =	vand.u32 $0xFFFFFF80, v18;
	v26 =	vtrunc.f32 v23;
	v25 =	vcvt.f32.s32 v25  }
0x13a: {  	v26 =	vcvt.f32.s32 v26;
	v28 =	vtrunc.f32 v22;
	vm1 =	vlt.s32 v17, $0x3E  }
0x13b: {  	v27 =	vshll.u32 v27, $0x7;
	v28 =	vcvt.f32.s32 v28;
	v17 =	vnsel vm1, $0x3E, v17  }
0x13c: {  	vm15 =	vlt.s32 v25, $0x3E;
	vm4 =	vlt.s32 v26, $0x3E;
	v29 =	vand.u32 $0xFFFFFF80, v17  }
0x13d: {  	v30 =	vadd.s32 $0x1, v17;
	v31 =	vand.u32 $0x7F, v17;
	v25 =	vnsel vm15, $0x3E, v25  }
0x13e: {  	v26 =	vnsel vm4, $0x3E, v26;
	v29 =	vadd.s32 v27, v29;
	v32 =	vand.u32 $0xFFFFFF80, v30  }
0x13f: {  	v30 =	vand.u32 $0x7F, v30;
	v29 =	vor.u32 v31, v29;
	v52 =	vadd.s32 v27, v32  }
0x140: {  	v53 =	vadd.s32 $0x1, v25;
	v36 =	vand.u32 $0xFFFFFF80, v25;
	v30 =	vor.u32 v30, v52  }
0x141: {  	v40 =	vand.u32 $0x7F, v25;
	v33 =	vand.u32 $0xFFFFFF80, v53;
	v36 =	vadd.s32 v7, v36  }
0x142: {  	v31 =	vand.u32 $0x7F, v53;
	v33 =	vadd.s32 v7, v33;
	v36 =	vor.u32 v40, v36  }
0x143: {  	vm5 =	vlt.s32 v28, $0x3E;
	v17 =	vcvt.s32.f32 v17;
	v31 =	vor.u32 v31, v33  }
0x144: {  	v54 =	vadd.s32 $0x1, v26;
	v28 =	vnsel vm5, $0x3E, v28;
	v37 =	vand.u32 $0xFFFFFF80, v26;
	v29 =	vld.idx.msk [tilespmem:v29+s12+$0x0], $0xffff  }
0x145: {  	v57 =	vand.u32 $0x7F, v26;
	v34 =	vand.u32 $0xFFFFFF80, v54;
	v35 =	vadd.s32 $0x1, v28;
	v30 =	vld.idx.msk [tilespmem:v30+s12+$0x0], $0xffff  }
0x146: {  	v39 =	vand.u32 $0xFFFFFF80, v28;
	v32 =	vand.u32 $0x7F, v54;
	v37 =	vadd.s32 v10, v37  }
0x147: {  	v58 =	vand.u32 $0x7F, v28;
	v34 =	vadd.s32 v10, v34;
	v37 =	vor.u32 v57, v37;
	v61 =	vld.idx.msk [tilespmem:v36+s12+$0x0], $0xffff  }
0x148: {  	v38 =	vand.u32 $0xFFFFFF80, v35;
	v56 =	vadd.s32 v9, v39;
	v32 =	vor.u32 v32, v34;
	v31 =	vld.idx.msk [tilespmem:v31+s12+$0x0], $0xffff  }
0x149: {  	v35 =	vand.u32 $0x7F, v35;
	v55 =	vadd.s32 v9, v38;
	v34 =	vor.u32 v58, v56  }
0x14a: {  	v16 =	vsub.f32 v16, v17;
	v33 =	vor.u32 v35, v55;
	v17 =	vsub.f32 v30, v29  }
0x14b: {  	v59 =	vadd.s32 $0x1, v18;
	v49 =	vand.u32 $0x7F, v18;
	v25 =	vcvt.s32.f32 v25  }
0x14c: {  	v18 =	vcvt.s32.f32 v18;
	vm14 =	vlt.s32 v20, $0x3E;
	v37 =	vld.idx.msk [tilespmem:v37+s12+$0x0], $0xffff;
	v16 =	vmul.f32 v16, v17  }
0x14d: {  	v62 =	vand.u32 $0xFFFFFF80, v59;
	v21 =	vsub.f32 v21, v25;
	v32 =	vld.idx.msk [tilespmem:v32+s12+$0x0], $0xffff;
	v14 =	vsub.f32 v31, v61  }
0x14e: {  	v44 =	vand.u32 $0x7F, v59;
	v20 =	vnsel vm14, $0x3E, v20;
	v43 =	vld.idx.msk [tilespmem:v34+s12+$0x0], $0xffff;
	v16 =	vadd.f32 v16, v29  }
0x14f: {  	v42 =	vadd.s32 v4, v62;
	v33 =	vld.idx.msk [tilespmem:v33+s12+$0x0], $0xffff;
	v14 =	vmul.f32 v21, v14;
	v21 =	vand.u32 $0x7F, v11  }
0x150: {  	v26 =	vcvt.s32.f32 v26;
	v2 =	vor.u32 v21, v2;
	[tilespmem:v63+s18+$0x0] =	vst.idx.msk $0xffff, v16;
	v16 =	vor.u32 s26, v0  }
0x151: {  	v4 =	vadd.s32 v4, v51;
	v8 =	vsub.f32 v8, v18;
	v60 =	vadd.s32 $0x1, v20;
	v46 =	vld [tilespmem:s30+$0x90]  }
0x152: {  	v40 =	vcvt.s32.f32 v28;
	v23 =	vsub.f32 v23, v26;
	v47 =	vsub.f32 v32, v37  }
0x153: {  	v41 =	vand.u32 $0xFFFFFF80, v20;
	v24 =	vor.u32 v44, v42;
	v14 =	vadd.f32 v14, v61  }
0x154: {  	v13 =	vld.idx.msk [tilespmem:v13+s12+$0x0], $0xffff;
	v22 =	vsub.f32 v22, v40;
	v33 =	vsub.f32 v33, v43;
	v23 =	vmul.f32 v23, v47  }
0x155: {  	v4 =	vor.u32 v49, v4;
	v45 =	vand.u32 $0x7F, v60;
	v17 =	vand.u32 $0xFFFFFF80, v60;
	v2 =	vld.idx.msk [tilespmem:v2+s12+$0x0], $0xffff;
	[tilespmem:v16+s18+$0x0] =	vst.idx.msk $0xffff, v14  }
0x156: {  	v22 =	vmul.f32 v22, v33;
	v23 =	vadd.f32 v23, v37;
	v16 =	vtrunc.f32 v46;
	v50 =	vld [tilespmem:s30+$0xFFFFFF10]  }
0x157: {  	v17 =	vadd.s32 v3, v17;
	v3 =	vadd.s32 v3, v41;
	v16 =	vcvt.f32.s32 v16  }
0x158: {  	v11 =	vcvt.s32.f32 v11;
	v21 =	vadd.f32 v22, v43;
	[tilespmem:v48+s18+$0x0] =	vst.idx.msk $0xffff, v23;
	v14 =	vand.u32 $0x7F, v20  }
0x159: {  	v17 =	vor.u32 v45, v17;
	v3 =	vor.u32 v14, v3;
	v14 =	vld [tilespmem:s30+$0xFFFFFF90];
	vm6 =	vlt.s32 v16, $0x3E  }
0x15a: {  	v5 =	vsub.f32 v5, v11;
	[tilespmem:v19+s18+$0x0] =	vst.idx.msk $0xffff, v21;
	v19 =	vcvt.s32.f32 v20;
	v11 =	vnsel vm6, $0x3E, v16  }
0x15b: {  	v13 =	vsub.f32 v13, v2;
	v16 =	vld [tilespmem:s30+$0x10];
	v20 =	vand.u32 $0xFFFFFF80, v11;
	v22 =	vtrunc.f32 v50  }
0x15c: {  	v21 =	vadd.s32 $0x1, v11;
	v23 =	vand.u32 $0x7F, v11;
	v22 =	vcvt.f32.s32 v22  }
0x15d: {  	v20 =	vadd.s32 v27, v20;
	v18 =	vand.u32 $0xFFFFFF80, v21;
	v21 =	vand.u32 $0x7F, v21  }
0x15e: {  	v20 =	vor.u32 v23, v20;
	v23 =	vtrunc.f32 v14;
	vm7 =	vlt.s32 v22, $0x3E  }
0x15f: {  	v18 =	vadd.s32 v27, v18;
	v23 =	vcvt.f32.s32 v23;
	v22 =	vnsel vm7, $0x3E, v22  }
0x160: {  	v18 =	vor.u32 v21, v18;
	v51 =	vtrunc.f32 v16;
	v52 =	vadd.s32 $0x1, v22  }
0x161: {  	v25 =	vcvt.f32.s32 v51;
	v21 =	vand.u32 $0xFFFFFF80, v22;
	vm8 =	vlt.s32 v23, $0x3E  }
0x162: {  	v53 =	vand.u32 $0xFFFFFF80, v52;
	v27 =	vand.u32 $0x7F, v52;
	v23 =	vnsel vm8, $0x3E, v23  }
0x163: {  	vm9 =	vlt.s32 v25, $0x3E;
	v28 =	vadd.s32 v7, v53;
	v54 =	vand.u32 $0xFFFFFF80, v23  }
0x164: {  	v24 =	vld.idx.msk [tilespmem:v24+s12+$0x0], $0xffff;
	v55 =	vadd.s32 $0x1, v23;
	v7 =	vadd.s32 v7, v21;
	v21 =	vand.u32 $0x7F, v22  }
0x165: {  	v4 =	vld.idx.msk [tilespmem:v4+s12+$0x0], $0xffff;
	v61 =	vand.u32 $0x7F, v23;
	v25 =	vnsel vm9, $0x3E, v25;
	v57 =	vand.u32 $0xFFFFFF80, v55  }
0x166: {  	v17 =	vld.idx.msk [tilespmem:v17+s12+$0x0], $0xffff;
	v30 =	vand.u32 $0x7F, v55;
	v27 =	vor.u32 v27, v28;
	v7 =	vor.u32 v21, v7  }
0x167: {  	v3 =	vld.idx.msk [tilespmem:v3+s12+$0x0], $0xffff;
	v56 =	vadd.s32 $0x1, v25;
	v59 =	vand.u32 $0xFFFFFF80, v25;
	v33 =	vadd.s32 v10, v57  }
0x168: {  	v10 =	vadd.s32 v10, v54;
	v58 =	vand.u32 $0xFFFFFF80, v56;
	v30 =	vor.u32 v30, v33  }
0x169: {  	v20 =	vld.idx.msk [tilespmem:v20+s12+$0x0], $0xffff;
	v32 =	vand.u32 $0x7F, v56;
	v10 =	vor.u32 v61, v10;
	v60 =	vadd.s32 v9, v58  }
0x16a: {  	v18 =	vld.idx.msk [tilespmem:v18+s12+$0x0], $0xffff;
	v21 =	vand.u32 $0x7F, v25;
	v9 =	vadd.s32 v9, v59;
	v28 =	vor.u32 v32, v60  }
0x16b: {  	v24 =	vsub.f32 v24, v4;
	v6 =	vsub.f32 v6, v19;
	v9 =	vor.u32 v21, v9;
	v19 =	vld.idx.msk [tilespmem:v27+s12+$0x0], $0xffff  }
0x16c: {  	v5 =	vmul.f32 v5, v13;
	v17 =	vsub.f32 v17, v3;
	v7 =	vld.idx.msk [tilespmem:v7+s12+$0x0], $0xffff  }
0x16d: {  	v12 =	vadd.f32 v15, v12;
	v15 =	vor.u32 s22, v1;
	v8 =	vmul.f32 v8, v24;
	v62 =	vld.idx.msk [tilespmem:v30+s12+$0x0], $0xffff  }
0x16e: {  	v2 =	vadd.f32 v5, v2;
	v5 =	vcvt.s32.f32 v11;
	v6 =	vmul.f32 v6, v17;
	v10 =	vld.idx.msk [tilespmem:v10+s12+$0x0], $0xffff  }
0x16f: {  	v4 =	vadd.f32 v8, v4;
	v63 =	vor.u32 s23, v1;
	v21 =	vor.u32 s25, v1;
	v13 =	vld.idx.msk [tilespmem:v28+s12+$0x0], $0xffff  }
0x170: {  	v5 =	vsub.f32 v46, v5;
	v3 =	vadd.f32 v6, v3;
	v6 =	vcvt.s32.f32 v22;
	v8 =	vld.idx.msk [tilespmem:v9+s12+$0x0], $0xffff  }
0x171: {  	v17 =	vor.u32 s24, v1;
	v11 =	vcvt.s32.f32 v23;
	v9 =	vsub.f32 v18, v20  }
0x172: {  	v22 =	vcvt.s32.f32 v25;
	v6 =	vsub.f32 v50, v6;
	v18 =	vor.u32 s31, v1  }
0x173: {  	v5 =	vmul.f32 v5, v9;
	v9 =	vsub.f32 v14, v11;
	v11 =	vsub.f32 v19, v7  }
0x174: {  	[tilespmem:v21+s18+$0x0] =	vst.idx.msk $0xffff, v12;
	v12 =	vsub.f32 v16, v22;
	v14 =	vor.u32 s26, v1;
	v16 =	vsub.f32 v62, v10  }
0x175: {  	[tilespmem:v15+s18+$0x0] =	vst.idx.msk $0xffff, v2;
	v2 =	vor.u32 s28, v1;
	v6 =	vmul.f32 v6, v11;
	v11 =	vsub.f32 v13, v8  }
0x176: {  	[tilespmem:v63+s18+$0x0] =	vst.idx.msk $0xffff, v4;
	v4 =	vadd.f32 v5, v20;
	v5 =	vor.u32 s29, v1;
	v9 =	vmul.f32 v9, v16  }
0x177: {  	[tilespmem:v17+s18+$0x0] =	vst.idx.msk $0xffff, v3;
	v3 =	vadd.f32 v6, v7;
	v6 =	vmul.f32 v12, v11  }
0x178: {  	[tilespmem:v18+s18+$0x0] =	vst.idx.msk $0xffff, v4;
	v4 =	vadd.f32 v9, v10  }
0x179: {  	[tilespmem:v14+s18+$0x0] =	vst.idx.msk $0xffff, v3;
	v3 =	vadd.f32 v6, v8  }
0x17a: {  	[tilespmem:v2+s18+$0x0] =	vst.idx.msk $0xffff, v4  }
0x17b: {  	[tilespmem:v5+s18+$0x0] =	vst.idx.msk $0xffff, v3  }
0x17c: {  	[hbm4b:s7+s15] =	stream.strided.scatter [tilespmem:s18], [sflag:$0x4], $0x1000, s16, s15, $0x38;
	[tilespmem:$0xA000] =	vst v63  }
0x17d: {  	s22 =	simm.s32 $0x0  }
0x17e: {  	[tilespmem:s12], [sflag:$0x2] =	stream.linear.gather [hbm4b:s8+s22], $0x4000, $0x38;
	[tilespmem:$0xA000] =	vst v63  }
0x17f: {  	_ =	swait.ge [sflag:s13], $0x4000  }
0x180: {  	[sflag:s13] =	ssyncset.done $0x0  }
0x181: {  	[sflag:s13] =	ssyncadd.s32 $0xFFFFC000  }
0x182: {  	_ =	swait.ge [sflag:s19], $0x1000  }
0x183: {  	[sflag:s19] =	ssyncset.done $0x0  }
0x184: {  	s30 =	simm.s32 $0x140;
	[sflag:s19] =	ssyncadd.s32 $0xFFFFF000  }
0x185: {  	v5 =	vld [tilespmem:s30+$0x80];
	_ =	sdelay $0x3  }
0x186: {  	v6 =	vld [tilespmem:s30+$0xFFFFFF00]  }
0x187: {  	v8 =	vld [tilespmem:s30+$0x0];
	v2 =	vtrunc.f32 v5  }
0x188: {  	v3 =	vcvt.f32.s32 v2  }
0x189: {  	s24 =	simm.s32 $0x2;
	s25 =	simm.s32 $0x3  }
0x18a: {  	v16 =	vmov s24;
	v9 =	vmov s25;
	vm10 =	vlt.s32 v3, $0x3E  }
0x18b: {  	v9 =	vshll.u32 v9, $0x7;
	v7 =	vld [tilespmem:s30+$0xFFFFFF80];
	v4 =	vtrunc.f32 v6;
	v10 =	vnsel vm10, $0x3E, v3  }
0x18c: {  	v15 =	vtrunc.f32 v8;
	v3 =	vand.u32 $0xFFFFFF80, v10;
	v11 =	vadd.s32 $0x1, v10  }
0x18d: {  	v12 =	vand.u32 $0x7F, v10;
	v3 =	vadd.s32 v9, v3;
	v13 =	vand.u32 $0xFFFFFF80, v11  }
0x18e: {  	v12 =	vor.u32 v12, v3;
	v3 =	vand.u32 $0x7F, v11;
	v11 =	vadd.s32 v9, v13  }
0x18f: {  	v15 =	vcvt.f32.s32 v15;
	v10 =	vcvt.s32.f32 v10;
	v11 =	vor.u32 v3, v11  }
0x190: {  	v2 =	vmov s22;
	v13 =	vcvt.f32.s32 v4;
	v4 =	vtrunc.f32 v7  }
0x191: {  	s23 =	simm.s32 $0x1;
	v2 =	vshll.u32 v2, $0x7;
	vm13 =	vlt.s32 v15, $0x3E;
	v14 =	vcvt.f32.s32 v4  }
0x192: {  	v18 =	vnsel vm13, $0x3E, v15;
	v5 =	vsub.f32 v5, v10;
	v3 =	vmov s23  }
0x193: {  	v4 =	vshll.u32 v3, $0x7;
	vm11 =	vlt.s32 v13, $0x3E;
	vm12 =	vlt.s32 v14, $0x3E;
	v12 =	vld.idx.msk [tilespmem:v12+s2+$0x0], $0xffff  }
0x194: {  	v3 =	vshll.u32 v16, $0x7;
	v13 =	vnsel vm11, $0x3E, v13;
	v14 =	vnsel vm12, $0x3E, v14;
	v11 =	vld.idx.msk [tilespmem:v11+s2+$0x0], $0xffff  }
0x195: {  	v16 =	vadd.s32 $0x1, v13;
	v20 =	vand.u32 $0xFFFFFF80, v13;
	v21 =	vand.u32 $0x7F, v13  }
0x196: {  	v17 =	vadd.s32 $0x1, v14;
	v15 =	vand.u32 $0xFFFFFF80, v16;
	v20 =	vadd.s32 v2, v20  }
0x197: {  	v16 =	vand.u32 $0x7F, v16;
	v19 =	vand.u32 $0xFFFFFF80, v17;
	v15 =	vadd.s32 v2, v15  }
0x198: {  	v20 =	vor.u32 v21, v20;
	v17 =	vand.u32 $0x7F, v17;
	v15 =	vor.u32 v16, v15  }
0x199: {  	v21 =	vand.u32 $0x7F, v14;
	v19 =	vadd.s32 v4, v19;
	v10 =	vsub.f32 v11, v12  }
0x19a: {  	v17 =	vor.u32 v17, v19;
	v19 =	vor.u32 s25, v0;
	v11 =	vand.u32 $0xFFFFFF80, v14  }
0x19b: {  	v16 =	vadd.s32 $0x1, v18;
	v11 =	vadd.s32 v4, v11;
	v5 =	vmul.f32 v5, v10  }
0x19c: {  	v22 =	vand.u32 $0xFFFFFF80, v18;
	v10 =	vand.u32 $0xFFFFFF80, v16;
	v11 =	vor.u32 v21, v11  }
0x19d: {  	v21 =	vld.idx.msk [tilespmem:v15+s2+$0x0], $0xffff;
	v15 =	vand.u32 $0x7F, v16;
	v10 =	vadd.s32 v3, v10;
	v5 =	vadd.f32 v5, v12  }
0x19e: {  	v16 =	vadd.s32 v3, v22;
	v12 =	vld.idx.msk [tilespmem:v20+s2+$0x0], $0xffff;
	v20 =	vand.u32 $0x7F, v18;
	v10 =	vor.u32 v15, v10  }
0x19f: {  	v17 =	vld.idx.msk [tilespmem:v17+s2+$0x0], $0xffff;
	v16 =	vor.u32 v20, v16;
	[tilespmem:v19+s14+$0x0] =	vst.idx.msk $0xffff, v5  }
0x1a0: {  	v15 =	vld [tilespmem:s30+$0x90]  }
0x1a1: {  	v5 =	vcvt.s32.f32 v13;
	v11 =	vld.idx.msk [tilespmem:v11+s2+$0x0], $0xffff;
	_ =	sdelay $0x1  }
0x1a2: {  	v13 =	vcvt.s32.f32 v14;
	v5 =	vsub.f32 v6, v5;
	v6 =	vsub.f32 v21, v12;
	v10 =	vld.idx.msk [tilespmem:v10+s2+$0x0], $0xffff  }
0x1a3: {  	v16 =	vld.idx.msk [tilespmem:v16+s2+$0x0], $0xffff  }
0x1a4: {  	v5 =	vmul.f32 v5, v6;
	v6 =	vsub.f32 v7, v13;
	v7 =	vtrunc.f32 v15  }
0x1a5: {  	v14 =	vor.u32 s22, v0;
	v13 =	vsub.f32 v17, v11;
	v7 =	vcvt.f32.s32 v7  }
0x1a6: {  	v5 =	vadd.f32 v5, v12;
	v12 =	vcvt.s32.f32 v18  }
0x1a7: {  	v17 =	vor.u32 s23, v0;
	v6 =	vmul.f32 v6, v13;
	vm14 =	vlt.s32 v7, $0x3E  }
0x1a8: {  	v12 =	vsub.f32 v8, v12;
	v10 =	vsub.f32 v10, v16;
	v13 =	vnsel vm14, $0x3E, v7  }
0x1a9: {  	v6 =	vadd.f32 v6, v11;
	v7 =	vand.u32 $0xFFFFFF80, v13;
	v8 =	vadd.s32 $0x1, v13  }
0x1aa: {  	[tilespmem:v14+s14+$0x0] =	vst.idx.msk $0xffff, v5;
	v11 =	vand.u32 $0x7F, v13;
	v7 =	vadd.s32 v9, v7;
	v14 =	vand.u32 $0xFFFFFF80, v8  }
0x1ab: {  	v5 =	vld [tilespmem:s30+$0xFFFFFF10];
	v11 =	vor.u32 v11, v7;
	v7 =	vand.u32 $0x7F, v8;
	v8 =	vadd.s32 v9, v14  }
0x1ac: {  	[tilespmem:v17+s14+$0x0] =	vst.idx.msk $0xffff, v6;
	v6 =	vor.u32 s24, v0;
	v9 =	vor.u32 v7, v8  }
0x1ad: {  	v7 =	vmul.f32 v12, v10  }
0x1ae: {  	s26 =	simm.s32 $0x4  }
0x1af: {  	v8 =	vld [tilespmem:s30+$0xFFFFFF90];
	v12 =	vmov s26;
	v16 =	vadd.f32 v7, v16  }
0x1b0: {  	v10 =	vtrunc.f32 v5;
	v7 =	vshll.u32 v12, $0x7;
	v12 =	vld.idx.msk [tilespmem:v11+s2+$0x0], $0xffff  }
0x1b1: {  	v14 =	vcvt.f32.s32 v10;
	[tilespmem:v6+s14+$0x0] =	vst.idx.msk $0xffff, v16;
	v17 =	vld.idx.msk [tilespmem:v9+s2+$0x0], $0xffff  }
0x1b2: {  	s28 =	simm.s32 $0x5;
	s29 =	simm.s32 $0x6;
	v20 =	vcvt.s32.f32 v13;
	v6 =	vld [tilespmem:s30+$0x10]  }
0x1b3: {  	v10 =	vmov s28;
	v11 =	vmov s29;
	vm15 =	vlt.s32 v14, $0x3E  }
0x1b4: {  	v9 =	vshll.u32 v11, $0x7;
	v11 =	vnsel vm15, $0x3E, v14;
	v14 =	vtrunc.f32 v8  }
0x1b5: {  	v10 =	vshll.u32 v10, $0x7;
	s30 =	simm.s32 $0x340;
	v21 =	vadd.s32 $0x1, v11;
	v18 =	vcvt.f32.s32 v14  }
0x1b6: {  	s31 =	simm.s32 $0x8;
	v16 =	vld [tilespmem:s30+$0x80];
	v14 =	vand.u32 $0xFFFFFF80, v11;
	v19 =	vand.u32 $0xFFFFFF80, v21;
	v13 =	vand.u32 $0x7F, v21  }
.LBB2_6:
0x1b7: {  	p0 =	slt.u32 s31, $0x7C;
	v21 =	vld [tilespmem:s30+$0xFFFFFF00];
	v22 =	vtrunc.f32 v6;
	v15 =	vsub.f32 v15, v20;
	v20 =	vsub.f32 v17, v12  }
0x1b8: {  	vm0 =	vlt.s32 v18, $0x3E;
	v24 =	vor.u32 s25, v1;
	v23 =	vld [tilespmem:s30+$0xFFFFFF80];
	v22 =	vcvt.f32.s32 v22  }
0x1b9: {  	v19 =	vadd.s32 v2, v19;
	v17 =	vnsel vm0, $0x3E, v18;
	v25 =	vld [tilespmem:s30+$0x0];
	v15 =	vmul.f32 v15, v20  }
0x1ba: {  	v20 =	vand.u32 $0xFFFFFF80, v17;
	v26 =	vadd.s32 $0x1, v17;
	vm0 =	vlt.s32 v22, $0x3E  }
0x1bb: {  	v27 =	vtrunc.f32 v16;
	v18 =	vnsel vm0, $0x3E, v22;
	v12 =	vadd.f32 v15, v12  }
0x1bc: {  	v15 =	vtrunc.f32 v21;
	v22 =	vcvt.f32.s32 v27;
	v27 =	vadd.s32 $0x1, v18  }
0x1bd: {  	v29 =	vand.u32 $0xFFFFFF80, v26;
	v15 =	vcvt.f32.s32 v15;
	v28 =	vtrunc.f32 v23;
	[tilespmem:v24+s14+$0x0] =	vst.idx.msk $0xffff, v12  }
0x1be: {  	s25 =	sadd.s32 $0x3, s26;
	v24 =	vcvt.f32.s32 v28;
	v12 =	vtrunc.f32 v25;
	vm0 =	vlt.s32 v22, $0x3E  }
0x1bf: {  	v28 =	vcvt.f32.s32 v12;
	v12 =	vmov s25;
	v22 =	vnsel vm0, $0x3E, v22  }
0x1c0: {  	v30 =	vand.u32 $0xFFFFFF80, v22;
	v12 =	vshll.u32 v12, $0x7;
	v31 =	vadd.s32 $0x1, v22  }
0x1c1: {  	v32 =	vand.u32 $0x7F, v22;
	v30 =	vadd.s32 v12, v30;
	v33 =	vand.u32 $0xFFFFFF80, v31  }
0x1c2: {  	v31 =	vand.u32 $0x7F, v31;
	v30 =	vor.u32 v32, v30;
	v32 =	vadd.s32 v12, v33  }
0x1c3: {  	vm0 =	vlt.s32 v15, $0x3E;
	vm1 =	vlt.s32 v24, $0x3E;
	v31 =	vor.u32 v31, v32  }
0x1c4: {  	v15 =	vnsel vm0, $0x3E, v15;
	v24 =	vnsel vm1, $0x3E, v24;
	vm0 =	vlt.s32 v28, $0x3E  }
0x1c5: {  	v33 =	vadd.s32 $0x1, v24;
	v28 =	vnsel vm0, $0x3E, v28;
	v32 =	vadd.s32 $0x1, v15  }
0x1c6: {  	v35 =	vand.u32 $0xFFFFFF80, v33;
	v36 =	vadd.s32 $0x1, v28;
	v34 =	vand.u32 $0xFFFFFF80, v32  }
0x1c7: {  	v37 =	vand.u32 $0xFFFFFF80, v15;
	v38 =	vand.u32 $0xFFFFFF80, v24;
	v39 =	vand.u32 $0xFFFFFF80, v36;
	v30 =	vld.idx.msk [tilespmem:v30+s2+$0x0], $0xffff  }
0x1c8: {  	v40 =	vand.u32 $0xFFFFFF80, v28;
	v35 =	vadd.s32 v10, v35;
	v34 =	vadd.s32 v7, v34;
	v31 =	vld.idx.msk [tilespmem:v31+s2+$0x0], $0xffff  }
0x1c9: {  	v37 =	vadd.s32 v7, v37;
	v32 =	vand.u32 $0x7F, v32;
	v39 =	vadd.s32 v9, v39  }
0x1ca: {  	v38 =	vadd.s32 v10, v38;
	v33 =	vand.u32 $0x7F, v33;
	v40 =	vadd.s32 v9, v40  }
0x1cb: {  	v41 =	vand.u32 $0x7F, v15;
	v42 =	vand.u32 $0x7F, v24;
	v36 =	vand.u32 $0x7F, v36  }
0x1cc: {  	v22 =	vcvt.s32.f32 v22;
	v32 =	vor.u32 v32, v34;
	v34 =	vand.u32 $0x7F, v28  }
0x1cd: {  	v37 =	vor.u32 v41, v37;
	v33 =	vor.u32 v33, v35;
	v35 =	vor.u32 v36, v39  }
0x1ce: {  	v16 =	vsub.f32 v16, v22;
	v36 =	vor.u32 v42, v38;
	v22 =	vsub.f32 v31, v30  }
0x1cf: {  	v15 =	vcvt.s32.f32 v15;
	v31 =	vor.u32 v34, v40;
	v34 =	vor.u32 s25, v0  }
0x1d0: {  	v24 =	vcvt.s32.f32 v24;
	v16 =	vmul.f32 v16, v22;
	v22 =	vand.u32 $0xFFFFFF80, v27  }
0x1d1: {  	v21 =	vsub.f32 v21, v15;
	v15 =	vcvt.s32.f32 v28;
	v28 =	vand.u32 $0xFFFFFF80, v18;
	v32 =	vld.idx.msk [tilespmem:v32+s2+$0x0], $0xffff  }
0x1d2: {  	v23 =	vsub.f32 v23, v24;
	v24 =	vadd.s32 v4, v29;
	v16 =	vadd.f32 v16, v30;
	v33 =	vld.idx.msk [tilespmem:v33+s2+$0x0], $0xffff  }
0x1d3: {  	v14 =	vadd.s32 v2, v14;
	v25 =	vsub.f32 v25, v15;
	v22 =	vadd.s32 v3, v22;
	v29 =	vld.idx.msk [tilespmem:v35+s2+$0x0], $0xffff  }
0x1d4: {  	v30 =	vld.idx.msk [tilespmem:v37+s2+$0x0], $0xffff;
	[tilespmem:v34+s14+$0x0] =	vst.idx.msk $0xffff, v16;
	v16 =	vadd.s32 v4, v20;
	v20 =	vand.u32 $0x7F, v26;
	v26 =	vand.u32 $0x7F, v27  }
0x1d5: {  	v2 =	vmovc v7;
	v28 =	vadd.s32 v3, v28;
	v27 =	vand.u32 $0x7F, v11;
	v34 =	vand.u32 $0x7F, v17;
	v4 =	vmovc v10;
	v15 =	vld [tilespmem:s30+$0x90]  }
0x1d6: {  	v3 =	vmovc v9;
	v10 =	vor.u32 v13, v19;
	v19 =	vand.u32 $0x7F, v18;
	v13 =	vor.u32 v20, v24;
	v7 =	vld.idx.msk [tilespmem:v36+s2+$0x0], $0xffff  }
0x1d7: {  	v14 =	vor.u32 v27, v14;
	v16 =	vor.u32 v34, v16;
	v20 =	vor.u32 v26, v22;
	v9 =	vld.idx.msk [tilespmem:v31+s2+$0x0], $0xffff  }
0x1d8: {  	v11 =	vcvt.s32.f32 v11;
	v17 =	vcvt.s32.f32 v17;
	v19 =	vor.u32 v19, v28  }
0x1d9: {  	v18 =	vcvt.s32.f32 v18;
	v22 =	vor.u32 s26, v0  }
0x1da: {  	v11 =	vsub.f32 v5, v11;
	v24 =	vsub.f32 v32, v30;
	v26 =	vtrunc.f32 v15  }
0x1db: {  	v18 =	vsub.f32 v6, v18;
	v5 =	vcvt.f32.s32 v26;
	v10 =	vld.idx.msk [tilespmem:v10+s2+$0x0], $0xffff;
	v26 =	vsub.f32 v8, v17  }
0x1dc: {  	v6 =	vmul.f32 v21, v24;
	v8 =	vsub.f32 v33, v7;
	v17 =	vor.u32 s28, v0;
	v13 =	vld.idx.msk [tilespmem:v13+s2+$0x0], $0xffff  }
0x1dd: {  	v24 =	vor.u32 s29, v0;
	v21 =	vsub.f32 v29, v9;
	vm0 =	vlt.s32 v5, $0x3E;
	v20 =	vld.idx.msk [tilespmem:v20+s2+$0x0], $0xffff  }
0x1de: {  	v6 =	vadd.f32 v6, v30;
	v8 =	vmul.f32 v23, v8;
	v23 =	vnsel vm0, $0x3E, v5;
	v14 =	vld.idx.msk [tilespmem:v14+s2+$0x0], $0xffff  }
0x1df: {  	v21 =	vmul.f32 v25, v21;
	v5 =	vand.u32 $0xFFFFFF80, v23;
	v25 =	vadd.s32 $0x1, v23;
	v16 =	vld.idx.msk [tilespmem:v16+s2+$0x0], $0xffff  }
0x1e0: {  	[tilespmem:v22+s14+$0x0] =	vst.idx.msk $0xffff, v6;
	v6 =	vand.u32 $0x7F, v23;
	v22 =	vadd.s32 v12, v5;
	v27 =	vand.u32 $0xFFFFFF80, v25;
	v19 =	vld.idx.msk [tilespmem:v19+s2+$0x0], $0xffff  }
0x1e1: {  	v5 =	vld [tilespmem:s30+$0xFFFFFF10];
	v6 =	vor.u32 v6, v22;
	v22 =	vand.u32 $0x7F, v25;
	v12 =	vadd.s32 v12, v27  }
0x1e2: {  	v7 =	vadd.f32 v8, v7;
	v9 =	vadd.f32 v21, v9;
	v21 =	vor.u32 v22, v12  }
0x1e3: {  	v8 =	vmov s31;
	v22 =	vor.u32 s22, v1;
	s22 =	smov.u32 s26;
	s26 =	smov.u32 s31  }
0x1e4: {  	v25 =	vor.u32 s23, v1;
	v27 =	vor.u32 s24, v1;
	s23 =	smov.u32 s28;
	s28 =	sadd.s32 $0x1, s31;
	s24 =	smov.u32 s29;
	v10 =	vsub.f32 v10, v14;
	[tilespmem:v17+s14+$0x0] =	vst.idx.msk $0xffff, v7  }
0x1e5: {  	v28 =	vmov s28;
	v7 =	vshll.u32 v8, $0x7;
	v8 =	vld [tilespmem:s30+$0xFFFFFF90];
	[tilespmem:v24+s14+$0x0] =	vst.idx.msk $0xffff, v9;
	v9 =	vsub.f32 v13, v16  }
0x1e6: {  	s29 =	sadd.s32 $0x2, s31;
	v11 =	vmul.f32 v11, v10;
	v20 =	vsub.f32 v20, v19;
	v13 =	vtrunc.f32 v5;
	v12 =	vld.idx.msk [tilespmem:v6+s2+$0x0], $0xffff  }
0x1e7: {  	v24 =	vmov s29;
	v13 =	vcvt.f32.s32 v13;
	v17 =	vld.idx.msk [tilespmem:v21+s2+$0x0], $0xffff;
	v21 =	vmul.f32 v26, v9  }
.Ltmp2:
0x1e8: {  	v10 =	vshll.u32 v28, $0x7;
	v14 =	vadd.f32 v11, v14;
	v18 =	vmul.f32 v18, v20;
	v6 =	vld [tilespmem:s30+$0x10];
	(pc) =	sbr.rel @p0 .LBB2_6-.Ltmp2, $4  }
0x1e9: {  	v9 =	vshll.u32 v24, $0x7;
	vm0 =	vlt.s32 v13, $0x3E;
	v16 =	vadd.f32 v21, v16  }
0x1ea: {  	v21 =	vadd.f32 v18, v19;
	v11 =	vnsel vm0, $0x3E, v13;
	v13 =	vtrunc.f32 v8;
	[tilespmem:v22+s14+$0x0] =	vst.idx.msk $0xffff, v14  }
0x1eb: {  	v20 =	vcvt.s32.f32 v23;
	s30 =	sadd.s32 $0x200, s30;
	v22 =	vadd.s32 $0x1, v11;
	v18 =	vcvt.f32.s32 v13;
	[tilespmem:v25+s14+$0x0] =	vst.idx.msk $0xffff, v16  }
0x1ec: {  	s31 =	sadd.s32 $0x4, s31;
	v14 =	vand.u32 $0xFFFFFF80, v11;
	v16 =	vld [tilespmem:s30+$0x80];
	v19 =	vand.u32 $0xFFFFFF80, v22;
	v13 =	vand.u32 $0x7F, v22;
	[tilespmem:v27+s14+$0x0] =	vst.idx.msk $0xffff, v21  }
0x1ed: {  	v21 =	vld [tilespmem:s30+$0xFFFFFF00];
	v22 =	vtrunc.f32 v6;
	v15 =	vsub.f32 v15, v20  }
0x1ee: {  	v23 =	vld [tilespmem:s30+$0xFFFFFF80];
	v17 =	vsub.f32 v17, v12;
	vm0 =	vlt.s32 v18, $0x3E;
	v19 =	vadd.s32 v2, v19  }
0x1ef: {  	s31 =	sadd.s32 $0x3, s26;
	v2 =	vadd.s32 v2, v14;
	v48 =	vor.u32 s28, v0;
	v20 =	vcvt.f32.s32 v22;
	v22 =	vld [tilespmem:s30+$0x0]  }
0x1f0: {  	v18 =	vnsel vm0, $0x3E, v18;
	v27 =	vmov s31;
	v63 =	vor.u32 s31, v0  }
0x1f1: {  	v13 =	vor.u32 v13, v19;
	v15 =	vmul.f32 v15, v17;
	v24 =	vtrunc.f32 v16  }
0x1f2: {  	v19 =	vor.u32 s29, v0;
	v17 =	vcvt.f32.s32 v24;
	v25 =	vtrunc.f32 v21  }
0x1f3: {  	v51 =	vand.u32 $0xFFFFFF80, v18;
	v26 =	vtrunc.f32 v23;
	v25 =	vcvt.f32.s32 v25  }
0x1f4: {  	v26 =	vcvt.f32.s32 v26;
	v28 =	vtrunc.f32 v22;
	vm1 =	vlt.s32 v17, $0x3E  }
0x1f5: {  	v27 =	vshll.u32 v27, $0x7;
	v28 =	vcvt.f32.s32 v28;
	v17 =	vnsel vm1, $0x3E, v17  }
0x1f6: {  	vm15 =	vlt.s32 v25, $0x3E;
	vm4 =	vlt.s32 v26, $0x3E;
	v29 =	vand.u32 $0xFFFFFF80, v17  }
0x1f7: {  	v30 =	vadd.s32 $0x1, v17;
	v31 =	vand.u32 $0x7F, v17;
	v25 =	vnsel vm15, $0x3E, v25  }
0x1f8: {  	v26 =	vnsel vm4, $0x3E, v26;
	v29 =	vadd.s32 v27, v29;
	v32 =	vand.u32 $0xFFFFFF80, v30  }
0x1f9: {  	v30 =	vand.u32 $0x7F, v30;
	v29 =	vor.u32 v31, v29;
	v52 =	vadd.s32 v27, v32  }
0x1fa: {  	v53 =	vadd.s32 $0x1, v25;
	v36 =	vand.u32 $0xFFFFFF80, v25;
	v30 =	vor.u32 v30, v52  }
0x1fb: {  	v40 =	vand.u32 $0x7F, v25;
	v33 =	vand.u32 $0xFFFFFF80, v53;
	v36 =	vadd.s32 v7, v36  }
0x1fc: {  	v31 =	vand.u32 $0x7F, v53;
	v33 =	vadd.s32 v7, v33;
	v36 =	vor.u32 v40, v36  }
0x1fd: {  	vm5 =	vlt.s32 v28, $0x3E;
	v17 =	vcvt.s32.f32 v17;
	v31 =	vor.u32 v31, v33  }
0x1fe: {  	v54 =	vadd.s32 $0x1, v26;
	v28 =	vnsel vm5, $0x3E, v28;
	v37 =	vand.u32 $0xFFFFFF80, v26;
	v29 =	vld.idx.msk [tilespmem:v29+s2+$0x0], $0xffff  }
0x1ff: {  	v57 =	vand.u32 $0x7F, v26;
	v34 =	vand.u32 $0xFFFFFF80, v54;
	v35 =	vadd.s32 $0x1, v28;
	v30 =	vld.idx.msk [tilespmem:v30+s2+$0x0], $0xffff  }
0x200: {  	v39 =	vand.u32 $0xFFFFFF80, v28;
	v32 =	vand.u32 $0x7F, v54;
	v37 =	vadd.s32 v10, v37  }
0x201: {  	v58 =	vand.u32 $0x7F, v28;
	v34 =	vadd.s32 v10, v34;
	v37 =	vor.u32 v57, v37;
	v61 =	vld.idx.msk [tilespmem:v36+s2+$0x0], $0xffff  }
0x202: {  	v38 =	vand.u32 $0xFFFFFF80, v35;
	v56 =	vadd.s32 v9, v39;
	v32 =	vor.u32 v32, v34;
	v31 =	vld.idx.msk [tilespmem:v31+s2+$0x0], $0xffff  }
0x203: {  	v35 =	vand.u32 $0x7F, v35;
	v55 =	vadd.s32 v9, v38;
	v34 =	vor.u32 v58, v56  }
0x204: {  	v16 =	vsub.f32 v16, v17;
	v33 =	vor.u32 v35, v55;
	v17 =	vsub.f32 v30, v29  }
0x205: {  	v59 =	vadd.s32 $0x1, v18;
	v49 =	vand.u32 $0x7F, v18;
	v25 =	vcvt.s32.f32 v25  }
0x206: {  	v18 =	vcvt.s32.f32 v18;
	vm14 =	vlt.s32 v20, $0x3E;
	v37 =	vld.idx.msk [tilespmem:v37+s2+$0x0], $0xffff;
	v16 =	vmul.f32 v16, v17  }
0x207: {  	v62 =	vand.u32 $0xFFFFFF80, v59;
	v21 =	vsub.f32 v21, v25;
	v32 =	vld.idx.msk [tilespmem:v32+s2+$0x0], $0xffff;
	v14 =	vsub.f32 v31, v61  }
0x208: {  	v44 =	vand.u32 $0x7F, v59;
	v20 =	vnsel vm14, $0x3E, v20;
	v43 =	vld.idx.msk [tilespmem:v34+s2+$0x0], $0xffff;
	v16 =	vadd.f32 v16, v29  }
0x209: {  	v42 =	vadd.s32 v4, v62;
	v33 =	vld.idx.msk [tilespmem:v33+s2+$0x0], $0xffff;
	v14 =	vmul.f32 v21, v14;
	v21 =	vand.u32 $0x7F, v11  }
0x20a: {  	v26 =	vcvt.s32.f32 v26;
	v2 =	vor.u32 v21, v2;
	[tilespmem:v63+s14+$0x0] =	vst.idx.msk $0xffff, v16;
	v16 =	vor.u32 s26, v0  }
0x20b: {  	v4 =	vadd.s32 v4, v51;
	v8 =	vsub.f32 v8, v18;
	v60 =	vadd.s32 $0x1, v20;
	v46 =	vld [tilespmem:s30+$0x90]  }
0x20c: {  	v40 =	vcvt.s32.f32 v28;
	v23 =	vsub.f32 v23, v26;
	v47 =	vsub.f32 v32, v37  }
0x20d: {  	v41 =	vand.u32 $0xFFFFFF80, v20;
	v24 =	vor.u32 v44, v42;
	v14 =	vadd.f32 v14, v61  }
0x20e: {  	v13 =	vld.idx.msk [tilespmem:v13+s2+$0x0], $0xffff;
	v22 =	vsub.f32 v22, v40;
	v33 =	vsub.f32 v33, v43;
	v23 =	vmul.f32 v23, v47  }
0x20f: {  	v4 =	vor.u32 v49, v4;
	v45 =	vand.u32 $0x7F, v60;
	v17 =	vand.u32 $0xFFFFFF80, v60;
	v2 =	vld.idx.msk [tilespmem:v2+s2+$0x0], $0xffff;
	[tilespmem:v16+s14+$0x0] =	vst.idx.msk $0xffff, v14  }
0x210: {  	v22 =	vmul.f32 v22, v33;
	v23 =	vadd.f32 v23, v37;
	v16 =	vtrunc.f32 v46;
	v50 =	vld [tilespmem:s30+$0xFFFFFF10]  }
0x211: {  	v17 =	vadd.s32 v3, v17;
	v3 =	vadd.s32 v3, v41;
	v16 =	vcvt.f32.s32 v16  }
0x212: {  	v11 =	vcvt.s32.f32 v11;
	v21 =	vadd.f32 v22, v43;
	[tilespmem:v48+s14+$0x0] =	vst.idx.msk $0xffff, v23;
	v14 =	vand.u32 $0x7F, v20  }
0x213: {  	v17 =	vor.u32 v45, v17;
	v3 =	vor.u32 v14, v3;
	v14 =	vld [tilespmem:s30+$0xFFFFFF90];
	vm6 =	vlt.s32 v16, $0x3E  }
0x214: {  	v5 =	vsub.f32 v5, v11;
	[tilespmem:v19+s14+$0x0] =	vst.idx.msk $0xffff, v21;
	v19 =	vcvt.s32.f32 v20;
	v11 =	vnsel vm6, $0x3E, v16  }
0x215: {  	v13 =	vsub.f32 v13, v2;
	v16 =	vld [tilespmem:s30+$0x10];
	v20 =	vand.u32 $0xFFFFFF80, v11;
	v22 =	vtrunc.f32 v50  }
0x216: {  	v21 =	vadd.s32 $0x1, v11;
	v23 =	vand.u32 $0x7F, v11;
	v22 =	vcvt.f32.s32 v22  }
0x217: {  	v20 =	vadd.s32 v27, v20;
	v18 =	vand.u32 $0xFFFFFF80, v21;
	v21 =	vand.u32 $0x7F, v21  }
0x218: {  	v20 =	vor.u32 v23, v20;
	v23 =	vtrunc.f32 v14;
	vm7 =	vlt.s32 v22, $0x3E  }
0x219: {  	v18 =	vadd.s32 v27, v18;
	v23 =	vcvt.f32.s32 v23;
	v22 =	vnsel vm7, $0x3E, v22  }
0x21a: {  	v18 =	vor.u32 v21, v18;
	v51 =	vtrunc.f32 v16;
	v52 =	vadd.s32 $0x1, v22  }
0x21b: {  	v25 =	vcvt.f32.s32 v51;
	v21 =	vand.u32 $0xFFFFFF80, v22;
	vm8 =	vlt.s32 v23, $0x3E  }
0x21c: {  	v53 =	vand.u32 $0xFFFFFF80, v52;
	v27 =	vand.u32 $0x7F, v52;
	v23 =	vnsel vm8, $0x3E, v23  }
0x21d: {  	vm9 =	vlt.s32 v25, $0x3E;
	v28 =	vadd.s32 v7, v53;
	v54 =	vand.u32 $0xFFFFFF80, v23  }
0x21e: {  	v24 =	vld.idx.msk [tilespmem:v24+s2+$0x0], $0xffff;
	v55 =	vadd.s32 $0x1, v23;
	v7 =	vadd.s32 v7, v21;
	v21 =	vand.u32 $0x7F, v22  }
0x21f: {  	v4 =	vld.idx.msk [tilespmem:v4+s2+$0x0], $0xffff;
	v61 =	vand.u32 $0x7F, v23;
	v25 =	vnsel vm9, $0x3E, v25;
	v57 =	vand.u32 $0xFFFFFF80, v55  }
0x220: {  	v17 =	vld.idx.msk [tilespmem:v17+s2+$0x0], $0xffff;
	v30 =	vand.u32 $0x7F, v55;
	v27 =	vor.u32 v27, v28;
	v7 =	vor.u32 v21, v7  }
0x221: {  	v3 =	vld.idx.msk [tilespmem:v3+s2+$0x0], $0xffff;
	v56 =	vadd.s32 $0x1, v25;
	v59 =	vand.u32 $0xFFFFFF80, v25;
	v33 =	vadd.s32 v10, v57  }
0x222: {  	v10 =	vadd.s32 v10, v54;
	v58 =	vand.u32 $0xFFFFFF80, v56;
	v30 =	vor.u32 v30, v33  }
0x223: {  	v20 =	vld.idx.msk [tilespmem:v20+s2+$0x0], $0xffff;
	v32 =	vand.u32 $0x7F, v56;
	v10 =	vor.u32 v61, v10;
	v60 =	vadd.s32 v9, v58  }
0x224: {  	v18 =	vld.idx.msk [tilespmem:v18+s2+$0x0], $0xffff;
	v21 =	vand.u32 $0x7F, v25;
	v9 =	vadd.s32 v9, v59;
	v28 =	vor.u32 v32, v60  }
0x225: {  	v24 =	vsub.f32 v24, v4;
	v6 =	vsub.f32 v6, v19;
	v9 =	vor.u32 v21, v9;
	v19 =	vld.idx.msk [tilespmem:v27+s2+$0x0], $0xffff  }
0x226: {  	v5 =	vmul.f32 v5, v13;
	v17 =	vsub.f32 v17, v3;
	v7 =	vld.idx.msk [tilespmem:v7+s2+$0x0], $0xffff  }
0x227: {  	v12 =	vadd.f32 v15, v12;
	v15 =	vor.u32 s22, v1;
	v8 =	vmul.f32 v8, v24;
	v62 =	vld.idx.msk [tilespmem:v30+s2+$0x0], $0xffff  }
0x228: {  	v2 =	vadd.f32 v5, v2;
	v5 =	vcvt.s32.f32 v11;
	v6 =	vmul.f32 v6, v17;
	v10 =	vld.idx.msk [tilespmem:v10+s2+$0x0], $0xffff  }
0x229: {  	v4 =	vadd.f32 v8, v4;
	v63 =	vor.u32 s23, v1;
	v21 =	vor.u32 s25, v1;
	v13 =	vld.idx.msk [tilespmem:v28+s2+$0x0], $0xffff  }
0x22a: {  	v5 =	vsub.f32 v46, v5;
	v3 =	vadd.f32 v6, v3;
	v6 =	vcvt.s32.f32 v22;
	v8 =	vld.idx.msk [tilespmem:v9+s2+$0x0], $0xffff  }
0x22b: {  	v17 =	vor.u32 s24, v1;
	v11 =	vcvt.s32.f32 v23;
	v9 =	vsub.f32 v18, v20  }
0x22c: {  	v22 =	vcvt.s32.f32 v25;
	v6 =	vsub.f32 v50, v6;
	v18 =	vor.u32 s31, v1  }
0x22d: {  	v5 =	vmul.f32 v5, v9;
	v9 =	vsub.f32 v14, v11;
	v11 =	vsub.f32 v19, v7  }
0x22e: {  	[tilespmem:v21+s14+$0x0] =	vst.idx.msk $0xffff, v12;
	v12 =	vsub.f32 v16, v22;
	v14 =	vor.u32 s26, v1;
	v16 =	vsub.f32 v62, v10  }
0x22f: {  	[tilespmem:v15+s14+$0x0] =	vst.idx.msk $0xffff, v2;
	v2 =	vor.u32 s28, v1;
	v6 =	vmul.f32 v6, v11;
	v11 =	vsub.f32 v13, v8  }
0x230: {  	[tilespmem:v63+s14+$0x0] =	vst.idx.msk $0xffff, v4;
	v4 =	vadd.f32 v5, v20;
	v5 =	vor.u32 s29, v1;
	v9 =	vmul.f32 v9, v16  }
0x231: {  	[tilespmem:v17+s14+$0x0] =	vst.idx.msk $0xffff, v3;
	v3 =	vadd.f32 v6, v7;
	v6 =	vmul.f32 v12, v11  }
0x232: {  	[tilespmem:v18+s14+$0x0] =	vst.idx.msk $0xffff, v4;
	v4 =	vadd.f32 v9, v10  }
0x233: {  	[tilespmem:v14+s14+$0x0] =	vst.idx.msk $0xffff, v3;
	v3 =	vadd.f32 v6, v8  }
0x234: {  	[tilespmem:v2+s14+$0x0] =	vst.idx.msk $0xffff, v4  }
0x235: {  	[tilespmem:v5+s14+$0x0] =	vst.idx.msk $0xffff, v3  }
0x236: {  	[hbm4b:s9+s15] =	stream.strided.scatter [tilespmem:s14], [sflag:$0x3], $0x1000, s16, s15, $0x38;
	[tilespmem:$0xA000] =	vst v63  }
0x237: {  	_ =	swait.ge [sflag:s17], $0x4000  }
0x238: {  	[sflag:s17] =	ssyncset.done $0x0  }
0x239: {  	[sflag:s17] =	ssyncadd.s32 $0xFFFFC000  }
0x23a: {  	_ =	swait.ge [sflag:s20], $0x1000  }
0x23b: {  	[sflag:s20] =	ssyncset.done $0x0  }
0x23c: {  	s30 =	simm.s32 $0x4140;
	[sflag:s20] =	ssyncadd.s32 $0xFFFFF000  }
0x23d: {  	v5 =	vld [tilespmem:s30+$0x80];
	_ =	sdelay $0x3  }
0x23e: {  	v6 =	vld [tilespmem:s30+$0xFFFFFF00]  }
0x23f: {  	v8 =	vld [tilespmem:s30+$0x0];
	v2 =	vtrunc.f32 v5  }
0x240: {  	v3 =	vcvt.f32.s32 v2  }
0x241: {  	s24 =	simm.s32 $0x2;
	s25 =	simm.s32 $0x3  }
0x242: {  	v16 =	vmov s24;
	v9 =	vmov s25;
	vm10 =	vlt.s32 v3, $0x3E  }
0x243: {  	v9 =	vshll.u32 v9, $0x7;
	v7 =	vld [tilespmem:s30+$0xFFFFFF80];
	v4 =	vtrunc.f32 v6;
	v10 =	vnsel vm10, $0x3E, v3  }
0x244: {  	v15 =	vtrunc.f32 v8;
	v3 =	vand.u32 $0xFFFFFF80, v10;
	v11 =	vadd.s32 $0x1, v10  }
0x245: {  	v12 =	vand.u32 $0x7F, v10;
	v3 =	vadd.s32 v9, v3;
	v13 =	vand.u32 $0xFFFFFF80, v11  }
0x246: {  	v12 =	vor.u32 v12, v3;
	v3 =	vand.u32 $0x7F, v11;
	v11 =	vadd.s32 v9, v13  }
0x247: {  	s22 =	simm.s32 $0x0;
	v15 =	vcvt.f32.s32 v15;
	v10 =	vcvt.s32.f32 v10;
	v11 =	vor.u32 v3, v11  }
0x248: {  	v2 =	vmov s22;
	v13 =	vcvt.f32.s32 v4;
	v4 =	vtrunc.f32 v7  }
0x249: {  	s23 =	simm.s32 $0x1;
	v2 =	vshll.u32 v2, $0x7;
	vm13 =	vlt.s32 v15, $0x3E;
	v14 =	vcvt.f32.s32 v4  }
0x24a: {  	v18 =	vnsel vm13, $0x3E, v15;
	v5 =	vsub.f32 v5, v10;
	v3 =	vmov s23  }
0x24b: {  	v4 =	vshll.u32 v3, $0x7;
	vm11 =	vlt.s32 v13, $0x3E;
	vm12 =	vlt.s32 v14, $0x3E;
	v12 =	vld.idx.msk [tilespmem:v12+s12+$0x0], $0xffff  }
0x24c: {  	v3 =	vshll.u32 v16, $0x7;
	v13 =	vnsel vm11, $0x3E, v13;
	v14 =	vnsel vm12, $0x3E, v14;
	v11 =	vld.idx.msk [tilespmem:v11+s12+$0x0], $0xffff  }
0x24d: {  	v16 =	vadd.s32 $0x1, v13;
	v20 =	vand.u32 $0xFFFFFF80, v13;
	v21 =	vand.u32 $0x7F, v13  }
0x24e: {  	v17 =	vadd.s32 $0x1, v14;
	v15 =	vand.u32 $0xFFFFFF80, v16;
	v20 =	vadd.s32 v2, v20  }
0x24f: {  	v16 =	vand.u32 $0x7F, v16;
	v19 =	vand.u32 $0xFFFFFF80, v17;
	v15 =	vadd.s32 v2, v15  }
0x250: {  	v20 =	vor.u32 v21, v20;
	v17 =	vand.u32 $0x7F, v17;
	v15 =	vor.u32 v16, v15  }
0x251: {  	v21 =	vand.u32 $0x7F, v14;
	v19 =	vadd.s32 v4, v19;
	v10 =	vsub.f32 v11, v12  }
0x252: {  	v17 =	vor.u32 v17, v19;
	v19 =	vor.u32 s25, v0;
	v11 =	vand.u32 $0xFFFFFF80, v14  }
0x253: {  	v16 =	vadd.s32 $0x1, v18;
	v11 =	vadd.s32 v4, v11;
	v5 =	vmul.f32 v5, v10  }
0x254: {  	v22 =	vand.u32 $0xFFFFFF80, v18;
	v10 =	vand.u32 $0xFFFFFF80, v16;
	v11 =	vor.u32 v21, v11  }
0x255: {  	v21 =	vld.idx.msk [tilespmem:v15+s12+$0x0], $0xffff;
	v15 =	vand.u32 $0x7F, v16;
	v10 =	vadd.s32 v3, v10;
	v5 =	vadd.f32 v5, v12  }
0x256: {  	v16 =	vadd.s32 v3, v22;
	v12 =	vld.idx.msk [tilespmem:v20+s12+$0x0], $0xffff;
	v20 =	vand.u32 $0x7F, v18;
	v10 =	vor.u32 v15, v10  }
0x257: {  	v17 =	vld.idx.msk [tilespmem:v17+s12+$0x0], $0xffff;
	v16 =	vor.u32 v20, v16;
	[tilespmem:v19+s18+$0x0] =	vst.idx.msk $0xffff, v5  }
0x258: {  	v15 =	vld [tilespmem:s30+$0x90]  }
0x259: {  	v5 =	vcvt.s32.f32 v13;
	v11 =	vld.idx.msk [tilespmem:v11+s12+$0x0], $0xffff;
	_ =	sdelay $0x1  }
0x25a: {  	v13 =	vcvt.s32.f32 v14;
	v5 =	vsub.f32 v6, v5;
	v6 =	vsub.f32 v21, v12;
	v10 =	vld.idx.msk [tilespmem:v10+s12+$0x0], $0xffff  }
0x25b: {  	v16 =	vld.idx.msk [tilespmem:v16+s12+$0x0], $0xffff  }
0x25c: {  	v5 =	vmul.f32 v5, v6;
	v6 =	vsub.f32 v7, v13;
	v7 =	vtrunc.f32 v15  }
0x25d: {  	v14 =	vor.u32 s22, v0;
	v13 =	vsub.f32 v17, v11;
	v7 =	vcvt.f32.s32 v7  }
0x25e: {  	v5 =	vadd.f32 v5, v12;
	v12 =	vcvt.s32.f32 v18  }
0x25f: {  	v17 =	vor.u32 s23, v0;
	v6 =	vmul.f32 v6, v13;
	vm14 =	vlt.s32 v7, $0x3E  }
0x260: {  	v12 =	vsub.f32 v8, v12;
	v10 =	vsub.f32 v10, v16;
	v13 =	vnsel vm14, $0x3E, v7  }
0x261: {  	v6 =	vadd.f32 v6, v11;
	v7 =	vand.u32 $0xFFFFFF80, v13;
	v8 =	vadd.s32 $0x1, v13  }
0x262: {  	[tilespmem:v14+s18+$0x0] =	vst.idx.msk $0xffff, v5;
	v11 =	vand.u32 $0x7F, v13;
	v7 =	vadd.s32 v9, v7;
	v14 =	vand.u32 $0xFFFFFF80, v8  }
0x263: {  	v5 =	vld [tilespmem:s30+$0xFFFFFF10];
	v11 =	vor.u32 v11, v7;
	v7 =	vand.u32 $0x7F, v8;
	v8 =	vadd.s32 v9, v14  }
0x264: {  	[tilespmem:v17+s18+$0x0] =	vst.idx.msk $0xffff, v6;
	v6 =	vor.u32 s24, v0;
	v9 =	vor.u32 v7, v8  }
0x265: {  	v7 =	vmul.f32 v12, v10  }
0x266: {  	s26 =	simm.s32 $0x4  }
0x267: {  	v8 =	vld [tilespmem:s30+$0xFFFFFF90];
	v12 =	vmov s26;
	v16 =	vadd.f32 v7, v16  }
0x268: {  	v10 =	vtrunc.f32 v5;
	v7 =	vshll.u32 v12, $0x7;
	v12 =	vld.idx.msk [tilespmem:v11+s12+$0x0], $0xffff  }
0x269: {  	v14 =	vcvt.f32.s32 v10;
	[tilespmem:v6+s18+$0x0] =	vst.idx.msk $0xffff, v16;
	v17 =	vld.idx.msk [tilespmem:v9+s12+$0x0], $0xffff  }
0x26a: {  	s28 =	simm.s32 $0x5;
	s29 =	simm.s32 $0x6;
	v20 =	vcvt.s32.f32 v13;
	v6 =	vld [tilespmem:s30+$0x10]  }
0x26b: {  	v10 =	vmov s28;
	v11 =	vmov s29;
	vm15 =	vlt.s32 v14, $0x3E  }
0x26c: {  	v9 =	vshll.u32 v11, $0x7;
	v11 =	vnsel vm15, $0x3E, v14;
	v14 =	vtrunc.f32 v8  }
0x26d: {  	v10 =	vshll.u32 v10, $0x7;
	s30 =	simm.s32 $0x4340;
	v21 =	vadd.s32 $0x1, v11;
	v18 =	vcvt.f32.s32 v14  }
0x26e: {  	s31 =	simm.s32 $0x8;
	v16 =	vld [tilespmem:s30+$0x80];
	v14 =	vand.u32 $0xFFFFFF80, v11;
	v19 =	vand.u32 $0xFFFFFF80, v21;
	v13 =	vand.u32 $0x7F, v21  }
.LBB2_8:
0x26f: {  	p0 =	slt.u32 s31, $0x7C;
	v21 =	vld [tilespmem:s30+$0xFFFFFF00];
	v22 =	vtrunc.f32 v6;
	v15 =	vsub.f32 v15, v20;
	v20 =	vsub.f32 v17, v12  }
0x270: {  	vm0 =	vlt.s32 v18, $0x3E;
	v24 =	vor.u32 s25, v1;
	v23 =	vld [tilespmem:s30+$0xFFFFFF80];
	v22 =	vcvt.f32.s32 v22  }
0x271: {  	v19 =	vadd.s32 v2, v19;
	v17 =	vnsel vm0, $0x3E, v18;
	v25 =	vld [tilespmem:s30+$0x0];
	v15 =	vmul.f32 v15, v20  }
0x272: {  	v20 =	vand.u32 $0xFFFFFF80, v17;
	v26 =	vadd.s32 $0x1, v17;
	vm0 =	vlt.s32 v22, $0x3E  }
0x273: {  	v27 =	vtrunc.f32 v16;
	v18 =	vnsel vm0, $0x3E, v22;
	v12 =	vadd.f32 v15, v12  }
0x274: {  	v15 =	vtrunc.f32 v21;
	v22 =	vcvt.f32.s32 v27;
	v27 =	vadd.s32 $0x1, v18  }
0x275: {  	v29 =	vand.u32 $0xFFFFFF80, v26;
	v15 =	vcvt.f32.s32 v15;
	v28 =	vtrunc.f32 v23;
	[tilespmem:v24+s18+$0x0] =	vst.idx.msk $0xffff, v12  }
0x276: {  	s25 =	sadd.s32 $0x3, s26;
	v24 =	vcvt.f32.s32 v28;
	v12 =	vtrunc.f32 v25;
	vm0 =	vlt.s32 v22, $0x3E  }
0x277: {  	v28 =	vcvt.f32.s32 v12;
	v12 =	vmov s25;
	v22 =	vnsel vm0, $0x3E, v22  }
0x278: {  	v30 =	vand.u32 $0xFFFFFF80, v22;
	v12 =	vshll.u32 v12, $0x7;
	v31 =	vadd.s32 $0x1, v22  }
0x279: {  	v32 =	vand.u32 $0x7F, v22;
	v30 =	vadd.s32 v12, v30;
	v33 =	vand.u32 $0xFFFFFF80, v31  }
0x27a: {  	v31 =	vand.u32 $0x7F, v31;
	v30 =	vor.u32 v32, v30;
	v32 =	vadd.s32 v12, v33  }
0x27b: {  	vm0 =	vlt.s32 v15, $0x3E;
	vm1 =	vlt.s32 v24, $0x3E;
	v31 =	vor.u32 v31, v32  }
0x27c: {  	v15 =	vnsel vm0, $0x3E, v15;
	v24 =	vnsel vm1, $0x3E, v24;
	vm0 =	vlt.s32 v28, $0x3E  }
0x27d: {  	v33 =	vadd.s32 $0x1, v24;
	v28 =	vnsel vm0, $0x3E, v28;
	v32 =	vadd.s32 $0x1, v15  }
0x27e: {  	v35 =	vand.u32 $0xFFFFFF80, v33;
	v36 =	vadd.s32 $0x1, v28;
	v34 =	vand.u32 $0xFFFFFF80, v32  }
0x27f: {  	v37 =	vand.u32 $0xFFFFFF80, v15;
	v38 =	vand.u32 $0xFFFFFF80, v24;
	v39 =	vand.u32 $0xFFFFFF80, v36;
	v30 =	vld.idx.msk [tilespmem:v30+s12+$0x0], $0xffff  }
0x280: {  	v40 =	vand.u32 $0xFFFFFF80, v28;
	v35 =	vadd.s32 v10, v35;
	v34 =	vadd.s32 v7, v34;
	v31 =	vld.idx.msk [tilespmem:v31+s12+$0x0], $0xffff  }
0x281: {  	v37 =	vadd.s32 v7, v37;
	v32 =	vand.u32 $0x7F, v32;
	v39 =	vadd.s32 v9, v39  }
0x282: {  	v38 =	vadd.s32 v10, v38;
	v33 =	vand.u32 $0x7F, v33;
	v40 =	vadd.s32 v9, v40  }
0x283: {  	v41 =	vand.u32 $0x7F, v15;
	v42 =	vand.u32 $0x7F, v24;
	v36 =	vand.u32 $0x7F, v36  }
0x284: {  	v22 =	vcvt.s32.f32 v22;
	v32 =	vor.u32 v32, v34;
	v34 =	vand.u32 $0x7F, v28  }
0x285: {  	v37 =	vor.u32 v41, v37;
	v33 =	vor.u32 v33, v35;
	v35 =	vor.u32 v36, v39  }
0x286: {  	v16 =	vsub.f32 v16, v22;
	v36 =	vor.u32 v42, v38;
	v22 =	vsub.f32 v31, v30  }
0x287: {  	v15 =	vcvt.s32.f32 v15;
	v31 =	vor.u32 v34, v40;
	v34 =	vor.u32 s25, v0  }
0x288: {  	v24 =	vcvt.s32.f32 v24;
	v16 =	vmul.f32 v16, v22;
	v22 =	vand.u32 $0xFFFFFF80, v27  }
0x289: {  	v21 =	vsub.f32 v21, v15;
	v15 =	vcvt.s32.f32 v28;
	v28 =	vand.u32 $0xFFFFFF80, v18;
	v32 =	vld.idx.msk [tilespmem:v32+s12+$0x0], $0xffff  }
0x28a: {  	v23 =	vsub.f32 v23, v24;
	v24 =	vadd.s32 v4, v29;
	v16 =	vadd.f32 v16, v30;
	v33 =	vld.idx.msk [tilespmem:v33+s12+$0x0], $0xffff  }
0x28b: {  	v14 =	vadd.s32 v2, v14;
	v25 =	vsub.f32 v25, v15;
	v22 =	vadd.s32 v3, v22;
	v29 =	vld.idx.msk [tilespmem:v35+s12+$0x0], $0xffff  }
0x28c: {  	v30 =	vld.idx.msk [tilespmem:v37+s12+$0x0], $0xffff;
	[tilespmem:v34+s18+$0x0] =	vst.idx.msk $0xffff, v16;
	v16 =	vadd.s32 v4, v20;
	v20 =	vand.u32 $0x7F, v26;
	v26 =	vand.u32 $0x7F, v27  }
0x28d: {  	v2 =	vmovc v7;
	v28 =	vadd.s32 v3, v28;
	v27 =	vand.u32 $0x7F, v11;
	v34 =	vand.u32 $0x7F, v17;
	v4 =	vmovc v10;
	v15 =	vld [tilespmem:s30+$0x90]  }
0x28e: {  	v3 =	vmovc v9;
	v10 =	vor.u32 v13, v19;
	v19 =	vand.u32 $0x7F, v18;
	v13 =	vor.u32 v20, v24;
	v7 =	vld.idx.msk [tilespmem:v36+s12+$0x0], $0xffff  }
0x28f: {  	v14 =	vor.u32 v27, v14;
	v16 =	vor.u32 v34, v16;
	v20 =	vor.u32 v26, v22;
	v9 =	vld.idx.msk [tilespmem:v31+s12+$0x0], $0xffff  }
0x290: {  	v11 =	vcvt.s32.f32 v11;
	v17 =	vcvt.s32.f32 v17;
	v19 =	vor.u32 v19, v28  }
0x291: {  	v18 =	vcvt.s32.f32 v18;
	v22 =	vor.u32 s26, v0  }
0x292: {  	v11 =	vsub.f32 v5, v11;
	v24 =	vsub.f32 v32, v30;
	v26 =	vtrunc.f32 v15  }
0x293: {  	v18 =	vsub.f32 v6, v18;
	v5 =	vcvt.f32.s32 v26;
	v10 =	vld.idx.msk [tilespmem:v10+s12+$0x0], $0xffff;
	v26 =	vsub.f32 v8, v17  }
0x294: {  	v6 =	vmul.f32 v21, v24;
	v8 =	vsub.f32 v33, v7;
	v17 =	vor.u32 s28, v0;
	v13 =	vld.idx.msk [tilespmem:v13+s12+$0x0], $0xffff  }
0x295: {  	v24 =	vor.u32 s29, v0;
	v21 =	vsub.f32 v29, v9;
	vm0 =	vlt.s32 v5, $0x3E;
	v20 =	vld.idx.msk [tilespmem:v20+s12+$0x0], $0xffff  }
0x296: {  	v6 =	vadd.f32 v6, v30;
	v8 =	vmul.f32 v23, v8;
	v23 =	vnsel vm0, $0x3E, v5;
	v14 =	vld.idx.msk [tilespmem:v14+s12+$0x0], $0xffff  }
0x297: {  	v21 =	vmul.f32 v25, v21;
	v5 =	vand.u32 $0xFFFFFF80, v23;
	v25 =	vadd.s32 $0x1, v23;
	v16 =	vld.idx.msk [tilespmem:v16+s12+$0x0], $0xffff  }
0x298: {  	[tilespmem:v22+s18+$0x0] =	vst.idx.msk $0xffff, v6;
	v6 =	vand.u32 $0x7F, v23;
	v22 =	vadd.s32 v12, v5;
	v27 =	vand.u32 $0xFFFFFF80, v25;
	v19 =	vld.idx.msk [tilespmem:v19+s12+$0x0], $0xffff  }
0x299: {  	v5 =	vld [tilespmem:s30+$0xFFFFFF10];
	v6 =	vor.u32 v6, v22;
	v22 =	vand.u32 $0x7F, v25;
	v12 =	vadd.s32 v12, v27  }
0x29a: {  	v7 =	vadd.f32 v8, v7;
	v9 =	vadd.f32 v21, v9;
	v21 =	vor.u32 v22, v12  }
0x29b: {  	v8 =	vmov s31;
	v22 =	vor.u32 s22, v1;
	s22 =	smov.u32 s26;
	s26 =	smov.u32 s31  }
0x29c: {  	v25 =	vor.u32 s23, v1;
	v27 =	vor.u32 s24, v1;
	s23 =	smov.u32 s28;
	s28 =	sadd.s32 $0x1, s31;
	s24 =	smov.u32 s29;
	v10 =	vsub.f32 v10, v14;
	[tilespmem:v17+s18+$0x0] =	vst.idx.msk $0xffff, v7  }
0x29d: {  	v28 =	vmov s28;
	v7 =	vshll.u32 v8, $0x7;
	v8 =	vld [tilespmem:s30+$0xFFFFFF90];
	[tilespmem:v24+s18+$0x0] =	vst.idx.msk $0xffff, v9;
	v9 =	vsub.f32 v13, v16  }
0x29e: {  	s29 =	sadd.s32 $0x2, s31;
	v11 =	vmul.f32 v11, v10;
	v20 =	vsub.f32 v20, v19;
	v13 =	vtrunc.f32 v5;
	v12 =	vld.idx.msk [tilespmem:v6+s12+$0x0], $0xffff  }
0x29f: {  	v24 =	vmov s29;
	v13 =	vcvt.f32.s32 v13;
	v17 =	vld.idx.msk [tilespmem:v21+s12+$0x0], $0xffff;
	v21 =	vmul.f32 v26, v9  }
.Ltmp3:
0x2a0: {  	v10 =	vshll.u32 v28, $0x7;
	v14 =	vadd.f32 v11, v14;
	v18 =	vmul.f32 v18, v20;
	v6 =	vld [tilespmem:s30+$0x10];
	(pc) =	sbr.rel @p0 .LBB2_8-.Ltmp3, $4  }
0x2a1: {  	v9 =	vshll.u32 v24, $0x7;
	vm0 =	vlt.s32 v13, $0x3E;
	v16 =	vadd.f32 v21, v16  }
0x2a2: {  	v21 =	vadd.f32 v18, v19;
	v11 =	vnsel vm0, $0x3E, v13;
	v13 =	vtrunc.f32 v8;
	[tilespmem:v22+s18+$0x0] =	vst.idx.msk $0xffff, v14  }
0x2a3: {  	v20 =	vcvt.s32.f32 v23;
	s30 =	sadd.s32 $0x200, s30;
	v22 =	vadd.s32 $0x1, v11;
	v18 =	vcvt.f32.s32 v13;
	[tilespmem:v25+s18+$0x0] =	vst.idx.msk $0xffff, v16  }
0x2a4: {  	s31 =	sadd.s32 $0x4, s31;
	v14 =	vand.u32 $0xFFFFFF80, v11;
	v16 =	vld [tilespmem:s30+$0x80];
	v19 =	vand.u32 $0xFFFFFF80, v22;
	v13 =	vand.u32 $0x7F, v22;
	[tilespmem:v27+s18+$0x0] =	vst.idx.msk $0xffff, v21  }
0x2a5: {  	v21 =	vld [tilespmem:s30+$0xFFFFFF00]  }
0x2a6: {  	v22 =	vtrunc.f32 v6;
	v23 =	vld [tilespmem:s30+$0xFFFFFF80]  }
0x2a7: {  	v15 =	vsub.f32 v15, v20;
	v17 =	vsub.f32 v17, v12;
	v58 =	vcvt.f32.s32 v22;
	v22 =	vld [tilespmem:s30+$0x0];
	_ =	sdelay $0x1  }
0x2a8: {  	v15 =	vmul.f32 v15, v17;
	v24 =	vtrunc.f32 v16  }
0x2a9: {  	v59 =	vcvt.f32.s32 v24;
	v25 =	vtrunc.f32 v21  }
0x2aa: {  	s31 =	sadd.s32 $0x3, s26;
	v26 =	vtrunc.f32 v23;
	v25 =	vcvt.f32.s32 v25  }
0x2ab: {  	v27 =	vmov s31;
	v26 =	vcvt.f32.s32 v26;
	v28 =	vtrunc.f32 v22  }
0x2ac: {  	v27 =	vshll.u32 v27, $0x7;
	vm1 =	vlt.s32 v59, $0x3E;
	v28 =	vcvt.f32.s32 v28  }
0x2ad: {  	v17 =	vnsel vm1, $0x3E, v59;
	vm9 =	vlt.s32 v25, $0x3E;
	vm10 =	vlt.s32 v26, $0x3E  }
0x2ae: {  	v29 =	vand.u32 $0xFFFFFF80, v17;
	v30 =	vadd.s32 $0x1, v17;
	v31 =	vand.u32 $0x7F, v17  }
0x2af: {  	v25 =	vnsel vm9, $0x3E, v25;
	v26 =	vnsel vm10, $0x3E, v26;
	vm11 =	vlt.s32 v28, $0x3E  }
0x2b0: {  	v29 =	vadd.s32 v27, v29;
	v32 =	vand.u32 $0xFFFFFF80, v30;
	v30 =	vand.u32 $0x7F, v30  }
0x2b1: {  	v62 =	vadd.s32 $0x1, v25;
	v63 =	vadd.s32 $0x1, v26;
	v28 =	vnsel vm11, $0x3E, v28  }
0x2b2: {  	v36 =	vand.u32 $0xFFFFFF80, v25;
	v37 =	vand.u32 $0xFFFFFF80, v26;
	v40 =	vand.u32 $0x7F, v25  }
0x2b3: {  	v45 =	vand.u32 $0x7F, v26;
	v29 =	vor.u32 v31, v29;
	v61 =	vadd.s32 v27, v32  }
0x2b4: {  	v33 =	vand.u32 $0xFFFFFF80, v62;
	v34 =	vand.u32 $0xFFFFFF80, v63;
	v35 =	vadd.s32 $0x1, v28  }
0x2b5: {  	v39 =	vand.u32 $0xFFFFFF80, v28;
	v36 =	vadd.s32 v7, v36;
	v30 =	vor.u32 v30, v61  }
0x2b6: {  	v31 =	vand.u32 $0x7F, v62;
	v37 =	vadd.s32 v10, v37;
	v36 =	vor.u32 v40, v36  }
0x2b7: {  	v32 =	vand.u32 $0x7F, v63;
	v33 =	vadd.s32 v7, v33;
	v37 =	vor.u32 v45, v37  }
0x2b8: {  	v46 =	vand.u32 $0x7F, v28;
	v34 =	vadd.s32 v10, v34;
	v31 =	vor.u32 v31, v33  }
0x2b9: {  	v38 =	vand.u32 $0xFFFFFF80, v35;
	v44 =	vadd.s32 v9, v39;
	v32 =	vor.u32 v32, v34;
	v29 =	vld.idx.msk [tilespmem:v29+s12+$0x0], $0xffff  }
0x2ba: {  	v35 =	vand.u32 $0x7F, v35;
	v43 =	vadd.s32 v9, v38;
	v34 =	vor.u32 v46, v44;
	v30 =	vld.idx.msk [tilespmem:v30+s12+$0x0], $0xffff  }
0x2bb: {  	vm0 =	vlt.s32 v18, $0x3E;
	v33 =	vor.u32 v35, v43;
	v51 =	vld.idx.msk [tilespmem:v36+s12+$0x0], $0xffff  }
0x2bc: {  	v19 =	vadd.s32 v2, v19;
	v2 =	vadd.s32 v2, v14;
	v18 =	vnsel vm0, $0x3E, v18;
	v37 =	vld.idx.msk [tilespmem:v37+s12+$0x0], $0xffff  }
0x2bd: {  	v53 =	vor.u32 s31, v0;
	v60 =	vand.u32 $0xFFFFFF80, v18;
	v47 =	vadd.s32 $0x1, v18;
	v31 =	vld.idx.msk [tilespmem:v31+s12+$0x0], $0xffff  }
0x2be: {  	v41 =	vand.u32 $0x7F, v18;
	v18 =	vcvt.s32.f32 v18;
	vm8 =	vlt.s32 v58, $0x3E;
	v32 =	vld.idx.msk [tilespmem:v32+s12+$0x0], $0xffff  }
0x2bf: {  	v52 =	vand.u32 $0xFFFFFF80, v47;
	v20 =	vnsel vm8, $0x3E, v58;
	v17 =	vcvt.s32.f32 v17;
	v58 =	vld.idx.msk [tilespmem:v34+s12+$0x0], $0xffff  }
0x2c0: {  	v60 =	vadd.s32 v4, v60;
	v57 =	vadd.s32 v4, v52;
	v25 =	vcvt.s32.f32 v25;
	v33 =	vld.idx.msk [tilespmem:v33+s12+$0x0], $0xffff  }
0x2c1: {  	v4 =	vor.u32 v41, v60;
	v26 =	vcvt.s32.f32 v26;
	v49 =	vsub.f32 v16, v17  }
0x2c2: {  	v55 =	vcvt.s32.f32 v28;
	v21 =	vsub.f32 v21, v25;
	v50 =	vsub.f32 v30, v29  }
0x2c3: {  	v23 =	vsub.f32 v23, v26;
	v61 =	vor.u32 s26, v0;
	v59 =	vsub.f32 v31, v51  }
0x2c4: {  	v39 =	vor.u32 s28, v0;
	v38 =	vsub.f32 v32, v37;
	v16 =	vmul.f32 v49, v50  }
0x2c5: {  	v22 =	vsub.f32 v22, v55;
	v33 =	vsub.f32 v33, v58;
	v14 =	vmul.f32 v21, v59  }
0x2c6: {  	v40 =	vor.u32 s29, v0;
	v23 =	vmul.f32 v23, v38;
	v16 =	vadd.f32 v16, v29  }
0x2c7: {  	v62 =	vand.u32 $0x7F, v47;
	v22 =	vmul.f32 v22, v33;
	v14 =	vadd.f32 v14, v51  }
0x2c8: {  	v4 =	vld.idx.msk [tilespmem:v4+s12+$0x0], $0xffff;
	v24 =	vor.u32 v62, v57;
	v23 =	vadd.f32 v23, v37;
	[tilespmem:v53+s18+$0x0] =	vst.idx.msk $0xffff, v16  }
0x2c9: {  	v44 =	vadd.f32 v22, v58;
	v31 =	vld [tilespmem:s30+$0x90];
	[tilespmem:v61+s18+$0x0] =	vst.idx.msk $0xffff, v14  }
0x2ca: {  	v13 =	vor.u32 v13, v19;
	v8 =	vsub.f32 v8, v18;
	v48 =	vadd.s32 $0x1, v20;
	[tilespmem:v39+s18+$0x0] =	vst.idx.msk $0xffff, v23;
	v26 =	vld [tilespmem:s30+$0xFFFFFF10]  }
0x2cb: {  	v56 =	vand.u32 $0xFFFFFF80, v20;
	v42 =	vand.u32 $0x7F, v20;
	v54 =	vand.u32 $0xFFFFFF80, v48;
	v14 =	vld [tilespmem:s30+$0xFFFFFF90];
	[tilespmem:v40+s18+$0x0] =	vst.idx.msk $0xffff, v44  }
0x2cc: {  	v17 =	vadd.s32 v3, v54;
	v63 =	vand.u32 $0x7F, v48;
	v45 =	vcvt.s32.f32 v11;
	v19 =	vld [tilespmem:s30+$0x10]  }
0x2cd: {  	v20 =	vcvt.s32.f32 v20;
	v3 =	vadd.s32 v3, v56;
	v17 =	vor.u32 v63, v17;
	v24 =	vld.idx.msk [tilespmem:v24+s12+$0x0], $0xffff  }
0x2ce: {  	v3 =	vor.u32 v42, v3;
	v5 =	vsub.f32 v5, v45;
	v43 =	vtrunc.f32 v31  }
0x2cf: {  	v36 =	vand.u32 $0x7F, v11;
	v16 =	vcvt.f32.s32 v43;
	v47 =	vtrunc.f32 v26  }
0x2d0: {  	v2 =	vor.u32 v36, v2;
	v50 =	vtrunc.f32 v14;
	v22 =	vcvt.f32.s32 v47  }
0x2d1: {  	v51 =	vtrunc.f32 v19;
	v23 =	vcvt.f32.s32 v50;
	vm12 =	vlt.s32 v16, $0x3E  }
0x2d2: {  	v24 =	vsub.f32 v24, v4;
	v25 =	vcvt.f32.s32 v51;
	v11 =	vnsel vm12, $0x3E, v16  }
0x2d3: {  	vm13 =	vlt.s32 v22, $0x3E;
	vm14 =	vlt.s32 v23, $0x3E;
	v16 =	vand.u32 $0xFFFFFF80, v11  }
0x2d4: {  	v46 =	vadd.s32 $0x1, v11;
	v48 =	vand.u32 $0x7F, v11;
	v22 =	vnsel vm13, $0x3E, v22  }
0x2d5: {  	vm15 =	vlt.s32 v25, $0x3E;
	v23 =	vnsel vm14, $0x3E, v23;
	v16 =	vadd.s32 v27, v16  }
0x2d6: {  	v49 =	vand.u32 $0xFFFFFF80, v46;
	v21 =	vand.u32 $0x7F, v46;
	v52 =	vadd.s32 $0x1, v22  }
0x2d7: {  	v53 =	vand.u32 $0xFFFFFF80, v22;
	v25 =	vnsel vm15, $0x3E, v25;
	v55 =	vand.u32 $0xFFFFFF80, v23  }
0x2d8: {  	v56 =	vadd.s32 $0x1, v23;
	v63 =	vand.u32 $0x7F, v22;
	v34 =	vand.u32 $0x7F, v23  }
0x2d9: {  	v13 =	vld.idx.msk [tilespmem:v13+s12+$0x0], $0xffff;
	v16 =	vor.u32 v48, v16;
	v18 =	vadd.s32 v27, v49;
	v54 =	vand.u32 $0xFFFFFF80, v52  }
0x2da: {  	v17 =	vld.idx.msk [tilespmem:v17+s12+$0x0], $0xffff;
	v27 =	vand.u32 $0x7F, v52;
	v57 =	vadd.s32 $0x1, v25;
	v58 =	vand.u32 $0xFFFFFF80, v56  }
0x2db: {  	v3 =	vld.idx.msk [tilespmem:v3+s12+$0x0], $0xffff;
	v60 =	vand.u32 $0xFFFFFF80, v25;
	v62 =	vadd.s32 v7, v53;
	v18 =	vor.u32 v21, v18  }
0x2dc: {  	v2 =	vld.idx.msk [tilespmem:v2+s12+$0x0], $0xffff;
	v30 =	vand.u32 $0x7F, v56;
	v28 =	vadd.s32 v7, v54;
	v7 =	vor.u32 v63, v62  }
0x2dd: {  	v37 =	vand.u32 $0x7F, v25;
	v33 =	vadd.s32 v10, v58;
	v27 =	vor.u32 v27, v28  }
0x2de: {  	v59 =	vand.u32 $0xFFFFFF80, v57;
	v36 =	vadd.s32 v9, v60;
	v30 =	vor.u32 v30, v33  }
0x2df: {  	v61 =	vadd.s32 v9, v59;
	v33 =	vadd.s32 v10, v55;
	v9 =	vor.u32 v37, v36;
	v16 =	vld.idx.msk [tilespmem:v16+s12+$0x0], $0xffff  }
0x2e0: {  	v17 =	vsub.f32 v17, v3;
	v32 =	vand.u32 $0x7F, v57;
	v10 =	vor.u32 v34, v33;
	v18 =	vld.idx.msk [tilespmem:v18+s12+$0x0], $0xffff  }
0x2e1: {  	v38 =	vsub.f32 v6, v20;
	v13 =	vsub.f32 v13, v2;
	v28 =	vor.u32 v32, v61;
	v7 =	vld.idx.msk [tilespmem:v7+s12+$0x0], $0xffff  }
0x2e2: {  	v8 =	vmul.f32 v8, v24;
	v43 =	vor.u32 s22, v1;
	v39 =	vld.idx.msk [tilespmem:v27+s12+$0x0], $0xffff  }
0x2e3: {  	v6 =	vmul.f32 v38, v17;
	v5 =	vmul.f32 v5, v13;
	v41 =	vld.idx.msk [tilespmem:v30+s12+$0x0], $0xffff  }
0x2e4: {  	v42 =	vadd.f32 v15, v12;
	v45 =	vor.u32 s23, v1;
	v4 =	vadd.f32 v8, v4;
	v49 =	vld.idx.msk [tilespmem:v9+s12+$0x0], $0xffff  }
0x2e5: {  	v3 =	vadd.f32 v6, v3;
	v2 =	vadd.f32 v5, v2;
	v47 =	vcvt.s32.f32 v11;
	v10 =	vld.idx.msk [tilespmem:v10+s12+$0x0], $0xffff  }
0x2e6: {  	v40 =	vor.u32 s25, v1;
	v46 =	vor.u32 s24, v1;
	v51 =	vcvt.s32.f32 v23;
	v44 =	vld.idx.msk [tilespmem:v28+s12+$0x0], $0xffff  }
0x2e7: {  	[tilespmem:v43+s18+$0x0] =	vst.idx.msk $0xffff, v2;
	v2 =	vor.u32 s28, v1;
	v48 =	vcvt.s32.f32 v22;
	v5 =	vsub.f32 v31, v47  }
0x2e8: {  	v52 =	vor.u32 s31, v1;
	v54 =	vsub.f32 v14, v51;
	v50 =	vsub.f32 v18, v16  }
0x2e9: {  	v53 =	vcvt.s32.f32 v25;
	v6 =	vsub.f32 v26, v48;
	v55 =	vsub.f32 v39, v7  }
0x2ea: {  	[tilespmem:v45+s18+$0x0] =	vst.idx.msk $0xffff, v4;
	v57 =	vor.u32 s26, v1;
	v5 =	vmul.f32 v5, v50;
	v58 =	vsub.f32 v41, v10  }
0x2eb: {  	v56 =	vsub.f32 v19, v53;
	v59 =	vsub.f32 v44, v49;
	v6 =	vmul.f32 v6, v55  }
0x2ec: {  	[tilespmem:v40+s18+$0x0] =	vst.idx.msk $0xffff, v42;
	v61 =	vor.u32 s29, v1;
	v60 =	vadd.f32 v5, v16;
	v9 =	vmul.f32 v54, v58  }
0x2ed: {  	[tilespmem:v46+s18+$0x0] =	vst.idx.msk $0xffff, v3;
	v62 =	vmul.f32 v56, v59;
	v3 =	vadd.f32 v6, v7  }
0x2ee: {  	[tilespmem:v52+s18+$0x0] =	vst.idx.msk $0xffff, v60;
	v63 =	vadd.f32 v9, v10  }
0x2ef: {  	[tilespmem:v57+s18+$0x0] =	vst.idx.msk $0xffff, v3;
	v3 =	vadd.f32 v62, v49  }
0x2f0: {  	[tilespmem:v2+s18+$0x0] =	vst.idx.msk $0xffff, v63  }
0x2f1: {  	s21 =	sadd.s32 $0x1, s21;
	[tilespmem:v61+s18+$0x0] =	vst.idx.msk $0xffff, v3  }
0x2f2: {  	[hbm4b:s10+s15] =	stream.strided.scatter [tilespmem:s18], [sflag:$0x4], $0x1000, s16, s15, $0x38;
	[tilespmem:$0xA000] =	vst v63  }
0x2f3: {  	p0 =	sne.s32 s21, s11;
	_ =	swait.ge [sflag:s19], $0x1000  }
.Ltmp4:
0x2f4: {  	[sflag:s19] =	ssyncset.done $0x0;
	(pc) =	sbr.rel @p0 .LBB2_1-.Ltmp4, $4  }
0x2f5: {  	[sflag:s19] =	ssyncadd.s32 $0xFFFFF000  }
0x2f6: {  	_ =	swait.ge [sflag:s20], $0x1000  }
0x2f7: {  	[sflag:s20] =	ssyncset.done $0x0  }
0x2f8: {  	[sflag:s20] =	ssyncadd.s32 $0xFFFFF000  }
0x2f9: {  	_ =	sfence.sel $0x180000  }
0x2fa: {  	[bflag:$0x0] =	sbarrier.arrive $0xFFFF  }
0x2fb: {  	p0 =	sne.s32 s0, $0x0;
	_ =	strace $0x9000004A  }
0x2fc: {  	s0 =	sadd.s32 @!p0 $0x100000, s1;
	[bflag:$0x2] =	sbarrier.arrive $0xFFFF  }
0x2fd: {  	[sflag:s0] =	ssyncadd.tile.s32 @!p0 $0x1;
	_ =	shalt  }
.Lfunc_end2:
_tile_overlayer_lowered:
.L_overlay_start_2:
0x2fe: {  	(tag) =	ssettag $0x2  }
0x2ff: {  	s0 =	rddreg [dreg:$0x0];
	s2 =	stileid.u32  }
0x300: {  	s1 =	rddreg [dreg:$0x1];
	p0 =	sne.s32 s2, $0x0  }
0x301: {  	s3 =	rddreg [dreg:$0x2];
	[bflag:$0x3] =	sbarrier.arrive $0xFFFF;
	s2 =	simm.s32 @!p0 $0x1C05  }
0x302: {  	[timem:s3], [sflag:s2] =	dma.local @!p0 [hbm:s0], s1  }
0x303: {  	s0 =	simm.s32 @!p0 $0x5  }
0x304: {  	_ =	swait.ge @!p0 [sflag:s0], s1  }
0x305: {  	s1 =	ssub.s32 @!p0 $0x0, s1;
	[sflag:s0] =	ssyncset.done @!p0 $0x0  }
0x306: {  	[sflag:s0] =	ssyncadd.s32 @!p0 s1  }
0x307: {  	[bflag:$0x3] =	sbarrier.arrive $0xFFFF  }
0x308: {  	_ =	shalt  }

</sc_bundles>
